<compile_context>
chip_gen: v7x
topology: tpu7x:2x2x1
jax: 0.10.2.dev20260603
libtpu: 0.0.44.dev20260713+nightly
codegen_flags: <defaults>
</compile_context>

<pallas_src>
import functools

import jax
import jax.numpy as jnp
from jax import lax
from jax.experimental import pallas as pl
from jax.experimental.pallas import tpu as pltpu
from jax.experimental.pallas import tpu_sc as plsc

NUM_ITEMS = 1000000
EMBED_DIM = 16
BATCH = 16384

_INFO = plsc.get_sparse_core_info()
NC = _INFO.num_cores
NS = _INFO.num_subcores
NW = NC * NS

B_PER_W = BATCH // NW
CHUNK = 64
N_CHUNKS = B_PER_W // CHUNK

_mesh = plsc.VectorSubcoreMesh(core_axis_name="c", subcore_axis_name="s")


@functools.partial(
    pl.kernel,
    mesh=_mesh,
    compiler_params=pltpu.CompilerParams(
        needs_layout_passes=False, use_tc_tiling_on_sc=False),
    out_type=jax.ShapeDtypeStruct((BATCH,), jnp.float32),
    scratch_types=[
        pltpu.VMEM((N_CHUNKS, CHUNK), jnp.int32),
        *([pltpu.VMEM((CHUNK, EMBED_DIM), jnp.float32)] * N_CHUNKS),
        pltpu.VMEM((B_PER_W,), jnp.float32),
        pltpu.VMEM((EMBED_DIM, 16), jnp.float32),
        pltpu.VMEM((16,), jnp.float32),
        pltpu.SemaphoreType.DMA,
    ],
)
def _sc_lookup(idx_hbm, tab_hbm, w_hbm, b_hbm, out_hbm,
               idx_v, *rest):
    bufs = rest[:N_CHUNKS]
    vals, w_v, b_v, sem = rest[N_CHUNKS:]
    wid = lax.axis_index("s") * NC + lax.axis_index("c")
    o = wid * B_PER_W
    for j in range(N_CHUNKS):
        pltpu.sync_copy(idx_hbm.at[pl.ds(o + j * CHUNK, CHUNK)], idx_v.at[j])
    pltpu.sync_copy(w_hbm, w_v)
    pltpu.sync_copy(b_hbm, b_v)
    copies = [
        pltpu.async_copy(tab_hbm.at[idx_v.at[j]], bufs[j], sem)
        for j in range(N_CHUNKS)
    ]
    iota = lax.iota(jnp.int32, 16)
    w_rows = [w_v[c] for c in range(EMBED_DIM)]
    cols = [jnp.full((16,), c, jnp.int32) for c in range(EMBED_DIM)]
    b_vec = b_v[...]
    for j in range(N_CHUNKS):
        copies[j].wait()
        buf = bufs[j]
        for blk in range(CHUNK // 16):
            rows = blk * 16 + iota
            acc = b_vec
            for c in range(EMBED_DIM):
                acc = acc + plsc.load_gather(buf, [rows, cols[c]]) * w_rows[c]
            vals[pl.ds(j * CHUNK + blk * 16, 16)] = acc
    pltpu.sync_copy(vals, out_hbm.at[pl.ds(o, B_PER_W)])


def kernel(item_indices, table, W, b):
    w_bcast = jnp.broadcast_to(W.reshape(EMBED_DIM, 1), (EMBED_DIM, 16))
    b16 = jnp.broadcast_to(b, (16,))
    idx = item_indices.astype(jnp.int32)
    return _sc_lookup(idx, table, w_bcast, b16)

# --- scband reference (transcript-rebuilt; emitter-appended) ---
"""Pipeline reference for scband-content-based-filtering-83897891160914 (READ-ONLY COPY).

The authoritative reference and input builder live on the scoring server;
editing this copy changes nothing except your own understanding.
"""

import jax, jax.numpy as jnp
import numpy as np

NUM_ITEMS = 1000000
EMBED_DIM = 16
BATCH = 16384


def setup_inputs(seed: int = 0) -> dict:
    key = jax.random.key(seed)
    k_idx, k_tab, k_w, k_b = jax.random.split(key, 4)
    item_indices = jax.random.randint(k_idx, (BATCH,), 0, NUM_ITEMS, dtype=jnp.int64) if jax.config.jax_enable_x64 else jax.random.randint(k_idx, (BATCH,), 0, NUM_ITEMS, dtype=jnp.int32)
    table = jax.random.normal(k_tab, (NUM_ITEMS, EMBED_DIM), dtype=jnp.float32)
    W = jax.random.normal(k_w, (1, EMBED_DIM), dtype=jnp.float32) * (1.0 / np.sqrt(EMBED_DIM))
    b = jnp.zeros((1,), dtype=jnp.float32)
    return {"item_indices": item_indices, "table": table, "W": W, "b": b}


def reference(item_indices, table, W, b):
    # nn.Embedding lookup -> gather rows
    item_embedded = jnp.take(table, item_indices, axis=0)  # [B, D]
    # nn.Linear(D, 1): x @ W.T + b -> [B, 1]
    predicted = item_embedded @ W.T + b
    # .squeeze() removes all size-1 dims -> [B]
    return jnp.squeeze(predicted)

if __name__ == "__main__":
    import jax
    _d = setup_inputs()
    print(jax.jit(kernel)(*tuple(_d.values())))

</pallas_src>

<mosaic_0001>
#map = affine_map<(d0, d1) -> (0)>
#map1 = affine_map<(d0, d1) -> (0, 0)>
module attributes {stable_mosaic.version = 14 : i64} {
  func.func @_sc_lookup(%arg0: i32, %arg1: i32, %arg2: memref<16384xi32, #tpu.memory_space<hbm>>, %arg3: memref<1000000x16xf32, #tpu.memory_space<hbm>>, %arg4: memref<16x16xf32, #tpu.memory_space<hbm>>, %arg5: memref<16xf32, #tpu.memory_space<hbm>>, %arg6: memref<16384xf32, #tpu.memory_space<hbm>>, %arg7: memref<8x64xi32, #tpu.memory_space<vmem>>, %arg8: memref<64x16xf32, #tpu.memory_space<vmem>>, %arg9: memref<64x16xf32, #tpu.memory_space<vmem>>, %arg10: memref<64x16xf32, #tpu.memory_space<vmem>>, %arg11: memref<64x16xf32, #tpu.memory_space<vmem>>, %arg12: memref<64x16xf32, #tpu.memory_space<vmem>>, %arg13: memref<64x16xf32, #tpu.memory_space<vmem>>, %arg14: memref<64x16xf32, #tpu.memory_space<vmem>>, %arg15: memref<64x16xf32, #tpu.memory_space<vmem>>, %arg16: memref<512xf32, #tpu.memory_space<vmem>>, %arg17: memref<16x16xf32, #tpu.memory_space<vmem>>, %arg18: memref<16xf32, #tpu.memory_space<vmem>>, %arg19: memref<!tpu.dma_semaphore, #tpu.memory_space<semaphore_mem>>) attributes {dimension_semantics = [#tpu.dimension_semantics<core_parallel>, #tpu.dimension_semantics<subcore_parallel>], iteration_bounds = array<i64: 2, 16>, scalar_prefetch = 0 : i64, scratch_operands = 13 : i64, tpu.core_type = #tpu.core_type<sc_vector_subcore>, window_params = [{transform_indices = #map}, {transform_indices = #map1}, {transform_indices = #map1}, {transform_indices = #map}, {transform_indices = #map}]} {
    %mul3A = arith.constant 2 : i32
    %mul3A_0 = arith.muli %arg1, %mul3A : i32
    %add3A = arith.addi %mul3A_0, %arg0 : i32
    %mul3A_1 = arith.constant 512 : i32
    %mul3A_2 = arith.muli %add3A, %mul3A_1 : i32
    %add3A_3 = arith.constant 0 : i32
    %add3A_4 = arith.addi %mul3A_2, %add3A_3 : i32
    %run_scoped3A = arith.constant 0 : i32
    "tpu.region"() ({
      %run_scoped3A_1926 = tpu.sem_alloc : memref<!tpu.dma_semaphore, #tpu.memory_space<semaphore_mem>>
      %dma_start3A_1927 = arith.constant 0 : i32
      %dma_start3A_1928 = tpu.memref_slice %arg7[%run_scoped3A, %dma_start3A_1927] : memref<8x64xi32, #tpu.memory_space<vmem>> -> memref<1x64xi32, #tpu.memory_space<vmem>>
      %dma_start3A_1929 = tpu.memref_squeeze %dma_start3A_1928 : memref<1x64xi32, #tpu.memory_space<vmem>> -> memref<64xi32, #tpu.memory_space<vmem>>
      %dma_start3A_1930 = tpu.memref_slice %arg2[%add3A_4] : memref<16384xi32, #tpu.memory_space<hbm>> -> memref<64xi32, #tpu.memory_space<hbm>>
      %dma_start3A_1931 = arith.constant 0 : i32
      %dma_start3A_1932 = tpu.memref_slice %arg7[%run_scoped3A, %dma_start3A_1931] : memref<8x64xi32, #tpu.memory_space<vmem>> -> memref<1x64xi32, #tpu.memory_space<vmem>>
      %dma_start3A_1933 = tpu.memref_squeeze %dma_start3A_1932 : memref<1x64xi32, #tpu.memory_space<vmem>> -> memref<64xi32, #tpu.memory_space<vmem>>
      %dma_start3A_1934 = tpu.memref_slice %arg2[%add3A_4] : memref<16384xi32, #tpu.memory_space<hbm>> -> memref<64xi32, #tpu.memory_space<hbm>>
      tpu.enqueue_dma source(%dma_start3A_1934 : memref<64xi32, #tpu.memory_space<hbm>>) target(%dma_start3A_1933 : memref<64xi32, #tpu.memory_space<vmem>>) target_semaphore(%run_scoped3A_1926 : memref<!tpu.dma_semaphore, #tpu.memory_space<semaphore_mem>>)
      %dma_wait3A_1935 = arith.constant 0 : i32
      %dma_wait3A_1936 = tpu.memref_slice %arg7[%run_scoped3A, %dma_wait3A_1935] : memref<8x64xi32, #tpu.memory_space<vmem>> -> memref<1x64xi32, #tpu.memory_space<vmem>>
      %dma_wait3A_1937 = tpu.memref_squeeze %dma_wait3A_1936 : memref<1x64xi32, #tpu.memory_space<vmem>> -> memref<64xi32, #tpu.memory_space<vmem>>
      %dma_wait3A_1938 = tpu.memref_slice %arg2[%add3A_4] : memref<16384xi32, #tpu.memory_space<hbm>> -> memref<64xi32, #tpu.memory_space<hbm>>
      %dma_wait3A_1939 = arith.constant 0 : i32
      %dma_wait3A_1940 = tpu.memref_slice %arg7[%run_scoped3A, %dma_wait3A_1939] : memref<8x64xi32, #tpu.memory_space<vmem>> -> memref<1x64xi32, #tpu.memory_space<vmem>>
      %dma_wait3A_1941 = tpu.memref_squeeze %dma_wait3A_1940 : memref<1x64xi32, #tpu.memory_space<vmem>> -> memref<64xi32, #tpu.memory_space<vmem>>
      %dma_wait3A_1942 = tpu.memref_slice %arg2[%add3A_4] : memref<16384xi32, #tpu.memory_space<hbm>> -> memref<64xi32, #tpu.memory_space<hbm>>
      tpu.wait_dma2 semaphore(%run_scoped3A_1926 : memref<!tpu.dma_semaphore, #tpu.memory_space<semaphore_mem>>) src(%dma_wait3A_1942 : memref<64xi32, #tpu.memory_space<hbm>>) dst(%dma_wait3A_1941 : memref<64xi32, #tpu.memory_space<vmem>>)
      tpu.yield
    }) : () -> ()
    %add3A_5 = arith.constant 64 : i32
    %add3A_6 = arith.addi %mul3A_2, %add3A_5 : i32
    %run_scoped3A_7 = arith.constant 1 : i32
    "tpu.region"() ({
      %run_scoped3A_1926 = tpu.sem_alloc : memref<!tpu.dma_semaphore, #tpu.memory_space<semaphore_mem>>
      %dma_start3A_1927 = arith.constant 0 : i32
      %dma_start3A_1928 = tpu.memref_slice %arg7[%run_scoped3A_7, %dma_start3A_1927] : memref<8x64xi32, #tpu.memory_space<vmem>> -> memref<1x64xi32, #tpu.memory_space<vmem>>
      %dma_start3A_1929 = tpu.memref_squeeze %dma_start3A_1928 : memref<1x64xi32, #tpu.memory_space<vmem>> -> memref<64xi32, #tpu.memory_space<vmem>>
      %dma_start3A_1930 = tpu.memref_slice %arg2[%add3A_6] : memref<16384xi32, #tpu.memory_space<hbm>> -> memref<64xi32, #tpu.memory_space<hbm>>
      %dma_start3A_1931 = arith.constant 0 : i32
      %dma_start3A_1932 = tpu.memref_slice %arg7[%run_scoped3A_7, %dma_start3A_1931] : memref<8x64xi32, #tpu.memory_space<vmem>> -> memref<1x64xi32, #tpu.memory_space<vmem>>
      %dma_start3A_1933 = tpu.memref_squeeze %dma_start3A_1932 : memref<1x64xi32, #tpu.memory_space<vmem>> -> memref<64xi32, #tpu.memory_space<vmem>>
      %dma_start3A_1934 = tpu.memref_slice %arg2[%add3A_6] : memref<16384xi32, #tpu.memory_space<hbm>> -> memref<64xi32, #tpu.memory_space<hbm>>
      tpu.enqueue_dma source(%dma_start3A_1934 : memref<64xi32, #tpu.memory_space<hbm>>) target(%dma_start3A_1933 : memref<64xi32, #tpu.memory_space<vmem>>) target_semaphore(%run_scoped3A_1926 : memref<!tpu.dma_semaphore, #tpu.memory_space<semaphore_mem>>)
      %dma_wait3A_1935 = arith.constant 0 : i32
      %dma_wait3A_1936 = tpu.memref_slice %arg7[%run_scoped3A_7, %dma_wait3A_1935] : memref<8x64xi32, #tpu.memory_space<vmem>> -> memref<1x64xi32, #tpu.memory_space<vmem>>
      %dma_wait3A_1937 = tpu.memref_squeeze %dma_wait3A_1936 : memref<1x64xi32, #tpu.memory_space<vmem>> -> memref<64xi32, #tpu.memory_space<vmem>>
      %dma_wait3A_1938 = tpu.memref_slice %arg2[%add3A_6] : memref<16384xi32, #tpu.memory_space<hbm>> -> memref<64xi32, #tpu.memory_space<hbm>>
      %dma_wait3A_1939 = arith.constant 0 : i32
      %dma_wait3A_1940 = tpu.memref_slice %arg7[%run_scoped3A_7, %dma_wait3A_1939] : memref<8x64xi32, #tpu.memory_space<vmem>> -> memref<1x64xi32, #tpu.memory_space<vmem>>
      %dma_wait3A_1941 = tpu.memref_squeeze %dma_wait3A_1940 : memref<1x64xi32, #tpu.memory_space<vmem>> -> memref<64xi32, #tpu.memory_space<vmem>>
      %dma_wait3A_1942 = tpu.memref_slice %arg2[%add3A_6] : memref<16384xi32, #tpu.memory_space<hbm>> -> memref<64xi32, #tpu.memory_space<hbm>>
      tpu.wait_dma2 semaphore(%run_scoped3A_1926 : memref<!tpu.dma_semaphore, #tpu.memory_space<semaphore_mem>>) src(%dma_wait3A_1942 : memref<64xi32, #tpu.memory_space<hbm>>) dst(%dma_wait3A_1941 : memref<64xi32, #tpu.memory_space<vmem>>)
      tpu.yield
    }) : () -> ()
    %add3A_8 = arith.constant 128 : i32
    %add3A_9 = arith.addi %mul3A_2, %add3A_8 : i32
    %run_scoped3A_10 = arith.constant 2 : i32
    "tpu.region"() ({
      %run_scoped3A_1926 = tpu.sem_alloc : memref<!tpu.dma_semaphore, #tpu.memory_space<semaphore_mem>>
      %dma_start3A_1927 = arith.constant 0 : i32
      %dma_start3A_1928 = tpu.memref_slice %arg7[%run_scoped3A_10, %dma_start3A_1927] : memref<8x64xi32, #tpu.memory_space<vmem>> -> memref<1x64xi32, #tpu.memory_space<vmem>>
      %dma_start3A_1929 = tpu.memref_squeeze %dma_start3A_1928 : memref<1x64xi32, #tpu.memory_space<vmem>> -> memref<64xi32, #tpu.memory_space<vmem>>
      %dma_start3A_1930 = tpu.memref_slice %arg2[%add3A_9] : memref<16384xi32, #tpu.memory_space<hbm>> -> memref<64xi32, #tpu.memory_space<hbm>>
      %dma_start3A_1931 = arith.constant 0 : i32
      %dma_start3A_1932 = tpu.memref_slice %arg7[%run_scoped3A_10, %dma_start3A_1931] : memref<8x64xi32, #tpu.memory_space<vmem>> -> memref<1x64xi32, #tpu.memory_space<vmem>>
      %dma_start3A_1933 = tpu.memref_squeeze %dma_start3A_1932 : memref<1x64xi32, #tpu.memory_space<vmem>> -> memref<64xi32, #tpu.memory_space<vmem>>
      %dma_start3A_1934 = tpu.memref_slice %arg2[%add3A_9] : memref<16384xi32, #tpu.memory_space<hbm>> -> memref<64xi32, #tpu.memory_space<hbm>>
      tpu.enqueue_dma source(%dma_start3A_1934 : memref<64xi32, #tpu.memory_space<hbm>>) target(%dma_start3A_1933 : memref<64xi32, #tpu.memory_space<vmem>>) target_semaphore(%run_scoped3A_1926 : memref<!tpu.dma_semaphore, #tpu.memory_space<semaphore_mem>>)
      %dma_wait3A_1935 = arith.constant 0 : i32
      %dma_wait3A_1936 = tpu.memref_slice %arg7[%run_scoped3A_10, %dma_wait3A_1935] : memref<8x64xi32, #tpu.memory_space<vmem>> -> memref<1x64xi32, #tpu.memory_space<vmem>>
      %dma_wait3A_1937 = tpu.memref_squeeze %dma_wait3A_1936 : memref<1x64xi32, #tpu.memory_space<vmem>> -> memref<64xi32, #tpu.memory_space<vmem>>
      %dma_wait3A_1938 = tpu.memref_slice %arg2[%add3A_9] : memref<16384xi32, #tpu.memory_space<hbm>> -> memref<64xi32, #tpu.memory_space<hbm>>
      %dma_wait3A_1939 = arith.constant 0 : i32
      %dma_wait3A_1940 = tpu.memref_slice %arg7[%run_scoped3A_10, %dma_wait3A_1939] : memref<8x64xi32, #tpu.memory_space<vmem>> -> memref<1x64xi32, #tpu.memory_space<vmem>>
      %dma_wait3A_1941 = tpu.memref_squeeze %dma_wait3A_1940 : memref<1x64xi32, #tpu.memory_space<vmem>> -> memref<64xi32, #tpu.memory_space<vmem>>
      %dma_wait3A_1942 = tpu.memref_slice %arg2[%add3A_9] : memref<16384xi32, #tpu.memory_space<hbm>> -> memref<64xi32, #tpu.memory_space<hbm>>
      tpu.wait_dma2 semaphore(%run_scoped3A_1926 : memref<!tpu.dma_semaphore, #tpu.memory_space<semaphore_mem>>) src(%dma_wait3A_1942 : memref<64xi32, #tpu.memory_space<hbm>>) dst(%dma_wait3A_1941 : memref<64xi32, #tpu.memory_space<vmem>>)
      tpu.yield
    }) : () -> ()
    %add3A_11 = arith.constant 192 : i32
    %add3A_12 = arith.addi %mul3A_2, %add3A_11 : i32
    %run_scoped3A_13 = arith.constant 3 : i32
    "tpu.region"() ({
      %run_scoped3A_1926 = tpu.sem_alloc : memref<!tpu.dma_semaphore, #tpu.memory_space<semaphore_mem>>
      %dma_start3A_1927 = arith.constant 0 : i32
      %dma_start3A_1928 = tpu.memref_slice %arg7[%run_scoped3A_13, %dma_start3A_1927] : memref<8x64xi32, #tpu.memory_space<vmem>> -> memref<1x64xi32, #tpu.memory_space<vmem>>
      %dma_start3A_1929 = tpu.memref_squeeze %dma_start3A_1928 : memref<1x64xi32, #tpu.memory_space<vmem>> -> memref<64xi32, #tpu.memory_space<vmem>>
      %dma_start3A_1930 = tpu.memref_slice %arg2[%add3A_12] : memref<16384xi32, #tpu.memory_space<hbm>> -> memref<64xi32, #tpu.memory_space<hbm>>
      %dma_start3A_1931 = arith.constant 0 : i32
      %dma_start3A_1932 = tpu.memref_slice %arg7[%run_scoped3A_13, %dma_start3A_1931] : memref<8x64xi32, #tpu.memory_space<vmem>> -> memref<1x64xi32, #tpu.memory_space<vmem>>
      %dma_start3A_1933 = tpu.memref_squeeze %dma_start3A_1932 : memref<1x64xi32, #tpu.memory_space<vmem>> -> memref<64xi32, #tpu.memory_space<vmem>>
      %dma_start3A_1934 = tpu.memref_slice %arg2[%add3A_12] : memref<16384xi32, #tpu.memory_space<hbm>> -> memref<64xi32, #tpu.memory_space<hbm>>
      tpu.enqueue_dma source(%dma_start3A_1934 : memref<64xi32, #tpu.memory_space<hbm>>) target(%dma_start3A_1933 : memref<64xi32, #tpu.memory_space<vmem>>) target_semaphore(%run_scoped3A_1926 : memref<!tpu.dma_semaphore, #tpu.memory_space<semaphore_mem>>)
      %dma_wait3A_1935 = arith.constant 0 : i32
      %dma_wait3A_1936 = tpu.memref_slice %arg7[%run_scoped3A_13, %dma_wait3A_1935] : memref<8x64xi32, #tpu.memory_space<vmem>> -> memref<1x64xi32, #tpu.memory_space<vmem>>
      %dma_wait3A_1937 = tpu.memref_squeeze %dma_wait3A_1936 : memref<1x64xi32, #tpu.memory_space<vmem>> -> memref<64xi32, #tpu.memory_space<vmem>>
      %dma_wait3A_1938 = tpu.memref_slice %arg2[%add3A_12] : memref<16384xi32, #tpu.memory_space<hbm>> -> memref<64xi32, #tpu.memory_space<hbm>>
      %dma_wait3A_1939 = arith.constant 0 : i32
      %dma_wait3A_1940 = tpu.memref_slice %arg7[%run_scoped3A_13, %dma_wait3A_1939] : memref<8x64xi32, #tpu.memory_space<vmem>> -> memref<1x64xi32, #tpu.memory_space<vmem>>
      %dma_wait3A_1941 = tpu.memref_squeeze %dma_wait3A_1940 : memref<1x64xi32, #tpu.memory_space<vmem>> -> memref<64xi32, #tpu.memory_space<vmem>>
      %dma_wait3A_1942 = tpu.memref_slice %arg2[%add3A_12] : memref<16384xi32, #tpu.memory_space<hbm>> -> memref<64xi32, #tpu.memory_space<hbm>>
      tpu.wait_dma2 semaphore(%run_scoped3A_1926 : memref<!tpu.dma_semaphore, #tpu.memory_space<semaphore_mem>>) src(%dma_wait3A_1942 : memref<64xi32, #tpu.memory_space<hbm>>) dst(%dma_wait3A_1941 : memref<64xi32, #tpu.memory_space<vmem>>)
      tpu.yield
    }) : () -> ()
    %add3A_14 = arith.constant 256 : i32
    %add3A_15 = arith.addi %mul3A_2, %add3A_14 : i32
    %run_scoped3A_16 = arith.constant 4 : i32
    "tpu.region"() ({
      %run_scoped3A_1926 = tpu.sem_alloc : memref<!tpu.dma_semaphore, #tpu.memory_space<semaphore_mem>>
      %dma_start3A_1927 = arith.constant 0 : i32
      %dma_start3A_1928 = tpu.memref_slice %arg7[%run_scoped3A_16, %dma_start3A_1927] : memref<8x64xi32, #tpu.memory_space<vmem>> -> memref<1x64xi32, #tpu.memory_space<vmem>>
      %dma_start3A_1929 = tpu.memref_squeeze %dma_start3A_1928 : memref<1x64xi32, #tpu.memory_space<vmem>> -> memref<64xi32, #tpu.memory_space<vmem>>
      %dma_start3A_1930 = tpu.memref_slice %arg2[%add3A_15] : memref<16384xi32, #tpu.memory_space<hbm>> -> memref<64xi32, #tpu.memory_space<hbm>>
      %dma_start3A_1931 = arith.constant 0 : i32
      %dma_start3A_1932 = tpu.memref_slice %arg7[%run_scoped3A_16, %dma_start3A_1931] : memref<8x64xi32, #tpu.memory_space<vmem>> -> memref<1x64xi32, #tpu.memory_space<vmem>>
      %dma_start3A_1933 = tpu.memref_squeeze %dma_start3A_1932 : memref<1x64xi32, #tpu.memory_space<vmem>> -> memref<64xi32, #tpu.memory_space<vmem>>
      %dma_start3A_1934 = tpu.memref_slice %arg2[%add3A_15] : memref<16384xi32, #tpu.memory_space<hbm>> -> memref<64xi32, #tpu.memory_space<hbm>>
      tpu.enqueue_dma source(%dma_start3A_1934 : memref<64xi32, #tpu.memory_space<hbm>>) target(%dma_start3A_1933 : memref<64xi32, #tpu.memory_space<vmem>>) target_semaphore(%run_scoped3A_1926 : memref<!tpu.dma_semaphore, #tpu.memory_space<semaphore_mem>>)
      %dma_wait3A_1935 = arith.constant 0 : i32
      %dma_wait3A_1936 = tpu.memref_slice %arg7[%run_scoped3A_16, %dma_wait3A_1935] : memref<8x64xi32, #tpu.memory_space<vmem>> -> memref<1x64xi32, #tpu.memory_space<vmem>>
      %dma_wait3A_1937 = tpu.memref_squeeze %dma_wait3A_1936 : memref<1x64xi32, #tpu.memory_space<vmem>> -> memref<64xi32, #tpu.memory_space<vmem>>
      %dma_wait3A_1938 = tpu.memref_slice %arg2[%add3A_15] : memref<16384xi32, #tpu.memory_space<hbm>> -> memref<64xi32, #tpu.memory_space<hbm>>
      %dma_wait3A_1939 = arith.constant 0 : i32
      %dma_wait3A_1940 = tpu.memref_slice %arg7[%run_scoped3A_16, %dma_wait3A_1939] : memref<8x64xi32, #tpu.memory_space<vmem>> -> memref<1x64xi32, #tpu.memory_space<vmem>>
      %dma_wait3A_1941 = tpu.memref_squeeze %dma_wait3A_1940 : memref<1x64xi32, #tpu.memory_space<vmem>> -> memref<64xi32, #tpu.memory_space<vmem>>
      %dma_wait3A_1942 = tpu.memref_slice %arg2[%add3A_15] : memref<16384xi32, #tpu.memory_space<hbm>> -> memref<64xi32, #tpu.memory_space<hbm>>
      tpu.wait_dma2 semaphore(%run_scoped3A_1926 : memref<!tpu.dma_semaphore, #tpu.memory_space<semaphore_mem>>) src(%dma_wait3A_1942 : memref<64xi32, #tpu.memory_space<hbm>>) dst(%dma_wait3A_1941 : memref<64xi32, #tpu.memory_space<vmem>>)
      tpu.yield
    }) : () -> ()
    %add3A_17 = arith.constant 320 : i32
    %add3A_18 = arith.addi %mul3A_2, %add3A_17 : i32
    %run_scoped3A_19 = arith.constant 5 : i32
    "tpu.region"() ({
      %run_scoped3A_1926 = tpu.sem_alloc : memref<!tpu.dma_semaphore, #tpu.memory_space<semaphore_mem>>
      %dma_start3A_1927 = arith.constant 0 : i32
      %dma_start3A_1928 = tpu.memref_slice %arg7[%run_scoped3A_19, %dma_start3A_1927] : memref<8x64xi32, #tpu.memory_space<vmem>> -> memref<1x64xi32, #tpu.memory_space<vmem>>
      %dma_start3A_1929 = tpu.memref_squeeze %dma_start3A_1928 : memref<1x64xi32, #tpu.memory_space<vmem>> -> memref<64xi32, #tpu.memory_space<vmem>>
      %dma_start3A_1930 = tpu.memref_slice %arg2[%add3A_18] : memref<16384xi32, #tpu.memory_space<hbm>> -> memref<64xi32, #tpu.memory_space<hbm>>
      %dma_start3A_1931 = arith.constant 0 : i32
      %dma_start3A_1932 = tpu.memref_slice %arg7[%run_scoped3A_19, %dma_start3A_1931] : memref<8x64xi32, #tpu.memory_space<vmem>> -> memref<1x64xi32, #tpu.memory_space<vmem>>
      %dma_start3A_1933 = tpu.memref_squeeze %dma_start3A_1932 : memref<1x64xi32, #tpu.memory_space<vmem>> -> memref<64xi32, #tpu.memory_space<vmem>>
      %dma_start3A_1934 = tpu.memref_slice %arg2[%add3A_18] : memref<16384xi32, #tpu.memory_space<hbm>> -> memref<64xi32, #tpu.memory_space<hbm>>
      tpu.enqueue_dma source(%dma_start3A_1934 : memref<64xi32, #tpu.memory_space<hbm>>) target(%dma_start3A_1933 : memref<64xi32, #tpu.memory_space<vmem>>) target_semaphore(%run_scoped3A_1926 : memref<!tpu.dma_semaphore, #tpu.memory_space<semaphore_mem>>)
      %dma_wait3A_1935 = arith.constant 0 : i32
      %dma_wait3A_1936 = tpu.memref_slice %arg7[%run_scoped3A_19, %dma_wait3A_1935] : memref<8x64xi32, #tpu.memory_space<vmem>> -> memref<1x64xi32, #tpu.memory_space<vmem>>
      %dma_wait3A_1937 = tpu.memref_squeeze %dma_wait3A_1936 : memref<1x64xi32, #tpu.memory_space<vmem>> -> memref<64xi32, #tpu.memory_space<vmem>>
      %dma_wait3A_1938 = tpu.memref_slice %arg2[%add3A_18] : memref<16384xi32, #tpu.memory_space<hbm>> -> memref<64xi32, #tpu.memory_space<hbm>>
      %dma_wait3A_1939 = arith.constant 0 : i32
      %dma_wait3A_1940 = tpu.memref_slice %arg7[%run_scoped3A_19, %dma_wait3A_1939] : memref<8x64xi32, #tpu.memory_space<vmem>> -> memref<1x64xi32, #tpu.memory_space<vmem>>
      %dma_wait3A_1941 = tpu.memref_squeeze %dma_wait3A_1940 : memref<1x64xi32, #tpu.memory_space<vmem>> -> memref<64xi32, #tpu.memory_space<vmem>>
      %dma_wait3A_1942 = tpu.memref_slice %arg2[%add3A_18] : memref<16384xi32, #tpu.memory_space<hbm>> -> memref<64xi32, #tpu.memory_space<hbm>>
      tpu.wait_dma2 semaphore(%run_scoped3A_1926 : memref<!tpu.dma_semaphore, #tpu.memory_space<semaphore_mem>>) src(%dma_wait3A_1942 : memref<64xi32, #tpu.memory_space<hbm>>) dst(%dma_wait3A_1941 : memref<64xi32, #tpu.memory_space<vmem>>)
      tpu.yield
    }) : () -> ()
    %add3A_20 = arith.constant 384 : i32
    %add3A_21 = arith.addi %mul3A_2, %add3A_20 : i32
    %run_scoped3A_22 = arith.constant 6 : i32
    "tpu.region"() ({
      %run_scoped3A_1926 = tpu.sem_alloc : memref<!tpu.dma_semaphore, #tpu.memory_space<semaphore_mem>>
      %dma_start3A_1927 = arith.constant 0 : i32
      %dma_start3A_1928 = tpu.memref_slice %arg7[%run_scoped3A_22, %dma_start3A_1927] : memref<8x64xi32, #tpu.memory_space<vmem>> -> memref<1x64xi32, #tpu.memory_space<vmem>>
      %dma_start3A_1929 = tpu.memref_squeeze %dma_start3A_1928 : memref<1x64xi32, #tpu.memory_space<vmem>> -> memref<64xi32, #tpu.memory_space<vmem>>
      %dma_start3A_1930 = tpu.memref_slice %arg2[%add3A_21] : memref<16384xi32, #tpu.memory_space<hbm>> -> memref<64xi32, #tpu.memory_space<hbm>>
      %dma_start3A_1931 = arith.constant 0 : i32
      %dma_start3A_1932 = tpu.memref_slice %arg7[%run_scoped3A_22, %dma_start3A_1931] : memref<8x64xi32, #tpu.memory_space<vmem>> -> memref<1x64xi32, #tpu.memory_space<vmem>>
      %dma_start3A_1933 = tpu.memref_squeeze %dma_start3A_1932 : memref<1x64xi32, #tpu.memory_space<vmem>> -> memref<64xi32, #tpu.memory_space<vmem>>
      %dma_start3A_1934 = tpu.memref_slice %arg2[%add3A_21] : memref<16384xi32, #tpu.memory_space<hbm>> -> memref<64xi32, #tpu.memory_space<hbm>>
      tpu.enqueue_dma source(%dma_start3A_1934 : memref<64xi32, #tpu.memory_space<hbm>>) target(%dma_start3A_1933 : memref<64xi32, #tpu.memory_space<vmem>>) target_semaphore(%run_scoped3A_1926 : memref<!tpu.dma_semaphore, #tpu.memory_space<semaphore_mem>>)
      %dma_wait3A_1935 = arith.constant 0 : i32
      %dma_wait3A_1936 = tpu.memref_slice %arg7[%run_scoped3A_22, %dma_wait3A_1935] : memref<8x64xi32, #tpu.memory_space<vmem>> -> memref<1x64xi32, #tpu.memory_space<vmem>>
      %dma_wait3A_1937 = tpu.memref_squeeze %dma_wait3A_1936 : memref<1x64xi32, #tpu.memory_space<vmem>> -> memref<64xi32, #tpu.memory_space<vmem>>
      %dma_wait3A_1938 = tpu.memref_slice %arg2[%add3A_21] : memref<16384xi32, #tpu.memory_space<hbm>> -> memref<64xi32, #tpu.memory_space<hbm>>
      %dma_wait3A_1939 = arith.constant 0 : i32
      %dma_wait3A_1940 = tpu.memref_slice %arg7[%run_scoped3A_22, %dma_wait3A_1939] : memref<8x64xi32, #tpu.memory_space<vmem>> -> memref<1x64xi32, #tpu.memory_space<vmem>>
      %dma_wait3A_1941 = tpu.memref_squeeze %dma_wait3A_1940 : memref<1x64xi32, #tpu.memory_space<vmem>> -> memref<64xi32, #tpu.memory_space<vmem>>
      %dma_wait3A_1942 = tpu.memref_slice %arg2[%add3A_21] : memref<16384xi32, #tpu.memory_space<hbm>> -> memref<64xi32, #tpu.memory_space<hbm>>
      tpu.wait_dma2 semaphore(%run_scoped3A_1926 : memref<!tpu.dma_semaphore, #tpu.memory_space<semaphore_mem>>) src(%dma_wait3A_1942 : memref<64xi32, #tpu.memory_space<hbm>>) dst(%dma_wait3A_1941 : memref<64xi32, #tpu.memory_space<vmem>>)
      tpu.yield
    }) : () -> ()
    %add3A_23 = arith.constant 448 : i32
    %add3A_24 = arith.addi %mul3A_2, %add3A_23 : i32
    %run_scoped3A_25 = arith.constant 7 : i32
    "tpu.region"() ({
      %run_scoped3A_1926 = tpu.sem_alloc : memref<!tpu.dma_semaphore, #tpu.memory_space<semaphore_mem>>
      %dma_start3A_1927 = arith.constant 0 : i32
      %dma_start3A_1928 = tpu.memref_slice %arg7[%run_scoped3A_25, %dma_start3A_1927] : memref<8x64xi32, #tpu.memory_space<vmem>> -> memref<1x64xi32, #tpu.memory_space<vmem>>
      %dma_start3A_1929 = tpu.memref_squeeze %dma_start3A_1928 : memref<1x64xi32, #tpu.memory_space<vmem>> -> memref<64xi32, #tpu.memory_space<vmem>>
      %dma_start3A_1930 = tpu.memref_slice %arg2[%add3A_24] : memref<16384xi32, #tpu.memory_space<hbm>> -> memref<64xi32, #tpu.memory_space<hbm>>
      %dma_start3A_1931 = arith.constant 0 : i32
      %dma_start3A_1932 = tpu.memref_slice %arg7[%run_scoped3A_25, %dma_start3A_1931] : memref<8x64xi32, #tpu.memory_space<vmem>> -> memref<1x64xi32, #tpu.memory_space<vmem>>
      %dma_start3A_1933 = tpu.memref_squeeze %dma_start3A_1932 : memref<1x64xi32, #tpu.memory_space<vmem>> -> memref<64xi32, #tpu.memory_space<vmem>>
      %dma_start3A_1934 = tpu.memref_slice %arg2[%add3A_24] : memref<16384xi32, #tpu.memory_space<hbm>> -> memref<64xi32, #tpu.memory_space<hbm>>
      tpu.enqueue_dma source(%dma_start3A_1934 : memref<64xi32, #tpu.memory_space<hbm>>) target(%dma_start3A_1933 : memref<64xi32, #tpu.memory_space<vmem>>) target_semaphore(%run_scoped3A_1926 : memref<!tpu.dma_semaphore, #tpu.memory_space<semaphore_mem>>)
      %dma_wait3A_1935 = arith.constant 0 : i32
      %dma_wait3A_1936 = tpu.memref_slice %arg7[%run_scoped3A_25, %dma_wait3A_1935] : memref<8x64xi32, #tpu.memory_space<vmem>> -> memref<1x64xi32, #tpu.memory_space<vmem>>
      %dma_wait3A_1937 = tpu.memref_squeeze %dma_wait3A_1936 : memref<1x64xi32, #tpu.memory_space<vmem>> -> memref<64xi32, #tpu.memory_space<vmem>>
      %dma_wait3A_1938 = tpu.memref_slice %arg2[%add3A_24] : memref<16384xi32, #tpu.memory_space<hbm>> -> memref<64xi32, #tpu.memory_space<hbm>>
      %dma_wait3A_1939 = arith.constant 0 : i32
      %dma_wait3A_1940 = tpu.memref_slice %arg7[%run_scoped3A_25, %dma_wait3A_1939] : memref<8x64xi32, #tpu.memory_space<vmem>> -> memref<1x64xi32, #tpu.memory_space<vmem>>
      %dma_wait3A_1941 = tpu.memref_squeeze %dma_wait3A_1940 : memref<1x64xi32, #tpu.memory_space<vmem>> -> memref<64xi32, #tpu.memory_space<vmem>>
      %dma_wait3A_1942 = tpu.memref_slice %arg2[%add3A_24] : memref<16384xi32, #tpu.memory_space<hbm>> -> memref<64xi32, #tpu.memory_space<hbm>>
      tpu.wait_dma2 semaphore(%run_scoped3A_1926 : memref<!tpu.dma_semaphore, #tpu.memory_space<semaphore_mem>>) src(%dma_wait3A_1942 : memref<64xi32, #tpu.memory_space<hbm>>) dst(%dma_wait3A_1941 : memref<64xi32, #tpu.memory_space<vmem>>)
      tpu.yield
    }) : () -> ()
    "tpu.region"() ({
      %run_scoped3A_1926 = tpu.sem_alloc : memref<!tpu.dma_semaphore, #tpu.memory_space<semaphore_mem>>
      tpu.enqueue_dma source(%arg4 : memref<16x16xf32, #tpu.memory_space<hbm>>) target(%arg17 : memref<16x16xf32, #tpu.memory_space<vmem>>) target_semaphore(%run_scoped3A_1926 : memref<!tpu.dma_semaphore, #tpu.memory_space<semaphore_mem>>)
      tpu.wait_dma2 semaphore(%run_scoped3A_1926 : memref<!tpu.dma_semaphore, #tpu.memory_space<semaphore_mem>>) src(%arg4 : memref<16x16xf32, #tpu.memory_space<hbm>>) dst(%arg17 : memref<16x16xf32, #tpu.memory_space<vmem>>)
      tpu.yield
    }) : () -> ()
    "tpu.region"() ({
      %run_scoped3A_1926 = tpu.sem_alloc : memref<!tpu.dma_semaphore, #tpu.memory_space<semaphore_mem>>
      tpu.enqueue_dma source(%arg5 : memref<16xf32, #tpu.memory_space<hbm>>) target(%arg18 : memref<16xf32, #tpu.memory_space<vmem>>) target_semaphore(%run_scoped3A_1926 : memref<!tpu.dma_semaphore, #tpu.memory_space<semaphore_mem>>)
      tpu.wait_dma2 semaphore(%run_scoped3A_1926 : memref<!tpu.dma_semaphore, #tpu.memory_space<semaphore_mem>>) src(%arg5 : memref<16xf32, #tpu.memory_space<hbm>>) dst(%arg18 : memref<16xf32, #tpu.memory_space<vmem>>)
      tpu.yield
    }) : () -> ()
    %dma_start3A = arith.constant 0 : i32
    %dma_start3A_26 = arith.constant 0 : i32
    %dma_start3A_27 = tpu.memref_slice %arg7[%dma_start3A, %dma_start3A_26] : memref<8x64xi32, #tpu.memory_space<vmem>> -> memref<1x64xi32, #tpu.memory_space<vmem>>
    %dma_start3A_28 = tpu.memref_squeeze %dma_start3A_27 : memref<1x64xi32, #tpu.memory_space<vmem>> -> memref<64xi32, #tpu.memory_space<vmem>>
    %dma_start3A_29 = arith.constant 0 : i32
    %dma_start3A_30 = arith.constant 0 : i32
    %dma_start3A_31 = tpu.memref_slice %arg3[%dma_start3A_29, %dma_start3A_30] : memref<1000000x16xf32, #tpu.memory_space<hbm>> -> memref<1000000x16xf32, #tpu.memory_space<hbm>>
    tpu.enqueue_indirect_dma source(%dma_start3A_31 : memref<1000000x16xf32, #tpu.memory_space<hbm>>) target(%arg8 : memref<64x16xf32, #tpu.memory_space<vmem>>) offsets(%dma_start3A_28 : memref<64xi32, #tpu.memory_space<vmem>>) semaphore(%arg19 : memref<!tpu.dma_semaphore, #tpu.memory_space<semaphore_mem>>)
    %dma_start3A_32 = arith.constant 1 : i32
    %dma_start3A_33 = arith.constant 0 : i32
    %dma_start3A_34 = tpu.memref_slice %arg7[%dma_start3A_32, %dma_start3A_33] : memref<8x64xi32, #tpu.memory_space<vmem>> -> memref<1x64xi32, #tpu.memory_space<vmem>>
    %dma_start3A_35 = tpu.memref_squeeze %dma_start3A_34 : memref<1x64xi32, #tpu.memory_space<vmem>> -> memref<64xi32, #tpu.memory_space<vmem>>
    %dma_start3A_36 = arith.constant 0 : i32
    %dma_start3A_37 = arith.constant 0 : i32
    %dma_start3A_38 = tpu.memref_slice %arg3[%dma_start3A_36, %dma_start3A_37] : memref<1000000x16xf32, #tpu.memory_space<hbm>> -> memref<1000000x16xf32, #tpu.memory_space<hbm>>
    tpu.enqueue_indirect_dma source(%dma_start3A_38 : memref<1000000x16xf32, #tpu.memory_space<hbm>>) target(%arg9 : memref<64x16xf32, #tpu.memory_space<vmem>>) offsets(%dma_start3A_35 : memref<64xi32, #tpu.memory_space<vmem>>) semaphore(%arg19 : memref<!tpu.dma_semaphore, #tpu.memory_space<semaphore_mem>>)
    %dma_start3A_39 = arith.constant 2 : i32
    %dma_start3A_40 = arith.constant 0 : i32
    %dma_start3A_41 = tpu.memref_slice %arg7[%dma_start3A_39, %dma_start3A_40] : memref<8x64xi32, #tpu.memory_space<vmem>> -> memref<1x64xi32, #tpu.memory_space<vmem>>
    %dma_start3A_42 = tpu.memref_squeeze %dma_start3A_41 : memref<1x64xi32, #tpu.memory_space<vmem>> -> memref<64xi32, #tpu.memory_space<vmem>>
    %dma_start3A_43 = arith.constant 0 : i32
    %dma_start3A_44 = arith.constant 0 : i32
    %dma_start3A_45 = tpu.memref_slice %arg3[%dma_start3A_43, %dma_start3A_44] : memref<1000000x16xf32, #tpu.memory_space<hbm>> -> memref<1000000x16xf32, #tpu.memory_space<hbm>>
    tpu.enqueue_indirect_dma source(%dma_start3A_45 : memref<1000000x16xf32, #tpu.memory_space<hbm>>) target(%arg10 : memref<64x16xf32, #tpu.memory_space<vmem>>) offsets(%dma_start3A_42 : memref<64xi32, #tpu.memory_space<vmem>>) semaphore(%arg19 : memref<!tpu.dma_semaphore, #tpu.memory_space<semaphore_mem>>)
    %dma_start3A_46 = arith.constant 3 : i32
    %dma_start3A_47 = arith.constant 0 : i32
    %dma_start3A_48 = tpu.memref_slice %arg7[%dma_start3A_46, %dma_start3A_47] : memref<8x64xi32, #tpu.memory_space<vmem>> -> memref<1x64xi32, #tpu.memory_space<vmem>>
    %dma_start3A_49 = tpu.memref_squeeze %dma_start3A_48 : memref<1x64xi32, #tpu.memory_space<vmem>> -> memref<64xi32, #tpu.memory_space<vmem>>
    %dma_start3A_50 = arith.constant 0 : i32
    %dma_start3A_51 = arith.constant 0 : i32
    %dma_start3A_52 = tpu.memref_slice %arg3[%dma_start3A_50, %dma_start3A_51] : memref<1000000x16xf32, #tpu.memory_space<hbm>> -> memref<1000000x16xf32, #tpu.memory_space<hbm>>
    tpu.enqueue_indirect_dma source(%dma_start3A_52 : memref<1000000x16xf32, #tpu.memory_space<hbm>>) target(%arg11 : memref<64x16xf32, #tpu.memory_space<vmem>>) offsets(%dma_start3A_49 : memref<64xi32, #tpu.memory_space<vmem>>) semaphore(%arg19 : memref<!tpu.dma_semaphore, #tpu.memory_space<semaphore_mem>>)
    %dma_start3A_53 = arith.constant 4 : i32
    %dma_start3A_54 = arith.constant 0 : i32
    %dma_start3A_55 = tpu.memref_slice %arg7[%dma_start3A_53, %dma_start3A_54] : memref<8x64xi32, #tpu.memory_space<vmem>> -> memref<1x64xi32, #tpu.memory_space<vmem>>
    %dma_start3A_56 = tpu.memref_squeeze %dma_start3A_55 : memref<1x64xi32, #tpu.memory_space<vmem>> -> memref<64xi32, #tpu.memory_space<vmem>>
    %dma_start3A_57 = arith.constant 0 : i32
    %dma_start3A_58 = arith.constant 0 : i32
    %dma_start3A_59 = tpu.memref_slice %arg3[%dma_start3A_57, %dma_start3A_58] : memref<1000000x16xf32, #tpu.memory_space<hbm>> -> memref<1000000x16xf32, #tpu.memory_space<hbm>>
    tpu.enqueue_indirect_dma source(%dma_start3A_59 : memref<1000000x16xf32, #tpu.memory_space<hbm>>) target(%arg12 : memref<64x16xf32, #tpu.memory_space<vmem>>) offsets(%dma_start3A_56 : memref<64xi32, #tpu.memory_space<vmem>>) semaphore(%arg19 : memref<!tpu.dma_semaphore, #tpu.memory_space<semaphore_mem>>)
    %dma_start3A_60 = arith.constant 5 : i32
    %dma_start3A_61 = arith.constant 0 : i32
    %dma_start3A_62 = tpu.memref_slice %arg7[%dma_start3A_60, %dma_start3A_61] : memref<8x64xi32, #tpu.memory_space<vmem>> -> memref<1x64xi32, #tpu.memory_space<vmem>>
    %dma_start3A_63 = tpu.memref_squeeze %dma_start3A_62 : memref<1x64xi32, #tpu.memory_space<vmem>> -> memref<64xi32, #tpu.memory_space<vmem>>
    %dma_start3A_64 = arith.constant 0 : i32
    %dma_start3A_65 = arith.constant 0 : i32
    %dma_start3A_66 = tpu.memref_slice %arg3[%dma_start3A_64, %dma_start3A_65] : memref<1000000x16xf32, #tpu.memory_space<hbm>> -> memref<1000000x16xf32, #tpu.memory_space<hbm>>
    tpu.enqueue_indirect_dma source(%dma_start3A_66 : memref<1000000x16xf32, #tpu.memory_space<hbm>>) target(%arg13 : memref<64x16xf32, #tpu.memory_space<vmem>>) offsets(%dma_start3A_63 : memref<64xi32, #tpu.memory_space<vmem>>) semaphore(%arg19 : memref<!tpu.dma_semaphore, #tpu.memory_space<semaphore_mem>>)
    %dma_start3A_67 = arith.constant 6 : i32
    %dma_start3A_68 = arith.constant 0 : i32
    %dma_start3A_69 = tpu.memref_slice %arg7[%dma_start3A_67, %dma_start3A_68] : memref<8x64xi32, #tpu.memory_space<vmem>> -> memref<1x64xi32, #tpu.memory_space<vmem>>
    %dma_start3A_70 = tpu.memref_squeeze %dma_start3A_69 : memref<1x64xi32, #tpu.memory_space<vmem>> -> memref<64xi32, #tpu.memory_space<vmem>>
    %dma_start3A_71 = arith.constant 0 : i32
    %dma_start3A_72 = arith.constant 0 : i32
    %dma_start3A_73 = tpu.memref_slice %arg3[%dma_start3A_71, %dma_start3A_72] : memref<1000000x16xf32, #tpu.memory_space<hbm>> -> memref<1000000x16xf32, #tpu.memory_space<hbm>>
    tpu.enqueue_indirect_dma source(%dma_start3A_73 : memref<1000000x16xf32, #tpu.memory_space<hbm>>) target(%arg14 : memref<64x16xf32, #tpu.memory_space<vmem>>) offsets(%dma_start3A_70 : memref<64xi32, #tpu.memory_space<vmem>>) semaphore(%arg19 : memref<!tpu.dma_semaphore, #tpu.memory_space<semaphore_mem>>)
    %dma_start3A_74 = arith.constant 7 : i32
    %dma_start3A_75 = arith.constant 0 : i32
    %dma_start3A_76 = tpu.memref_slice %arg7[%dma_start3A_74, %dma_start3A_75] : memref<8x64xi32, #tpu.memory_space<vmem>> -> memref<1x64xi32, #tpu.memory_space<vmem>>
    %dma_start3A_77 = tpu.memref_squeeze %dma_start3A_76 : memref<1x64xi32, #tpu.memory_space<vmem>> -> memref<64xi32, #tpu.memory_space<vmem>>
    %dma_start3A_78 = arith.constant 0 : i32
    %dma_start3A_79 = arith.constant 0 : i32
    %dma_start3A_80 = tpu.memref_slice %arg3[%dma_start3A_78, %dma_start3A_79] : memref<1000000x16xf32, #tpu.memory_space<hbm>> -> memref<1000000x16xf32, #tpu.memory_space<hbm>>
    tpu.enqueue_indirect_dma source(%dma_start3A_80 : memref<1000000x16xf32, #tpu.memory_space<hbm>>) target(%arg15 : memref<64x16xf32, #tpu.memory_space<vmem>>) offsets(%dma_start3A_77 : memref<64xi32, #tpu.memory_space<vmem>>) semaphore(%arg19 : memref<!tpu.dma_semaphore, #tpu.memory_space<semaphore_mem>>)
    %iota3A = tpu.iota {dimensions = array<i32: 0>} : vector<16xi32>
    %get3A = arith.constant 0 : i32
    %get3A_81 = arith.index_cast %get3A : i32 to index
    %get3A_82 = arith.constant 0 : index
    %get3A_83 = tpu.vector_load %arg17[%get3A_81, %get3A_82] {strides = array<i32>} : memref<16x16xf32, #tpu.memory_space<vmem>>, vector<16xf32>,
    %get3A_84 = arith.constant 1 : i32
    %get3A_85 = arith.index_cast %get3A_84 : i32 to index
    %get3A_86 = arith.constant 0 : index
    %get3A_87 = tpu.vector_load %arg17[%get3A_85, %get3A_86] {strides = array<i32>} : memref<16x16xf32, #tpu.memory_space<vmem>>, vector<16xf32>,
    %get3A_88 = arith.constant 2 : i32
    %get3A_89 = arith.index_cast %get3A_88 : i32 to index
    %get3A_90 = arith.constant 0 : index
    %get3A_91 = tpu.vector_load %arg17[%get3A_89, %get3A_90] {strides = array<i32>} : memref<16x16xf32, #tpu.memory_space<vmem>>, vector<16xf32>,
    %get3A_92 = arith.constant 3 : i32
    %get3A_93 = arith.index_cast %get3A_92 : i32 to index
    %get3A_94 = arith.constant 0 : index
    %get3A_95 = tpu.vector_load %arg17[%get3A_93, %get3A_94] {strides = array<i32>} : memref<16x16xf32, #tpu.memory_space<vmem>>, vector<16xf32>,
    %get3A_96 = arith.constant 4 : i32
    %get3A_97 = arith.index_cast %get3A_96 : i32 to index
    %get3A_98 = arith.constant 0 : index
    %get3A_99 = tpu.vector_load %arg17[%get3A_97, %get3A_98] {strides = array<i32>} : memref<16x16xf32, #tpu.memory_space<vmem>>, vector<16xf32>,
    %get3A_100 = arith.constant 5 : i32
    %get3A_101 = arith.index_cast %get3A_100 : i32 to index
    %get3A_102 = arith.constant 0 : index
    %get3A_103 = tpu.vector_load %arg17[%get3A_101, %get3A_102] {strides = array<i32>} : memref<16x16xf32, #tpu.memory_space<vmem>>, vector<16xf32>,
    %get3A_104 = arith.constant 6 : i32
    %get3A_105 = arith.index_cast %get3A_104 : i32 to index
    %get3A_106 = arith.constant 0 : index
    %get3A_107 = tpu.vector_load %arg17[%get3A_105, %get3A_106] {strides = array<i32>} : memref<16x16xf32, #tpu.memory_space<vmem>>, vector<16xf32>,
    %get3A_108 = arith.constant 7 : i32
    %get3A_109 = arith.index_cast %get3A_108 : i32 to index
    %get3A_110 = arith.constant 0 : index
    %get3A_111 = tpu.vector_load %arg17[%get3A_109, %get3A_110] {strides = array<i32>} : memref<16x16xf32, #tpu.memory_space<vmem>>, vector<16xf32>,
    %get3A_112 = arith.constant 8 : i32
    %get3A_113 = arith.index_cast %get3A_112 : i32 to index
    %get3A_114 = arith.constant 0 : index
    %get3A_115 = tpu.vector_load %arg17[%get3A_113, %get3A_114] {strides = array<i32>} : memref<16x16xf32, #tpu.memory_space<vmem>>, vector<16xf32>,
    %get3A_116 = arith.constant 9 : i32
    %get3A_117 = arith.index_cast %get3A_116 : i32 to index
    %get3A_118 = arith.constant 0 : index
    %get3A_119 = tpu.vector_load %arg17[%get3A_117, %get3A_118] {strides = array<i32>} : memref<16x16xf32, #tpu.memory_space<vmem>>, vector<16xf32>,
    %get3A_120 = arith.constant 10 : i32
    %get3A_121 = arith.index_cast %get3A_120 : i32 to index
    %get3A_122 = arith.constant 0 : index
    %get3A_123 = tpu.vector_load %arg17[%get3A_121, %get3A_122] {strides = array<i32>} : memref<16x16xf32, #tpu.memory_space<vmem>>, vector<16xf32>,
    %get3A_124 = arith.constant 11 : i32
    %get3A_125 = arith.index_cast %get3A_124 : i32 to index
    %get3A_126 = arith.constant 0 : index
    %get3A_127 = tpu.vector_load %arg17[%get3A_125, %get3A_126] {strides = array<i32>} : memref<16x16xf32, #tpu.memory_space<vmem>>, vector<16xf32>,
    %get3A_128 = arith.constant 12 : i32
    %get3A_129 = arith.index_cast %get3A_128 : i32 to index
    %get3A_130 = arith.constant 0 : index
    %get3A_131 = tpu.vector_load %arg17[%get3A_129, %get3A_130] {strides = array<i32>} : memref<16x16xf32, #tpu.memory_space<vmem>>, vector<16xf32>,
    %get3A_132 = arith.constant 13 : i32
    %get3A_133 = arith.index_cast %get3A_132 : i32 to index
    %get3A_134 = arith.constant 0 : index
    %get3A_135 = tpu.vector_load %arg17[%get3A_133, %get3A_134] {strides = array<i32>} : memref<16x16xf32, #tpu.memory_space<vmem>>, vector<16xf32>,
    %get3A_136 = arith.constant 14 : i32
    %get3A_137 = arith.index_cast %get3A_136 : i32 to index
    %get3A_138 = arith.constant 0 : index
    %get3A_139 = tpu.vector_load %arg17[%get3A_137, %get3A_138] {strides = array<i32>} : memref<16x16xf32, #tpu.memory_space<vmem>>, vector<16xf32>,
    %get3A_140 = arith.constant 15 : i32
    %get3A_141 = arith.index_cast %get3A_140 : i32 to index
    %get3A_142 = arith.constant 0 : index
    %get3A_143 = tpu.vector_load %arg17[%get3A_141, %get3A_142] {strides = array<i32>} : memref<16x16xf32, #tpu.memory_space<vmem>>, vector<16xf32>,
    %broadcast_in_dim3A = arith.constant 0 : i32
    %broadcast_in_dim3A_144 = vector.broadcast %broadcast_in_dim3A : i32 to vector<16xi32>
    %broadcast_in_dim3A_145 = arith.constant 1 : i32
    %broadcast_in_dim3A_146 = vector.broadcast %broadcast_in_dim3A_145 : i32 to vector<16xi32>
    %broadcast_in_dim3A_147 = arith.constant 2 : i32
    %broadcast_in_dim3A_148 = vector.broadcast %broadcast_in_dim3A_147 : i32 to vector<16xi32>
    %broadcast_in_dim3A_149 = arith.constant 3 : i32
    %broadcast_in_dim3A_150 = vector.broadcast %broadcast_in_dim3A_149 : i32 to vector<16xi32>
    %broadcast_in_dim3A_151 = arith.constant 4 : i32
    %broadcast_in_dim3A_152 = vector.broadcast %broadcast_in_dim3A_151 : i32 to vector<16xi32>
    %broadcast_in_dim3A_153 = arith.constant 5 : i32
    %broadcast_in_dim3A_154 = vector.broadcast %broadcast_in_dim3A_153 : i32 to vector<16xi32>
    %broadcast_in_dim3A_155 = arith.constant 6 : i32
    %broadcast_in_dim3A_156 = vector.broadcast %broadcast_in_dim3A_155 : i32 to vector<16xi32>
    %broadcast_in_dim3A_157 = arith.constant 7 : i32
    %broadcast_in_dim3A_158 = vector.broadcast %broadcast_in_dim3A_157 : i32 to vector<16xi32>
    %broadcast_in_dim3A_159 = arith.constant 8 : i32
    %broadcast_in_dim3A_160 = vector.broadcast %broadcast_in_dim3A_159 : i32 to vector<16xi32>
    %broadcast_in_dim3A_161 = arith.constant 9 : i32
    %broadcast_in_dim3A_162 = vector.broadcast %broadcast_in_dim3A_161 : i32 to vector<16xi32>
    %broadcast_in_dim3A_163 = arith.constant 10 : i32
    %broadcast_in_dim3A_164 = vector.broadcast %broadcast_in_dim3A_163 : i32 to vector<16xi32>
    %broadcast_in_dim3A_165 = arith.constant 11 : i32
    %broadcast_in_dim3A_166 = vector.broadcast %broadcast_in_dim3A_165 : i32 to vector<16xi32>
    %broadcast_in_dim3A_167 = arith.constant 12 : i32
    %broadcast_in_dim3A_168 = vector.broadcast %broadcast_in_dim3A_167 : i32 to vector<16xi32>
    %broadcast_in_dim3A_169 = arith.constant 13 : i32
    %broadcast_in_dim3A_170 = vector.broadcast %broadcast_in_dim3A_169 : i32 to vector<16xi32>
    %broadcast_in_dim3A_171 = arith.constant 14 : i32
    %broadcast_in_dim3A_172 = vector.broadcast %broadcast_in_dim3A_171 : i32 to vector<16xi32>
    %broadcast_in_dim3A_173 = arith.constant 15 : i32
    %broadcast_in_dim3A_174 = vector.broadcast %broadcast_in_dim3A_173 : i32 to vector<16xi32>
    %get3A_175 = arith.constant 0 : index
    %get3A_176 = tpu.vector_load %arg18[%get3A_175] {strides = array<i32>} : memref<16xf32, #tpu.memory_space<vmem>>, vector<16xf32>,
    %dma_wait3A = arith.constant 0 : i32
    %dma_wait3A_177 = arith.constant 0 : i32
    %dma_wait3A_178 = tpu.memref_slice %arg7[%dma_wait3A, %dma_wait3A_177] : memref<8x64xi32, #tpu.memory_space<vmem>> -> memref<1x64xi32, #tpu.memory_space<vmem>>
    %dma_wait3A_179 = tpu.memref_squeeze %dma_wait3A_178 : memref<1x64xi32, #tpu.memory_space<vmem>> -> memref<64xi32, #tpu.memory_space<vmem>>
    %dma_wait3A_180 = arith.constant 0 : i32
    %dma_wait3A_181 = arith.constant 0 : i32
    %dma_wait3A_182 = tpu.memref_slice %arg3[%dma_wait3A_180, %dma_wait3A_181] : memref<1000000x16xf32, #tpu.memory_space<hbm>> -> memref<1000000x16xf32, #tpu.memory_space<hbm>>
    tpu.wait_indirect_dma semaphore(%arg19 : memref<!tpu.dma_semaphore, #tpu.memory_space<semaphore_mem>>) src(%dma_wait3A_182 : memref<1000000x16xf32, #tpu.memory_space<hbm>>) dst(%arg8 : memref<64x16xf32, #tpu.memory_space<vmem>>)
    %add3A_183 = arith.constant 0 : i32
    %add3A_184 = vector.broadcast %add3A_183 : i32 to vector<16xi32>
    %add3A_185 = arith.addi %add3A_184, %iota3A : vector<16xi32>
    %gather3A = tpu.vector_load_idx %arg8[%add3A_185, %broadcast_in_dim3A_144] : memref<64x16xf32, #tpu.memory_space<vmem>>[vector<16xi32>, vector<16xi32>], vector<16xf32>,
    %mul3A_186 = arith.mulf %gather3A, %get3A_83 : vector<16xf32>
    %add3A_187 = arith.addf %get3A_176, %mul3A_186 : vector<16xf32>
    %gather3A_188 = tpu.vector_load_idx %arg8[%add3A_185, %broadcast_in_dim3A_146] : memref<64x16xf32, #tpu.memory_space<vmem>>[vector<16xi32>, vector<16xi32>], vector<16xf32>,
    %mul3A_189 = arith.mulf %gather3A_188, %get3A_87 : vector<16xf32>
    %add3A_190 = arith.addf %add3A_187, %mul3A_189 : vector<16xf32>
    %gather3A_191 = tpu.vector_load_idx %arg8[%add3A_185, %broadcast_in_dim3A_148] : memref<64x16xf32, #tpu.memory_space<vmem>>[vector<16xi32>, vector<16xi32>], vector<16xf32>,
    %mul3A_192 = arith.mulf %gather3A_191, %get3A_91 : vector<16xf32>
    %add3A_193 = arith.addf %add3A_190, %mul3A_192 : vector<16xf32>
    %gather3A_194 = tpu.vector_load_idx %arg8[%add3A_185, %broadcast_in_dim3A_150] : memref<64x16xf32, #tpu.memory_space<vmem>>[vector<16xi32>, vector<16xi32>], vector<16xf32>,
    %mul3A_195 = arith.mulf %gather3A_194, %get3A_95 : vector<16xf32>
    %add3A_196 = arith.addf %add3A_193, %mul3A_195 : vector<16xf32>
    %gather3A_197 = tpu.vector_load_idx %arg8[%add3A_185, %broadcast_in_dim3A_152] : memref<64x16xf32, #tpu.memory_space<vmem>>[vector<16xi32>, vector<16xi32>], vector<16xf32>,
    %mul3A_198 = arith.mulf %gather3A_197, %get3A_99 : vector<16xf32>
    %add3A_199 = arith.addf %add3A_196, %mul3A_198 : vector<16xf32>
    %gather3A_200 = tpu.vector_load_idx %arg8[%add3A_185, %broadcast_in_dim3A_154] : memref<64x16xf32, #tpu.memory_space<vmem>>[vector<16xi32>, vector<16xi32>], vector<16xf32>,
    %mul3A_201 = arith.mulf %gather3A_200, %get3A_103 : vector<16xf32>
    %add3A_202 = arith.addf %add3A_199, %mul3A_201 : vector<16xf32>
    %gather3A_203 = tpu.vector_load_idx %arg8[%add3A_185, %broadcast_in_dim3A_156] : memref<64x16xf32, #tpu.memory_space<vmem>>[vector<16xi32>, vector<16xi32>], vector<16xf32>,
    %mul3A_204 = arith.mulf %gather3A_203, %get3A_107 : vector<16xf32>
    %add3A_205 = arith.addf %add3A_202, %mul3A_204 : vector<16xf32>
    %gather3A_206 = tpu.vector_load_idx %arg8[%add3A_185, %broadcast_in_dim3A_158] : memref<64x16xf32, #tpu.memory_space<vmem>>[vector<16xi32>, vector<16xi32>], vector<16xf32>,
    %mul3A_207 = arith.mulf %gather3A_206, %get3A_111 : vector<16xf32>
    %add3A_208 = arith.addf %add3A_205, %mul3A_207 : vector<16xf32>
    %gather3A_209 = tpu.vector_load_idx %arg8[%add3A_185, %broadcast_in_dim3A_160] : memref<64x16xf32, #tpu.memory_space<vmem>>[vector<16xi32>, vector<16xi32>], vector<16xf32>,
    %mul3A_210 = arith.mulf %gather3A_209, %get3A_115 : vector<16xf32>
    %add3A_211 = arith.addf %add3A_208, %mul3A_210 : vector<16xf32>
    %gather3A_212 = tpu.vector_load_idx %arg8[%add3A_185, %broadcast_in_dim3A_162] : memref<64x16xf32, #tpu.memory_space<vmem>>[vector<16xi32>, vector<16xi32>], vector<16xf32>,
    %mul3A_213 = arith.mulf %gather3A_212, %get3A_119 : vector<16xf32>
    %add3A_214 = arith.addf %add3A_211, %mul3A_213 : vector<16xf32>
    %gather3A_215 = tpu.vector_load_idx %arg8[%add3A_185, %broadcast_in_dim3A_164] : memref<64x16xf32, #tpu.memory_space<vmem>>[vector<16xi32>, vector<16xi32>], vector<16xf32>,
    %mul3A_216 = arith.mulf %gather3A_215, %get3A_123 : vector<16xf32>
    %add3A_217 = arith.addf %add3A_214, %mul3A_216 : vector<16xf32>
    %gather3A_218 = tpu.vector_load_idx %arg8[%add3A_185, %broadcast_in_dim3A_166] : memref<64x16xf32, #tpu.memory_space<vmem>>[vector<16xi32>, vector<16xi32>], vector<16xf32>,
    %mul3A_219 = arith.mulf %gather3A_218, %get3A_127 : vector<16xf32>
    %add3A_220 = arith.addf %add3A_217, %mul3A_219 : vector<16xf32>
    %gather3A_221 = tpu.vector_load_idx %arg8[%add3A_185, %broadcast_in_dim3A_168] : memref<64x16xf32, #tpu.memory_space<vmem>>[vector<16xi32>, vector<16xi32>], vector<16xf32>,
    %mul3A_222 = arith.mulf %gather3A_221, %get3A_131 : vector<16xf32>
    %add3A_223 = arith.addf %add3A_220, %mul3A_222 : vector<16xf32>
    %gather3A_224 = tpu.vector_load_idx %arg8[%add3A_185, %broadcast_in_dim3A_170] : memref<64x16xf32, #tpu.memory_space<vmem>>[vector<16xi32>, vector<16xi32>], vector<16xf32>,
    %mul3A_225 = arith.mulf %gather3A_224, %get3A_135 : vector<16xf32>
    %add3A_226 = arith.addf %add3A_223, %mul3A_225 : vector<16xf32>
    %gather3A_227 = tpu.vector_load_idx %arg8[%add3A_185, %broadcast_in_dim3A_172] : memref<64x16xf32, #tpu.memory_space<vmem>>[vector<16xi32>, vector<16xi32>], vector<16xf32>,
    %mul3A_228 = arith.mulf %gather3A_227, %get3A_139 : vector<16xf32>
    %add3A_229 = arith.addf %add3A_226, %mul3A_228 : vector<16xf32>
    %gather3A_230 = tpu.vector_load_idx %arg8[%add3A_185, %broadcast_in_dim3A_174] : memref<64x16xf32, #tpu.memory_space<vmem>>[vector<16xi32>, vector<16xi32>], vector<16xf32>,
    %mul3A_231 = arith.mulf %gather3A_230, %get3A_143 : vector<16xf32>
    %add3A_232 = arith.addf %add3A_229, %mul3A_231 : vector<16xf32>
    %swap3A = arith.constant 0 : index
    %swap3A_233 = tpu.vector_load %arg16[%swap3A] {strides = array<i32>} : memref<512xf32, #tpu.memory_space<vmem>>, vector<16xf32>,
    tpu.vector_store %arg16[%swap3A], %add3A_232 {strides = array<i32>} : memref<512xf32, #tpu.memory_space<vmem>>, vector<16xf32>,
    %add3A_234 = arith.constant 16 : i32
    %add3A_235 = vector.broadcast %add3A_234 : i32 to vector<16xi32>
    %add3A_236 = arith.addi %add3A_235, %iota3A : vector<16xi32>
    %gather3A_237 = tpu.vector_load_idx %arg8[%add3A_236, %broadcast_in_dim3A_144] : memref<64x16xf32, #tpu.memory_space<vmem>>[vector<16xi32>, vector<16xi32>], vector<16xf32>,
    %mul3A_238 = arith.mulf %gather3A_237, %get3A_83 : vector<16xf32>
    %add3A_239 = arith.addf %get3A_176, %mul3A_238 : vector<16xf32>
    %gather3A_240 = tpu.vector_load_idx %arg8[%add3A_236, %broadcast_in_dim3A_146] : memref<64x16xf32, #tpu.memory_space<vmem>>[vector<16xi32>, vector<16xi32>], vector<16xf32>,
    %mul3A_241 = arith.mulf %gather3A_240, %get3A_87 : vector<16xf32>
    %add3A_242 = arith.addf %add3A_239, %mul3A_241 : vector<16xf32>
    %gather3A_243 = tpu.vector_load_idx %arg8[%add3A_236, %broadcast_in_dim3A_148] : memref<64x16xf32, #tpu.memory_space<vmem>>[vector<16xi32>, vector<16xi32>], vector<16xf32>,
    %mul3A_244 = arith.mulf %gather3A_243, %get3A_91 : vector<16xf32>
    %add3A_245 = arith.addf %add3A_242, %mul3A_244 : vector<16xf32>
    %gather3A_246 = tpu.vector_load_idx %arg8[%add3A_236, %broadcast_in_dim3A_150] : memref<64x16xf32, #tpu.memory_space<vmem>>[vector<16xi32>, vector<16xi32>], vector<16xf32>,
    %mul3A_247 = arith.mulf %gather3A_246, %get3A_95 : vector<16xf32>
    %add3A_248 = arith.addf %add3A_245, %mul3A_247 : vector<16xf32>
    %gather3A_249 = tpu.vector_load_idx %arg8[%add3A_236, %broadcast_in_dim3A_152] : memref<64x16xf32, #tpu.memory_space<vmem>>[vector<16xi32>, vector<16xi32>], vector<16xf32>,
    %mul3A_250 = arith.mulf %gather3A_249, %get3A_99 : vector<16xf32>
    %add3A_251 = arith.addf %add3A_248, %mul3A_250 : vector<16xf32>
    %gather3A_252 = tpu.vector_load_idx %arg8[%add3A_236, %broadcast_in_dim3A_154] : memref<64x16xf32, #tpu.memory_space<vmem>>[vector<16xi32>, vector<16xi32>], vector<16xf32>,
    %mul3A_253 = arith.mulf %gather3A_252, %get3A_103 : vector<16xf32>
    %add3A_254 = arith.addf %add3A_251, %mul3A_253 : vector<16xf32>
    %gather3A_255 = tpu.vector_load_idx %arg8[%add3A_236, %broadcast_in_dim3A_156] : memref<64x16xf32, #tpu.memory_space<vmem>>[vector<16xi32>, vector<16xi32>], vector<16xf32>,
    %mul3A_256 = arith.mulf %gather3A_255, %get3A_107 : vector<16xf32>
    %add3A_257 = arith.addf %add3A_254, %mul3A_256 : vector<16xf32>
    %gather3A_258 = tpu.vector_load_idx %arg8[%add3A_236, %broadcast_in_dim3A_158] : memref<64x16xf32, #tpu.memory_space<vmem>>[vector<16xi32>, vector<16xi32>], vector<16xf32>,
    %mul3A_259 = arith.mulf %gather3A_258, %get3A_111 : vector<16xf32>
    %add3A_260 = arith.addf %add3A_257, %mul3A_259 : vector<16xf32>
    %gather3A_261 = tpu.vector_load_idx %arg8[%add3A_236, %broadcast_in_dim3A_160] : memref<64x16xf32, #tpu.memory_space<vmem>>[vector<16xi32>, vector<16xi32>], vector<16xf32>,
    %mul3A_262 = arith.mulf %gather3A_261, %get3A_115 : vector<16xf32>
    %add3A_263 = arith.addf %add3A_260, %mul3A_262 : vector<16xf32>
    %gather3A_264 = tpu.vector_load_idx %arg8[%add3A_236, %broadcast_in_dim3A_162] : memref<64x16xf32, #tpu.memory_space<vmem>>[vector<16xi32>, vector<16xi32>], vector<16xf32>,
    %mul3A_265 = arith.mulf %gather3A_264, %get3A_119 : vector<16xf32>
    %add3A_266 = arith.addf %add3A_263, %mul3A_265 : vector<16xf32>
    %gather3A_267 = tpu.vector_load_idx %arg8[%add3A_236, %broadcast_in_dim3A_164] : memref<64x16xf32, #tpu.memory_space<vmem>>[vector<16xi32>, vector<16xi32>], vector<16xf32>,
    %mul3A_268 = arith.mulf %gather3A_267, %get3A_123 : vector<16xf32>
    %add3A_269 = arith.addf %add3A_266, %mul3A_268 : vector<16xf32>
    %gather3A_270 = tpu.vector_load_idx %arg8[%add3A_236, %broadcast_in_dim3A_166] : memref<64x16xf32, #tpu.memory_space<vmem>>[vector<16xi32>, vector<16xi32>], vector<16xf32>,
    %mul3A_271 = arith.mulf %gather3A_270, %get3A_127 : vector<16xf32>
    %add3A_272 = arith.addf %add3A_269, %mul3A_271 : vector<16xf32>
    %gather3A_273 = tpu.vector_load_idx %arg8[%add3A_236, %broadcast_in_dim3A_168] : memref<64x16xf32, #tpu.memory_space<vmem>>[vector<16xi32>, vector<16xi32>], vector<16xf32>,
    %mul3A_274 = arith.mulf %gather3A_273, %get3A_131 : vector<16xf32>
    %add3A_275 = arith.addf %add3A_272, %mul3A_274 : vector<16xf32>
    %gather3A_276 = tpu.vector_load_idx %arg8[%add3A_236, %broadcast_in_dim3A_170] : memref<64x16xf32, #tpu.memory_space<vmem>>[vector<16xi32>, vector<16xi32>], vector<16xf32>,
    %mul3A_277 = arith.mulf %gather3A_276, %get3A_135 : vector<16xf32>
    %add3A_278 = arith.addf %add3A_275, %mul3A_277 : vector<16xf32>
    %gather3A_279 = tpu.vector_load_idx %arg8[%add3A_236, %broadcast_in_dim3A_172] : memref<64x16xf32, #tpu.memory_space<vmem>>[vector<16xi32>, vector<16xi32>], vector<16xf32>,
    %mul3A_280 = arith.mulf %gather3A_279, %get3A_139 : vector<16xf32>
    %add3A_281 = arith.addf %add3A_278, %mul3A_280 : vector<16xf32>
    %gather3A_282 = tpu.vector_load_idx %arg8[%add3A_236, %broadcast_in_dim3A_174] : memref<64x16xf32, #tpu.memory_space<vmem>>[vector<16xi32>, vector<16xi32>], vector<16xf32>,
    %mul3A_283 = arith.mulf %gather3A_282, %get3A_143 : vector<16xf32>
    %add3A_284 = arith.addf %add3A_281, %mul3A_283 : vector<16xf32>
    %swap3A_285 = arith.constant 16 : index
    %swap3A_286 = tpu.vector_load %arg16[%swap3A_285] {strides = array<i32>} : memref<512xf32, #tpu.memory_space<vmem>>, vector<16xf32>,
    tpu.vector_store %arg16[%swap3A_285], %add3A_284 {strides = array<i32>} : memref<512xf32, #tpu.memory_space<vmem>>, vector<16xf32>,
    %add3A_287 = arith.constant 32 : i32
    %add3A_288 = vector.broadcast %add3A_287 : i32 to vector<16xi32>
    %add3A_289 = arith.addi %add3A_288, %iota3A : vector<16xi32>
    %gather3A_290 = tpu.vector_load_idx %arg8[%add3A_289, %broadcast_in_dim3A_144] : memref<64x16xf32, #tpu.memory_space<vmem>>[vector<16xi32>, vector<16xi32>], vector<16xf32>,
    %mul3A_291 = arith.mulf %gather3A_290, %get3A_83 : vector<16xf32>
    %add3A_292 = arith.addf %get3A_176, %mul3A_291 : vector<16xf32>
    %gather3A_293 = tpu.vector_load_idx %arg8[%add3A_289, %broadcast_in_dim3A_146] : memref<64x16xf32, #tpu.memory_space<vmem>>[vector<16xi32>, vector<16xi32>], vector<16xf32>,
    %mul3A_294 = arith.mulf %gather3A_293, %get3A_87 : vector<16xf32>
    %add3A_295 = arith.addf %add3A_292, %mul3A_294 : vector<16xf32>
    %gather3A_296 = tpu.vector_load_idx %arg8[%add3A_289, %broadcast_in_dim3A_148] : memref<64x16xf32, #tpu.memory_space<vmem>>[vector<16xi32>, vector<16xi32>], vector<16xf32>,
    %mul3A_297 = arith.mulf %gather3A_296, %get3A_91 : vector<16xf32>
    %add3A_298 = arith.addf %add3A_295, %mul3A_297 : vector<16xf32>
    %gather3A_299 = tpu.vector_load_idx %arg8[%add3A_289, %broadcast_in_dim3A_150] : memref<64x16xf32, #tpu.memory_space<vmem>>[vector<16xi32>, vector<16xi32>], vector<16xf32>,
    %mul3A_300 = arith.mulf %gather3A_299, %get3A_95 : vector<16xf32>
    %add3A_301 = arith.addf %add3A_298, %mul3A_300 : vector<16xf32>
    %gather3A_302 = tpu.vector_load_idx %arg8[%add3A_289, %broadcast_in_dim3A_152] : memref<64x16xf32, #tpu.memory_space<vmem>>[vector<16xi32>, vector<16xi32>], vector<16xf32>,
    %mul3A_303 = arith.mulf %gather3A_302, %get3A_99 : vector<16xf32>
    %add3A_304 = arith.addf %add3A_301, %mul3A_303 : vector<16xf32>
    %gather3A_305 = tpu.vector_load_idx %arg8[%add3A_289, %broadcast_in_dim3A_154] : memref<64x16xf32, #tpu.memory_space<vmem>>[vector<16xi32>, vector<16xi32>], vector<16xf32>,
    %mul3A_306 = arith.mulf %gather3A_305, %get3A_103 : vector<16xf32>
    %add3A_307 = arith.addf %add3A_304, %mul3A_306 : vector<16xf32>
    %gather3A_308 = tpu.vector_load_idx %arg8[%add3A_289, %broadcast_in_dim3A_156] : memref<64x16xf32, #tpu.memory_space<vmem>>[vector<16xi32>, vector<16xi32>], vector<16xf32>,
    %mul3A_309 = arith.mulf %gather3A_308, %get3A_107 : vector<16xf32>
    %add3A_310 = arith.addf %add3A_307, %mul3A_309 : vector<16xf32>
    %gather3A_311 = tpu.vector_load_idx %arg8[%add3A_289, %broadcast_in_dim3A_158] : memref<64x16xf32, #tpu.memory_space<vmem>>[vector<16xi32>, vector<16xi32>], vector<16xf32>,
    %mul3A_312 = arith.mulf %gather3A_311, %get3A_111 : vector<16xf32>
    %add3A_313 = arith.addf %add3A_310, %mul3A_312 : vector<16xf32>
    %gather3A_314 = tpu.vector_load_idx %arg8[%add3A_289, %broadcast_in_dim3A_160] : memref<64x16xf32, #tpu.memory_space<vmem>>[vector<16xi32>, vector<16xi32>], vector<16xf32>,
    %mul3A_315 = arith.mulf %gather3A_314, %get3A_115 : vector<16xf32>
    %add3A_316 = arith.addf %add3A_313, %mul3A_315 : vector<16xf32>
    %gather3A_317 = tpu.vector_load_idx %arg8[%add3A_289, %broadcast_in_dim3A_162] : memref<64x16xf32, #tpu.memory_space<vmem>>[vector<16xi32>, vector<16xi32>], vector<16xf32>,
    %mul3A_318 = arith.mulf %gather3A_317, %get3A_119 : vector<16xf32>
    %add3A_319 = arith.addf %add3A_316, %mul3A_318 : vector<16xf32>
    %gather3A_320 = tpu.vector_load_idx %arg8[%add3A_289, %broadcast_in_dim3A_164] : memref<64x16xf32, #tpu.memory_space<vmem>>[vector<16xi32>, vector<16xi32>], vector<16xf32>,
    %mul3A_321 = arith.mulf %gather3A_320, %get3A_123 : vector<16xf32>
    %add3A_322 = arith.addf %add3A_319, %mul3A_321 : vector<16xf32>
    %gather3A_323 = tpu.vector_load_idx %arg8[%add3A_289, %broadcast_in_dim3A_166] : memref<64x16xf32, #tpu.memory_space<vmem>>[vector<16xi32>, vector<16xi32>], vector<16xf32>,
    %mul3A_324 = arith.mulf %gather3A_323, %get3A_127 : vector<16xf32>
    %add3A_325 = arith.addf %add3A_322, %mul3A_324 : vector<16xf32>
    %gather3A_326 = tpu.vector_load_idx %arg8[%add3A_289, %broadcast_in_dim3A_168] : memref<64x16xf32, #tpu.memory_space<vmem>>[vector<16xi32>, vector<16xi32>], vector<16xf32>,
    %mul3A_327 = arith.mulf %gather3A_326, %get3A_131 : vector<16xf32>
    %add3A_328 = arith.addf %add3A_325, %mul3A_327 : vector<16xf32>
    %gather3A_329 = tpu.vector_load_idx %arg8[%add3A_289, %broadcast_in_dim3A_170] : memref<64x16xf32, #tpu.memory_space<vmem>>[vector<16xi32>, vector<16xi32>], vector<16xf32>,
    %mul3A_330 = arith.mulf %gather3A_329, %get3A_135 : vector<16xf32>
    %add3A_331 = arith.addf %add3A_328, %mul3A_330 : vector<16xf32>
    %gather3A_332 = tpu.vector_load_idx %arg8[%add3A_289, %broadcast_in_dim3A_172] : memref<64x16xf32, #tpu.memory_space<vmem>>[vector<16xi32>, vector<16xi32>], vector<16xf32>,
    %mul3A_333 = arith.mulf %gather3A_332, %get3A_139 : vector<16xf32>
    %add3A_334 = arith.addf %add3A_331, %mul3A_333 : vector<16xf32>
    %gather3A_335 = tpu.vector_load_idx %arg8[%add3A_289, %broadcast_in_dim3A_174] : memref<64x16xf32, #tpu.memory_space<vmem>>[vector<16xi32>, vector<16xi32>], vector<16xf32>,
    %mul3A_336 = arith.mulf %gather3A_335, %get3A_143 : vector<16xf32>
    %add3A_337 = arith.addf %add3A_334, %mul3A_336 : vector<16xf32>
    %swap3A_338 = arith.constant 32 : index
    %swap3A_339 = tpu.vector_load %arg16[%swap3A_338] {strides = array<i32>} : memref<512xf32, #tpu.memory_space<vmem>>, vector<16xf32>,
    tpu.vector_store %arg16[%swap3A_338], %add3A_337 {strides = array<i32>} : memref<512xf32, #tpu.memory_space<vmem>>, vector<16xf32>,
    %add3A_340 = arith.constant 48 : i32
    %add3A_341 = vector.broadcast %add3A_340 : i32 to vector<16xi32>
    %add3A_342 = arith.addi %add3A_341, %iota3A : vector<16xi32>
    %gather3A_343 = tpu.vector_load_idx %arg8[%add3A_342, %broadcast_in_dim3A_144] : memref<64x16xf32, #tpu.memory_space<vmem>>[vector<16xi32>, vector<16xi32>], vector<16xf32>,
    %mul3A_344 = arith.mulf %gather3A_343, %get3A_83 : vector<16xf32>
    %add3A_345 = arith.addf %get3A_176, %mul3A_344 : vector<16xf32>
    %gather3A_346 = tpu.vector_load_idx %arg8[%add3A_342, %broadcast_in_dim3A_146] : memref<64x16xf32, #tpu.memory_space<vmem>>[vector<16xi32>, vector<16xi32>], vector<16xf32>,
    %mul3A_347 = arith.mulf %gather3A_346, %get3A_87 : vector<16xf32>
    %add3A_348 = arith.addf %add3A_345, %mul3A_347 : vector<16xf32>
    %gather3A_349 = tpu.vector_load_idx %arg8[%add3A_342, %broadcast_in_dim3A_148] : memref<64x16xf32, #tpu.memory_space<vmem>>[vector<16xi32>, vector<16xi32>], vector<16xf32>,
    %mul3A_350 = arith.mulf %gather3A_349, %get3A_91 : vector<16xf32>
    %add3A_351 = arith.addf %add3A_348, %mul3A_350 : vector<16xf32>
    %gather3A_352 = tpu.vector_load_idx %arg8[%add3A_342, %broadcast_in_dim3A_150] : memref<64x16xf32, #tpu.memory_space<vmem>>[vector<16xi32>, vector<16xi32>], vector<16xf32>,
    %mul3A_353 = arith.mulf %gather3A_352, %get3A_95 : vector<16xf32>
    %add3A_354 = arith.addf %add3A_351, %mul3A_353 : vector<16xf32>
    %gather3A_355 = tpu.vector_load_idx %arg8[%add3A_342, %broadcast_in_dim3A_152] : memref<64x16xf32, #tpu.memory_space<vmem>>[vector<16xi32>, vector<16xi32>], vector<16xf32>,
    %mul3A_356 = arith.mulf %gather3A_355, %get3A_99 : vector<16xf32>
    %add3A_357 = arith.addf %add3A_354, %mul3A_356 : vector<16xf32>
    %gather3A_358 = tpu.vector_load_idx %arg8[%add3A_342, %broadcast_in_dim3A_154] : memref<64x16xf32, #tpu.memory_space<vmem>>[vector<16xi32>, vector<16xi32>], vector<16xf32>,
    %mul3A_359 = arith.mulf %gather3A_358, %get3A_103 : vector<16xf32>
    %add3A_360 = arith.addf %add3A_357, %mul3A_359 : vector<16xf32>
    %gather3A_361 = tpu.vector_load_idx %arg8[%add3A_342, %broadcast_in_dim3A_156] : memref<64x16xf32, #tpu.memory_space<vmem>>[vector<16xi32>, vector<16xi32>], vector<16xf32>,
    %mul3A_362 = arith.mulf %gather3A_361, %get3A_107 : vector<16xf32>
    %add3A_363 = arith.addf %add3A_360, %mul3A_362 : vector<16xf32>
    %gather3A_364 = tpu.vector_load_idx %arg8[%add3A_342, %broadcast_in_dim3A_158] : memref<64x16xf32, #tpu.memory_space<vmem>>[vector<16xi32>, vector<16xi32>], vector<16xf32>,
    %mul3A_365 = arith.mulf %gather3A_364, %get3A_111 : vector<16xf32>
    %add3A_366 = arith.addf %add3A_363, %mul3A_365 : vector<16xf32>
    %gather3A_367 = tpu.vector_load_idx %arg8[%add3A_342, %broadcast_in_dim3A_160] : memref<64x16xf32, #tpu.memory_space<vmem>>[vector<16xi32>, vector<16xi32>], vector<16xf32>,
    %mul3A_368 = arith.mulf %gather3A_367, %get3A_115 : vector<16xf32>
    %add3A_369 = arith.addf %add3A_366, %mul3A_368 : vector<16xf32>
    %gather3A_370 = tpu.vector_load_idx %arg8[%add3A_342, %broadcast_in_dim3A_162] : memref<64x16xf32, #tpu.memory_space<vmem>>[vector<16xi32>, vector<16xi32>], vector<16xf32>,
    %mul3A_371 = arith.mulf %gather3A_370, %get3A_119 : vector<16xf32>
    %add3A_372 = arith.addf %add3A_369, %mul3A_371 : vector<16xf32>
    %gather3A_373 = tpu.vector_load_idx %arg8[%add3A_342, %broadcast_in_dim3A_164] : memref<64x16xf32, #tpu.memory_space<vmem>>[vector<16xi32>, vector<16xi32>], vector<16xf32>,
    %mul3A_374 = arith.mulf %gather3A_373, %get3A_123 : vector<16xf32>
    %add3A_375 = arith.addf %add3A_372, %mul3A_374 : vector<16xf32>
    %gather3A_376 = tpu.vector_load_idx %arg8[%add3A_342, %broadcast_in_dim3A_166] : memref<64x16xf32, #tpu.memory_space<vmem>>[vector<16xi32>, vector<16xi32>], vector<16xf32>,
    %mul3A_377 = arith.mulf %gather3A_376, %get3A_127 : vector<16xf32>
    %add3A_378 = arith.addf %add3A_375, %mul3A_377 : vector<16xf32>
    %gather3A_379 = tpu.vector_load_idx %arg8[%add3A_342, %broadcast_in_dim3A_168] : memref<64x16xf32, #tpu.memory_space<vmem>>[vector<16xi32>, vector<16xi32>], vector<16xf32>,
    %mul3A_380 = arith.mulf %gather3A_379, %get3A_131 : vector<16xf32>
    %add3A_381 = arith.addf %add3A_378, %mul3A_380 : vector<16xf32>
    %gather3A_382 = tpu.vector_load_idx %arg8[%add3A_342, %broadcast_in_dim3A_170] : memref<64x16xf32, #tpu.memory_space<vmem>>[vector<16xi32>, vector<16xi32>], vector<16xf32>,
    %mul3A_383 = arith.mulf %gather3A_382, %get3A_135 : vector<16xf32>
    %add3A_384 = arith.addf %add3A_381, %mul3A_383 : vector<16xf32>
    %gather3A_385 = tpu.vector_load_idx %arg8[%add3A_342, %broadcast_in_dim3A_172] : memref<64x16xf32, #tpu.memory_space<vmem>>[vector<16xi32>, vector<16xi32>], vector<16xf32>,
    %mul3A_386 = arith.mulf %gather3A_385, %get3A_139 : vector<16xf32>
    %add3A_387 = arith.addf %add3A_384, %mul3A_386 : vector<16xf32>
    %gather3A_388 = tpu.vector_load_idx %arg8[%add3A_342, %broadcast_in_dim3A_174] : memref<64x16xf32, #tpu.memory_space<vmem>>[vector<16xi32>, vector<16xi32>], vector<16xf32>,
    %mul3A_389 = arith.mulf %gather3A_388, %get3A_143 : vector<16xf32>
    %add3A_390 = arith.addf %add3A_387, %mul3A_389 : vector<16xf32>
    %swap3A_391 = arith.constant 48 : index
    %swap3A_392 = tpu.vector_load %arg16[%swap3A_391] {strides = array<i32>} : memref<512xf32, #tpu.memory_space<vmem>>, vector<16xf32>,
    tpu.vector_store %arg16[%swap3A_391], %add3A_390 {strides = array<i32>} : memref<512xf32, #tpu.memory_space<vmem>>, vector<16xf32>,
    %dma_wait3A_393 = arith.constant 1 : i32
    %dma_wait3A_394 = arith.constant 0 : i32
    %dma_wait3A_395 = tpu.memref_slice %arg7[%dma_wait3A_393, %dma_wait3A_394] : memref<8x64xi32, #tpu.memory_space<vmem>> -> memref<1x64xi32, #tpu.memory_space<vmem>>
    %dma_wait3A_396 = tpu.memref_squeeze %dma_wait3A_395 : memref<1x64xi32, #tpu.memory_space<vmem>> -> memref<64xi32, #tpu.memory_space<vmem>>
    %dma_wait3A_397 = arith.constant 0 : i32
    %dma_wait3A_398 = arith.constant 0 : i32
    %dma_wait3A_399 = tpu.memref_slice %arg3[%dma_wait3A_397, %dma_wait3A_398] : memref<1000000x16xf32, #tpu.memory_space<hbm>> -> memref<1000000x16xf32, #tpu.memory_space<hbm>>
    tpu.wait_indirect_dma semaphore(%arg19 : memref<!tpu.dma_semaphore, #tpu.memory_space<semaphore_mem>>) src(%dma_wait3A_399 : memref<1000000x16xf32, #tpu.memory_space<hbm>>) dst(%arg9 : memref<64x16xf32, #tpu.memory_space<vmem>>)
    %add3A_400 = arith.constant 0 : i32
    %add3A_401 = vector.broadcast %add3A_400 : i32 to vector<16xi32>
    %add3A_402 = arith.addi %add3A_401, %iota3A : vector<16xi32>
    %gather3A_403 = tpu.vector_load_idx %arg9[%add3A_402, %broadcast_in_dim3A_144] : memref<64x16xf32, #tpu.memory_space<vmem>>[vector<16xi32>, vector<16xi32>], vector<16xf32>,
    %mul3A_404 = arith.mulf %gather3A_403, %get3A_83 : vector<16xf32>
    %add3A_405 = arith.addf %get3A_176, %mul3A_404 : vector<16xf32>
    %gather3A_406 = tpu.vector_load_idx %arg9[%add3A_402, %broadcast_in_dim3A_146] : memref<64x16xf32, #tpu.memory_space<vmem>>[vector<16xi32>, vector<16xi32>], vector<16xf32>,
    %mul3A_407 = arith.mulf %gather3A_406, %get3A_87 : vector<16xf32>
    %add3A_408 = arith.addf %add3A_405, %mul3A_407 : vector<16xf32>
    %gather3A_409 = tpu.vector_load_idx %arg9[%add3A_402, %broadcast_in_dim3A_148] : memref<64x16xf32, #tpu.memory_space<vmem>>[vector<16xi32>, vector<16xi32>], vector<16xf32>,
    %mul3A_410 = arith.mulf %gather3A_409, %get3A_91 : vector<16xf32>
    %add3A_411 = arith.addf %add3A_408, %mul3A_410 : vector<16xf32>
    %gather3A_412 = tpu.vector_load_idx %arg9[%add3A_402, %broadcast_in_dim3A_150] : memref<64x16xf32, #tpu.memory_space<vmem>>[vector<16xi32>, vector<16xi32>], vector<16xf32>,
    %mul3A_413 = arith.mulf %gather3A_412, %get3A_95 : vector<16xf32>
    %add3A_414 = arith.addf %add3A_411, %mul3A_413 : vector<16xf32>
    %gather3A_415 = tpu.vector_load_idx %arg9[%add3A_402, %broadcast_in_dim3A_152] : memref<64x16xf32, #tpu.memory_space<vmem>>[vector<16xi32>, vector<16xi32>], vector<16xf32>,
    %mul3A_416 = arith.mulf %gather3A_415, %get3A_99 : vector<16xf32>
    %add3A_417 = arith.addf %add3A_414, %mul3A_416 : vector<16xf32>
    %gather3A_418 = tpu.vector_load_idx %arg9[%add3A_402, %broadcast_in_dim3A_154] : memref<64x16xf32, #tpu.memory_space<vmem>>[vector<16xi32>, vector<16xi32>], vector<16xf32>,
    %mul3A_419 = arith.mulf %gather3A_418, %get3A_103 : vector<16xf32>
    %add3A_420 = arith.addf %add3A_417, %mul3A_419 : vector<16xf32>
    %gather3A_421 = tpu.vector_load_idx %arg9[%add3A_402, %broadcast_in_dim3A_156] : memref<64x16xf32, #tpu.memory_space<vmem>>[vector<16xi32>, vector<16xi32>], vector<16xf32>,
    %mul3A_422 = arith.mulf %gather3A_421, %get3A_107 : vector<16xf32>
    %add3A_423 = arith.addf %add3A_420, %mul3A_422 : vector<16xf32>
    %gather3A_424 = tpu.vector_load_idx %arg9[%add3A_402, %broadcast_in_dim3A_158] : memref<64x16xf32, #tpu.memory_space<vmem>>[vector<16xi32>, vector<16xi32>], vector<16xf32>,
    %mul3A_425 = arith.mulf %gather3A_424, %get3A_111 : vector<16xf32>
    %add3A_426 = arith.addf %add3A_423, %mul3A_425 : vector<16xf32>
    %gather3A_427 = tpu.vector_load_idx %arg9[%add3A_402, %broadcast_in_dim3A_160] : memref<64x16xf32, #tpu.memory_space<vmem>>[vector<16xi32>, vector<16xi32>], vector<16xf32>,
    %mul3A_428 = arith.mulf %gather3A_427, %get3A_115 : vector<16xf32>
    %add3A_429 = arith.addf %add3A_426, %mul3A_428 : vector<16xf32>
    %gather3A_430 = tpu.vector_load_idx %arg9[%add3A_402, %broadcast_in_dim3A_162] : memref<64x16xf32, #tpu.memory_space<vmem>>[vector<16xi32>, vector<16xi32>], vector<16xf32>,
    %mul3A_431 = arith.mulf %gather3A_430, %get3A_119 : vector<16xf32>
    %add3A_432 = arith.addf %add3A_429, %mul3A_431 : vector<16xf32>
    %gather3A_433 = tpu.vector_load_idx %arg9[%add3A_402, %broadcast_in_dim3A_164] : memref<64x16xf32, #tpu.memory_space<vmem>>[vector<16xi32>, vector<16xi32>], vector<16xf32>,
    %mul3A_434 = arith.mulf %gather3A_433, %get3A_123 : vector<16xf32>
    %add3A_435 = arith.addf %add3A_432, %mul3A_434 : vector<16xf32>
    %gather3A_436 = tpu.vector_load_idx %arg9[%add3A_402, %broadcast_in_dim3A_166] : memref<64x16xf32, #tpu.memory_space<vmem>>[vector<16xi32>, vector<16xi32>], vector<16xf32>,
    %mul3A_437 = arith.mulf %gather3A_436, %get3A_127 : vector<16xf32>
    %add3A_438 = arith.addf %add3A_435, %mul3A_437 : vector<16xf32>
    %gather3A_439 = tpu.vector_load_idx %arg9[%add3A_402, %broadcast_in_dim3A_168] : memref<64x16xf32, #tpu.memory_space<vmem>>[vector<16xi32>, vector<16xi32>], vector<16xf32>,
    %mul3A_440 = arith.mulf %gather3A_439, %get3A_131 : vector<16xf32>
    %add3A_441 = arith.addf %add3A_438, %mul3A_440 : vector<16xf32>
    %gather3A_442 = tpu.vector_load_idx %arg9[%add3A_402, %broadcast_in_dim3A_170] : memref<64x16xf32, #tpu.memory_space<vmem>>[vector<16xi32>, vector<16xi32>], vector<16xf32>,
    %mul3A_443 = arith.mulf %gather3A_442, %get3A_135 : vector<16xf32>
    %add3A_444 = arith.addf %add3A_441, %mul3A_443 : vector<16xf32>
    %gather3A_445 = tpu.vector_load_idx %arg9[%add3A_402, %broadcast_in_dim3A_172] : memref<64x16xf32, #tpu.memory_space<vmem>>[vector<16xi32>, vector<16xi32>], vector<16xf32>,
    %mul3A_446 = arith.mulf %gather3A_445, %get3A_139 : vector<16xf32>
    %add3A_447 = arith.addf %add3A_444, %mul3A_446 : vector<16xf32>
    %gather3A_448 = tpu.vector_load_idx %arg9[%add3A_402, %broadcast_in_dim3A_174] : memref<64x16xf32, #tpu.memory_space<vmem>>[vector<16xi32>, vector<16xi32>], vector<16xf32>,
    %mul3A_449 = arith.mulf %gather3A_448, %get3A_143 : vector<16xf32>
    %add3A_450 = arith.addf %add3A_447, %mul3A_449 : vector<16xf32>
    %swap3A_451 = arith.constant 64 : index
    %swap3A_452 = tpu.vector_load %arg16[%swap3A_451] {strides = array<i32>} : memref<512xf32, #tpu.memory_space<vmem>>, vector<16xf32>,
    tpu.vector_store %arg16[%swap3A_451], %add3A_450 {strides = array<i32>} : memref<512xf32, #tpu.memory_space<vmem>>, vector<16xf32>,
    %add3A_453 = arith.constant 16 : i32
    %add3A_454 = vector.broadcast %add3A_453 : i32 to vector<16xi32>
    %add3A_455 = arith.addi %add3A_454, %iota3A : vector<16xi32>
    %gather3A_456 = tpu.vector_load_idx %arg9[%add3A_455, %broadcast_in_dim3A_144] : memref<64x16xf32, #tpu.memory_space<vmem>>[vector<16xi32>, vector<16xi32>], vector<16xf32>,
    %mul3A_457 = arith.mulf %gather3A_456, %get3A_83 : vector<16xf32>
    %add3A_458 = arith.addf %get3A_176, %mul3A_457 : vector<16xf32>
    %gather3A_459 = tpu.vector_load_idx %arg9[%add3A_455, %broadcast_in_dim3A_146] : memref<64x16xf32, #tpu.memory_space<vmem>>[vector<16xi32>, vector<16xi32>], vector<16xf32>,
    %mul3A_460 = arith.mulf %gather3A_459, %get3A_87 : vector<16xf32>
    %add3A_461 = arith.addf %add3A_458, %mul3A_460 : vector<16xf32>
    %gather3A_462 = tpu.vector_load_idx %arg9[%add3A_455, %broadcast_in_dim3A_148] : memref<64x16xf32, #tpu.memory_space<vmem>>[vector<16xi32>, vector<16xi32>], vector<16xf32>,
    %mul3A_463 = arith.mulf %gather3A_462, %get3A_91 : vector<16xf32>
    %add3A_464 = arith.addf %add3A_461, %mul3A_463 : vector<16xf32>
    %gather3A_465 = tpu.vector_load_idx %arg9[%add3A_455, %broadcast_in_dim3A_150] : memref<64x16xf32, #tpu.memory_space<vmem>>[vector<16xi32>, vector<16xi32>], vector<16xf32>,
    %mul3A_466 = arith.mulf %gather3A_465, %get3A_95 : vector<16xf32>
    %add3A_467 = arith.addf %add3A_464, %mul3A_466 : vector<16xf32>
    %gather3A_468 = tpu.vector_load_idx %arg9[%add3A_455, %broadcast_in_dim3A_152] : memref<64x16xf32, #tpu.memory_space<vmem>>[vector<16xi32>, vector<16xi32>], vector<16xf32>,
    %mul3A_469 = arith.mulf %gather3A_468, %get3A_99 : vector<16xf32>
    %add3A_470 = arith.addf %add3A_467, %mul3A_469 : vector<16xf32>
    %gather3A_471 = tpu.vector_load_idx %arg9[%add3A_455, %broadcast_in_dim3A_154] : memref<64x16xf32, #tpu.memory_space<vmem>>[vector<16xi32>, vector<16xi32>], vector<16xf32>,
    %mul3A_472 = arith.mulf %gather3A_471, %get3A_103 : vector<16xf32>
    %add3A_473 = arith.addf %add3A_470, %mul3A_472 : vector<16xf32>
    %gather3A_474 = tpu.vector_load_idx %arg9[%add3A_455, %broadcast_in_dim3A_156] : memref<64x16xf32, #tpu.memory_space<vmem>>[vector<16xi32>, vector<16xi32>], vector<16xf32>,
    %mul3A_475 = arith.mulf %gather3A_474, %get3A_107 : vector<16xf32>
    %add3A_476 = arith.addf %add3A_473, %mul3A_475 : vector<16xf32>
    %gather3A_477 = tpu.vector_load_idx %arg9[%add3A_455, %broadcast_in_dim3A_158] : memref<64x16xf32, #tpu.memory_space<vmem>>[vector<16xi32>, vector<16xi32>], vector<16xf32>,
    %mul3A_478 = arith.mulf %gather3A_477, %get3A_111 : vector<16xf32>
    %add3A_479 = arith.addf %add3A_476, %mul3A_478 : vector<16xf32>
    %gather3A_480 = tpu.vector_load_idx %arg9[%add3A_455, %broadcast_in_dim3A_160] : memref<64x16xf32, #tpu.memory_space<vmem>>[vector<16xi32>, vector<16xi32>], vector<16xf32>,
    %mul3A_481 = arith.mulf %gather3A_480, %get3A_115 : vector<16xf32>
    %add3A_482 = arith.addf %add3A_479, %mul3A_481 : vector<16xf32>
    %gather3A_483 = tpu.vector_load_idx %arg9[%add3A_455, %broadcast_in_dim3A_162] : memref<64x16xf32, #tpu.memory_space<vmem>>[vector<16xi32>, vector<16xi32>], vector<16xf32>,
    %mul3A_484 = arith.mulf %gather3A_483, %get3A_119 : vector<16xf32>
    %add3A_485 = arith.addf %add3A_482, %mul3A_484 : vector<16xf32>
    %gather3A_486 = tpu.vector_load_idx %arg9[%add3A_455, %broadcast_in_dim3A_164] : memref<64x16xf32, #tpu.memory_space<vmem>>[vector<16xi32>, vector<16xi32>], vector<16xf32>,
    %mul3A_487 = arith.mulf %gather3A_486, %get3A_123 : vector<16xf32>
    %add3A_488 = arith.addf %add3A_485, %mul3A_487 : vector<16xf32>
    %gather3A_489 = tpu.vector_load_idx %arg9[%add3A_455, %broadcast_in_dim3A_166] : memref<64x16xf32, #tpu.memory_space<vmem>>[vector<16xi32>, vector<16xi32>], vector<16xf32>,
    %mul3A_490 = arith.mulf %gather3A_489, %get3A_127 : vector<16xf32>
    %add3A_491 = arith.addf %add3A_488, %mul3A_490 : vector<16xf32>
    %gather3A_492 = tpu.vector_load_idx %arg9[%add3A_455, %broadcast_in_dim3A_168] : memref<64x16xf32, #tpu.memory_space<vmem>>[vector<16xi32>, vector<16xi32>], vector<16xf32>,
    %mul3A_493 = arith.mulf %gather3A_492, %get3A_131 : vector<16xf32>
    %add3A_494 = arith.addf %add3A_491, %mul3A_493 : vector<16xf32>
    %gather3A_495 = tpu.vector_load_idx %arg9[%add3A_455, %broadcast_in_dim3A_170] : memref<64x16xf32, #tpu.memory_space<vmem>>[vector<16xi32>, vector<16xi32>], vector<16xf32>,
    %mul3A_496 = arith.mulf %gather3A_495, %get3A_135 : vector<16xf32>
    %add3A_497 = arith.addf %add3A_494, %mul3A_496 : vector<16xf32>
    %gather3A_498 = tpu.vector_load_idx %arg9[%add3A_455, %broadcast_in_dim3A_172] : memref<64x16xf32, #tpu.memory_space<vmem>>[vector<16xi32>, vector<16xi32>], vector<16xf32>,
    %mul3A_499 = arith.mulf %gather3A_498, %get3A_139 : vector<16xf32>
    %add3A_500 = arith.addf %add3A_497, %mul3A_499 : vector<16xf32>
    %gather3A_501 = tpu.vector_load_idx %arg9[%add3A_455, %broadcast_in_dim3A_174] : memref<64x16xf32, #tpu.memory_space<vmem>>[vector<16xi32>, vector<16xi32>], vector<16xf32>,
    %mul3A_502 = arith.mulf %gather3A_501, %get3A_143 : vector<16xf32>
    %add3A_503 = arith.addf %add3A_500, %mul3A_502 : vector<16xf32>
    %swap3A_504 = arith.constant 80 : index
    %swap3A_505 = tpu.vector_load %arg16[%swap3A_504] {strides = array<i32>} : memref<512xf32, #tpu.memory_space<vmem>>, vector<16xf32>,
    tpu.vector_store %arg16[%swap3A_504], %add3A_503 {strides = array<i32>} : memref<512xf32, #tpu.memory_space<vmem>>, vector<16xf32>,
    %add3A_506 = arith.constant 32 : i32
    %add3A_507 = vector.broadcast %add3A_506 : i32 to vector<16xi32>
    %add3A_508 = arith.addi %add3A_507, %iota3A : vector<16xi32>
    %gather3A_509 = tpu.vector_load_idx %arg9[%add3A_508, %broadcast_in_dim3A_144] : memref<64x16xf32, #tpu.memory_space<vmem>>[vector<16xi32>, vector<16xi32>], vector<16xf32>,
    %mul3A_510 = arith.mulf %gather3A_509, %get3A_83 : vector<16xf32>
    %add3A_511 = arith.addf %get3A_176, %mul3A_510 : vector<16xf32>
    %gather3A_512 = tpu.vector_load_idx %arg9[%add3A_508, %broadcast_in_dim3A_146] : memref<64x16xf32, #tpu.memory_space<vmem>>[vector<16xi32>, vector<16xi32>], vector<16xf32>,
    %mul3A_513 = arith.mulf %gather3A_512, %get3A_87 : vector<16xf32>
    %add3A_514 = arith.addf %add3A_511, %mul3A_513 : vector<16xf32>
    %gather3A_515 = tpu.vector_load_idx %arg9[%add3A_508, %broadcast_in_dim3A_148] : memref<64x16xf32, #tpu.memory_space<vmem>>[vector<16xi32>, vector<16xi32>], vector<16xf32>,
    %mul3A_516 = arith.mulf %gather3A_515, %get3A_91 : vector<16xf32>
    %add3A_517 = arith.addf %add3A_514, %mul3A_516 : vector<16xf32>
    %gather3A_518 = tpu.vector_load_idx %arg9[%add3A_508, %broadcast_in_dim3A_150] : memref<64x16xf32, #tpu.memory_space<vmem>>[vector<16xi32>, vector<16xi32>], vector<16xf32>,
    %mul3A_519 = arith.mulf %gather3A_518, %get3A_95 : vector<16xf32>
    %add3A_520 = arith.addf %add3A_517, %mul3A_519 : vector<16xf32>
    %gather3A_521 = tpu.vector_load_idx %arg9[%add3A_508, %broadcast_in_dim3A_152] : memref<64x16xf32, #tpu.memory_space<vmem>>[vector<16xi32>, vector<16xi32>], vector<16xf32>,
    %mul3A_522 = arith.mulf %gather3A_521, %get3A_99 : vector<16xf32>
    %add3A_523 = arith.addf %add3A_520, %mul3A_522 : vector<16xf32>
    %gather3A_524 = tpu.vector_load_idx %arg9[%add3A_508, %broadcast_in_dim3A_154] : memref<64x16xf32, #tpu.memory_space<vmem>>[vector<16xi32>, vector<16xi32>], vector<16xf32>,
    %mul3A_525 = arith.mulf %gather3A_524, %get3A_103 : vector<16xf32>
    %add3A_526 = arith.addf %add3A_523, %mul3A_525 : vector<16xf32>
    %gather3A_527 = tpu.vector_load_idx %arg9[%add3A_508, %broadcast_in_dim3A_156] : memref<64x16xf32, #tpu.memory_space<vmem>>[vector<16xi32>, vector<16xi32>], vector<16xf32>,
    %mul3A_528 = arith.mulf %gather3A_527, %get3A_107 : vector<16xf32>
    %add3A_529 = arith.addf %add3A_526, %mul3A_528 : vector<16xf32>
    %gather3A_530 = tpu.vector_load_idx %arg9[%add3A_508, %broadcast_in_dim3A_158] : memref<64x16xf32, #tpu.memory_space<vmem>>[vector<16xi32>, vector<16xi32>], vector<16xf32>,
    %mul3A_531 = arith.mulf %gather3A_530, %get3A_111 : vector<16xf32>
    %add3A_532 = arith.addf %add3A_529, %mul3A_531 : vector<16xf32>
    %gather3A_533 = tpu.vector_load_idx %arg9[%add3A_508, %broadcast_in_dim3A_160] : memref<64x16xf32, #tpu.memory_space<vmem>>[vector<16xi32>, vector<16xi32>], vector<16xf32>,
    %mul3A_534 = arith.mulf %gather3A_533, %get3A_115 : vector<16xf32>
    %add3A_535 = arith.addf %add3A_532, %mul3A_534 : vector<16xf32>
    %gather3A_536 = tpu.vector_load_idx %arg9[%add3A_508, %broadcast_in_dim3A_162] : memref<64x16xf32, #tpu.memory_space<vmem>>[vector<16xi32>, vector<16xi32>], vector<16xf32>,
    %mul3A_537 = arith.mulf %gather3A_536, %get3A_119 : vector<16xf32>
    %add3A_538 = arith.addf %add3A_535, %mul3A_537 : vector<16xf32>
    %gather3A_539 = tpu.vector_load_idx %arg9[%add3A_508, %broadcast_in_dim3A_164] : memref<64x16xf32, #tpu.memory_space<vmem>>[vector<16xi32>, vector<16xi32>], vector<16xf32>,
    %mul3A_540 = arith.mulf %gather3A_539, %get3A_123 : vector<16xf32>
    %add3A_541 = arith.addf %add3A_538, %mul3A_540 : vector<16xf32>
    %gather3A_542 = tpu.vector_load_idx %arg9[%add3A_508, %broadcast_in_dim3A_166] : memref<64x16xf32, #tpu.memory_space<vmem>>[vector<16xi32>, vector<16xi32>], vector<16xf32>,
    %mul3A_543 = arith.mulf %gather3A_542, %get3A_127 : vector<16xf32>
    %add3A_544 = arith.addf %add3A_541, %mul3A_543 : vector<16xf32>
    %gather3A_545 = tpu.vector_load_idx %arg9[%add3A_508, %broadcast_in_dim3A_168] : memref<64x16xf32, #tpu.memory_space<vmem>>[vector<16xi32>, vector<16xi32>], vector<16xf32>,
    %mul3A_546 = arith.mulf %gather3A_545, %get3A_131 : vector<16xf32>
    %add3A_547 = arith.addf %add3A_544, %mul3A_546 : vector<16xf32>
    %gather3A_548 = tpu.vector_load_idx %arg9[%add3A_508, %broadcast_in_dim3A_170] : memref<64x16xf32, #tpu.memory_space<vmem>>[vector<16xi32>, vector<16xi32>], vector<16xf32>,
    %mul3A_549 = arith.mulf %gather3A_548, %get3A_135 : vector<16xf32>
    %add3A_550 = arith.addf %add3A_547, %mul3A_549 : vector<16xf32>
    %gather3A_551 = tpu.vector_load_idx %arg9[%add3A_508, %broadcast_in_dim3A_172] : memref<64x16xf32, #tpu.memory_space<vmem>>[vector<16xi32>, vector<16xi32>], vector<16xf32>,
    %mul3A_552 = arith.mulf %gather3A_551, %get3A_139 : vector<16xf32>
    %add3A_553 = arith.addf %add3A_550, %mul3A_552 : vector<16xf32>
    %gather3A_554 = tpu.vector_load_idx %arg9[%add3A_508, %broadcast_in_dim3A_174] : memref<64x16xf32, #tpu.memory_space<vmem>>[vector<16xi32>, vector<16xi32>], vector<16xf32>,
    %mul3A_555 = arith.mulf %gather3A_554, %get3A_143 : vector<16xf32>
    %add3A_556 = arith.addf %add3A_553, %mul3A_555 : vector<16xf32>
    %swap3A_557 = arith.constant 96 : index
    %swap3A_558 = tpu.vector_load %arg16[%swap3A_557] {strides = array<i32>} : memref<512xf32, #tpu.memory_space<vmem>>, vector<16xf32>,
    tpu.vector_store %arg16[%swap3A_557], %add3A_556 {strides = array<i32>} : memref<512xf32, #tpu.memory_space<vmem>>, vector<16xf32>,
    %add3A_559 = arith.constant 48 : i32
    %add3A_560 = vector.broadcast %add3A_559 : i32 to vector<16xi32>
    %add3A_561 = arith.addi %add3A_560, %iota3A : vector<16xi32>
    %gather3A_562 = tpu.vector_load_idx %arg9[%add3A_561, %broadcast_in_dim3A_144] : memref<64x16xf32, #tpu.memory_space<vmem>>[vector<16xi32>, vector<16xi32>], vector<16xf32>,
    %mul3A_563 = arith.mulf %gather3A_562, %get3A_83 : vector<16xf32>
    %add3A_564 = arith.addf %get3A_176, %mul3A_563 : vector<16xf32>
    %gather3A_565 = tpu.vector_load_idx %arg9[%add3A_561, %broadcast_in_dim3A_146] : memref<64x16xf32, #tpu.memory_space<vmem>>[vector<16xi32>, vector<16xi32>], vector<16xf32>,
    %mul3A_566 = arith.mulf %gather3A_565, %get3A_87 : vector<16xf32>
    %add3A_567 = arith.addf %add3A_564, %mul3A_566 : vector<16xf32>
    %gather3A_568 = tpu.vector_load_idx %arg9[%add3A_561, %broadcast_in_dim3A_148] : memref<64x16xf32, #tpu.memory_space<vmem>>[vector<16xi32>, vector<16xi32>], vector<16xf32>,
    %mul3A_569 = arith.mulf %gather3A_568, %get3A_91 : vector<16xf32>
    %add3A_570 = arith.addf %add3A_567, %mul3A_569 : vector<16xf32>
    %gather3A_571 = tpu.vector_load_idx %arg9[%add3A_561, %broadcast_in_dim3A_150] : memref<64x16xf32, #tpu.memory_space<vmem>>[vector<16xi32>, vector<16xi32>], vector<16xf32>,
    %mul3A_572 = arith.mulf %gather3A_571, %get3A_95 : vector<16xf32>
    %add3A_573 = arith.addf %add3A_570, %mul3A_572 : vector<16xf32>
    %gather3A_574 = tpu.vector_load_idx %arg9[%add3A_561, %broadcast_in_dim3A_152] : memref<64x16xf32, #tpu.memory_space<vmem>>[vector<16xi32>, vector<16xi32>], vector<16xf32>,
    %mul3A_575 = arith.mulf %gather3A_574, %get3A_99 : vector<16xf32>
    %add3A_576 = arith.addf %add3A_573, %mul3A_575 : vector<16xf32>
    %gather3A_577 = tpu.vector_load_idx %arg9[%add3A_561, %broadcast_in_dim3A_154] : memref<64x16xf32, #tpu.memory_space<vmem>>[vector<16xi32>, vector<16xi32>], vector<16xf32>,
    %mul3A_578 = arith.mulf %gather3A_577, %get3A_103 : vector<16xf32>
    %add3A_579 = arith.addf %add3A_576, %mul3A_578 : vector<16xf32>
    %gather3A_580 = tpu.vector_load_idx %arg9[%add3A_561, %broadcast_in_dim3A_156] : memref<64x16xf32, #tpu.memory_space<vmem>>[vector<16xi32>, vector<16xi32>], vector<16xf32>,
    %mul3A_581 = arith.mulf %gather3A_580, %get3A_107 : vector<16xf32>
    %add3A_582 = arith.addf %add3A_579, %mul3A_581 : vector<16xf32>
    %gather3A_583 = tpu.vector_load_idx %arg9[%add3A_561, %broadcast_in_dim3A_158] : memref<64x16xf32, #tpu.memory_space<vmem>>[vector<16xi32>, vector<16xi32>], vector<16xf32>,
    %mul3A_584 = arith.mulf %gather3A_583, %get3A_111 : vector<16xf32>
    %add3A_585 = arith.addf %add3A_582, %mul3A_584 : vector<16xf32>
    %gather3A_586 = tpu.vector_load_idx %arg9[%add3A_561, %broadcast_in_dim3A_160] : memref<64x16xf32, #tpu.memory_space<vmem>>[vector<16xi32>, vector<16xi32>], vector<16xf32>,
    %mul3A_587 = arith.mulf %gather3A_586, %get3A_115 : vector<16xf32>
    %add3A_588 = arith.addf %add3A_585, %mul3A_587 : vector<16xf32>
    %gather3A_589 = tpu.vector_load_idx %arg9[%add3A_561, %broadcast_in_dim3A_162] : memref<64x16xf32, #tpu.memory_space<vmem>>[vector<16xi32>, vector<16xi32>], vector<16xf32>,
    %mul3A_590 = arith.mulf %gather3A_589, %get3A_119 : vector<16xf32>
    %add3A_591 = arith.addf %add3A_588, %mul3A_590 : vector<16xf32>
    %gather3A_592 = tpu.vector_load_idx %arg9[%add3A_561, %broadcast_in_dim3A_164] : memref<64x16xf32, #tpu.memory_space<vmem>>[vector<16xi32>, vector<16xi32>], vector<16xf32>,
    %mul3A_593 = arith.mulf %gather3A_592, %get3A_123 : vector<16xf32>
    %add3A_594 = arith.addf %add3A_591, %mul3A_593 : vector<16xf32>
    %gather3A_595 = tpu.vector_load_idx %arg9[%add3A_561, %broadcast_in_dim3A_166] : memref<64x16xf32, #tpu.memory_space<vmem>>[vector<16xi32>, vector<16xi32>], vector<16xf32>,
    %mul3A_596 = arith.mulf %gather3A_595, %get3A_127 : vector<16xf32>
    %add3A_597 = arith.addf %add3A_594, %mul3A_596 : vector<16xf32>
    %gather3A_598 = tpu.vector_load_idx %arg9[%add3A_561, %broadcast_in_dim3A_168] : memref<64x16xf32, #tpu.memory_space<vmem>>[vector<16xi32>, vector<16xi32>], vector<16xf32>,
    %mul3A_599 = arith.mulf %gather3A_598, %get3A_131 : vector<16xf32>
    %add3A_600 = arith.addf %add3A_597, %mul3A_599 : vector<16xf32>
    %gather3A_601 = tpu.vector_load_idx %arg9[%add3A_561, %broadcast_in_dim3A_170] : memref<64x16xf32, #tpu.memory_space<vmem>>[vector<16xi32>, vector<16xi32>], vector<16xf32>,
    %mul3A_602 = arith.mulf %gather3A_601, %get3A_135 : vector<16xf32>
    %add3A_603 = arith.addf %add3A_600, %mul3A_602 : vector<16xf32>
    %gather3A_604 = tpu.vector_load_idx %arg9[%add3A_561, %broadcast_in_dim3A_172] : memref<64x16xf32, #tpu.memory_space<vmem>>[vector<16xi32>, vector<16xi32>], vector<16xf32>,
    %mul3A_605 = arith.mulf %gather3A_604, %get3A_139 : vector<16xf32>
    %add3A_606 = arith.addf %add3A_603, %mul3A_605 : vector<16xf32>
    %gather3A_607 = tpu.vector_load_idx %arg9[%add3A_561, %broadcast_in_dim3A_174] : memref<64x16xf32, #tpu.memory_space<vmem>>[vector<16xi32>, vector<16xi32>], vector<16xf32>,
    %mul3A_608 = arith.mulf %gather3A_607, %get3A_143 : vector<16xf32>
    %add3A_609 = arith.addf %add3A_606, %mul3A_608 : vector<16xf32>
    %swap3A_610 = arith.constant 112 : index
    %swap3A_611 = tpu.vector_load %arg16[%swap3A_610] {strides = array<i32>} : memref<512xf32, #tpu.memory_space<vmem>>, vector<16xf32>,
    tpu.vector_store %arg16[%swap3A_610], %add3A_609 {strides = array<i32>} : memref<512xf32, #tpu.memory_space<vmem>>, vector<16xf32>,
    %dma_wait3A_612 = arith.constant 2 : i32
    %dma_wait3A_613 = arith.constant 0 : i32
    %dma_wait3A_614 = tpu.memref_slice %arg7[%dma_wait3A_612, %dma_wait3A_613] : memref<8x64xi32, #tpu.memory_space<vmem>> -> memref<1x64xi32, #tpu.memory_space<vmem>>
    %dma_wait3A_615 = tpu.memref_squeeze %dma_wait3A_614 : memref<1x64xi32, #tpu.memory_space<vmem>> -> memref<64xi32, #tpu.memory_space<vmem>>
    %dma_wait3A_616 = arith.constant 0 : i32
    %dma_wait3A_617 = arith.constant 0 : i32
    %dma_wait3A_618 = tpu.memref_slice %arg3[%dma_wait3A_616, %dma_wait3A_617] : memref<1000000x16xf32, #tpu.memory_space<hbm>> -> memref<1000000x16xf32, #tpu.memory_space<hbm>>
    tpu.wait_indirect_dma semaphore(%arg19 : memref<!tpu.dma_semaphore, #tpu.memory_space<semaphore_mem>>) src(%dma_wait3A_618 : memref<1000000x16xf32, #tpu.memory_space<hbm>>) dst(%arg10 : memref<64x16xf32, #tpu.memory_space<vmem>>)
    %add3A_619 = arith.constant 0 : i32
    %add3A_620 = vector.broadcast %add3A_619 : i32 to vector<16xi32>
    %add3A_621 = arith.addi %add3A_620, %iota3A : vector<16xi32>
    %gather3A_622 = tpu.vector_load_idx %arg10[%add3A_621, %broadcast_in_dim3A_144] : memref<64x16xf32, #tpu.memory_space<vmem>>[vector<16xi32>, vector<16xi32>], vector<16xf32>,
    %mul3A_623 = arith.mulf %gather3A_622, %get3A_83 : vector<16xf32>
    %add3A_624 = arith.addf %get3A_176, %mul3A_623 : vector<16xf32>
    %gather3A_625 = tpu.vector_load_idx %arg10[%add3A_621, %broadcast_in_dim3A_146] : memref<64x16xf32, #tpu.memory_space<vmem>>[vector<16xi32>, vector<16xi32>], vector<16xf32>,
    %mul3A_626 = arith.mulf %gather3A_625, %get3A_87 : vector<16xf32>
    %add3A_627 = arith.addf %add3A_624, %mul3A_626 : vector<16xf32>
    %gather3A_628 = tpu.vector_load_idx %arg10[%add3A_621, %broadcast_in_dim3A_148] : memref<64x16xf32, #tpu.memory_space<vmem>>[vector<16xi32>, vector<16xi32>], vector<16xf32>,
    %mul3A_629 = arith.mulf %gather3A_628, %get3A_91 : vector<16xf32>
    %add3A_630 = arith.addf %add3A_627, %mul3A_629 : vector<16xf32>
    %gather3A_631 = tpu.vector_load_idx %arg10[%add3A_621, %broadcast_in_dim3A_150] : memref<64x16xf32, #tpu.memory_space<vmem>>[vector<16xi32>, vector<16xi32>], vector<16xf32>,
    %mul3A_632 = arith.mulf %gather3A_631, %get3A_95 : vector<16xf32>
    %add3A_633 = arith.addf %add3A_630, %mul3A_632 : vector<16xf32>
    %gather3A_634 = tpu.vector_load_idx %arg10[%add3A_621, %broadcast_in_dim3A_152] : memref<64x16xf32, #tpu.memory_space<vmem>>[vector<16xi32>, vector<16xi32>], vector<16xf32>,
    %mul3A_635 = arith.mulf %gather3A_634, %get3A_99 : vector<16xf32>
    %add3A_636 = arith.addf %add3A_633, %mul3A_635 : vector<16xf32>
    %gather3A_637 = tpu.vector_load_idx %arg10[%add3A_621, %broadcast_in_dim3A_154] : memref<64x16xf32, #tpu.memory_space<vmem>>[vector<16xi32>, vector<16xi32>], vector<16xf32>,
    %mul3A_638 = arith.mulf %gather3A_637, %get3A_103 : vector<16xf32>
    %add3A_639 = arith.addf %add3A_636, %mul3A_638 : vector<16xf32>
    %gather3A_640 = tpu.vector_load_idx %arg10[%add3A_621, %broadcast_in_dim3A_156] : memref<64x16xf32, #tpu.memory_space<vmem>>[vector<16xi32>, vector<16xi32>], vector<16xf32>,
    %mul3A_641 = arith.mulf %gather3A_640, %get3A_107 : vector<16xf32>
    %add3A_642 = arith.addf %add3A_639, %mul3A_641 : vector<16xf32>
    %gather3A_643 = tpu.vector_load_idx %arg10[%add3A_621, %broadcast_in_dim3A_158] : memref<64x16xf32, #tpu.memory_space<vmem>>[vector<16xi32>, vector<16xi32>], vector<16xf32>,
    %mul3A_644 = arith.mulf %gather3A_643, %get3A_111 : vector<16xf32>
    %add3A_645 = arith.addf %add3A_642, %mul3A_644 : vector<16xf32>
    %gather3A_646 = tpu.vector_load_idx %arg10[%add3A_621, %broadcast_in_dim3A_160] : memref<64x16xf32, #tpu.memory_space<vmem>>[vector<16xi32>, vector<16xi32>], vector<16xf32>,
    %mul3A_647 = arith.mulf %gather3A_646, %get3A_115 : vector<16xf32>
    %add3A_648 = arith.addf %add3A_645, %mul3A_647 : vector<16xf32>
    %gather3A_649 = tpu.vector_load_idx %arg10[%add3A_621, %broadcast_in_dim3A_162] : memref<64x16xf32, #tpu.memory_space<vmem>>[vector<16xi32>, vector<16xi32>], vector<16xf32>,
    %mul3A_650 = arith.mulf %gather3A_649, %get3A_119 : vector<16xf32>
    %add3A_651 = arith.addf %add3A_648, %mul3A_650 : vector<16xf32>
    %gather3A_652 = tpu.vector_load_idx %arg10[%add3A_621, %broadcast_in_dim3A_164] : memref<64x16xf32, #tpu.memory_space<vmem>>[vector<16xi32>, vector<16xi32>], vector<16xf32>,
    %mul3A_653 = arith.mulf %gather3A_652, %get3A_123 : vector<16xf32>
    %add3A_654 = arith.addf %add3A_651, %mul3A_653 : vector<16xf32>
    %gather3A_655 = tpu.vector_load_idx %arg10[%add3A_621, %broadcast_in_dim3A_166] : memref<64x16xf32, #tpu.memory_space<vmem>>[vector<16xi32>, vector<16xi32>], vector<16xf32>,
    %mul3A_656 = arith.mulf %gather3A_655, %get3A_127 : vector<16xf32>
    %add3A_657 = arith.addf %add3A_654, %mul3A_656 : vector<16xf32>
    %gather3A_658 = tpu.vector_load_idx %arg10[%add3A_621, %broadcast_in_dim3A_168] : memref<64x16xf32, #tpu.memory_space<vmem>>[vector<16xi32>, vector<16xi32>], vector<16xf32>,
    %mul3A_659 = arith.mulf %gather3A_658, %get3A_131 : vector<16xf32>
    %add3A_660 = arith.addf %add3A_657, %mul3A_659 : vector<16xf32>
    %gather3A_661 = tpu.vector_load_idx %arg10[%add3A_621, %broadcast_in_dim3A_170] : memref<64x16xf32, #tpu.memory_space<vmem>>[vector<16xi32>, vector<16xi32>], vector<16xf32>,
    %mul3A_662 = arith.mulf %gather3A_661, %get3A_135 : vector<16xf32>
    %add3A_663 = arith.addf %add3A_660, %mul3A_662 : vector<16xf32>
    %gather3A_664 = tpu.vector_load_idx %arg10[%add3A_621, %broadcast_in_dim3A_172] : memref<64x16xf32, #tpu.memory_space<vmem>>[vector<16xi32>, vector<16xi32>], vector<16xf32>,
    %mul3A_665 = arith.mulf %gather3A_664, %get3A_139 : vector<16xf32>
    %add3A_666 = arith.addf %add3A_663, %mul3A_665 : vector<16xf32>
    %gather3A_667 = tpu.vector_load_idx %arg10[%add3A_621, %broadcast_in_dim3A_174] : memref<64x16xf32, #tpu.memory_space<vmem>>[vector<16xi32>, vector<16xi32>], vector<16xf32>,
    %mul3A_668 = arith.mulf %gather3A_667, %get3A_143 : vector<16xf32>
    %add3A_669 = arith.addf %add3A_666, %mul3A_668 : vector<16xf32>
    %swap3A_670 = arith.constant 128 : index
    %swap3A_671 = tpu.vector_load %arg16[%swap3A_670] {strides = array<i32>} : memref<512xf32, #tpu.memory_space<vmem>>, vector<16xf32>,
    tpu.vector_store %arg16[%swap3A_670], %add3A_669 {strides = array<i32>} : memref<512xf32, #tpu.memory_space<vmem>>, vector<16xf32>,
    %add3A_672 = arith.constant 16 : i32
    %add3A_673 = vector.broadcast %add3A_672 : i32 to vector<16xi32>
    %add3A_674 = arith.addi %add3A_673, %iota3A : vector<16xi32>
    %gather3A_675 = tpu.vector_load_idx %arg10[%add3A_674, %broadcast_in_dim3A_144] : memref<64x16xf32, #tpu.memory_space<vmem>>[vector<16xi32>, vector<16xi32>], vector<16xf32>,
    %mul3A_676 = arith.mulf %gather3A_675, %get3A_83 : vector<16xf32>
    %add3A_677 = arith.addf %get3A_176, %mul3A_676 : vector<16xf32>
    %gather3A_678 = tpu.vector_load_idx %arg10[%add3A_674, %broadcast_in_dim3A_146] : memref<64x16xf32, #tpu.memory_space<vmem>>[vector<16xi32>, vector<16xi32>], vector<16xf32>,
    %mul3A_679 = arith.mulf %gather3A_678, %get3A_87 : vector<16xf32>
    %add3A_680 = arith.addf %add3A_677, %mul3A_679 : vector<16xf32>
    %gather3A_681 = tpu.vector_load_idx %arg10[%add3A_674, %broadcast_in_dim3A_148] : memref<64x16xf32, #tpu.memory_space<vmem>>[vector<16xi32>, vector<16xi32>], vector<16xf32>,
    %mul3A_682 = arith.mulf %gather3A_681, %get3A_91 : vector<16xf32>
    %add3A_683 = arith.addf %add3A_680, %mul3A_682 : vector<16xf32>
    %gather3A_684 = tpu.vector_load_idx %arg10[%add3A_674, %broadcast_in_dim3A_150] : memref<64x16xf32, #tpu.memory_space<vmem>>[vector<16xi32>, vector<16xi32>], vector<16xf32>,
    %mul3A_685 = arith.mulf %gather3A_684, %get3A_95 : vector<16xf32>
    %add3A_686 = arith.addf %add3A_683, %mul3A_685 : vector<16xf32>
    %gather3A_687 = tpu.vector_load_idx %arg10[%add3A_674, %broadcast_in_dim3A_152] : memref<64x16xf32, #tpu.memory_space<vmem>>[vector<16xi32>, vector<16xi32>], vector<16xf32>,
    %mul3A_688 = arith.mulf %gather3A_687, %get3A_99 : vector<16xf32>
    %add3A_689 = arith.addf %add3A_686, %mul3A_688 : vector<16xf32>
    %gather3A_690 = tpu.vector_load_idx %arg10[%add3A_674, %broadcast_in_dim3A_154] : memref<64x16xf32, #tpu.memory_space<vmem>>[vector<16xi32>, vector<16xi32>], vector<16xf32>,
    %mul3A_691 = arith.mulf %gather3A_690, %get3A_103 : vector<16xf32>
    %add3A_692 = arith.addf %add3A_689, %mul3A_691 : vector<16xf32>
    %gather3A_693 = tpu.vector_load_idx %arg10[%add3A_674, %broadcast_in_dim3A_156] : memref<64x16xf32, #tpu.memory_space<vmem>>[vector<16xi32>, vector<16xi32>], vector<16xf32>,
    %mul3A_694 = arith.mulf %gather3A_693, %get3A_107 : vector<16xf32>
    %add3A_695 = arith.addf %add3A_692, %mul3A_694 : vector<16xf32>
    %gather3A_696 = tpu.vector_load_idx %arg10[%add3A_674, %broadcast_in_dim3A_158] : memref<64x16xf32, #tpu.memory_space<vmem>>[vector<16xi32>, vector<16xi32>], vector<16xf32>,
    %mul3A_697 = arith.mulf %gather3A_696, %get3A_111 : vector<16xf32>
    %add3A_698 = arith.addf %add3A_695, %mul3A_697 : vector<16xf32>
    %gather3A_699 = tpu.vector_load_idx %arg10[%add3A_674, %broadcast_in_dim3A_160] : memref<64x16xf32, #tpu.memory_space<vmem>>[vector<16xi32>, vector<16xi32>], vector<16xf32>,
    %mul3A_700 = arith.mulf %gather3A_699, %get3A_115 : vector<16xf32>
    %add3A_701 = arith.addf %add3A_698, %mul3A_700 : vector<16xf32>
    %gather3A_702 = tpu.vector_load_idx %arg10[%add3A_674, %broadcast_in_dim3A_162] : memref<64x16xf32, #tpu.memory_space<vmem>>[vector<16xi32>, vector<16xi32>], vector<16xf32>,
    %mul3A_703 = arith.mulf %gather3A_702, %get3A_119 : vector<16xf32>
    %add3A_704 = arith.addf %add3A_701, %mul3A_703 : vector<16xf32>
    %gather3A_705 = tpu.vector_load_idx %arg10[%add3A_674, %broadcast_in_dim3A_164] : memref<64x16xf32, #tpu.memory_space<vmem>>[vector<16xi32>, vector<16xi32>], vector<16xf32>,
    %mul3A_706 = arith.mulf %gather3A_705, %get3A_123 : vector<16xf32>
    %add3A_707 = arith.addf %add3A_704, %mul3A_706 : vector<16xf32>
    %gather3A_708 = tpu.vector_load_idx %arg10[%add3A_674, %broadcast_in_dim3A_166] : memref<64x16xf32, #tpu.memory_space<vmem>>[vector<16xi32>, vector<16xi32>], vector<16xf32>,
    %mul3A_709 = arith.mulf %gather3A_708, %get3A_127 : vector<16xf32>
    %add3A_710 = arith.addf %add3A_707, %mul3A_709 : vector<16xf32>
    %gather3A_711 = tpu.vector_load_idx %arg10[%add3A_674, %broadcast_in_dim3A_168] : memref<64x16xf32, #tpu.memory_space<vmem>>[vector<16xi32>, vector<16xi32>], vector<16xf32>,
    %mul3A_712 = arith.mulf %gather3A_711, %get3A_131 : vector<16xf32>
    %add3A_713 = arith.addf %add3A_710, %mul3A_712 : vector<16xf32>
    %gather3A_714 = tpu.vector_load_idx %arg10[%add3A_674, %broadcast_in_dim3A_170] : memref<64x16xf32, #tpu.memory_space<vmem>>[vector<16xi32>, vector<16xi32>], vector<16xf32>,
    %mul3A_715 = arith.mulf %gather3A_714, %get3A_135 : vector<16xf32>
    %add3A_716 = arith.addf %add3A_713, %mul3A_715 : vector<16xf32>
    %gather3A_717 = tpu.vector_load_idx %arg10[%add3A_674, %broadcast_in_dim3A_172] : memref<64x16xf32, #tpu.memory_space<vmem>>[vector<16xi32>, vector<16xi32>], vector<16xf32>,
    %mul3A_718 = arith.mulf %gather3A_717, %get3A_139 : vector<16xf32>
    %add3A_719 = arith.addf %add3A_716, %mul3A_718 : vector<16xf32>
    %gather3A_720 = tpu.vector_load_idx %arg10[%add3A_674, %broadcast_in_dim3A_174] : memref<64x16xf32, #tpu.memory_space<vmem>>[vector<16xi32>, vector<16xi32>], vector<16xf32>,
    %mul3A_721 = arith.mulf %gather3A_720, %get3A_143 : vector<16xf32>
    %add3A_722 = arith.addf %add3A_719, %mul3A_721 : vector<16xf32>
    %swap3A_723 = arith.constant 144 : index
    %swap3A_724 = tpu.vector_load %arg16[%swap3A_723] {strides = array<i32>} : memref<512xf32, #tpu.memory_space<vmem>>, vector<16xf32>,
    tpu.vector_store %arg16[%swap3A_723], %add3A_722 {strides = array<i32>} : memref<512xf32, #tpu.memory_space<vmem>>, vector<16xf32>,
    %add3A_725 = arith.constant 32 : i32
    %add3A_726 = vector.broadcast %add3A_725 : i32 to vector<16xi32>
    %add3A_727 = arith.addi %add3A_726, %iota3A : vector<16xi32>
    %gather3A_728 = tpu.vector_load_idx %arg10[%add3A_727, %broadcast_in_dim3A_144] : memref<64x16xf32, #tpu.memory_space<vmem>>[vector<16xi32>, vector<16xi32>], vector<16xf32>,
    %mul3A_729 = arith.mulf %gather3A_728, %get3A_83 : vector<16xf32>
    %add3A_730 = arith.addf %get3A_176, %mul3A_729 : vector<16xf32>
    %gather3A_731 = tpu.vector_load_idx %arg10[%add3A_727, %broadcast_in_dim3A_146] : memref<64x16xf32, #tpu.memory_space<vmem>>[vector<16xi32>, vector<16xi32>], vector<16xf32>,
    %mul3A_732 = arith.mulf %gather3A_731, %get3A_87 : vector<16xf32>
    %add3A_733 = arith.addf %add3A_730, %mul3A_732 : vector<16xf32>
    %gather3A_734 = tpu.vector_load_idx %arg10[%add3A_727, %broadcast_in_dim3A_148] : memref<64x16xf32, #tpu.memory_space<vmem>>[vector<16xi32>, vector<16xi32>], vector<16xf32>,
    %mul3A_735 = arith.mulf %gather3A_734, %get3A_91 : vector<16xf32>
    %add3A_736 = arith.addf %add3A_733, %mul3A_735 : vector<16xf32>
    %gather3A_737 = tpu.vector_load_idx %arg10[%add3A_727, %broadcast_in_dim3A_150] : memref<64x16xf32, #tpu.memory_space<vmem>>[vector<16xi32>, vector<16xi32>], vector<16xf32>,
    %mul3A_738 = arith.mulf %gather3A_737, %get3A_95 : vector<16xf32>
    %add3A_739 = arith.addf %add3A_736, %mul3A_738 : vector<16xf32>
    %gather3A_740 = tpu.vector_load_idx %arg10[%add3A_727, %broadcast_in_dim3A_152] : memref<64x16xf32, #tpu.memory_space<vmem>>[vector<16xi32>, vector<16xi32>], vector<16xf32>,
    %mul3A_741 = arith.mulf %gather3A_740, %get3A_99 : vector<16xf32>
    %add3A_742 = arith.addf %add3A_739, %mul3A_741 : vector<16xf32>
    %gather3A_743 = tpu.vector_load_idx %arg10[%add3A_727, %broadcast_in_dim3A_154] : memref<64x16xf32, #tpu.memory_space<vmem>>[vector<16xi32>, vector<16xi32>], vector<16xf32>,
    %mul3A_744 = arith.mulf %gather3A_743, %get3A_103 : vector<16xf32>
    %add3A_745 = arith.addf %add3A_742, %mul3A_744 : vector<16xf32>
    %gather3A_746 = tpu.vector_load_idx %arg10[%add3A_727, %broadcast_in_dim3A_156] : memref<64x16xf32, #tpu.memory_space<vmem>>[vector<16xi32>, vector<16xi32>], vector<16xf32>,
    %mul3A_747 = arith.mulf %gather3A_746, %get3A_107 : vector<16xf32>
    %add3A_748 = arith.addf %add3A_745, %mul3A_747 : vector<16xf32>
    %gather3A_749 = tpu.vector_load_idx %arg10[%add3A_727, %broadcast_in_dim3A_158] : memref<64x16xf32, #tpu.memory_space<vmem>>[vector<16xi32>, vector<16xi32>], vector<16xf32>,
    %mul3A_750 = arith.mulf %gather3A_749, %get3A_111 : vector<16xf32>
    %add3A_751 = arith.addf %add3A_748, %mul3A_750 : vector<16xf32>
    %gather3A_752 = tpu.vector_load_idx %arg10[%add3A_727, %broadcast_in_dim3A_160] : memref<64x16xf32, #tpu.memory_space<vmem>>[vector<16xi32>, vector<16xi32>], vector<16xf32>,
    %mul3A_753 = arith.mulf %gather3A_752, %get3A_115 : vector<16xf32>
    %add3A_754 = arith.addf %add3A_751, %mul3A_753 : vector<16xf32>
    %gather3A_755 = tpu.vector_load_idx %arg10[%add3A_727, %broadcast_in_dim3A_162] : memref<64x16xf32, #tpu.memory_space<vmem>>[vector<16xi32>, vector<16xi32>], vector<16xf32>,
    %mul3A_756 = arith.mulf %gather3A_755, %get3A_119 : vector<16xf32>
    %add3A_757 = arith.addf %add3A_754, %mul3A_756 : vector<16xf32>
    %gather3A_758 = tpu.vector_load_idx %arg10[%add3A_727, %broadcast_in_dim3A_164] : memref<64x16xf32, #tpu.memory_space<vmem>>[vector<16xi32>, vector<16xi32>], vector<16xf32>,
    %mul3A_759 = arith.mulf %gather3A_758, %get3A_123 : vector<16xf32>
    %add3A_760 = arith.addf %add3A_757, %mul3A_759 : vector<16xf32>
    %gather3A_761 = tpu.vector_load_idx %arg10[%add3A_727, %broadcast_in_dim3A_166] : memref<64x16xf32, #tpu.memory_space<vmem>>[vector<16xi32>, vector<16xi32>], vector<16xf32>,
    %mul3A_762 = arith.mulf %gather3A_761, %get3A_127 : vector<16xf32>
    %add3A_763 = arith.addf %add3A_760, %mul3A_762 : vector<16xf32>
    %gather3A_764 = tpu.vector_load_idx %arg10[%add3A_727, %broadcast_in_dim3A_168] : memref<64x16xf32, #tpu.memory_space<vmem>>[vector<16xi32>, vector<16xi32>], vector<16xf32>,
    %mul3A_765 = arith.mulf %gather3A_764, %get3A_131 : vector<16xf32>
    %add3A_766 = arith.addf %add3A_763, %mul3A_765 : vector<16xf32>
    %gather3A_767 = tpu.vector_load_idx %arg10[%add3A_727, %broadcast_in_dim3A_170] : memref<64x16xf32, #tpu.memory_space<vmem>>[vector<16xi32>, vector<16xi32>], vector<16xf32>,
    %mul3A_768 = arith.mulf %gather3A_767, %get3A_135 : vector<16xf32>
    %add3A_769 = arith.addf %add3A_766, %mul3A_768 : vector<16xf32>
    %gather3A_770 = tpu.vector_load_idx %arg10[%add3A_727, %broadcast_in_dim3A_172] : memref<64x16xf32, #tpu.memory_space<vmem>>[vector<16xi32>, vector<16xi32>], vector<16xf32>,
    %mul3A_771 = arith.mulf %gather3A_770, %get3A_139 : vector<16xf32>
    %add3A_772 = arith.addf %add3A_769, %mul3A_771 : vector<16xf32>
    %gather3A_773 = tpu.vector_load_idx %arg10[%add3A_727, %broadcast_in_dim3A_174] : memref<64x16xf32, #tpu.memory_space<vmem>>[vector<16xi32>, vector<16xi32>], vector<16xf32>,
    %mul3A_774 = arith.mulf %gather3A_773, %get3A_143 : vector<16xf32>
    %add3A_775 = arith.addf %add3A_772, %mul3A_774 : vector<16xf32>
    %swap3A_776 = arith.constant 160 : index
    %swap3A_777 = tpu.vector_load %arg16[%swap3A_776] {strides = array<i32>} : memref<512xf32, #tpu.memory_space<vmem>>, vector<16xf32>,
    tpu.vector_store %arg16[%swap3A_776], %add3A_775 {strides = array<i32>} : memref<512xf32, #tpu.memory_space<vmem>>, vector<16xf32>,
    %add3A_778 = arith.constant 48 : i32
    %add3A_779 = vector.broadcast %add3A_778 : i32 to vector<16xi32>
    %add3A_780 = arith.addi %add3A_779, %iota3A : vector<16xi32>
    %gather3A_781 = tpu.vector_load_idx %arg10[%add3A_780, %broadcast_in_dim3A_144] : memref<64x16xf32, #tpu.memory_space<vmem>>[vector<16xi32>, vector<16xi32>], vector<16xf32>,
    %mul3A_782 = arith.mulf %gather3A_781, %get3A_83 : vector<16xf32>
    %add3A_783 = arith.addf %get3A_176, %mul3A_782 : vector<16xf32>
    %gather3A_784 = tpu.vector_load_idx %arg10[%add3A_780, %broadcast_in_dim3A_146] : memref<64x16xf32, #tpu.memory_space<vmem>>[vector<16xi32>, vector<16xi32>], vector<16xf32>,
    %mul3A_785 = arith.mulf %gather3A_784, %get3A_87 : vector<16xf32>
    %add3A_786 = arith.addf %add3A_783, %mul3A_785 : vector<16xf32>
    %gather3A_787 = tpu.vector_load_idx %arg10[%add3A_780, %broadcast_in_dim3A_148] : memref<64x16xf32, #tpu.memory_space<vmem>>[vector<16xi32>, vector<16xi32>], vector<16xf32>,
    %mul3A_788 = arith.mulf %gather3A_787, %get3A_91 : vector<16xf32>
    %add3A_789 = arith.addf %add3A_786, %mul3A_788 : vector<16xf32>
    %gather3A_790 = tpu.vector_load_idx %arg10[%add3A_780, %broadcast_in_dim3A_150] : memref<64x16xf32, #tpu.memory_space<vmem>>[vector<16xi32>, vector<16xi32>], vector<16xf32>,
    %mul3A_791 = arith.mulf %gather3A_790, %get3A_95 : vector<16xf32>
    %add3A_792 = arith.addf %add3A_789, %mul3A_791 : vector<16xf32>
    %gather3A_793 = tpu.vector_load_idx %arg10[%add3A_780, %broadcast_in_dim3A_152] : memref<64x16xf32, #tpu.memory_space<vmem>>[vector<16xi32>, vector<16xi32>], vector<16xf32>,
    %mul3A_794 = arith.mulf %gather3A_793, %get3A_99 : vector<16xf32>
    %add3A_795 = arith.addf %add3A_792, %mul3A_794 : vector<16xf32>
    %gather3A_796 = tpu.vector_load_idx %arg10[%add3A_780, %broadcast_in_dim3A_154] : memref<64x16xf32, #tpu.memory_space<vmem>>[vector<16xi32>, vector<16xi32>], vector<16xf32>,
    %mul3A_797 = arith.mulf %gather3A_796, %get3A_103 : vector<16xf32>
    %add3A_798 = arith.addf %add3A_795, %mul3A_797 : vector<16xf32>
    %gather3A_799 = tpu.vector_load_idx %arg10[%add3A_780, %broadcast_in_dim3A_156] : memref<64x16xf32, #tpu.memory_space<vmem>>[vector<16xi32>, vector<16xi32>], vector<16xf32>,
    %mul3A_800 = arith.mulf %gather3A_799, %get3A_107 : vector<16xf32>
    %add3A_801 = arith.addf %add3A_798, %mul3A_800 : vector<16xf32>
    %gather3A_802 = tpu.vector_load_idx %arg10[%add3A_780, %broadcast_in_dim3A_158] : memref<64x16xf32, #tpu.memory_space<vmem>>[vector<16xi32>, vector<16xi32>], vector<16xf32>,
    %mul3A_803 = arith.mulf %gather3A_802, %get3A_111 : vector<16xf32>
    %add3A_804 = arith.addf %add3A_801, %mul3A_803 : vector<16xf32>
    %gather3A_805 = tpu.vector_load_idx %arg10[%add3A_780, %broadcast_in_dim3A_160] : memref<64x16xf32, #tpu.memory_space<vmem>>[vector<16xi32>, vector<16xi32>], vector<16xf32>,
    %mul3A_806 = arith.mulf %gather3A_805, %get3A_115 : vector<16xf32>
    %add3A_807 = arith.addf %add3A_804, %mul3A_806 : vector<16xf32>
    %gather3A_808 = tpu.vector_load_idx %arg10[%add3A_780, %broadcast_in_dim3A_162] : memref<64x16xf32, #tpu.memory_space<vmem>>[vector<16xi32>, vector<16xi32>], vector<16xf32>,
    %mul3A_809 = arith.mulf %gather3A_808, %get3A_119 : vector<16xf32>
    %add3A_810 = arith.addf %add3A_807, %mul3A_809 : vector<16xf32>
    %gather3A_811 = tpu.vector_load_idx %arg10[%add3A_780, %broadcast_in_dim3A_164] : memref<64x16xf32, #tpu.memory_space<vmem>>[vector<16xi32>, vector<16xi32>], vector<16xf32>,
    %mul3A_812 = arith.mulf %gather3A_811, %get3A_123 : vector<16xf32>
    %add3A_813 = arith.addf %add3A_810, %mul3A_812 : vector<16xf32>
    %gather3A_814 = tpu.vector_load_idx %arg10[%add3A_780, %broadcast_in_dim3A_166] : memref<64x16xf32, #tpu.memory_space<vmem>>[vector<16xi32>, vector<16xi32>], vector<16xf32>,
    %mul3A_815 = arith.mulf %gather3A_814, %get3A_127 : vector<16xf32>
    %add3A_816 = arith.addf %add3A_813, %mul3A_815 : vector<16xf32>
    %gather3A_817 = tpu.vector_load_idx %arg10[%add3A_780, %broadcast_in_dim3A_168] : memref<64x16xf32, #tpu.memory_space<vmem>>[vector<16xi32>, vector<16xi32>], vector<16xf32>,
    %mul3A_818 = arith.mulf %gather3A_817, %get3A_131 : vector<16xf32>
    %add3A_819 = arith.addf %add3A_816, %mul3A_818 : vector<16xf32>
    %gather3A_820 = tpu.vector_load_idx %arg10[%add3A_780, %broadcast_in_dim3A_170] : memref<64x16xf32, #tpu.memory_space<vmem>>[vector<16xi32>, vector<16xi32>], vector<16xf32>,
    %mul3A_821 = arith.mulf %gather3A_820, %get3A_135 : vector<16xf32>
    %add3A_822 = arith.addf %add3A_819, %mul3A_821 : vector<16xf32>
    %gather3A_823 = tpu.vector_load_idx %arg10[%add3A_780, %broadcast_in_dim3A_172] : memref<64x16xf32, #tpu.memory_space<vmem>>[vector<16xi32>, vector<16xi32>], vector<16xf32>,
    %mul3A_824 = arith.mulf %gather3A_823, %get3A_139 : vector<16xf32>
    %add3A_825 = arith.addf %add3A_822, %mul3A_824 : vector<16xf32>
    %gather3A_826 = tpu.vector_load_idx %arg10[%add3A_780, %broadcast_in_dim3A_174] : memref<64x16xf32, #tpu.memory_space<vmem>>[vector<16xi32>, vector<16xi32>], vector<16xf32>,
    %mul3A_827 = arith.mulf %gather3A_826, %get3A_143 : vector<16xf32>
    %add3A_828 = arith.addf %add3A_825, %mul3A_827 : vector<16xf32>
    %swap3A_829 = arith.constant 176 : index
    %swap3A_830 = tpu.vector_load %arg16[%swap3A_829] {strides = array<i32>} : memref<512xf32, #tpu.memory_space<vmem>>, vector<16xf32>,
    tpu.vector_store %arg16[%swap3A_829], %add3A_828 {strides = array<i32>} : memref<512xf32, #tpu.memory_space<vmem>>, vector<16xf32>,
    %dma_wait3A_831 = arith.constant 3 : i32
    %dma_wait3A_832 = arith.constant 0 : i32
    %dma_wait3A_833 = tpu.memref_slice %arg7[%dma_wait3A_831, %dma_wait3A_832] : memref<8x64xi32, #tpu.memory_space<vmem>> -> memref<1x64xi32, #tpu.memory_space<vmem>>
    %dma_wait3A_834 = tpu.memref_squeeze %dma_wait3A_833 : memref<1x64xi32, #tpu.memory_space<vmem>> -> memref<64xi32, #tpu.memory_space<vmem>>
    %dma_wait3A_835 = arith.constant 0 : i32
    %dma_wait3A_836 = arith.constant 0 : i32
    %dma_wait3A_837 = tpu.memref_slice %arg3[%dma_wait3A_835, %dma_wait3A_836] : memref<1000000x16xf32, #tpu.memory_space<hbm>> -> memref<1000000x16xf32, #tpu.memory_space<hbm>>
    tpu.wait_indirect_dma semaphore(%arg19 : memref<!tpu.dma_semaphore, #tpu.memory_space<semaphore_mem>>) src(%dma_wait3A_837 : memref<1000000x16xf32, #tpu.memory_space<hbm>>) dst(%arg11 : memref<64x16xf32, #tpu.memory_space<vmem>>)
    %add3A_838 = arith.constant 0 : i32
    %add3A_839 = vector.broadcast %add3A_838 : i32 to vector<16xi32>
    %add3A_840 = arith.addi %add3A_839, %iota3A : vector<16xi32>
    %gather3A_841 = tpu.vector_load_idx %arg11[%add3A_840, %broadcast_in_dim3A_144] : memref<64x16xf32, #tpu.memory_space<vmem>>[vector<16xi32>, vector<16xi32>], vector<16xf32>,
    %mul3A_842 = arith.mulf %gather3A_841, %get3A_83 : vector<16xf32>
    %add3A_843 = arith.addf %get3A_176, %mul3A_842 : vector<16xf32>
    %gather3A_844 = tpu.vector_load_idx %arg11[%add3A_840, %broadcast_in_dim3A_146] : memref<64x16xf32, #tpu.memory_space<vmem>>[vector<16xi32>, vector<16xi32>], vector<16xf32>,
    %mul3A_845 = arith.mulf %gather3A_844, %get3A_87 : vector<16xf32>
    %add3A_846 = arith.addf %add3A_843, %mul3A_845 : vector<16xf32>
    %gather3A_847 = tpu.vector_load_idx %arg11[%add3A_840, %broadcast_in_dim3A_148] : memref<64x16xf32, #tpu.memory_space<vmem>>[vector<16xi32>, vector<16xi32>], vector<16xf32>,
    %mul3A_848 = arith.mulf %gather3A_847, %get3A_91 : vector<16xf32>
    %add3A_849 = arith.addf %add3A_846, %mul3A_848 : vector<16xf32>
    %gather3A_850 = tpu.vector_load_idx %arg11[%add3A_840, %broadcast_in_dim3A_150] : memref<64x16xf32, #tpu.memory_space<vmem>>[vector<16xi32>, vector<16xi32>], vector<16xf32>,
    %mul3A_851 = arith.mulf %gather3A_850, %get3A_95 : vector<16xf32>
    %add3A_852 = arith.addf %add3A_849, %mul3A_851 : vector<16xf32>
    %gather3A_853 = tpu.vector_load_idx %arg11[%add3A_840, %broadcast_in_dim3A_152] : memref<64x16xf32, #tpu.memory_space<vmem>>[vector<16xi32>, vector<16xi32>], vector<16xf32>,
    %mul3A_854 = arith.mulf %gather3A_853, %get3A_99 : vector<16xf32>
    %add3A_855 = arith.addf %add3A_852, %mul3A_854 : vector<16xf32>
    %gather3A_856 = tpu.vector_load_idx %arg11[%add3A_840, %broadcast_in_dim3A_154] : memref<64x16xf32, #tpu.memory_space<vmem>>[vector<16xi32>, vector<16xi32>], vector<16xf32>,
    %mul3A_857 = arith.mulf %gather3A_856, %get3A_103 : vector<16xf32>
    %add3A_858 = arith.addf %add3A_855, %mul3A_857 : vector<16xf32>
    %gather3A_859 = tpu.vector_load_idx %arg11[%add3A_840, %broadcast_in_dim3A_156] : memref<64x16xf32, #tpu.memory_space<vmem>>[vector<16xi32>, vector<16xi32>], vector<16xf32>,
    %mul3A_860 = arith.mulf %gather3A_859, %get3A_107 : vector<16xf32>
    %add3A_861 = arith.addf %add3A_858, %mul3A_860 : vector<16xf32>
    %gather3A_862 = tpu.vector_load_idx %arg11[%add3A_840, %broadcast_in_dim3A_158] : memref<64x16xf32, #tpu.memory_space<vmem>>[vector<16xi32>, vector<16xi32>], vector<16xf32>,
    %mul3A_863 = arith.mulf %gather3A_862, %get3A_111 : vector<16xf32>
    %add3A_864 = arith.addf %add3A_861, %mul3A_863 : vector<16xf32>
    %gather3A_865 = tpu.vector_load_idx %arg11[%add3A_840, %broadcast_in_dim3A_160] : memref<64x16xf32, #tpu.memory_space<vmem>>[vector<16xi32>, vector<16xi32>], vector<16xf32>,
    %mul3A_866 = arith.mulf %gather3A_865, %get3A_115 : vector<16xf32>
    %add3A_867 = arith.addf %add3A_864, %mul3A_866 : vector<16xf32>
    %gather3A_868 = tpu.vector_load_idx %arg11[%add3A_840, %broadcast_in_dim3A_162] : memref<64x16xf32, #tpu.memory_space<vmem>>[vector<16xi32>, vector<16xi32>], vector<16xf32>,
    %mul3A_869 = arith.mulf %gather3A_868, %get3A_119 : vector<16xf32>
    %add3A_870 = arith.addf %add3A_867, %mul3A_869 : vector<16xf32>
    %gather3A_871 = tpu.vector_load_idx %arg11[%add3A_840, %broadcast_in_dim3A_164] : memref<64x16xf32, #tpu.memory_space<vmem>>[vector<16xi32>, vector<16xi32>], vector<16xf32>,
    %mul3A_872 = arith.mulf %gather3A_871, %get3A_123 : vector<16xf32>
    %add3A_873 = arith.addf %add3A_870, %mul3A_872 : vector<16xf32>
    %gather3A_874 = tpu.vector_load_idx %arg11[%add3A_840, %broadcast_in_dim3A_166] : memref<64x16xf32, #tpu.memory_space<vmem>>[vector<16xi32>, vector<16xi32>], vector<16xf32>,
    %mul3A_875 = arith.mulf %gather3A_874, %get3A_127 : vector<16xf32>
    %add3A_876 = arith.addf %add3A_873, %mul3A_875 : vector<16xf32>
    %gather3A_877 = tpu.vector_load_idx %arg11[%add3A_840, %broadcast_in_dim3A_168] : memref<64x16xf32, #tpu.memory_space<vmem>>[vector<16xi32>, vector<16xi32>], vector<16xf32>,
    %mul3A_878 = arith.mulf %gather3A_877, %get3A_131 : vector<16xf32>
    %add3A_879 = arith.addf %add3A_876, %mul3A_878 : vector<16xf32>
    %gather3A_880 = tpu.vector_load_idx %arg11[%add3A_840, %broadcast_in_dim3A_170] : memref<64x16xf32, #tpu.memory_space<vmem>>[vector<16xi32>, vector<16xi32>], vector<16xf32>,
    %mul3A_881 = arith.mulf %gather3A_880, %get3A_135 : vector<16xf32>
    %add3A_882 = arith.addf %add3A_879, %mul3A_881 : vector<16xf32>
    %gather3A_883 = tpu.vector_load_idx %arg11[%add3A_840, %broadcast_in_dim3A_172] : memref<64x16xf32, #tpu.memory_space<vmem>>[vector<16xi32>, vector<16xi32>], vector<16xf32>,
    %mul3A_884 = arith.mulf %gather3A_883, %get3A_139 : vector<16xf32>
    %add3A_885 = arith.addf %add3A_882, %mul3A_884 : vector<16xf32>
    %gather3A_886 = tpu.vector_load_idx %arg11[%add3A_840, %broadcast_in_dim3A_174] : memref<64x16xf32, #tpu.memory_space<vmem>>[vector<16xi32>, vector<16xi32>], vector<16xf32>,
    %mul3A_887 = arith.mulf %gather3A_886, %get3A_143 : vector<16xf32>
    %add3A_888 = arith.addf %add3A_885, %mul3A_887 : vector<16xf32>
    %swap3A_889 = arith.constant 192 : index
    %swap3A_890 = tpu.vector_load %arg16[%swap3A_889] {strides = array<i32>} : memref<512xf32, #tpu.memory_space<vmem>>, vector<16xf32>,
    tpu.vector_store %arg16[%swap3A_889], %add3A_888 {strides = array<i32>} : memref<512xf32, #tpu.memory_space<vmem>>, vector<16xf32>,
    %add3A_891 = arith.constant 16 : i32
    %add3A_892 = vector.broadcast %add3A_891 : i32 to vector<16xi32>
    %add3A_893 = arith.addi %add3A_892, %iota3A : vector<16xi32>
    %gather3A_894 = tpu.vector_load_idx %arg11[%add3A_893, %broadcast_in_dim3A_144] : memref<64x16xf32, #tpu.memory_space<vmem>>[vector<16xi32>, vector<16xi32>], vector<16xf32>,
    %mul3A_895 = arith.mulf %gather3A_894, %get3A_83 : vector<16xf32>
    %add3A_896 = arith.addf %get3A_176, %mul3A_895 : vector<16xf32>
    %gather3A_897 = tpu.vector_load_idx %arg11[%add3A_893, %broadcast_in_dim3A_146] : memref<64x16xf32, #tpu.memory_space<vmem>>[vector<16xi32>, vector<16xi32>], vector<16xf32>,
    %mul3A_898 = arith.mulf %gather3A_897, %get3A_87 : vector<16xf32>
    %add3A_899 = arith.addf %add3A_896, %mul3A_898 : vector<16xf32>
    %gather3A_900 = tpu.vector_load_idx %arg11[%add3A_893, %broadcast_in_dim3A_148] : memref<64x16xf32, #tpu.memory_space<vmem>>[vector<16xi32>, vector<16xi32>], vector<16xf32>,
    %mul3A_901 = arith.mulf %gather3A_900, %get3A_91 : vector<16xf32>
    %add3A_902 = arith.addf %add3A_899, %mul3A_901 : vector<16xf32>
    %gather3A_903 = tpu.vector_load_idx %arg11[%add3A_893, %broadcast_in_dim3A_150] : memref<64x16xf32, #tpu.memory_space<vmem>>[vector<16xi32>, vector<16xi32>], vector<16xf32>,
    %mul3A_904 = arith.mulf %gather3A_903, %get3A_95 : vector<16xf32>
    %add3A_905 = arith.addf %add3A_902, %mul3A_904 : vector<16xf32>
    %gather3A_906 = tpu.vector_load_idx %arg11[%add3A_893, %broadcast_in_dim3A_152] : memref<64x16xf32, #tpu.memory_space<vmem>>[vector<16xi32>, vector<16xi32>], vector<16xf32>,
    %mul3A_907 = arith.mulf %gather3A_906, %get3A_99 : vector<16xf32>
    %add3A_908 = arith.addf %add3A_905, %mul3A_907 : vector<16xf32>
    %gather3A_909 = tpu.vector_load_idx %arg11[%add3A_893, %broadcast_in_dim3A_154] : memref<64x16xf32, #tpu.memory_space<vmem>>[vector<16xi32>, vector<16xi32>], vector<16xf32>,
    %mul3A_910 = arith.mulf %gather3A_909, %get3A_103 : vector<16xf32>
    %add3A_911 = arith.addf %add3A_908, %mul3A_910 : vector<16xf32>
    %gather3A_912 = tpu.vector_load_idx %arg11[%add3A_893, %broadcast_in_dim3A_156] : memref<64x16xf32, #tpu.memory_space<vmem>>[vector<16xi32>, vector<16xi32>], vector<16xf32>,
    %mul3A_913 = arith.mulf %gather3A_912, %get3A_107 : vector<16xf32>
    %add3A_914 = arith.addf %add3A_911, %mul3A_913 : vector<16xf32>
    %gather3A_915 = tpu.vector_load_idx %arg11[%add3A_893, %broadcast_in_dim3A_158] : memref<64x16xf32, #tpu.memory_space<vmem>>[vector<16xi32>, vector<16xi32>], vector<16xf32>,
    %mul3A_916 = arith.mulf %gather3A_915, %get3A_111 : vector<16xf32>
    %add3A_917 = arith.addf %add3A_914, %mul3A_916 : vector<16xf32>
    %gather3A_918 = tpu.vector_load_idx %arg11[%add3A_893, %broadcast_in_dim3A_160] : memref<64x16xf32, #tpu.memory_space<vmem>>[vector<16xi32>, vector<16xi32>], vector<16xf32>,
    %mul3A_919 = arith.mulf %gather3A_918, %get3A_115 : vector<16xf32>
    %add3A_920 = arith.addf %add3A_917, %mul3A_919 : vector<16xf32>
    %gather3A_921 = tpu.vector_load_idx %arg11[%add3A_893, %broadcast_in_dim3A_162] : memref<64x16xf32, #tpu.memory_space<vmem>>[vector<16xi32>, vector<16xi32>], vector<16xf32>,
    %mul3A_922 = arith.mulf %gather3A_921, %get3A_119 : vector<16xf32>
    %add3A_923 = arith.addf %add3A_920, %mul3A_922 : vector<16xf32>
    %gather3A_924 = tpu.vector_load_idx %arg11[%add3A_893, %broadcast_in_dim3A_164] : memref<64x16xf32, #tpu.memory_space<vmem>>[vector<16xi32>, vector<16xi32>], vector<16xf32>,
    %mul3A_925 = arith.mulf %gather3A_924, %get3A_123 : vector<16xf32>
    %add3A_926 = arith.addf %add3A_923, %mul3A_925 : vector<16xf32>
    %gather3A_927 = tpu.vector_load_idx %arg11[%add3A_893, %broadcast_in_dim3A_166] : memref<64x16xf32, #tpu.memory_space<vmem>>[vector<16xi32>, vector<16xi32>], vector<16xf32>,
    %mul3A_928 = arith.mulf %gather3A_927, %get3A_127 : vector<16xf32>
    %add3A_929 = arith.addf %add3A_926, %mul3A_928 : vector<16xf32>
    %gather3A_930 = tpu.vector_load_idx %arg11[%add3A_893, %broadcast_in_dim3A_168] : memref<64x16xf32, #tpu.memory_space<vmem>>[vector<16xi32>, vector<16xi32>], vector<16xf32>,
    %mul3A_931 = arith.mulf %gather3A_930, %get3A_131 : vector<16xf32>
    %add3A_932 = arith.addf %add3A_929, %mul3A_931 : vector<16xf32>
    %gather3A_933 = tpu.vector_load_idx %arg11[%add3A_893, %broadcast_in_dim3A_170] : memref<64x16xf32, #tpu.memory_space<vmem>>[vector<16xi32>, vector<16xi32>], vector<16xf32>,
    %mul3A_934 = arith.mulf %gather3A_933, %get3A_135 : vector<16xf32>
    %add3A_935 = arith.addf %add3A_932, %mul3A_934 : vector<16xf32>
    %gather3A_936 = tpu.vector_load_idx %arg11[%add3A_893, %broadcast_in_dim3A_172] : memref<64x16xf32, #tpu.memory_space<vmem>>[vector<16xi32>, vector<16xi32>], vector<16xf32>,
    %mul3A_937 = arith.mulf %gather3A_936, %get3A_139 : vector<16xf32>
    %add3A_938 = arith.addf %add3A_935, %mul3A_937 : vector<16xf32>
    %gather3A_939 = tpu.vector_load_idx %arg11[%add3A_893, %broadcast_in_dim3A_174] : memref<64x16xf32, #tpu.memory_space<vmem>>[vector<16xi32>, vector<16xi32>], vector<16xf32>,
    %mul3A_940 = arith.mulf %gather3A_939, %get3A_143 : vector<16xf32>
    %add3A_941 = arith.addf %add3A_938, %mul3A_940 : vector<16xf32>
    %swap3A_942 = arith.constant 208 : index
    %swap3A_943 = tpu.vector_load %arg16[%swap3A_942] {strides = array<i32>} : memref<512xf32, #tpu.memory_space<vmem>>, vector<16xf32>,
    tpu.vector_store %arg16[%swap3A_942], %add3A_941 {strides = array<i32>} : memref<512xf32, #tpu.memory_space<vmem>>, vector<16xf32>,
    %add3A_944 = arith.constant 32 : i32
    %add3A_945 = vector.broadcast %add3A_944 : i32 to vector<16xi32>
    %add3A_946 = arith.addi %add3A_945, %iota3A : vector<16xi32>
    %gather3A_947 = tpu.vector_load_idx %arg11[%add3A_946, %broadcast_in_dim3A_144] : memref<64x16xf32, #tpu.memory_space<vmem>>[vector<16xi32>, vector<16xi32>], vector<16xf32>,
    %mul3A_948 = arith.mulf %gather3A_947, %get3A_83 : vector<16xf32>
    %add3A_949 = arith.addf %get3A_176, %mul3A_948 : vector<16xf32>
    %gather3A_950 = tpu.vector_load_idx %arg11[%add3A_946, %broadcast_in_dim3A_146] : memref<64x16xf32, #tpu.memory_space<vmem>>[vector<16xi32>, vector<16xi32>], vector<16xf32>,
    %mul3A_951 = arith.mulf %gather3A_950, %get3A_87 : vector<16xf32>
    %add3A_952 = arith.addf %add3A_949, %mul3A_951 : vector<16xf32>
    %gather3A_953 = tpu.vector_load_idx %arg11[%add3A_946, %broadcast_in_dim3A_148] : memref<64x16xf32, #tpu.memory_space<vmem>>[vector<16xi32>, vector<16xi32>], vector<16xf32>,
    %mul3A_954 = arith.mulf %gather3A_953, %get3A_91 : vector<16xf32>
    %add3A_955 = arith.addf %add3A_952, %mul3A_954 : vector<16xf32>
    %gather3A_956 = tpu.vector_load_idx %arg11[%add3A_946, %broadcast_in_dim3A_150] : memref<64x16xf32, #tpu.memory_space<vmem>>[vector<16xi32>, vector<16xi32>], vector<16xf32>,
    %mul3A_957 = arith.mulf %gather3A_956, %get3A_95 : vector<16xf32>
    %add3A_958 = arith.addf %add3A_955, %mul3A_957 : vector<16xf32>
    %gather3A_959 = tpu.vector_load_idx %arg11[%add3A_946, %broadcast_in_dim3A_152] : memref<64x16xf32, #tpu.memory_space<vmem>>[vector<16xi32>, vector<16xi32>], vector<16xf32>,
    %mul3A_960 = arith.mulf %gather3A_959, %get3A_99 : vector<16xf32>
    %add3A_961 = arith.addf %add3A_958, %mul3A_960 : vector<16xf32>
    %gather3A_962 = tpu.vector_load_idx %arg11[%add3A_946, %broadcast_in_dim3A_154] : memref<64x16xf32, #tpu.memory_space<vmem>>[vector<16xi32>, vector<16xi32>], vector<16xf32>,
    %mul3A_963 = arith.mulf %gather3A_962, %get3A_103 : vector<16xf32>
    %add3A_964 = arith.addf %add3A_961, %mul3A_963 : vector<16xf32>
    %gather3A_965 = tpu.vector_load_idx %arg11[%add3A_946, %broadcast_in_dim3A_156] : memref<64x16xf32, #tpu.memory_space<vmem>>[vector<16xi32>, vector<16xi32>], vector<16xf32>,
    %mul3A_966 = arith.mulf %gather3A_965, %get3A_107 : vector<16xf32>
    %add3A_967 = arith.addf %add3A_964, %mul3A_966 : vector<16xf32>
    %gather3A_968 = tpu.vector_load_idx %arg11[%add3A_946, %broadcast_in_dim3A_158] : memref<64x16xf32, #tpu.memory_space<vmem>>[vector<16xi32>, vector<16xi32>], vector<16xf32>,
    %mul3A_969 = arith.mulf %gather3A_968, %get3A_111 : vector<16xf32>
    %add3A_970 = arith.addf %add3A_967, %mul3A_969 : vector<16xf32>
    %gather3A_971 = tpu.vector_load_idx %arg11[%add3A_946, %broadcast_in_dim3A_160] : memref<64x16xf32, #tpu.memory_space<vmem>>[vector<16xi32>, vector<16xi32>], vector<16xf32>,
    %mul3A_972 = arith.mulf %gather3A_971, %get3A_115 : vector<16xf32>
    %add3A_973 = arith.addf %add3A_970, %mul3A_972 : vector<16xf32>
    %gather3A_974 = tpu.vector_load_idx %arg11[%add3A_946, %broadcast_in_dim3A_162] : memref<64x16xf32, #tpu.memory_space<vmem>>[vector<16xi32>, vector<16xi32>], vector<16xf32>,
    %mul3A_975 = arith.mulf %gather3A_974, %get3A_119 : vector<16xf32>
    %add3A_976 = arith.addf %add3A_973, %mul3A_975 : vector<16xf32>
    %gather3A_977 = tpu.vector_load_idx %arg11[%add3A_946, %broadcast_in_dim3A_164] : memref<64x16xf32, #tpu.memory_space<vmem>>[vector<16xi32>, vector<16xi32>], vector<16xf32>,
    %mul3A_978 = arith.mulf %gather3A_977, %get3A_123 : vector<16xf32>
    %add3A_979 = arith.addf %add3A_976, %mul3A_978 : vector<16xf32>
    %gather3A_980 = tpu.vector_load_idx %arg11[%add3A_946, %broadcast_in_dim3A_166] : memref<64x16xf32, #tpu.memory_space<vmem>>[vector<16xi32>, vector<16xi32>], vector<16xf32>,
    %mul3A_981 = arith.mulf %gather3A_980, %get3A_127 : vector<16xf32>
    %add3A_982 = arith.addf %add3A_979, %mul3A_981 : vector<16xf32>
    %gather3A_983 = tpu.vector_load_idx %arg11[%add3A_946, %broadcast_in_dim3A_168] : memref<64x16xf32, #tpu.memory_space<vmem>>[vector<16xi32>, vector<16xi32>], vector<16xf32>,
    %mul3A_984 = arith.mulf %gather3A_983, %get3A_131 : vector<16xf32>
    %add3A_985 = arith.addf %add3A_982, %mul3A_984 : vector<16xf32>
    %gather3A_986 = tpu.vector_load_idx %arg11[%add3A_946, %broadcast_in_dim3A_170] : memref<64x16xf32, #tpu.memory_space<vmem>>[vector<16xi32>, vector<16xi32>], vector<16xf32>,
    %mul3A_987 = arith.mulf %gather3A_986, %get3A_135 : vector<16xf32>
    %add3A_988 = arith.addf %add3A_985, %mul3A_987 : vector<16xf32>
    %gather3A_989 = tpu.vector_load_idx %arg11[%add3A_946, %broadcast_in_dim3A_172] : memref<64x16xf32, #tpu.memory_space<vmem>>[vector<16xi32>, vector<16xi32>], vector<16xf32>,
    %mul3A_990 = arith.mulf %gather3A_989, %get3A_139 : vector<16xf32>
    %add3A_991 = arith.addf %add3A_988, %mul3A_990 : vector<16xf32>
    %gather3A_992 = tpu.vector_load_idx %arg11[%add3A_946, %broadcast_in_dim3A_174] : memref<64x16xf32, #tpu.memory_space<vmem>>[vector<16xi32>, vector<16xi32>], vector<16xf32>,
    %mul3A_993 = arith.mulf %gather3A_992, %get3A_143 : vector<16xf32>
    %add3A_994 = arith.addf %add3A_991, %mul3A_993 : vector<16xf32>
    %swap3A_995 = arith.constant 224 : index
    %swap3A_996 = tpu.vector_load %arg16[%swap3A_995] {strides = array<i32>} : memref<512xf32, #tpu.memory_space<vmem>>, vector<16xf32>,
    tpu.vector_store %arg16[%swap3A_995], %add3A_994 {strides = array<i32>} : memref<512xf32, #tpu.memory_space<vmem>>, vector<16xf32>,
    %add3A_997 = arith.constant 48 : i32
    %add3A_998 = vector.broadcast %add3A_997 : i32 to vector<16xi32>
    %add3A_999 = arith.addi %add3A_998, %iota3A : vector<16xi32>
    %gather3A_1000 = tpu.vector_load_idx %arg11[%add3A_999, %broadcast_in_dim3A_144] : memref<64x16xf32, #tpu.memory_space<vmem>>[vector<16xi32>, vector<16xi32>], vector<16xf32>,
    %mul3A_1001 = arith.mulf %gather3A_1000, %get3A_83 : vector<16xf32>
    %add3A_1002 = arith.addf %get3A_176, %mul3A_1001 : vector<16xf32>
    %gather3A_1003 = tpu.vector_load_idx %arg11[%add3A_999, %broadcast_in_dim3A_146] : memref<64x16xf32, #tpu.memory_space<vmem>>[vector<16xi32>, vector<16xi32>], vector<16xf32>,
    %mul3A_1004 = arith.mulf %gather3A_1003, %get3A_87 : vector<16xf32>
    %add3A_1005 = arith.addf %add3A_1002, %mul3A_1004 : vector<16xf32>
    %gather3A_1006 = tpu.vector_load_idx %arg11[%add3A_999, %broadcast_in_dim3A_148] : memref<64x16xf32, #tpu.memory_space<vmem>>[vector<16xi32>, vector<16xi32>], vector<16xf32>,
    %mul3A_1007 = arith.mulf %gather3A_1006, %get3A_91 : vector<16xf32>
    %add3A_1008 = arith.addf %add3A_1005, %mul3A_1007 : vector<16xf32>
    %gather3A_1009 = tpu.vector_load_idx %arg11[%add3A_999, %broadcast_in_dim3A_150] : memref<64x16xf32, #tpu.memory_space<vmem>>[vector<16xi32>, vector<16xi32>], vector<16xf32>,
    %mul3A_1010 = arith.mulf %gather3A_1009, %get3A_95 : vector<16xf32>
    %add3A_1011 = arith.addf %add3A_1008, %mul3A_1010 : vector<16xf32>
    %gather3A_1012 = tpu.vector_load_idx %arg11[%add3A_999, %broadcast_in_dim3A_152] : memref<64x16xf32, #tpu.memory_space<vmem>>[vector<16xi32>, vector<16xi32>], vector<16xf32>,
    %mul3A_1013 = arith.mulf %gather3A_1012, %get3A_99 : vector<16xf32>
    %add3A_1014 = arith.addf %add3A_1011, %mul3A_1013 : vector<16xf32>
    %gather3A_1015 = tpu.vector_load_idx %arg11[%add3A_999, %broadcast_in_dim3A_154] : memref<64x16xf32, #tpu.memory_space<vmem>>[vector<16xi32>, vector<16xi32>], vector<16xf32>,
    %mul3A_1016 = arith.mulf %gather3A_1015, %get3A_103 : vector<16xf32>
    %add3A_1017 = arith.addf %add3A_1014, %mul3A_1016 : vector<16xf32>
    %gather3A_1018 = tpu.vector_load_idx %arg11[%add3A_999, %broadcast_in_dim3A_156] : memref<64x16xf32, #tpu.memory_space<vmem>>[vector<16xi32>, vector<16xi32>], vector<16xf32>,
    %mul3A_1019 = arith.mulf %gather3A_1018, %get3A_107 : vector<16xf32>
    %add3A_1020 = arith.addf %add3A_1017, %mul3A_1019 : vector<16xf32>
    %gather3A_1021 = tpu.vector_load_idx %arg11[%add3A_999, %broadcast_in_dim3A_158] : memref<64x16xf32, #tpu.memory_space<vmem>>[vector<16xi32>, vector<16xi32>], vector<16xf32>,
    %mul3A_1022 = arith.mulf %gather3A_1021, %get3A_111 : vector<16xf32>
    %add3A_1023 = arith.addf %add3A_1020, %mul3A_1022 : vector<16xf32>
    %gather3A_1024 = tpu.vector_load_idx %arg11[%add3A_999, %broadcast_in_dim3A_160] : memref<64x16xf32, #tpu.memory_space<vmem>>[vector<16xi32>, vector<16xi32>], vector<16xf32>,
    %mul3A_1025 = arith.mulf %gather3A_1024, %get3A_115 : vector<16xf32>
    %add3A_1026 = arith.addf %add3A_1023, %mul3A_1025 : vector<16xf32>
    %gather3A_1027 = tpu.vector_load_idx %arg11[%add3A_999, %broadcast_in_dim3A_162] : memref<64x16xf32, #tpu.memory_space<vmem>>[vector<16xi32>, vector<16xi32>], vector<16xf32>,
    %mul3A_1028 = arith.mulf %gather3A_1027, %get3A_119 : vector<16xf32>
    %add3A_1029 = arith.addf %add3A_1026, %mul3A_1028 : vector<16xf32>
    %gather3A_1030 = tpu.vector_load_idx %arg11[%add3A_999, %broadcast_in_dim3A_164] : memref<64x16xf32, #tpu.memory_space<vmem>>[vector<16xi32>, vector<16xi32>], vector<16xf32>,
    %mul3A_1031 = arith.mulf %gather3A_1030, %get3A_123 : vector<16xf32>
    %add3A_1032 = arith.addf %add3A_1029, %mul3A_1031 : vector<16xf32>
    %gather3A_1033 = tpu.vector_load_idx %arg11[%add3A_999, %broadcast_in_dim3A_166] : memref<64x16xf32, #tpu.memory_space<vmem>>[vector<16xi32>, vector<16xi32>], vector<16xf32>,
    %mul3A_1034 = arith.mulf %gather3A_1033, %get3A_127 : vector<16xf32>
    %add3A_1035 = arith.addf %add3A_1032, %mul3A_1034 : vector<16xf32>
    %gather3A_1036 = tpu.vector_load_idx %arg11[%add3A_999, %broadcast_in_dim3A_168] : memref<64x16xf32, #tpu.memory_space<vmem>>[vector<16xi32>, vector<16xi32>], vector<16xf32>,
    %mul3A_1037 = arith.mulf %gather3A_1036, %get3A_131 : vector<16xf32>
    %add3A_1038 = arith.addf %add3A_1035, %mul3A_1037 : vector<16xf32>
    %gather3A_1039 = tpu.vector_load_idx %arg11[%add3A_999, %broadcast_in_dim3A_170] : memref<64x16xf32, #tpu.memory_space<vmem>>[vector<16xi32>, vector<16xi32>], vector<16xf32>,
    %mul3A_1040 = arith.mulf %gather3A_1039, %get3A_135 : vector<16xf32>
    %add3A_1041 = arith.addf %add3A_1038, %mul3A_1040 : vector<16xf32>
    %gather3A_1042 = tpu.vector_load_idx %arg11[%add3A_999, %broadcast_in_dim3A_172] : memref<64x16xf32, #tpu.memory_space<vmem>>[vector<16xi32>, vector<16xi32>], vector<16xf32>,
    %mul3A_1043 = arith.mulf %gather3A_1042, %get3A_139 : vector<16xf32>
    %add3A_1044 = arith.addf %add3A_1041, %mul3A_1043 : vector<16xf32>
    %gather3A_1045 = tpu.vector_load_idx %arg11[%add3A_999, %broadcast_in_dim3A_174] : memref<64x16xf32, #tpu.memory_space<vmem>>[vector<16xi32>, vector<16xi32>], vector<16xf32>,
    %mul3A_1046 = arith.mulf %gather3A_1045, %get3A_143 : vector<16xf32>
    %add3A_1047 = arith.addf %add3A_1044, %mul3A_1046 : vector<16xf32>
    %swap3A_1048 = arith.constant 240 : index
    %swap3A_1049 = tpu.vector_load %arg16[%swap3A_1048] {strides = array<i32>} : memref<512xf32, #tpu.memory_space<vmem>>, vector<16xf32>,
    tpu.vector_store %arg16[%swap3A_1048], %add3A_1047 {strides = array<i32>} : memref<512xf32, #tpu.memory_space<vmem>>, vector<16xf32>,
    %dma_wait3A_1050 = arith.constant 4 : i32
    %dma_wait3A_1051 = arith.constant 0 : i32
    %dma_wait3A_1052 = tpu.memref_slice %arg7[%dma_wait3A_1050, %dma_wait3A_1051] : memref<8x64xi32, #tpu.memory_space<vmem>> -> memref<1x64xi32, #tpu.memory_space<vmem>>
    %dma_wait3A_1053 = tpu.memref_squeeze %dma_wait3A_1052 : memref<1x64xi32, #tpu.memory_space<vmem>> -> memref<64xi32, #tpu.memory_space<vmem>>
    %dma_wait3A_1054 = arith.constant 0 : i32
    %dma_wait3A_1055 = arith.constant 0 : i32
    %dma_wait3A_1056 = tpu.memref_slice %arg3[%dma_wait3A_1054, %dma_wait3A_1055] : memref<1000000x16xf32, #tpu.memory_space<hbm>> -> memref<1000000x16xf32, #tpu.memory_space<hbm>>
    tpu.wait_indirect_dma semaphore(%arg19 : memref<!tpu.dma_semaphore, #tpu.memory_space<semaphore_mem>>) src(%dma_wait3A_1056 : memref<1000000x16xf32, #tpu.memory_space<hbm>>) dst(%arg12 : memref<64x16xf32, #tpu.memory_space<vmem>>)
    %add3A_1057 = arith.constant 0 : i32
    %add3A_1058 = vector.broadcast %add3A_1057 : i32 to vector<16xi32>
    %add3A_1059 = arith.addi %add3A_1058, %iota3A : vector<16xi32>
    %gather3A_1060 = tpu.vector_load_idx %arg12[%add3A_1059, %broadcast_in_dim3A_144] : memref<64x16xf32, #tpu.memory_space<vmem>>[vector<16xi32>, vector<16xi32>], vector<16xf32>,
    %mul3A_1061 = arith.mulf %gather3A_1060, %get3A_83 : vector<16xf32>
    %add3A_1062 = arith.addf %get3A_176, %mul3A_1061 : vector<16xf32>
    %gather3A_1063 = tpu.vector_load_idx %arg12[%add3A_1059, %broadcast_in_dim3A_146] : memref<64x16xf32, #tpu.memory_space<vmem>>[vector<16xi32>, vector<16xi32>], vector<16xf32>,
    %mul3A_1064 = arith.mulf %gather3A_1063, %get3A_87 : vector<16xf32>
    %add3A_1065 = arith.addf %add3A_1062, %mul3A_1064 : vector<16xf32>
    %gather3A_1066 = tpu.vector_load_idx %arg12[%add3A_1059, %broadcast_in_dim3A_148] : memref<64x16xf32, #tpu.memory_space<vmem>>[vector<16xi32>, vector<16xi32>], vector<16xf32>,
    %mul3A_1067 = arith.mulf %gather3A_1066, %get3A_91 : vector<16xf32>
    %add3A_1068 = arith.addf %add3A_1065, %mul3A_1067 : vector<16xf32>
    %gather3A_1069 = tpu.vector_load_idx %arg12[%add3A_1059, %broadcast_in_dim3A_150] : memref<64x16xf32, #tpu.memory_space<vmem>>[vector<16xi32>, vector<16xi32>], vector<16xf32>,
    %mul3A_1070 = arith.mulf %gather3A_1069, %get3A_95 : vector<16xf32>
    %add3A_1071 = arith.addf %add3A_1068, %mul3A_1070 : vector<16xf32>
    %gather3A_1072 = tpu.vector_load_idx %arg12[%add3A_1059, %broadcast_in_dim3A_152] : memref<64x16xf32, #tpu.memory_space<vmem>>[vector<16xi32>, vector<16xi32>], vector<16xf32>,
    %mul3A_1073 = arith.mulf %gather3A_1072, %get3A_99 : vector<16xf32>
    %add3A_1074 = arith.addf %add3A_1071, %mul3A_1073 : vector<16xf32>
    %gather3A_1075 = tpu.vector_load_idx %arg12[%add3A_1059, %broadcast_in_dim3A_154] : memref<64x16xf32, #tpu.memory_space<vmem>>[vector<16xi32>, vector<16xi32>], vector<16xf32>,
    %mul3A_1076 = arith.mulf %gather3A_1075, %get3A_103 : vector<16xf32>
    %add3A_1077 = arith.addf %add3A_1074, %mul3A_1076 : vector<16xf32>
    %gather3A_1078 = tpu.vector_load_idx %arg12[%add3A_1059, %broadcast_in_dim3A_156] : memref<64x16xf32, #tpu.memory_space<vmem>>[vector<16xi32>, vector<16xi32>], vector<16xf32>,
    %mul3A_1079 = arith.mulf %gather3A_1078, %get3A_107 : vector<16xf32>
    %add3A_1080 = arith.addf %add3A_1077, %mul3A_1079 : vector<16xf32>
    %gather3A_1081 = tpu.vector_load_idx %arg12[%add3A_1059, %broadcast_in_dim3A_158] : memref<64x16xf32, #tpu.memory_space<vmem>>[vector<16xi32>, vector<16xi32>], vector<16xf32>,
    %mul3A_1082 = arith.mulf %gather3A_1081, %get3A_111 : vector<16xf32>
    %add3A_1083 = arith.addf %add3A_1080, %mul3A_1082 : vector<16xf32>
    %gather3A_1084 = tpu.vector_load_idx %arg12[%add3A_1059, %broadcast_in_dim3A_160] : memref<64x16xf32, #tpu.memory_space<vmem>>[vector<16xi32>, vector<16xi32>], vector<16xf32>,
    %mul3A_1085 = arith.mulf %gather3A_1084, %get3A_115 : vector<16xf32>
    %add3A_1086 = arith.addf %add3A_1083, %mul3A_1085 : vector<16xf32>
    %gather3A_1087 = tpu.vector_load_idx %arg12[%add3A_1059, %broadcast_in_dim3A_162] : memref<64x16xf32, #tpu.memory_space<vmem>>[vector<16xi32>, vector<16xi32>], vector<16xf32>,
    %mul3A_1088 = arith.mulf %gather3A_1087, %get3A_119 : vector<16xf32>
    %add3A_1089 = arith.addf %add3A_1086, %mul3A_1088 : vector<16xf32>
    %gather3A_1090 = tpu.vector_load_idx %arg12[%add3A_1059, %broadcast_in_dim3A_164] : memref<64x16xf32, #tpu.memory_space<vmem>>[vector<16xi32>, vector<16xi32>], vector<16xf32>,
    %mul3A_1091 = arith.mulf %gather3A_1090, %get3A_123 : vector<16xf32>
    %add3A_1092 = arith.addf %add3A_1089, %mul3A_1091 : vector<16xf32>
    %gather3A_1093 = tpu.vector_load_idx %arg12[%add3A_1059, %broadcast_in_dim3A_166] : memref<64x16xf32, #tpu.memory_space<vmem>>[vector<16xi32>, vector<16xi32>], vector<16xf32>,
    %mul3A_1094 = arith.mulf %gather3A_1093, %get3A_127 : vector<16xf32>
    %add3A_1095 = arith.addf %add3A_1092, %mul3A_1094 : vector<16xf32>
    %gather3A_1096 = tpu.vector_load_idx %arg12[%add3A_1059, %broadcast_in_dim3A_168] : memref<64x16xf32, #tpu.memory_space<vmem>>[vector<16xi32>, vector<16xi32>], vector<16xf32>,
    %mul3A_1097 = arith.mulf %gather3A_1096, %get3A_131 : vector<16xf32>
    %add3A_1098 = arith.addf %add3A_1095, %mul3A_1097 : vector<16xf32>
    %gather3A_1099 = tpu.vector_load_idx %arg12[%add3A_1059, %broadcast_in_dim3A_170] : memref<64x16xf32, #tpu.memory_space<vmem>>[vector<16xi32>, vector<16xi32>], vector<16xf32>,
    %mul3A_1100 = arith.mulf %gather3A_1099, %get3A_135 : vector<16xf32>
    %add3A_1101 = arith.addf %add3A_1098, %mul3A_1100 : vector<16xf32>
    %gather3A_1102 = tpu.vector_load_idx %arg12[%add3A_1059, %broadcast_in_dim3A_172] : memref<64x16xf32, #tpu.memory_space<vmem>>[vector<16xi32>, vector<16xi32>], vector<16xf32>,
    %mul3A_1103 = arith.mulf %gather3A_1102, %get3A_139 : vector<16xf32>
    %add3A_1104 = arith.addf %add3A_1101, %mul3A_1103 : vector<16xf32>
    %gather3A_1105 = tpu.vector_load_idx %arg12[%add3A_1059, %broadcast_in_dim3A_174] : memref<64x16xf32, #tpu.memory_space<vmem>>[vector<16xi32>, vector<16xi32>], vector<16xf32>,
    %mul3A_1106 = arith.mulf %gather3A_1105, %get3A_143 : vector<16xf32>
    %add3A_1107 = arith.addf %add3A_1104, %mul3A_1106 : vector<16xf32>
    %swap3A_1108 = arith.constant 256 : index
    %swap3A_1109 = tpu.vector_load %arg16[%swap3A_1108] {strides = array<i32>} : memref<512xf32, #tpu.memory_space<vmem>>, vector<16xf32>,
    tpu.vector_store %arg16[%swap3A_1108], %add3A_1107 {strides = array<i32>} : memref<512xf32, #tpu.memory_space<vmem>>, vector<16xf32>,
    %add3A_1110 = arith.constant 16 : i32
    %add3A_1111 = vector.broadcast %add3A_1110 : i32 to vector<16xi32>
    %add3A_1112 = arith.addi %add3A_1111, %iota3A : vector<16xi32>
    %gather3A_1113 = tpu.vector_load_idx %arg12[%add3A_1112, %broadcast_in_dim3A_144] : memref<64x16xf32, #tpu.memory_space<vmem>>[vector<16xi32>, vector<16xi32>], vector<16xf32>,
    %mul3A_1114 = arith.mulf %gather3A_1113, %get3A_83 : vector<16xf32>
    %add3A_1115 = arith.addf %get3A_176, %mul3A_1114 : vector<16xf32>
    %gather3A_1116 = tpu.vector_load_idx %arg12[%add3A_1112, %broadcast_in_dim3A_146] : memref<64x16xf32, #tpu.memory_space<vmem>>[vector<16xi32>, vector<16xi32>], vector<16xf32>,
    %mul3A_1117 = arith.mulf %gather3A_1116, %get3A_87 : vector<16xf32>
    %add3A_1118 = arith.addf %add3A_1115, %mul3A_1117 : vector<16xf32>
    %gather3A_1119 = tpu.vector_load_idx %arg12[%add3A_1112, %broadcast_in_dim3A_148] : memref<64x16xf32, #tpu.memory_space<vmem>>[vector<16xi32>, vector<16xi32>], vector<16xf32>,
    %mul3A_1120 = arith.mulf %gather3A_1119, %get3A_91 : vector<16xf32>
    %add3A_1121 = arith.addf %add3A_1118, %mul3A_1120 : vector<16xf32>
    %gather3A_1122 = tpu.vector_load_idx %arg12[%add3A_1112, %broadcast_in_dim3A_150] : memref<64x16xf32, #tpu.memory_space<vmem>>[vector<16xi32>, vector<16xi32>], vector<16xf32>,
    %mul3A_1123 = arith.mulf %gather3A_1122, %get3A_95 : vector<16xf32>
    %add3A_1124 = arith.addf %add3A_1121, %mul3A_1123 : vector<16xf32>
    %gather3A_1125 = tpu.vector_load_idx %arg12[%add3A_1112, %broadcast_in_dim3A_152] : memref<64x16xf32, #tpu.memory_space<vmem>>[vector<16xi32>, vector<16xi32>], vector<16xf32>,
    %mul3A_1126 = arith.mulf %gather3A_1125, %get3A_99 : vector<16xf32>
    %add3A_1127 = arith.addf %add3A_1124, %mul3A_1126 : vector<16xf32>
    %gather3A_1128 = tpu.vector_load_idx %arg12[%add3A_1112, %broadcast_in_dim3A_154] : memref<64x16xf32, #tpu.memory_space<vmem>>[vector<16xi32>, vector<16xi32>], vector<16xf32>,
    %mul3A_1129 = arith.mulf %gather3A_1128, %get3A_103 : vector<16xf32>
    %add3A_1130 = arith.addf %add3A_1127, %mul3A_1129 : vector<16xf32>
    %gather3A_1131 = tpu.vector_load_idx %arg12[%add3A_1112, %broadcast_in_dim3A_156] : memref<64x16xf32, #tpu.memory_space<vmem>>[vector<16xi32>, vector<16xi32>], vector<16xf32>,
    %mul3A_1132 = arith.mulf %gather3A_1131, %get3A_107 : vector<16xf32>
    %add3A_1133 = arith.addf %add3A_1130, %mul3A_1132 : vector<16xf32>
    %gather3A_1134 = tpu.vector_load_idx %arg12[%add3A_1112, %broadcast_in_dim3A_158] : memref<64x16xf32, #tpu.memory_space<vmem>>[vector<16xi32>, vector<16xi32>], vector<16xf32>,
    %mul3A_1135 = arith.mulf %gather3A_1134, %get3A_111 : vector<16xf32>
    %add3A_1136 = arith.addf %add3A_1133, %mul3A_1135 : vector<16xf32>
    %gather3A_1137 = tpu.vector_load_idx %arg12[%add3A_1112, %broadcast_in_dim3A_160] : memref<64x16xf32, #tpu.memory_space<vmem>>[vector<16xi32>, vector<16xi32>], vector<16xf32>,
    %mul3A_1138 = arith.mulf %gather3A_1137, %get3A_115 : vector<16xf32>
    %add3A_1139 = arith.addf %add3A_1136, %mul3A_1138 : vector<16xf32>
    %gather3A_1140 = tpu.vector_load_idx %arg12[%add3A_1112, %broadcast_in_dim3A_162] : memref<64x16xf32, #tpu.memory_space<vmem>>[vector<16xi32>, vector<16xi32>], vector<16xf32>,
    %mul3A_1141 = arith.mulf %gather3A_1140, %get3A_119 : vector<16xf32>
    %add3A_1142 = arith.addf %add3A_1139, %mul3A_1141 : vector<16xf32>
    %gather3A_1143 = tpu.vector_load_idx %arg12[%add3A_1112, %broadcast_in_dim3A_164] : memref<64x16xf32, #tpu.memory_space<vmem>>[vector<16xi32>, vector<16xi32>], vector<16xf32>,
    %mul3A_1144 = arith.mulf %gather3A_1143, %get3A_123 : vector<16xf32>
    %add3A_1145 = arith.addf %add3A_1142, %mul3A_1144 : vector<16xf32>
    %gather3A_1146 = tpu.vector_load_idx %arg12[%add3A_1112, %broadcast_in_dim3A_166] : memref<64x16xf32, #tpu.memory_space<vmem>>[vector<16xi32>, vector<16xi32>], vector<16xf32>,
    %mul3A_1147 = arith.mulf %gather3A_1146, %get3A_127 : vector<16xf32>
    %add3A_1148 = arith.addf %add3A_1145, %mul3A_1147 : vector<16xf32>
    %gather3A_1149 = tpu.vector_load_idx %arg12[%add3A_1112, %broadcast_in_dim3A_168] : memref<64x16xf32, #tpu.memory_space<vmem>>[vector<16xi32>, vector<16xi32>], vector<16xf32>,
    %mul3A_1150 = arith.mulf %gather3A_1149, %get3A_131 : vector<16xf32>
    %add3A_1151 = arith.addf %add3A_1148, %mul3A_1150 : vector<16xf32>
    %gather3A_1152 = tpu.vector_load_idx %arg12[%add3A_1112, %broadcast_in_dim3A_170] : memref<64x16xf32, #tpu.memory_space<vmem>>[vector<16xi32>, vector<16xi32>], vector<16xf32>,
    %mul3A_1153 = arith.mulf %gather3A_1152, %get3A_135 : vector<16xf32>
    %add3A_1154 = arith.addf %add3A_1151, %mul3A_1153 : vector<16xf32>
    %gather3A_1155 = tpu.vector_load_idx %arg12[%add3A_1112, %broadcast_in_dim3A_172] : memref<64x16xf32, #tpu.memory_space<vmem>>[vector<16xi32>, vector<16xi32>], vector<16xf32>,
    %mul3A_1156 = arith.mulf %gather3A_1155, %get3A_139 : vector<16xf32>
    %add3A_1157 = arith.addf %add3A_1154, %mul3A_1156 : vector<16xf32>
    %gather3A_1158 = tpu.vector_load_idx %arg12[%add3A_1112, %broadcast_in_dim3A_174] : memref<64x16xf32, #tpu.memory_space<vmem>>[vector<16xi32>, vector<16xi32>], vector<16xf32>,
    %mul3A_1159 = arith.mulf %gather3A_1158, %get3A_143 : vector<16xf32>
    %add3A_1160 = arith.addf %add3A_1157, %mul3A_1159 : vector<16xf32>
    %swap3A_1161 = arith.constant 272 : index
    %swap3A_1162 = tpu.vector_load %arg16[%swap3A_1161] {strides = array<i32>} : memref<512xf32, #tpu.memory_space<vmem>>, vector<16xf32>,
    tpu.vector_store %arg16[%swap3A_1161], %add3A_1160 {strides = array<i32>} : memref<512xf32, #tpu.memory_space<vmem>>, vector<16xf32>,
    %add3A_1163 = arith.constant 32 : i32
    %add3A_1164 = vector.broadcast %add3A_1163 : i32 to vector<16xi32>
    %add3A_1165 = arith.addi %add3A_1164, %iota3A : vector<16xi32>
    %gather3A_1166 = tpu.vector_load_idx %arg12[%add3A_1165, %broadcast_in_dim3A_144] : memref<64x16xf32, #tpu.memory_space<vmem>>[vector<16xi32>, vector<16xi32>], vector<16xf32>,
    %mul3A_1167 = arith.mulf %gather3A_1166, %get3A_83 : vector<16xf32>
    %add3A_1168 = arith.addf %get3A_176, %mul3A_1167 : vector<16xf32>
    %gather3A_1169 = tpu.vector_load_idx %arg12[%add3A_1165, %broadcast_in_dim3A_146] : memref<64x16xf32, #tpu.memory_space<vmem>>[vector<16xi32>, vector<16xi32>], vector<16xf32>,
    %mul3A_1170 = arith.mulf %gather3A_1169, %get3A_87 : vector<16xf32>
    %add3A_1171 = arith.addf %add3A_1168, %mul3A_1170 : vector<16xf32>
    %gather3A_1172 = tpu.vector_load_idx %arg12[%add3A_1165, %broadcast_in_dim3A_148] : memref<64x16xf32, #tpu.memory_space<vmem>>[vector<16xi32>, vector<16xi32>], vector<16xf32>,
    %mul3A_1173 = arith.mulf %gather3A_1172, %get3A_91 : vector<16xf32>
    %add3A_1174 = arith.addf %add3A_1171, %mul3A_1173 : vector<16xf32>
    %gather3A_1175 = tpu.vector_load_idx %arg12[%add3A_1165, %broadcast_in_dim3A_150] : memref<64x16xf32, #tpu.memory_space<vmem>>[vector<16xi32>, vector<16xi32>], vector<16xf32>,
    %mul3A_1176 = arith.mulf %gather3A_1175, %get3A_95 : vector<16xf32>
    %add3A_1177 = arith.addf %add3A_1174, %mul3A_1176 : vector<16xf32>
    %gather3A_1178 = tpu.vector_load_idx %arg12[%add3A_1165, %broadcast_in_dim3A_152] : memref<64x16xf32, #tpu.memory_space<vmem>>[vector<16xi32>, vector<16xi32>], vector<16xf32>,
    %mul3A_1179 = arith.mulf %gather3A_1178, %get3A_99 : vector<16xf32>
    %add3A_1180 = arith.addf %add3A_1177, %mul3A_1179 : vector<16xf32>
    %gather3A_1181 = tpu.vector_load_idx %arg12[%add3A_1165, %broadcast_in_dim3A_154] : memref<64x16xf32, #tpu.memory_space<vmem>>[vector<16xi32>, vector<16xi32>], vector<16xf32>,
    %mul3A_1182 = arith.mulf %gather3A_1181, %get3A_103 : vector<16xf32>
    %add3A_1183 = arith.addf %add3A_1180, %mul3A_1182 : vector<16xf32>
    %gather3A_1184 = tpu.vector_load_idx %arg12[%add3A_1165, %broadcast_in_dim3A_156] : memref<64x16xf32, #tpu.memory_space<vmem>>[vector<16xi32>, vector<16xi32>], vector<16xf32>,
    %mul3A_1185 = arith.mulf %gather3A_1184, %get3A_107 : vector<16xf32>
    %add3A_1186 = arith.addf %add3A_1183, %mul3A_1185 : vector<16xf32>
    %gather3A_1187 = tpu.vector_load_idx %arg12[%add3A_1165, %broadcast_in_dim3A_158] : memref<64x16xf32, #tpu.memory_space<vmem>>[vector<16xi32>, vector<16xi32>], vector<16xf32>,
    %mul3A_1188 = arith.mulf %gather3A_1187, %get3A_111 : vector<16xf32>
    %add3A_1189 = arith.addf %add3A_1186, %mul3A_1188 : vector<16xf32>
    %gather3A_1190 = tpu.vector_load_idx %arg12[%add3A_1165, %broadcast_in_dim3A_160] : memref<64x16xf32, #tpu.memory_space<vmem>>[vector<16xi32>, vector<16xi32>], vector<16xf32>,
    %mul3A_1191 = arith.mulf %gather3A_1190, %get3A_115 : vector<16xf32>
    %add3A_1192 = arith.addf %add3A_1189, %mul3A_1191 : vector<16xf32>
    %gather3A_1193 = tpu.vector_load_idx %arg12[%add3A_1165, %broadcast_in_dim3A_162] : memref<64x16xf32, #tpu.memory_space<vmem>>[vector<16xi32>, vector<16xi32>], vector<16xf32>,
    %mul3A_1194 = arith.mulf %gather3A_1193, %get3A_119 : vector<16xf32>
    %add3A_1195 = arith.addf %add3A_1192, %mul3A_1194 : vector<16xf32>
    %gather3A_1196 = tpu.vector_load_idx %arg12[%add3A_1165, %broadcast_in_dim3A_164] : memref<64x16xf32, #tpu.memory_space<vmem>>[vector<16xi32>, vector<16xi32>], vector<16xf32>,
    %mul3A_1197 = arith.mulf %gather3A_1196, %get3A_123 : vector<16xf32>
    %add3A_1198 = arith.addf %add3A_1195, %mul3A_1197 : vector<16xf32>
    %gather3A_1199 = tpu.vector_load_idx %arg12[%add3A_1165, %broadcast_in_dim3A_166] : memref<64x16xf32, #tpu.memory_space<vmem>>[vector<16xi32>, vector<16xi32>], vector<16xf32>,
    %mul3A_1200 = arith.mulf %gather3A_1199, %get3A_127 : vector<16xf32>
    %add3A_1201 = arith.addf %add3A_1198, %mul3A_1200 : vector<16xf32>
    %gather3A_1202 = tpu.vector_load_idx %arg12[%add3A_1165, %broadcast_in_dim3A_168] : memref<64x16xf32, #tpu.memory_space<vmem>>[vector<16xi32>, vector<16xi32>], vector<16xf32>,
    %mul3A_1203 = arith.mulf %gather3A_1202, %get3A_131 : vector<16xf32>
    %add3A_1204 = arith.addf %add3A_1201, %mul3A_1203 : vector<16xf32>
    %gather3A_1205 = tpu.vector_load_idx %arg12[%add3A_1165, %broadcast_in_dim3A_170] : memref<64x16xf32, #tpu.memory_space<vmem>>[vector<16xi32>, vector<16xi32>], vector<16xf32>,
    %mul3A_1206 = arith.mulf %gather3A_1205, %get3A_135 : vector<16xf32>
    %add3A_1207 = arith.addf %add3A_1204, %mul3A_1206 : vector<16xf32>
    %gather3A_1208 = tpu.vector_load_idx %arg12[%add3A_1165, %broadcast_in_dim3A_172] : memref<64x16xf32, #tpu.memory_space<vmem>>[vector<16xi32>, vector<16xi32>], vector<16xf32>,
    %mul3A_1209 = arith.mulf %gather3A_1208, %get3A_139 : vector<16xf32>
    %add3A_1210 = arith.addf %add3A_1207, %mul3A_1209 : vector<16xf32>
    %gather3A_1211 = tpu.vector_load_idx %arg12[%add3A_1165, %broadcast_in_dim3A_174] : memref<64x16xf32, #tpu.memory_space<vmem>>[vector<16xi32>, vector<16xi32>], vector<16xf32>,
    %mul3A_1212 = arith.mulf %gather3A_1211, %get3A_143 : vector<16xf32>
    %add3A_1213 = arith.addf %add3A_1210, %mul3A_1212 : vector<16xf32>
    %swap3A_1214 = arith.constant 288 : index
    %swap3A_1215 = tpu.vector_load %arg16[%swap3A_1214] {strides = array<i32>} : memref<512xf32, #tpu.memory_space<vmem>>, vector<16xf32>,
    tpu.vector_store %arg16[%swap3A_1214], %add3A_1213 {strides = array<i32>} : memref<512xf32, #tpu.memory_space<vmem>>, vector<16xf32>,
    %add3A_1216 = arith.constant 48 : i32
    %add3A_1217 = vector.broadcast %add3A_1216 : i32 to vector<16xi32>
    %add3A_1218 = arith.addi %add3A_1217, %iota3A : vector<16xi32>
    %gather3A_1219 = tpu.vector_load_idx %arg12[%add3A_1218, %broadcast_in_dim3A_144] : memref<64x16xf32, #tpu.memory_space<vmem>>[vector<16xi32>, vector<16xi32>], vector<16xf32>,
    %mul3A_1220 = arith.mulf %gather3A_1219, %get3A_83 : vector<16xf32>
    %add3A_1221 = arith.addf %get3A_176, %mul3A_1220 : vector<16xf32>
    %gather3A_1222 = tpu.vector_load_idx %arg12[%add3A_1218, %broadcast_in_dim3A_146] : memref<64x16xf32, #tpu.memory_space<vmem>>[vector<16xi32>, vector<16xi32>], vector<16xf32>,
    %mul3A_1223 = arith.mulf %gather3A_1222, %get3A_87 : vector<16xf32>
    %add3A_1224 = arith.addf %add3A_1221, %mul3A_1223 : vector<16xf32>
    %gather3A_1225 = tpu.vector_load_idx %arg12[%add3A_1218, %broadcast_in_dim3A_148] : memref<64x16xf32, #tpu.memory_space<vmem>>[vector<16xi32>, vector<16xi32>], vector<16xf32>,
    %mul3A_1226 = arith.mulf %gather3A_1225, %get3A_91 : vector<16xf32>
    %add3A_1227 = arith.addf %add3A_1224, %mul3A_1226 : vector<16xf32>
    %gather3A_1228 = tpu.vector_load_idx %arg12[%add3A_1218, %broadcast_in_dim3A_150] : memref<64x16xf32, #tpu.memory_space<vmem>>[vector<16xi32>, vector<16xi32>], vector<16xf32>,
    %mul3A_1229 = arith.mulf %gather3A_1228, %get3A_95 : vector<16xf32>
    %add3A_1230 = arith.addf %add3A_1227, %mul3A_1229 : vector<16xf32>
    %gather3A_1231 = tpu.vector_load_idx %arg12[%add3A_1218, %broadcast_in_dim3A_152] : memref<64x16xf32, #tpu.memory_space<vmem>>[vector<16xi32>, vector<16xi32>], vector<16xf32>,
    %mul3A_1232 = arith.mulf %gather3A_1231, %get3A_99 : vector<16xf32>
    %add3A_1233 = arith.addf %add3A_1230, %mul3A_1232 : vector<16xf32>
    %gather3A_1234 = tpu.vector_load_idx %arg12[%add3A_1218, %broadcast_in_dim3A_154] : memref<64x16xf32, #tpu.memory_space<vmem>>[vector<16xi32>, vector<16xi32>], vector<16xf32>,
    %mul3A_1235 = arith.mulf %gather3A_1234, %get3A_103 : vector<16xf32>
    %add3A_1236 = arith.addf %add3A_1233, %mul3A_1235 : vector<16xf32>
    %gather3A_1237 = tpu.vector_load_idx %arg12[%add3A_1218, %broadcast_in_dim3A_156] : memref<64x16xf32, #tpu.memory_space<vmem>>[vector<16xi32>, vector<16xi32>], vector<16xf32>,
    %mul3A_1238 = arith.mulf %gather3A_1237, %get3A_107 : vector<16xf32>
    %add3A_1239 = arith.addf %add3A_1236, %mul3A_1238 : vector<16xf32>
    %gather3A_1240 = tpu.vector_load_idx %arg12[%add3A_1218, %broadcast_in_dim3A_158] : memref<64x16xf32, #tpu.memory_space<vmem>>[vector<16xi32>, vector<16xi32>], vector<16xf32>,
    %mul3A_1241 = arith.mulf %gather3A_1240, %get3A_111 : vector<16xf32>
    %add3A_1242 = arith.addf %add3A_1239, %mul3A_1241 : vector<16xf32>
    %gather3A_1243 = tpu.vector_load_idx %arg12[%add3A_1218, %broadcast_in_dim3A_160] : memref<64x16xf32, #tpu.memory_space<vmem>>[vector<16xi32>, vector<16xi32>], vector<16xf32>,
    %mul3A_1244 = arith.mulf %gather3A_1243, %get3A_115 : vector<16xf32>
    %add3A_1245 = arith.addf %add3A_1242, %mul3A_1244 : vector<16xf32>
    %gather3A_1246 = tpu.vector_load_idx %arg12[%add3A_1218, %broadcast_in_dim3A_162] : memref<64x16xf32, #tpu.memory_space<vmem>>[vector<16xi32>, vector<16xi32>], vector<16xf32>,
    %mul3A_1247 = arith.mulf %gather3A_1246, %get3A_119 : vector<16xf32>
    %add3A_1248 = arith.addf %add3A_1245, %mul3A_1247 : vector<16xf32>
    %gather3A_1249 = tpu.vector_load_idx %arg12[%add3A_1218, %broadcast_in_dim3A_164] : memref<64x16xf32, #tpu.memory_space<vmem>>[vector<16xi32>, vector<16xi32>], vector<16xf32>,
    %mul3A_1250 = arith.mulf %gather3A_1249, %get3A_123 : vector<16xf32>
    %add3A_1251 = arith.addf %add3A_1248, %mul3A_1250 : vector<16xf32>
    %gather3A_1252 = tpu.vector_load_idx %arg12[%add3A_1218, %broadcast_in_dim3A_166] : memref<64x16xf32, #tpu.memory_space<vmem>>[vector<16xi32>, vector<16xi32>], vector<16xf32>,
    %mul3A_1253 = arith.mulf %gather3A_1252, %get3A_127 : vector<16xf32>
    %add3A_1254 = arith.addf %add3A_1251, %mul3A_1253 : vector<16xf32>
    %gather3A_1255 = tpu.vector_load_idx %arg12[%add3A_1218, %broadcast_in_dim3A_168] : memref<64x16xf32, #tpu.memory_space<vmem>>[vector<16xi32>, vector<16xi32>], vector<16xf32>,
    %mul3A_1256 = arith.mulf %gather3A_1255, %get3A_131 : vector<16xf32>
    %add3A_1257 = arith.addf %add3A_1254, %mul3A_1256 : vector<16xf32>
    %gather3A_1258 = tpu.vector_load_idx %arg12[%add3A_1218, %broadcast_in_dim3A_170] : memref<64x16xf32, #tpu.memory_space<vmem>>[vector<16xi32>, vector<16xi32>], vector<16xf32>,
    %mul3A_1259 = arith.mulf %gather3A_1258, %get3A_135 : vector<16xf32>
    %add3A_1260 = arith.addf %add3A_1257, %mul3A_1259 : vector<16xf32>
    %gather3A_1261 = tpu.vector_load_idx %arg12[%add3A_1218, %broadcast_in_dim3A_172] : memref<64x16xf32, #tpu.memory_space<vmem>>[vector<16xi32>, vector<16xi32>], vector<16xf32>,
    %mul3A_1262 = arith.mulf %gather3A_1261, %get3A_139 : vector<16xf32>
    %add3A_1263 = arith.addf %add3A_1260, %mul3A_1262 : vector<16xf32>
    %gather3A_1264 = tpu.vector_load_idx %arg12[%add3A_1218, %broadcast_in_dim3A_174] : memref<64x16xf32, #tpu.memory_space<vmem>>[vector<16xi32>, vector<16xi32>], vector<16xf32>,
    %mul3A_1265 = arith.mulf %gather3A_1264, %get3A_143 : vector<16xf32>
    %add3A_1266 = arith.addf %add3A_1263, %mul3A_1265 : vector<16xf32>
    %swap3A_1267 = arith.constant 304 : index
    %swap3A_1268 = tpu.vector_load %arg16[%swap3A_1267] {strides = array<i32>} : memref<512xf32, #tpu.memory_space<vmem>>, vector<16xf32>,
    tpu.vector_store %arg16[%swap3A_1267], %add3A_1266 {strides = array<i32>} : memref<512xf32, #tpu.memory_space<vmem>>, vector<16xf32>,
    %dma_wait3A_1269 = arith.constant 5 : i32
    %dma_wait3A_1270 = arith.constant 0 : i32
    %dma_wait3A_1271 = tpu.memref_slice %arg7[%dma_wait3A_1269, %dma_wait3A_1270] : memref<8x64xi32, #tpu.memory_space<vmem>> -> memref<1x64xi32, #tpu.memory_space<vmem>>
    %dma_wait3A_1272 = tpu.memref_squeeze %dma_wait3A_1271 : memref<1x64xi32, #tpu.memory_space<vmem>> -> memref<64xi32, #tpu.memory_space<vmem>>
    %dma_wait3A_1273 = arith.constant 0 : i32
    %dma_wait3A_1274 = arith.constant 0 : i32
    %dma_wait3A_1275 = tpu.memref_slice %arg3[%dma_wait3A_1273, %dma_wait3A_1274] : memref<1000000x16xf32, #tpu.memory_space<hbm>> -> memref<1000000x16xf32, #tpu.memory_space<hbm>>
    tpu.wait_indirect_dma semaphore(%arg19 : memref<!tpu.dma_semaphore, #tpu.memory_space<semaphore_mem>>) src(%dma_wait3A_1275 : memref<1000000x16xf32, #tpu.memory_space<hbm>>) dst(%arg13 : memref<64x16xf32, #tpu.memory_space<vmem>>)
    %add3A_1276 = arith.constant 0 : i32
    %add3A_1277 = vector.broadcast %add3A_1276 : i32 to vector<16xi32>
    %add3A_1278 = arith.addi %add3A_1277, %iota3A : vector<16xi32>
    %gather3A_1279 = tpu.vector_load_idx %arg13[%add3A_1278, %broadcast_in_dim3A_144] : memref<64x16xf32, #tpu.memory_space<vmem>>[vector<16xi32>, vector<16xi32>], vector<16xf32>,
    %mul3A_1280 = arith.mulf %gather3A_1279, %get3A_83 : vector<16xf32>
    %add3A_1281 = arith.addf %get3A_176, %mul3A_1280 : vector<16xf32>
    %gather3A_1282 = tpu.vector_load_idx %arg13[%add3A_1278, %broadcast_in_dim3A_146] : memref<64x16xf32, #tpu.memory_space<vmem>>[vector<16xi32>, vector<16xi32>], vector<16xf32>,
    %mul3A_1283 = arith.mulf %gather3A_1282, %get3A_87 : vector<16xf32>
    %add3A_1284 = arith.addf %add3A_1281, %mul3A_1283 : vector<16xf32>
    %gather3A_1285 = tpu.vector_load_idx %arg13[%add3A_1278, %broadcast_in_dim3A_148] : memref<64x16xf32, #tpu.memory_space<vmem>>[vector<16xi32>, vector<16xi32>], vector<16xf32>,
    %mul3A_1286 = arith.mulf %gather3A_1285, %get3A_91 : vector<16xf32>
    %add3A_1287 = arith.addf %add3A_1284, %mul3A_1286 : vector<16xf32>
    %gather3A_1288 = tpu.vector_load_idx %arg13[%add3A_1278, %broadcast_in_dim3A_150] : memref<64x16xf32, #tpu.memory_space<vmem>>[vector<16xi32>, vector<16xi32>], vector<16xf32>,
    %mul3A_1289 = arith.mulf %gather3A_1288, %get3A_95 : vector<16xf32>
    %add3A_1290 = arith.addf %add3A_1287, %mul3A_1289 : vector<16xf32>
    %gather3A_1291 = tpu.vector_load_idx %arg13[%add3A_1278, %broadcast_in_dim3A_152] : memref<64x16xf32, #tpu.memory_space<vmem>>[vector<16xi32>, vector<16xi32>], vector<16xf32>,
    %mul3A_1292 = arith.mulf %gather3A_1291, %get3A_99 : vector<16xf32>
    %add3A_1293 = arith.addf %add3A_1290, %mul3A_1292 : vector<16xf32>
    %gather3A_1294 = tpu.vector_load_idx %arg13[%add3A_1278, %broadcast_in_dim3A_154] : memref<64x16xf32, #tpu.memory_space<vmem>>[vector<16xi32>, vector<16xi32>], vector<16xf32>,
    %mul3A_1295 = arith.mulf %gather3A_1294, %get3A_103 : vector<16xf32>
    %add3A_1296 = arith.addf %add3A_1293, %mul3A_1295 : vector<16xf32>
    %gather3A_1297 = tpu.vector_load_idx %arg13[%add3A_1278, %broadcast_in_dim3A_156] : memref<64x16xf32, #tpu.memory_space<vmem>>[vector<16xi32>, vector<16xi32>], vector<16xf32>,
    %mul3A_1298 = arith.mulf %gather3A_1297, %get3A_107 : vector<16xf32>
    %add3A_1299 = arith.addf %add3A_1296, %mul3A_1298 : vector<16xf32>
    %gather3A_1300 = tpu.vector_load_idx %arg13[%add3A_1278, %broadcast_in_dim3A_158] : memref<64x16xf32, #tpu.memory_space<vmem>>[vector<16xi32>, vector<16xi32>], vector<16xf32>,
    %mul3A_1301 = arith.mulf %gather3A_1300, %get3A_111 : vector<16xf32>
    %add3A_1302 = arith.addf %add3A_1299, %mul3A_1301 : vector<16xf32>
    %gather3A_1303 = tpu.vector_load_idx %arg13[%add3A_1278, %broadcast_in_dim3A_160] : memref<64x16xf32, #tpu.memory_space<vmem>>[vector<16xi32>, vector<16xi32>], vector<16xf32>,
    %mul3A_1304 = arith.mulf %gather3A_1303, %get3A_115 : vector<16xf32>
    %add3A_1305 = arith.addf %add3A_1302, %mul3A_1304 : vector<16xf32>
    %gather3A_1306 = tpu.vector_load_idx %arg13[%add3A_1278, %broadcast_in_dim3A_162] : memref<64x16xf32, #tpu.memory_space<vmem>>[vector<16xi32>, vector<16xi32>], vector<16xf32>,
    %mul3A_1307 = arith.mulf %gather3A_1306, %get3A_119 : vector<16xf32>
    %add3A_1308 = arith.addf %add3A_1305, %mul3A_1307 : vector<16xf32>
    %gather3A_1309 = tpu.vector_load_idx %arg13[%add3A_1278, %broadcast_in_dim3A_164] : memref<64x16xf32, #tpu.memory_space<vmem>>[vector<16xi32>, vector<16xi32>], vector<16xf32>,
    %mul3A_1310 = arith.mulf %gather3A_1309, %get3A_123 : vector<16xf32>
    %add3A_1311 = arith.addf %add3A_1308, %mul3A_1310 : vector<16xf32>
    %gather3A_1312 = tpu.vector_load_idx %arg13[%add3A_1278, %broadcast_in_dim3A_166] : memref<64x16xf32, #tpu.memory_space<vmem>>[vector<16xi32>, vector<16xi32>], vector<16xf32>,
    %mul3A_1313 = arith.mulf %gather3A_1312, %get3A_127 : vector<16xf32>
    %add3A_1314 = arith.addf %add3A_1311, %mul3A_1313 : vector<16xf32>
    %gather3A_1315 = tpu.vector_load_idx %arg13[%add3A_1278, %broadcast_in_dim3A_168] : memref<64x16xf32, #tpu.memory_space<vmem>>[vector<16xi32>, vector<16xi32>], vector<16xf32>,
    %mul3A_1316 = arith.mulf %gather3A_1315, %get3A_131 : vector<16xf32>
    %add3A_1317 = arith.addf %add3A_1314, %mul3A_1316 : vector<16xf32>
    %gather3A_1318 = tpu.vector_load_idx %arg13[%add3A_1278, %broadcast_in_dim3A_170] : memref<64x16xf32, #tpu.memory_space<vmem>>[vector<16xi32>, vector<16xi32>], vector<16xf32>,
    %mul3A_1319 = arith.mulf %gather3A_1318, %get3A_135 : vector<16xf32>
    %add3A_1320 = arith.addf %add3A_1317, %mul3A_1319 : vector<16xf32>
    %gather3A_1321 = tpu.vector_load_idx %arg13[%add3A_1278, %broadcast_in_dim3A_172] : memref<64x16xf32, #tpu.memory_space<vmem>>[vector<16xi32>, vector<16xi32>], vector<16xf32>,
    %mul3A_1322 = arith.mulf %gather3A_1321, %get3A_139 : vector<16xf32>
    %add3A_1323 = arith.addf %add3A_1320, %mul3A_1322 : vector<16xf32>
    %gather3A_1324 = tpu.vector_load_idx %arg13[%add3A_1278, %broadcast_in_dim3A_174] : memref<64x16xf32, #tpu.memory_space<vmem>>[vector<16xi32>, vector<16xi32>], vector<16xf32>,
    %mul3A_1325 = arith.mulf %gather3A_1324, %get3A_143 : vector<16xf32>
    %add3A_1326 = arith.addf %add3A_1323, %mul3A_1325 : vector<16xf32>
    %swap3A_1327 = arith.constant 320 : index
    %swap3A_1328 = tpu.vector_load %arg16[%swap3A_1327] {strides = array<i32>} : memref<512xf32, #tpu.memory_space<vmem>>, vector<16xf32>,
    tpu.vector_store %arg16[%swap3A_1327], %add3A_1326 {strides = array<i32>} : memref<512xf32, #tpu.memory_space<vmem>>, vector<16xf32>,
    %add3A_1329 = arith.constant 16 : i32
    %add3A_1330 = vector.broadcast %add3A_1329 : i32 to vector<16xi32>
    %add3A_1331 = arith.addi %add3A_1330, %iota3A : vector<16xi32>
    %gather3A_1332 = tpu.vector_load_idx %arg13[%add3A_1331, %broadcast_in_dim3A_144] : memref<64x16xf32, #tpu.memory_space<vmem>>[vector<16xi32>, vector<16xi32>], vector<16xf32>,
    %mul3A_1333 = arith.mulf %gather3A_1332, %get3A_83 : vector<16xf32>
    %add3A_1334 = arith.addf %get3A_176, %mul3A_1333 : vector<16xf32>
    %gather3A_1335 = tpu.vector_load_idx %arg13[%add3A_1331, %broadcast_in_dim3A_146] : memref<64x16xf32, #tpu.memory_space<vmem>>[vector<16xi32>, vector<16xi32>], vector<16xf32>,
    %mul3A_1336 = arith.mulf %gather3A_1335, %get3A_87 : vector<16xf32>
    %add3A_1337 = arith.addf %add3A_1334, %mul3A_1336 : vector<16xf32>
    %gather3A_1338 = tpu.vector_load_idx %arg13[%add3A_1331, %broadcast_in_dim3A_148] : memref<64x16xf32, #tpu.memory_space<vmem>>[vector<16xi32>, vector<16xi32>], vector<16xf32>,
    %mul3A_1339 = arith.mulf %gather3A_1338, %get3A_91 : vector<16xf32>
    %add3A_1340 = arith.addf %add3A_1337, %mul3A_1339 : vector<16xf32>
    %gather3A_1341 = tpu.vector_load_idx %arg13[%add3A_1331, %broadcast_in_dim3A_150] : memref<64x16xf32, #tpu.memory_space<vmem>>[vector<16xi32>, vector<16xi32>], vector<16xf32>,
    %mul3A_1342 = arith.mulf %gather3A_1341, %get3A_95 : vector<16xf32>
    %add3A_1343 = arith.addf %add3A_1340, %mul3A_1342 : vector<16xf32>
    %gather3A_1344 = tpu.vector_load_idx %arg13[%add3A_1331, %broadcast_in_dim3A_152] : memref<64x16xf32, #tpu.memory_space<vmem>>[vector<16xi32>, vector<16xi32>], vector<16xf32>,
    %mul3A_1345 = arith.mulf %gather3A_1344, %get3A_99 : vector<16xf32>
    %add3A_1346 = arith.addf %add3A_1343, %mul3A_1345 : vector<16xf32>
    %gather3A_1347 = tpu.vector_load_idx %arg13[%add3A_1331, %broadcast_in_dim3A_154] : memref<64x16xf32, #tpu.memory_space<vmem>>[vector<16xi32>, vector<16xi32>], vector<16xf32>,
    %mul3A_1348 = arith.mulf %gather3A_1347, %get3A_103 : vector<16xf32>
    %add3A_1349 = arith.addf %add3A_1346, %mul3A_1348 : vector<16xf32>
    %gather3A_1350 = tpu.vector_load_idx %arg13[%add3A_1331, %broadcast_in_dim3A_156] : memref<64x16xf32, #tpu.memory_space<vmem>>[vector<16xi32>, vector<16xi32>], vector<16xf32>,
    %mul3A_1351 = arith.mulf %gather3A_1350, %get3A_107 : vector<16xf32>
    %add3A_1352 = arith.addf %add3A_1349, %mul3A_1351 : vector<16xf32>
    %gather3A_1353 = tpu.vector_load_idx %arg13[%add3A_1331, %broadcast_in_dim3A_158] : memref<64x16xf32, #tpu.memory_space<vmem>>[vector<16xi32>, vector<16xi32>], vector<16xf32>,
    %mul3A_1354 = arith.mulf %gather3A_1353, %get3A_111 : vector<16xf32>
    %add3A_1355 = arith.addf %add3A_1352, %mul3A_1354 : vector<16xf32>
    %gather3A_1356 = tpu.vector_load_idx %arg13[%add3A_1331, %broadcast_in_dim3A_160] : memref<64x16xf32, #tpu.memory_space<vmem>>[vector<16xi32>, vector<16xi32>], vector<16xf32>,
    %mul3A_1357 = arith.mulf %gather3A_1356, %get3A_115 : vector<16xf32>
    %add3A_1358 = arith.addf %add3A_1355, %mul3A_1357 : vector<16xf32>
    %gather3A_1359 = tpu.vector_load_idx %arg13[%add3A_1331, %broadcast_in_dim3A_162] : memref<64x16xf32, #tpu.memory_space<vmem>>[vector<16xi32>, vector<16xi32>], vector<16xf32>,
    %mul3A_1360 = arith.mulf %gather3A_1359, %get3A_119 : vector<16xf32>
    %add3A_1361 = arith.addf %add3A_1358, %mul3A_1360 : vector<16xf32>
    %gather3A_1362 = tpu.vector_load_idx %arg13[%add3A_1331, %broadcast_in_dim3A_164] : memref<64x16xf32, #tpu.memory_space<vmem>>[vector<16xi32>, vector<16xi32>], vector<16xf32>,
    %mul3A_1363 = arith.mulf %gather3A_1362, %get3A_123 : vector<16xf32>
    %add3A_1364 = arith.addf %add3A_1361, %mul3A_1363 : vector<16xf32>
    %gather3A_1365 = tpu.vector_load_idx %arg13[%add3A_1331, %broadcast_in_dim3A_166] : memref<64x16xf32, #tpu.memory_space<vmem>>[vector<16xi32>, vector<16xi32>], vector<16xf32>,
    %mul3A_1366 = arith.mulf %gather3A_1365, %get3A_127 : vector<16xf32>
    %add3A_1367 = arith.addf %add3A_1364, %mul3A_1366 : vector<16xf32>
    %gather3A_1368 = tpu.vector_load_idx %arg13[%add3A_1331, %broadcast_in_dim3A_168] : memref<64x16xf32, #tpu.memory_space<vmem>>[vector<16xi32>, vector<16xi32>], vector<16xf32>,
    %mul3A_1369 = arith.mulf %gather3A_1368, %get3A_131 : vector<16xf32>
    %add3A_1370 = arith.addf %add3A_1367, %mul3A_1369 : vector<16xf32>
    %gather3A_1371 = tpu.vector_load_idx %arg13[%add3A_1331, %broadcast_in_dim3A_170] : memref<64x16xf32, #tpu.memory_space<vmem>>[vector<16xi32>, vector<16xi32>], vector<16xf32>,
    %mul3A_1372 = arith.mulf %gather3A_1371, %get3A_135 : vector<16xf32>
    %add3A_1373 = arith.addf %add3A_1370, %mul3A_1372 : vector<16xf32>
    %gather3A_1374 = tpu.vector_load_idx %arg13[%add3A_1331, %broadcast_in_dim3A_172] : memref<64x16xf32, #tpu.memory_space<vmem>>[vector<16xi32>, vector<16xi32>], vector<16xf32>,
    %mul3A_1375 = arith.mulf %gather3A_1374, %get3A_139 : vector<16xf32>
    %add3A_1376 = arith.addf %add3A_1373, %mul3A_1375 : vector<16xf32>
    %gather3A_1377 = tpu.vector_load_idx %arg13[%add3A_1331, %broadcast_in_dim3A_174] : memref<64x16xf32, #tpu.memory_space<vmem>>[vector<16xi32>, vector<16xi32>], vector<16xf32>,
    %mul3A_1378 = arith.mulf %gather3A_1377, %get3A_143 : vector<16xf32>
    %add3A_1379 = arith.addf %add3A_1376, %mul3A_1378 : vector<16xf32>
    %swap3A_1380 = arith.constant 336 : index
    %swap3A_1381 = tpu.vector_load %arg16[%swap3A_1380] {strides = array<i32>} : memref<512xf32, #tpu.memory_space<vmem>>, vector<16xf32>,
    tpu.vector_store %arg16[%swap3A_1380], %add3A_1379 {strides = array<i32>} : memref<512xf32, #tpu.memory_space<vmem>>, vector<16xf32>,
    %add3A_1382 = arith.constant 32 : i32
    %add3A_1383 = vector.broadcast %add3A_1382 : i32 to vector<16xi32>
    %add3A_1384 = arith.addi %add3A_1383, %iota3A : vector<16xi32>
    %gather3A_1385 = tpu.vector_load_idx %arg13[%add3A_1384, %broadcast_in_dim3A_144] : memref<64x16xf32, #tpu.memory_space<vmem>>[vector<16xi32>, vector<16xi32>], vector<16xf32>,
    %mul3A_1386 = arith.mulf %gather3A_1385, %get3A_83 : vector<16xf32>
    %add3A_1387 = arith.addf %get3A_176, %mul3A_1386 : vector<16xf32>
    %gather3A_1388 = tpu.vector_load_idx %arg13[%add3A_1384, %broadcast_in_dim3A_146] : memref<64x16xf32, #tpu.memory_space<vmem>>[vector<16xi32>, vector<16xi32>], vector<16xf32>,
    %mul3A_1389 = arith.mulf %gather3A_1388, %get3A_87 : vector<16xf32>
    %add3A_1390 = arith.addf %add3A_1387, %mul3A_1389 : vector<16xf32>
    %gather3A_1391 = tpu.vector_load_idx %arg13[%add3A_1384, %broadcast_in_dim3A_148] : memref<64x16xf32, #tpu.memory_space<vmem>>[vector<16xi32>, vector<16xi32>], vector<16xf32>,
    %mul3A_1392 = arith.mulf %gather3A_1391, %get3A_91 : vector<16xf32>
    %add3A_1393 = arith.addf %add3A_1390, %mul3A_1392 : vector<16xf32>
    %gather3A_1394 = tpu.vector_load_idx %arg13[%add3A_1384, %broadcast_in_dim3A_150] : memref<64x16xf32, #tpu.memory_space<vmem>>[vector<16xi32>, vector<16xi32>], vector<16xf32>,
    %mul3A_1395 = arith.mulf %gather3A_1394, %get3A_95 : vector<16xf32>
    %add3A_1396 = arith.addf %add3A_1393, %mul3A_1395 : vector<16xf32>
    %gather3A_1397 = tpu.vector_load_idx %arg13[%add3A_1384, %broadcast_in_dim3A_152] : memref<64x16xf32, #tpu.memory_space<vmem>>[vector<16xi32>, vector<16xi32>], vector<16xf32>,
    %mul3A_1398 = arith.mulf %gather3A_1397, %get3A_99 : vector<16xf32>
    %add3A_1399 = arith.addf %add3A_1396, %mul3A_1398 : vector<16xf32>
    %gather3A_1400 = tpu.vector_load_idx %arg13[%add3A_1384, %broadcast_in_dim3A_154] : memref<64x16xf32, #tpu.memory_space<vmem>>[vector<16xi32>, vector<16xi32>], vector<16xf32>,
    %mul3A_1401 = arith.mulf %gather3A_1400, %get3A_103 : vector<16xf32>
    %add3A_1402 = arith.addf %add3A_1399, %mul3A_1401 : vector<16xf32>
    %gather3A_1403 = tpu.vector_load_idx %arg13[%add3A_1384, %broadcast_in_dim3A_156] : memref<64x16xf32, #tpu.memory_space<vmem>>[vector<16xi32>, vector<16xi32>], vector<16xf32>,
    %mul3A_1404 = arith.mulf %gather3A_1403, %get3A_107 : vector<16xf32>
    %add3A_1405 = arith.addf %add3A_1402, %mul3A_1404 : vector<16xf32>
    %gather3A_1406 = tpu.vector_load_idx %arg13[%add3A_1384, %broadcast_in_dim3A_158] : memref<64x16xf32, #tpu.memory_space<vmem>>[vector<16xi32>, vector<16xi32>], vector<16xf32>,
    %mul3A_1407 = arith.mulf %gather3A_1406, %get3A_111 : vector<16xf32>
    %add3A_1408 = arith.addf %add3A_1405, %mul3A_1407 : vector<16xf32>
    %gather3A_1409 = tpu.vector_load_idx %arg13[%add3A_1384, %broadcast_in_dim3A_160] : memref<64x16xf32, #tpu.memory_space<vmem>>[vector<16xi32>, vector<16xi32>], vector<16xf32>,
    %mul3A_1410 = arith.mulf %gather3A_1409, %get3A_115 : vector<16xf32>
    %add3A_1411 = arith.addf %add3A_1408, %mul3A_1410 : vector<16xf32>
    %gather3A_1412 = tpu.vector_load_idx %arg13[%add3A_1384, %broadcast_in_dim3A_162] : memref<64x16xf32, #tpu.memory_space<vmem>>[vector<16xi32>, vector<16xi32>], vector<16xf32>,
    %mul3A_1413 = arith.mulf %gather3A_1412, %get3A_119 : vector<16xf32>
    %add3A_1414 = arith.addf %add3A_1411, %mul3A_1413 : vector<16xf32>
    %gather3A_1415 = tpu.vector_load_idx %arg13[%add3A_1384, %broadcast_in_dim3A_164] : memref<64x16xf32, #tpu.memory_space<vmem>>[vector<16xi32>, vector<16xi32>], vector<16xf32>,
    %mul3A_1416 = arith.mulf %gather3A_1415, %get3A_123 : vector<16xf32>
    %add3A_1417 = arith.addf %add3A_1414, %mul3A_1416 : vector<16xf32>
    %gather3A_1418 = tpu.vector_load_idx %arg13[%add3A_1384, %broadcast_in_dim3A_166] : memref<64x16xf32, #tpu.memory_space<vmem>>[vector<16xi32>, vector<16xi32>], vector<16xf32>,
    %mul3A_1419 = arith.mulf %gather3A_1418, %get3A_127 : vector<16xf32>
    %add3A_1420 = arith.addf %add3A_1417, %mul3A_1419 : vector<16xf32>
    %gather3A_1421 = tpu.vector_load_idx %arg13[%add3A_1384, %broadcast_in_dim3A_168] : memref<64x16xf32, #tpu.memory_space<vmem>>[vector<16xi32>, vector<16xi32>], vector<16xf32>,
    %mul3A_1422 = arith.mulf %gather3A_1421, %get3A_131 : vector<16xf32>
    %add3A_1423 = arith.addf %add3A_1420, %mul3A_1422 : vector<16xf32>
    %gather3A_1424 = tpu.vector_load_idx %arg13[%add3A_1384, %broadcast_in_dim3A_170] : memref<64x16xf32, #tpu.memory_space<vmem>>[vector<16xi32>, vector<16xi32>], vector<16xf32>,
    %mul3A_1425 = arith.mulf %gather3A_1424, %get3A_135 : vector<16xf32>
    %add3A_1426 = arith.addf %add3A_1423, %mul3A_1425 : vector<16xf32>
    %gather3A_1427 = tpu.vector_load_idx %arg13[%add3A_1384, %broadcast_in_dim3A_172] : memref<64x16xf32, #tpu.memory_space<vmem>>[vector<16xi32>, vector<16xi32>], vector<16xf32>,
    %mul3A_1428 = arith.mulf %gather3A_1427, %get3A_139 : vector<16xf32>
    %add3A_1429 = arith.addf %add3A_1426, %mul3A_1428 : vector<16xf32>
    %gather3A_1430 = tpu.vector_load_idx %arg13[%add3A_1384, %broadcast_in_dim3A_174] : memref<64x16xf32, #tpu.memory_space<vmem>>[vector<16xi32>, vector<16xi32>], vector<16xf32>,
    %mul3A_1431 = arith.mulf %gather3A_1430, %get3A_143 : vector<16xf32>
    %add3A_1432 = arith.addf %add3A_1429, %mul3A_1431 : vector<16xf32>
    %swap3A_1433 = arith.constant 352 : index
    %swap3A_1434 = tpu.vector_load %arg16[%swap3A_1433] {strides = array<i32>} : memref<512xf32, #tpu.memory_space<vmem>>, vector<16xf32>,
    tpu.vector_store %arg16[%swap3A_1433], %add3A_1432 {strides = array<i32>} : memref<512xf32, #tpu.memory_space<vmem>>, vector<16xf32>,
    %add3A_1435 = arith.constant 48 : i32
    %add3A_1436 = vector.broadcast %add3A_1435 : i32 to vector<16xi32>
    %add3A_1437 = arith.addi %add3A_1436, %iota3A : vector<16xi32>
    %gather3A_1438 = tpu.vector_load_idx %arg13[%add3A_1437, %broadcast_in_dim3A_144] : memref<64x16xf32, #tpu.memory_space<vmem>>[vector<16xi32>, vector<16xi32>], vector<16xf32>,
    %mul3A_1439 = arith.mulf %gather3A_1438, %get3A_83 : vector<16xf32>
    %add3A_1440 = arith.addf %get3A_176, %mul3A_1439 : vector<16xf32>
    %gather3A_1441 = tpu.vector_load_idx %arg13[%add3A_1437, %broadcast_in_dim3A_146] : memref<64x16xf32, #tpu.memory_space<vmem>>[vector<16xi32>, vector<16xi32>], vector<16xf32>,
    %mul3A_1442 = arith.mulf %gather3A_1441, %get3A_87 : vector<16xf32>
    %add3A_1443 = arith.addf %add3A_1440, %mul3A_1442 : vector<16xf32>
    %gather3A_1444 = tpu.vector_load_idx %arg13[%add3A_1437, %broadcast_in_dim3A_148] : memref<64x16xf32, #tpu.memory_space<vmem>>[vector<16xi32>, vector<16xi32>], vector<16xf32>,
    %mul3A_1445 = arith.mulf %gather3A_1444, %get3A_91 : vector<16xf32>
    %add3A_1446 = arith.addf %add3A_1443, %mul3A_1445 : vector<16xf32>
    %gather3A_1447 = tpu.vector_load_idx %arg13[%add3A_1437, %broadcast_in_dim3A_150] : memref<64x16xf32, #tpu.memory_space<vmem>>[vector<16xi32>, vector<16xi32>], vector<16xf32>,
    %mul3A_1448 = arith.mulf %gather3A_1447, %get3A_95 : vector<16xf32>
    %add3A_1449 = arith.addf %add3A_1446, %mul3A_1448 : vector<16xf32>
    %gather3A_1450 = tpu.vector_load_idx %arg13[%add3A_1437, %broadcast_in_dim3A_152] : memref<64x16xf32, #tpu.memory_space<vmem>>[vector<16xi32>, vector<16xi32>], vector<16xf32>,
    %mul3A_1451 = arith.mulf %gather3A_1450, %get3A_99 : vector<16xf32>
    %add3A_1452 = arith.addf %add3A_1449, %mul3A_1451 : vector<16xf32>
    %gather3A_1453 = tpu.vector_load_idx %arg13[%add3A_1437, %broadcast_in_dim3A_154] : memref<64x16xf32, #tpu.memory_space<vmem>>[vector<16xi32>, vector<16xi32>], vector<16xf32>,
    %mul3A_1454 = arith.mulf %gather3A_1453, %get3A_103 : vector<16xf32>
    %add3A_1455 = arith.addf %add3A_1452, %mul3A_1454 : vector<16xf32>
    %gather3A_1456 = tpu.vector_load_idx %arg13[%add3A_1437, %broadcast_in_dim3A_156] : memref<64x16xf32, #tpu.memory_space<vmem>>[vector<16xi32>, vector<16xi32>], vector<16xf32>,
    %mul3A_1457 = arith.mulf %gather3A_1456, %get3A_107 : vector<16xf32>
    %add3A_1458 = arith.addf %add3A_1455, %mul3A_1457 : vector<16xf32>
    %gather3A_1459 = tpu.vector_load_idx %arg13[%add3A_1437, %broadcast_in_dim3A_158] : memref<64x16xf32, #tpu.memory_space<vmem>>[vector<16xi32>, vector<16xi32>], vector<16xf32>,
    %mul3A_1460 = arith.mulf %gather3A_1459, %get3A_111 : vector<16xf32>
    %add3A_1461 = arith.addf %add3A_1458, %mul3A_1460 : vector<16xf32>
    %gather3A_1462 = tpu.vector_load_idx %arg13[%add3A_1437, %broadcast_in_dim3A_160] : memref<64x16xf32, #tpu.memory_space<vmem>>[vector<16xi32>, vector<16xi32>], vector<16xf32>,
    %mul3A_1463 = arith.mulf %gather3A_1462, %get3A_115 : vector<16xf32>
    %add3A_1464 = arith.addf %add3A_1461, %mul3A_1463 : vector<16xf32>
    %gather3A_1465 = tpu.vector_load_idx %arg13[%add3A_1437, %broadcast_in_dim3A_162] : memref<64x16xf32, #tpu.memory_space<vmem>>[vector<16xi32>, vector<16xi32>], vector<16xf32>,
    %mul3A_1466 = arith.mulf %gather3A_1465, %get3A_119 : vector<16xf32>
    %add3A_1467 = arith.addf %add3A_1464, %mul3A_1466 : vector<16xf32>
    %gather3A_1468 = tpu.vector_load_idx %arg13[%add3A_1437, %broadcast_in_dim3A_164] : memref<64x16xf32, #tpu.memory_space<vmem>>[vector<16xi32>, vector<16xi32>], vector<16xf32>,
    %mul3A_1469 = arith.mulf %gather3A_1468, %get3A_123 : vector<16xf32>
    %add3A_1470 = arith.addf %add3A_1467, %mul3A_1469 : vector<16xf32>
    %gather3A_1471 = tpu.vector_load_idx %arg13[%add3A_1437, %broadcast_in_dim3A_166] : memref<64x16xf32, #tpu.memory_space<vmem>>[vector<16xi32>, vector<16xi32>], vector<16xf32>,
    %mul3A_1472 = arith.mulf %gather3A_1471, %get3A_127 : vector<16xf32>
    %add3A_1473 = arith.addf %add3A_1470, %mul3A_1472 : vector<16xf32>
    %gather3A_1474 = tpu.vector_load_idx %arg13[%add3A_1437, %broadcast_in_dim3A_168] : memref<64x16xf32, #tpu.memory_space<vmem>>[vector<16xi32>, vector<16xi32>], vector<16xf32>,
    %mul3A_1475 = arith.mulf %gather3A_1474, %get3A_131 : vector<16xf32>
    %add3A_1476 = arith.addf %add3A_1473, %mul3A_1475 : vector<16xf32>
    %gather3A_1477 = tpu.vector_load_idx %arg13[%add3A_1437, %broadcast_in_dim3A_170] : memref<64x16xf32, #tpu.memory_space<vmem>>[vector<16xi32>, vector<16xi32>], vector<16xf32>,
    %mul3A_1478 = arith.mulf %gather3A_1477, %get3A_135 : vector<16xf32>
    %add3A_1479 = arith.addf %add3A_1476, %mul3A_1478 : vector<16xf32>
    %gather3A_1480 = tpu.vector_load_idx %arg13[%add3A_1437, %broadcast_in_dim3A_172] : memref<64x16xf32, #tpu.memory_space<vmem>>[vector<16xi32>, vector<16xi32>], vector<16xf32>,
    %mul3A_1481 = arith.mulf %gather3A_1480, %get3A_139 : vector<16xf32>
    %add3A_1482 = arith.addf %add3A_1479, %mul3A_1481 : vector<16xf32>
    %gather3A_1483 = tpu.vector_load_idx %arg13[%add3A_1437, %broadcast_in_dim3A_174] : memref<64x16xf32, #tpu.memory_space<vmem>>[vector<16xi32>, vector<16xi32>], vector<16xf32>,
    %mul3A_1484 = arith.mulf %gather3A_1483, %get3A_143 : vector<16xf32>
    %add3A_1485 = arith.addf %add3A_1482, %mul3A_1484 : vector<16xf32>
    %swap3A_1486 = arith.constant 368 : index
    %swap3A_1487 = tpu.vector_load %arg16[%swap3A_1486] {strides = array<i32>} : memref<512xf32, #tpu.memory_space<vmem>>, vector<16xf32>,
    tpu.vector_store %arg16[%swap3A_1486], %add3A_1485 {strides = array<i32>} : memref<512xf32, #tpu.memory_space<vmem>>, vector<16xf32>,
    %dma_wait3A_1488 = arith.constant 6 : i32
    %dma_wait3A_1489 = arith.constant 0 : i32
    %dma_wait3A_1490 = tpu.memref_slice %arg7[%dma_wait3A_1488, %dma_wait3A_1489] : memref<8x64xi32, #tpu.memory_space<vmem>> -> memref<1x64xi32, #tpu.memory_space<vmem>>
    %dma_wait3A_1491 = tpu.memref_squeeze %dma_wait3A_1490 : memref<1x64xi32, #tpu.memory_space<vmem>> -> memref<64xi32, #tpu.memory_space<vmem>>
    %dma_wait3A_1492 = arith.constant 0 : i32
    %dma_wait3A_1493 = arith.constant 0 : i32
    %dma_wait3A_1494 = tpu.memref_slice %arg3[%dma_wait3A_1492, %dma_wait3A_1493] : memref<1000000x16xf32, #tpu.memory_space<hbm>> -> memref<1000000x16xf32, #tpu.memory_space<hbm>>
    tpu.wait_indirect_dma semaphore(%arg19 : memref<!tpu.dma_semaphore, #tpu.memory_space<semaphore_mem>>) src(%dma_wait3A_1494 : memref<1000000x16xf32, #tpu.memory_space<hbm>>) dst(%arg14 : memref<64x16xf32, #tpu.memory_space<vmem>>)
    %add3A_1495 = arith.constant 0 : i32
    %add3A_1496 = vector.broadcast %add3A_1495 : i32 to vector<16xi32>
    %add3A_1497 = arith.addi %add3A_1496, %iota3A : vector<16xi32>
    %gather3A_1498 = tpu.vector_load_idx %arg14[%add3A_1497, %broadcast_in_dim3A_144] : memref<64x16xf32, #tpu.memory_space<vmem>>[vector<16xi32>, vector<16xi32>], vector<16xf32>,
    %mul3A_1499 = arith.mulf %gather3A_1498, %get3A_83 : vector<16xf32>
    %add3A_1500 = arith.addf %get3A_176, %mul3A_1499 : vector<16xf32>
    %gather3A_1501 = tpu.vector_load_idx %arg14[%add3A_1497, %broadcast_in_dim3A_146] : memref<64x16xf32, #tpu.memory_space<vmem>>[vector<16xi32>, vector<16xi32>], vector<16xf32>,
    %mul3A_1502 = arith.mulf %gather3A_1501, %get3A_87 : vector<16xf32>
    %add3A_1503 = arith.addf %add3A_1500, %mul3A_1502 : vector<16xf32>
    %gather3A_1504 = tpu.vector_load_idx %arg14[%add3A_1497, %broadcast_in_dim3A_148] : memref<64x16xf32, #tpu.memory_space<vmem>>[vector<16xi32>, vector<16xi32>], vector<16xf32>,
    %mul3A_1505 = arith.mulf %gather3A_1504, %get3A_91 : vector<16xf32>
    %add3A_1506 = arith.addf %add3A_1503, %mul3A_1505 : vector<16xf32>
    %gather3A_1507 = tpu.vector_load_idx %arg14[%add3A_1497, %broadcast_in_dim3A_150] : memref<64x16xf32, #tpu.memory_space<vmem>>[vector<16xi32>, vector<16xi32>], vector<16xf32>,
    %mul3A_1508 = arith.mulf %gather3A_1507, %get3A_95 : vector<16xf32>
    %add3A_1509 = arith.addf %add3A_1506, %mul3A_1508 : vector<16xf32>
    %gather3A_1510 = tpu.vector_load_idx %arg14[%add3A_1497, %broadcast_in_dim3A_152] : memref<64x16xf32, #tpu.memory_space<vmem>>[vector<16xi32>, vector<16xi32>], vector<16xf32>,
    %mul3A_1511 = arith.mulf %gather3A_1510, %get3A_99 : vector<16xf32>
    %add3A_1512 = arith.addf %add3A_1509, %mul3A_1511 : vector<16xf32>
    %gather3A_1513 = tpu.vector_load_idx %arg14[%add3A_1497, %broadcast_in_dim3A_154] : memref<64x16xf32, #tpu.memory_space<vmem>>[vector<16xi32>, vector<16xi32>], vector<16xf32>,
    %mul3A_1514 = arith.mulf %gather3A_1513, %get3A_103 : vector<16xf32>
    %add3A_1515 = arith.addf %add3A_1512, %mul3A_1514 : vector<16xf32>
    %gather3A_1516 = tpu.vector_load_idx %arg14[%add3A_1497, %broadcast_in_dim3A_156] : memref<64x16xf32, #tpu.memory_space<vmem>>[vector<16xi32>, vector<16xi32>], vector<16xf32>,
    %mul3A_1517 = arith.mulf %gather3A_1516, %get3A_107 : vector<16xf32>
    %add3A_1518 = arith.addf %add3A_1515, %mul3A_1517 : vector<16xf32>
    %gather3A_1519 = tpu.vector_load_idx %arg14[%add3A_1497, %broadcast_in_dim3A_158] : memref<64x16xf32, #tpu.memory_space<vmem>>[vector<16xi32>, vector<16xi32>], vector<16xf32>,
    %mul3A_1520 = arith.mulf %gather3A_1519, %get3A_111 : vector<16xf32>
    %add3A_1521 = arith.addf %add3A_1518, %mul3A_1520 : vector<16xf32>
    %gather3A_1522 = tpu.vector_load_idx %arg14[%add3A_1497, %broadcast_in_dim3A_160] : memref<64x16xf32, #tpu.memory_space<vmem>>[vector<16xi32>, vector<16xi32>], vector<16xf32>,
    %mul3A_1523 = arith.mulf %gather3A_1522, %get3A_115 : vector<16xf32>
    %add3A_1524 = arith.addf %add3A_1521, %mul3A_1523 : vector<16xf32>
    %gather3A_1525 = tpu.vector_load_idx %arg14[%add3A_1497, %broadcast_in_dim3A_162] : memref<64x16xf32, #tpu.memory_space<vmem>>[vector<16xi32>, vector<16xi32>], vector<16xf32>,
    %mul3A_1526 = arith.mulf %gather3A_1525, %get3A_119 : vector<16xf32>
    %add3A_1527 = arith.addf %add3A_1524, %mul3A_1526 : vector<16xf32>
    %gather3A_1528 = tpu.vector_load_idx %arg14[%add3A_1497, %broadcast_in_dim3A_164] : memref<64x16xf32, #tpu.memory_space<vmem>>[vector<16xi32>, vector<16xi32>], vector<16xf32>,
    %mul3A_1529 = arith.mulf %gather3A_1528, %get3A_123 : vector<16xf32>
    %add3A_1530 = arith.addf %add3A_1527, %mul3A_1529 : vector<16xf32>
    %gather3A_1531 = tpu.vector_load_idx %arg14[%add3A_1497, %broadcast_in_dim3A_166] : memref<64x16xf32, #tpu.memory_space<vmem>>[vector<16xi32>, vector<16xi32>], vector<16xf32>,
    %mul3A_1532 = arith.mulf %gather3A_1531, %get3A_127 : vector<16xf32>
    %add3A_1533 = arith.addf %add3A_1530, %mul3A_1532 : vector<16xf32>
    %gather3A_1534 = tpu.vector_load_idx %arg14[%add3A_1497, %broadcast_in_dim3A_168] : memref<64x16xf32, #tpu.memory_space<vmem>>[vector<16xi32>, vector<16xi32>], vector<16xf32>,
    %mul3A_1535 = arith.mulf %gather3A_1534, %get3A_131 : vector<16xf32>
    %add3A_1536 = arith.addf %add3A_1533, %mul3A_1535 : vector<16xf32>
    %gather3A_1537 = tpu.vector_load_idx %arg14[%add3A_1497, %broadcast_in_dim3A_170] : memref<64x16xf32, #tpu.memory_space<vmem>>[vector<16xi32>, vector<16xi32>], vector<16xf32>,
    %mul3A_1538 = arith.mulf %gather3A_1537, %get3A_135 : vector<16xf32>
    %add3A_1539 = arith.addf %add3A_1536, %mul3A_1538 : vector<16xf32>
    %gather3A_1540 = tpu.vector_load_idx %arg14[%add3A_1497, %broadcast_in_dim3A_172] : memref<64x16xf32, #tpu.memory_space<vmem>>[vector<16xi32>, vector<16xi32>], vector<16xf32>,
    %mul3A_1541 = arith.mulf %gather3A_1540, %get3A_139 : vector<16xf32>
    %add3A_1542 = arith.addf %add3A_1539, %mul3A_1541 : vector<16xf32>
    %gather3A_1543 = tpu.vector_load_idx %arg14[%add3A_1497, %broadcast_in_dim3A_174] : memref<64x16xf32, #tpu.memory_space<vmem>>[vector<16xi32>, vector<16xi32>], vector<16xf32>,
    %mul3A_1544 = arith.mulf %gather3A_1543, %get3A_143 : vector<16xf32>
    %add3A_1545 = arith.addf %add3A_1542, %mul3A_1544 : vector<16xf32>
    %swap3A_1546 = arith.constant 384 : index
    %swap3A_1547 = tpu.vector_load %arg16[%swap3A_1546] {strides = array<i32>} : memref<512xf32, #tpu.memory_space<vmem>>, vector<16xf32>,
    tpu.vector_store %arg16[%swap3A_1546], %add3A_1545 {strides = array<i32>} : memref<512xf32, #tpu.memory_space<vmem>>, vector<16xf32>,
    %add3A_1548 = arith.constant 16 : i32
    %add3A_1549 = vector.broadcast %add3A_1548 : i32 to vector<16xi32>
    %add3A_1550 = arith.addi %add3A_1549, %iota3A : vector<16xi32>
    %gather3A_1551 = tpu.vector_load_idx %arg14[%add3A_1550, %broadcast_in_dim3A_144] : memref<64x16xf32, #tpu.memory_space<vmem>>[vector<16xi32>, vector<16xi32>], vector<16xf32>,
    %mul3A_1552 = arith.mulf %gather3A_1551, %get3A_83 : vector<16xf32>
    %add3A_1553 = arith.addf %get3A_176, %mul3A_1552 : vector<16xf32>
    %gather3A_1554 = tpu.vector_load_idx %arg14[%add3A_1550, %broadcast_in_dim3A_146] : memref<64x16xf32, #tpu.memory_space<vmem>>[vector<16xi32>, vector<16xi32>], vector<16xf32>,
    %mul3A_1555 = arith.mulf %gather3A_1554, %get3A_87 : vector<16xf32>
    %add3A_1556 = arith.addf %add3A_1553, %mul3A_1555 : vector<16xf32>
    %gather3A_1557 = tpu.vector_load_idx %arg14[%add3A_1550, %broadcast_in_dim3A_148] : memref<64x16xf32, #tpu.memory_space<vmem>>[vector<16xi32>, vector<16xi32>], vector<16xf32>,
    %mul3A_1558 = arith.mulf %gather3A_1557, %get3A_91 : vector<16xf32>
    %add3A_1559 = arith.addf %add3A_1556, %mul3A_1558 : vector<16xf32>
    %gather3A_1560 = tpu.vector_load_idx %arg14[%add3A_1550, %broadcast_in_dim3A_150] : memref<64x16xf32, #tpu.memory_space<vmem>>[vector<16xi32>, vector<16xi32>], vector<16xf32>,
    %mul3A_1561 = arith.mulf %gather3A_1560, %get3A_95 : vector<16xf32>
    %add3A_1562 = arith.addf %add3A_1559, %mul3A_1561 : vector<16xf32>
    %gather3A_1563 = tpu.vector_load_idx %arg14[%add3A_1550, %broadcast_in_dim3A_152] : memref<64x16xf32, #tpu.memory_space<vmem>>[vector<16xi32>, vector<16xi32>], vector<16xf32>,
    %mul3A_1564 = arith.mulf %gather3A_1563, %get3A_99 : vector<16xf32>
    %add3A_1565 = arith.addf %add3A_1562, %mul3A_1564 : vector<16xf32>
    %gather3A_1566 = tpu.vector_load_idx %arg14[%add3A_1550, %broadcast_in_dim3A_154] : memref<64x16xf32, #tpu.memory_space<vmem>>[vector<16xi32>, vector<16xi32>], vector<16xf32>,
    %mul3A_1567 = arith.mulf %gather3A_1566, %get3A_103 : vector<16xf32>
    %add3A_1568 = arith.addf %add3A_1565, %mul3A_1567 : vector<16xf32>
    %gather3A_1569 = tpu.vector_load_idx %arg14[%add3A_1550, %broadcast_in_dim3A_156] : memref<64x16xf32, #tpu.memory_space<vmem>>[vector<16xi32>, vector<16xi32>], vector<16xf32>,
    %mul3A_1570 = arith.mulf %gather3A_1569, %get3A_107 : vector<16xf32>
    %add3A_1571 = arith.addf %add3A_1568, %mul3A_1570 : vector<16xf32>
    %gather3A_1572 = tpu.vector_load_idx %arg14[%add3A_1550, %broadcast_in_dim3A_158] : memref<64x16xf32, #tpu.memory_space<vmem>>[vector<16xi32>, vector<16xi32>], vector<16xf32>,
    %mul3A_1573 = arith.mulf %gather3A_1572, %get3A_111 : vector<16xf32>
    %add3A_1574 = arith.addf %add3A_1571, %mul3A_1573 : vector<16xf32>
    %gather3A_1575 = tpu.vector_load_idx %arg14[%add3A_1550, %broadcast_in_dim3A_160] : memref<64x16xf32, #tpu.memory_space<vmem>>[vector<16xi32>, vector<16xi32>], vector<16xf32>,
    %mul3A_1576 = arith.mulf %gather3A_1575, %get3A_115 : vector<16xf32>
    %add3A_1577 = arith.addf %add3A_1574, %mul3A_1576 : vector<16xf32>
    %gather3A_1578 = tpu.vector_load_idx %arg14[%add3A_1550, %broadcast_in_dim3A_162] : memref<64x16xf32, #tpu.memory_space<vmem>>[vector<16xi32>, vector<16xi32>], vector<16xf32>,
    %mul3A_1579 = arith.mulf %gather3A_1578, %get3A_119 : vector<16xf32>
    %add3A_1580 = arith.addf %add3A_1577, %mul3A_1579 : vector<16xf32>
    %gather3A_1581 = tpu.vector_load_idx %arg14[%add3A_1550, %broadcast_in_dim3A_164] : memref<64x16xf32, #tpu.memory_space<vmem>>[vector<16xi32>, vector<16xi32>], vector<16xf32>,
    %mul3A_1582 = arith.mulf %gather3A_1581, %get3A_123 : vector<16xf32>
    %add3A_1583 = arith.addf %add3A_1580, %mul3A_1582 : vector<16xf32>
    %gather3A_1584 = tpu.vector_load_idx %arg14[%add3A_1550, %broadcast_in_dim3A_166] : memref<64x16xf32, #tpu.memory_space<vmem>>[vector<16xi32>, vector<16xi32>], vector<16xf32>,
    %mul3A_1585 = arith.mulf %gather3A_1584, %get3A_127 : vector<16xf32>
    %add3A_1586 = arith.addf %add3A_1583, %mul3A_1585 : vector<16xf32>
    %gather3A_1587 = tpu.vector_load_idx %arg14[%add3A_1550, %broadcast_in_dim3A_168] : memref<64x16xf32, #tpu.memory_space<vmem>>[vector<16xi32>, vector<16xi32>], vector<16xf32>,
    %mul3A_1588 = arith.mulf %gather3A_1587, %get3A_131 : vector<16xf32>
    %add3A_1589 = arith.addf %add3A_1586, %mul3A_1588 : vector<16xf32>
    %gather3A_1590 = tpu.vector_load_idx %arg14[%add3A_1550, %broadcast_in_dim3A_170] : memref<64x16xf32, #tpu.memory_space<vmem>>[vector<16xi32>, vector<16xi32>], vector<16xf32>,
    %mul3A_1591 = arith.mulf %gather3A_1590, %get3A_135 : vector<16xf32>
    %add3A_1592 = arith.addf %add3A_1589, %mul3A_1591 : vector<16xf32>
    %gather3A_1593 = tpu.vector_load_idx %arg14[%add3A_1550, %broadcast_in_dim3A_172] : memref<64x16xf32, #tpu.memory_space<vmem>>[vector<16xi32>, vector<16xi32>], vector<16xf32>,
    %mul3A_1594 = arith.mulf %gather3A_1593, %get3A_139 : vector<16xf32>
    %add3A_1595 = arith.addf %add3A_1592, %mul3A_1594 : vector<16xf32>
    %gather3A_1596 = tpu.vector_load_idx %arg14[%add3A_1550, %broadcast_in_dim3A_174] : memref<64x16xf32, #tpu.memory_space<vmem>>[vector<16xi32>, vector<16xi32>], vector<16xf32>,
    %mul3A_1597 = arith.mulf %gather3A_1596, %get3A_143 : vector<16xf32>
    %add3A_1598 = arith.addf %add3A_1595, %mul3A_1597 : vector<16xf32>
    %swap3A_1599 = arith.constant 400 : index
    %swap3A_1600 = tpu.vector_load %arg16[%swap3A_1599] {strides = array<i32>} : memref<512xf32, #tpu.memory_space<vmem>>, vector<16xf32>,
    tpu.vector_store %arg16[%swap3A_1599], %add3A_1598 {strides = array<i32>} : memref<512xf32, #tpu.memory_space<vmem>>, vector<16xf32>,
    %add3A_1601 = arith.constant 32 : i32
    %add3A_1602 = vector.broadcast %add3A_1601 : i32 to vector<16xi32>
    %add3A_1603 = arith.addi %add3A_1602, %iota3A : vector<16xi32>
    %gather3A_1604 = tpu.vector_load_idx %arg14[%add3A_1603, %broadcast_in_dim3A_144] : memref<64x16xf32, #tpu.memory_space<vmem>>[vector<16xi32>, vector<16xi32>], vector<16xf32>,
    %mul3A_1605 = arith.mulf %gather3A_1604, %get3A_83 : vector<16xf32>
    %add3A_1606 = arith.addf %get3A_176, %mul3A_1605 : vector<16xf32>
    %gather3A_1607 = tpu.vector_load_idx %arg14[%add3A_1603, %broadcast_in_dim3A_146] : memref<64x16xf32, #tpu.memory_space<vmem>>[vector<16xi32>, vector<16xi32>], vector<16xf32>,
    %mul3A_1608 = arith.mulf %gather3A_1607, %get3A_87 : vector<16xf32>
    %add3A_1609 = arith.addf %add3A_1606, %mul3A_1608 : vector<16xf32>
    %gather3A_1610 = tpu.vector_load_idx %arg14[%add3A_1603, %broadcast_in_dim3A_148] : memref<64x16xf32, #tpu.memory_space<vmem>>[vector<16xi32>, vector<16xi32>], vector<16xf32>,
    %mul3A_1611 = arith.mulf %gather3A_1610, %get3A_91 : vector<16xf32>
    %add3A_1612 = arith.addf %add3A_1609, %mul3A_1611 : vector<16xf32>
    %gather3A_1613 = tpu.vector_load_idx %arg14[%add3A_1603, %broadcast_in_dim3A_150] : memref<64x16xf32, #tpu.memory_space<vmem>>[vector<16xi32>, vector<16xi32>], vector<16xf32>,
    %mul3A_1614 = arith.mulf %gather3A_1613, %get3A_95 : vector<16xf32>
    %add3A_1615 = arith.addf %add3A_1612, %mul3A_1614 : vector<16xf32>
    %gather3A_1616 = tpu.vector_load_idx %arg14[%add3A_1603, %broadcast_in_dim3A_152] : memref<64x16xf32, #tpu.memory_space<vmem>>[vector<16xi32>, vector<16xi32>], vector<16xf32>,
    %mul3A_1617 = arith.mulf %gather3A_1616, %get3A_99 : vector<16xf32>
    %add3A_1618 = arith.addf %add3A_1615, %mul3A_1617 : vector<16xf32>
    %gather3A_1619 = tpu.vector_load_idx %arg14[%add3A_1603, %broadcast_in_dim3A_154] : memref<64x16xf32, #tpu.memory_space<vmem>>[vector<16xi32>, vector<16xi32>], vector<16xf32>,
    %mul3A_1620 = arith.mulf %gather3A_1619, %get3A_103 : vector<16xf32>
    %add3A_1621 = arith.addf %add3A_1618, %mul3A_1620 : vector<16xf32>
    %gather3A_1622 = tpu.vector_load_idx %arg14[%add3A_1603, %broadcast_in_dim3A_156] : memref<64x16xf32, #tpu.memory_space<vmem>>[vector<16xi32>, vector<16xi32>], vector<16xf32>,
    %mul3A_1623 = arith.mulf %gather3A_1622, %get3A_107 : vector<16xf32>
    %add3A_1624 = arith.addf %add3A_1621, %mul3A_1623 : vector<16xf32>
    %gather3A_1625 = tpu.vector_load_idx %arg14[%add3A_1603, %broadcast_in_dim3A_158] : memref<64x16xf32, #tpu.memory_space<vmem>>[vector<16xi32>, vector<16xi32>], vector<16xf32>,
    %mul3A_1626 = arith.mulf %gather3A_1625, %get3A_111 : vector<16xf32>
    %add3A_1627 = arith.addf %add3A_1624, %mul3A_1626 : vector<16xf32>
    %gather3A_1628 = tpu.vector_load_idx %arg14[%add3A_1603, %broadcast_in_dim3A_160] : memref<64x16xf32, #tpu.memory_space<vmem>>[vector<16xi32>, vector<16xi32>], vector<16xf32>,
    %mul3A_1629 = arith.mulf %gather3A_1628, %get3A_115 : vector<16xf32>
    %add3A_1630 = arith.addf %add3A_1627, %mul3A_1629 : vector<16xf32>
    %gather3A_1631 = tpu.vector_load_idx %arg14[%add3A_1603, %broadcast_in_dim3A_162] : memref<64x16xf32, #tpu.memory_space<vmem>>[vector<16xi32>, vector<16xi32>], vector<16xf32>,
    %mul3A_1632 = arith.mulf %gather3A_1631, %get3A_119 : vector<16xf32>
    %add3A_1633 = arith.addf %add3A_1630, %mul3A_1632 : vector<16xf32>
    %gather3A_1634 = tpu.vector_load_idx %arg14[%add3A_1603, %broadcast_in_dim3A_164] : memref<64x16xf32, #tpu.memory_space<vmem>>[vector<16xi32>, vector<16xi32>], vector<16xf32>,
    %mul3A_1635 = arith.mulf %gather3A_1634, %get3A_123 : vector<16xf32>
    %add3A_1636 = arith.addf %add3A_1633, %mul3A_1635 : vector<16xf32>
    %gather3A_1637 = tpu.vector_load_idx %arg14[%add3A_1603, %broadcast_in_dim3A_166] : memref<64x16xf32, #tpu.memory_space<vmem>>[vector<16xi32>, vector<16xi32>], vector<16xf32>,
    %mul3A_1638 = arith.mulf %gather3A_1637, %get3A_127 : vector<16xf32>
    %add3A_1639 = arith.addf %add3A_1636, %mul3A_1638 : vector<16xf32>
    %gather3A_1640 = tpu.vector_load_idx %arg14[%add3A_1603, %broadcast_in_dim3A_168] : memref<64x16xf32, #tpu.memory_space<vmem>>[vector<16xi32>, vector<16xi32>], vector<16xf32>,
    %mul3A_1641 = arith.mulf %gather3A_1640, %get3A_131 : vector<16xf32>
    %add3A_1642 = arith.addf %add3A_1639, %mul3A_1641 : vector<16xf32>
    %gather3A_1643 = tpu.vector_load_idx %arg14[%add3A_1603, %broadcast_in_dim3A_170] : memref<64x16xf32, #tpu.memory_space<vmem>>[vector<16xi32>, vector<16xi32>], vector<16xf32>,
    %mul3A_1644 = arith.mulf %gather3A_1643, %get3A_135 : vector<16xf32>
    %add3A_1645 = arith.addf %add3A_1642, %mul3A_1644 : vector<16xf32>
    %gather3A_1646 = tpu.vector_load_idx %arg14[%add3A_1603, %broadcast_in_dim3A_172] : memref<64x16xf32, #tpu.memory_space<vmem>>[vector<16xi32>, vector<16xi32>], vector<16xf32>,
    %mul3A_1647 = arith.mulf %gather3A_1646, %get3A_139 : vector<16xf32>
    %add3A_1648 = arith.addf %add3A_1645, %mul3A_1647 : vector<16xf32>
    %gather3A_1649 = tpu.vector_load_idx %arg14[%add3A_1603, %broadcast_in_dim3A_174] : memref<64x16xf32, #tpu.memory_space<vmem>>[vector<16xi32>, vector<16xi32>], vector<16xf32>,
    %mul3A_1650 = arith.mulf %gather3A_1649, %get3A_143 : vector<16xf32>
    %add3A_1651 = arith.addf %add3A_1648, %mul3A_1650 : vector<16xf32>
    %swap3A_1652 = arith.constant 416 : index
    %swap3A_1653 = tpu.vector_load %arg16[%swap3A_1652] {strides = array<i32>} : memref<512xf32, #tpu.memory_space<vmem>>, vector<16xf32>,
    tpu.vector_store %arg16[%swap3A_1652], %add3A_1651 {strides = array<i32>} : memref<512xf32, #tpu.memory_space<vmem>>, vector<16xf32>,
    %add3A_1654 = arith.constant 48 : i32
    %add3A_1655 = vector.broadcast %add3A_1654 : i32 to vector<16xi32>
    %add3A_1656 = arith.addi %add3A_1655, %iota3A : vector<16xi32>
    %gather3A_1657 = tpu.vector_load_idx %arg14[%add3A_1656, %broadcast_in_dim3A_144] : memref<64x16xf32, #tpu.memory_space<vmem>>[vector<16xi32>, vector<16xi32>], vector<16xf32>,
    %mul3A_1658 = arith.mulf %gather3A_1657, %get3A_83 : vector<16xf32>
    %add3A_1659 = arith.addf %get3A_176, %mul3A_1658 : vector<16xf32>
    %gather3A_1660 = tpu.vector_load_idx %arg14[%add3A_1656, %broadcast_in_dim3A_146] : memref<64x16xf32, #tpu.memory_space<vmem>>[vector<16xi32>, vector<16xi32>], vector<16xf32>,
    %mul3A_1661 = arith.mulf %gather3A_1660, %get3A_87 : vector<16xf32>
    %add3A_1662 = arith.addf %add3A_1659, %mul3A_1661 : vector<16xf32>
    %gather3A_1663 = tpu.vector_load_idx %arg14[%add3A_1656, %broadcast_in_dim3A_148] : memref<64x16xf32, #tpu.memory_space<vmem>>[vector<16xi32>, vector<16xi32>], vector<16xf32>,
    %mul3A_1664 = arith.mulf %gather3A_1663, %get3A_91 : vector<16xf32>
    %add3A_1665 = arith.addf %add3A_1662, %mul3A_1664 : vector<16xf32>
    %gather3A_1666 = tpu.vector_load_idx %arg14[%add3A_1656, %broadcast_in_dim3A_150] : memref<64x16xf32, #tpu.memory_space<vmem>>[vector<16xi32>, vector<16xi32>], vector<16xf32>,
    %mul3A_1667 = arith.mulf %gather3A_1666, %get3A_95 : vector<16xf32>
    %add3A_1668 = arith.addf %add3A_1665, %mul3A_1667 : vector<16xf32>
    %gather3A_1669 = tpu.vector_load_idx %arg14[%add3A_1656, %broadcast_in_dim3A_152] : memref<64x16xf32, #tpu.memory_space<vmem>>[vector<16xi32>, vector<16xi32>], vector<16xf32>,
    %mul3A_1670 = arith.mulf %gather3A_1669, %get3A_99 : vector<16xf32>
    %add3A_1671 = arith.addf %add3A_1668, %mul3A_1670 : vector<16xf32>
    %gather3A_1672 = tpu.vector_load_idx %arg14[%add3A_1656, %broadcast_in_dim3A_154] : memref<64x16xf32, #tpu.memory_space<vmem>>[vector<16xi32>, vector<16xi32>], vector<16xf32>,
    %mul3A_1673 = arith.mulf %gather3A_1672, %get3A_103 : vector<16xf32>
    %add3A_1674 = arith.addf %add3A_1671, %mul3A_1673 : vector<16xf32>
    %gather3A_1675 = tpu.vector_load_idx %arg14[%add3A_1656, %broadcast_in_dim3A_156] : memref<64x16xf32, #tpu.memory_space<vmem>>[vector<16xi32>, vector<16xi32>], vector<16xf32>,
    %mul3A_1676 = arith.mulf %gather3A_1675, %get3A_107 : vector<16xf32>
    %add3A_1677 = arith.addf %add3A_1674, %mul3A_1676 : vector<16xf32>
    %gather3A_1678 = tpu.vector_load_idx %arg14[%add3A_1656, %broadcast_in_dim3A_158] : memref<64x16xf32, #tpu.memory_space<vmem>>[vector<16xi32>, vector<16xi32>], vector<16xf32>,
    %mul3A_1679 = arith.mulf %gather3A_1678, %get3A_111 : vector<16xf32>
    %add3A_1680 = arith.addf %add3A_1677, %mul3A_1679 : vector<16xf32>
    %gather3A_1681 = tpu.vector_load_idx %arg14[%add3A_1656, %broadcast_in_dim3A_160] : memref<64x16xf32, #tpu.memory_space<vmem>>[vector<16xi32>, vector<16xi32>], vector<16xf32>,
    %mul3A_1682 = arith.mulf %gather3A_1681, %get3A_115 : vector<16xf32>
    %add3A_1683 = arith.addf %add3A_1680, %mul3A_1682 : vector<16xf32>
    %gather3A_1684 = tpu.vector_load_idx %arg14[%add3A_1656, %broadcast_in_dim3A_162] : memref<64x16xf32, #tpu.memory_space<vmem>>[vector<16xi32>, vector<16xi32>], vector<16xf32>,
    %mul3A_1685 = arith.mulf %gather3A_1684, %get3A_119 : vector<16xf32>
    %add3A_1686 = arith.addf %add3A_1683, %mul3A_1685 : vector<16xf32>
    %gather3A_1687 = tpu.vector_load_idx %arg14[%add3A_1656, %broadcast_in_dim3A_164] : memref<64x16xf32, #tpu.memory_space<vmem>>[vector<16xi32>, vector<16xi32>], vector<16xf32>,
    %mul3A_1688 = arith.mulf %gather3A_1687, %get3A_123 : vector<16xf32>
    %add3A_1689 = arith.addf %add3A_1686, %mul3A_1688 : vector<16xf32>
    %gather3A_1690 = tpu.vector_load_idx %arg14[%add3A_1656, %broadcast_in_dim3A_166] : memref<64x16xf32, #tpu.memory_space<vmem>>[vector<16xi32>, vector<16xi32>], vector<16xf32>,
    %mul3A_1691 = arith.mulf %gather3A_1690, %get3A_127 : vector<16xf32>
    %add3A_1692 = arith.addf %add3A_1689, %mul3A_1691 : vector<16xf32>
    %gather3A_1693 = tpu.vector_load_idx %arg14[%add3A_1656, %broadcast_in_dim3A_168] : memref<64x16xf32, #tpu.memory_space<vmem>>[vector<16xi32>, vector<16xi32>], vector<16xf32>,
    %mul3A_1694 = arith.mulf %gather3A_1693, %get3A_131 : vector<16xf32>
    %add3A_1695 = arith.addf %add3A_1692, %mul3A_1694 : vector<16xf32>
    %gather3A_1696 = tpu.vector_load_idx %arg14[%add3A_1656, %broadcast_in_dim3A_170] : memref<64x16xf32, #tpu.memory_space<vmem>>[vector<16xi32>, vector<16xi32>], vector<16xf32>,
    %mul3A_1697 = arith.mulf %gather3A_1696, %get3A_135 : vector<16xf32>
    %add3A_1698 = arith.addf %add3A_1695, %mul3A_1697 : vector<16xf32>
    %gather3A_1699 = tpu.vector_load_idx %arg14[%add3A_1656, %broadcast_in_dim3A_172] : memref<64x16xf32, #tpu.memory_space<vmem>>[vector<16xi32>, vector<16xi32>], vector<16xf32>,
    %mul3A_1700 = arith.mulf %gather3A_1699, %get3A_139 : vector<16xf32>
    %add3A_1701 = arith.addf %add3A_1698, %mul3A_1700 : vector<16xf32>
    %gather3A_1702 = tpu.vector_load_idx %arg14[%add3A_1656, %broadcast_in_dim3A_174] : memref<64x16xf32, #tpu.memory_space<vmem>>[vector<16xi32>, vector<16xi32>], vector<16xf32>,
    %mul3A_1703 = arith.mulf %gather3A_1702, %get3A_143 : vector<16xf32>
    %add3A_1704 = arith.addf %add3A_1701, %mul3A_1703 : vector<16xf32>
    %swap3A_1705 = arith.constant 432 : index
    %swap3A_1706 = tpu.vector_load %arg16[%swap3A_1705] {strides = array<i32>} : memref<512xf32, #tpu.memory_space<vmem>>, vector<16xf32>,
    tpu.vector_store %arg16[%swap3A_1705], %add3A_1704 {strides = array<i32>} : memref<512xf32, #tpu.memory_space<vmem>>, vector<16xf32>,
    %dma_wait3A_1707 = arith.constant 7 : i32
    %dma_wait3A_1708 = arith.constant 0 : i32
    %dma_wait3A_1709 = tpu.memref_slice %arg7[%dma_wait3A_1707, %dma_wait3A_1708] : memref<8x64xi32, #tpu.memory_space<vmem>> -> memref<1x64xi32, #tpu.memory_space<vmem>>
    %dma_wait3A_1710 = tpu.memref_squeeze %dma_wait3A_1709 : memref<1x64xi32, #tpu.memory_space<vmem>> -> memref<64xi32, #tpu.memory_space<vmem>>
    %dma_wait3A_1711 = arith.constant 0 : i32
    %dma_wait3A_1712 = arith.constant 0 : i32
    %dma_wait3A_1713 = tpu.memref_slice %arg3[%dma_wait3A_1711, %dma_wait3A_1712] : memref<1000000x16xf32, #tpu.memory_space<hbm>> -> memref<1000000x16xf32, #tpu.memory_space<hbm>>
    tpu.wait_indirect_dma semaphore(%arg19 : memref<!tpu.dma_semaphore, #tpu.memory_space<semaphore_mem>>) src(%dma_wait3A_1713 : memref<1000000x16xf32, #tpu.memory_space<hbm>>) dst(%arg15 : memref<64x16xf32, #tpu.memory_space<vmem>>)
    %add3A_1714 = arith.constant 0 : i32
    %add3A_1715 = vector.broadcast %add3A_1714 : i32 to vector<16xi32>
    %add3A_1716 = arith.addi %add3A_1715, %iota3A : vector<16xi32>
    %gather3A_1717 = tpu.vector_load_idx %arg15[%add3A_1716, %broadcast_in_dim3A_144] : memref<64x16xf32, #tpu.memory_space<vmem>>[vector<16xi32>, vector<16xi32>], vector<16xf32>,
    %mul3A_1718 = arith.mulf %gather3A_1717, %get3A_83 : vector<16xf32>
    %add3A_1719 = arith.addf %get3A_176, %mul3A_1718 : vector<16xf32>
    %gather3A_1720 = tpu.vector_load_idx %arg15[%add3A_1716, %broadcast_in_dim3A_146] : memref<64x16xf32, #tpu.memory_space<vmem>>[vector<16xi32>, vector<16xi32>], vector<16xf32>,
    %mul3A_1721 = arith.mulf %gather3A_1720, %get3A_87 : vector<16xf32>
    %add3A_1722 = arith.addf %add3A_1719, %mul3A_1721 : vector<16xf32>
    %gather3A_1723 = tpu.vector_load_idx %arg15[%add3A_1716, %broadcast_in_dim3A_148] : memref<64x16xf32, #tpu.memory_space<vmem>>[vector<16xi32>, vector<16xi32>], vector<16xf32>,
    %mul3A_1724 = arith.mulf %gather3A_1723, %get3A_91 : vector<16xf32>
    %add3A_1725 = arith.addf %add3A_1722, %mul3A_1724 : vector<16xf32>
    %gather3A_1726 = tpu.vector_load_idx %arg15[%add3A_1716, %broadcast_in_dim3A_150] : memref<64x16xf32, #tpu.memory_space<vmem>>[vector<16xi32>, vector<16xi32>], vector<16xf32>,
    %mul3A_1727 = arith.mulf %gather3A_1726, %get3A_95 : vector<16xf32>
    %add3A_1728 = arith.addf %add3A_1725, %mul3A_1727 : vector<16xf32>
    %gather3A_1729 = tpu.vector_load_idx %arg15[%add3A_1716, %broadcast_in_dim3A_152] : memref<64x16xf32, #tpu.memory_space<vmem>>[vector<16xi32>, vector<16xi32>], vector<16xf32>,
    %mul3A_1730 = arith.mulf %gather3A_1729, %get3A_99 : vector<16xf32>
    %add3A_1731 = arith.addf %add3A_1728, %mul3A_1730 : vector<16xf32>
    %gather3A_1732 = tpu.vector_load_idx %arg15[%add3A_1716, %broadcast_in_dim3A_154] : memref<64x16xf32, #tpu.memory_space<vmem>>[vector<16xi32>, vector<16xi32>], vector<16xf32>,
    %mul3A_1733 = arith.mulf %gather3A_1732, %get3A_103 : vector<16xf32>
    %add3A_1734 = arith.addf %add3A_1731, %mul3A_1733 : vector<16xf32>
    %gather3A_1735 = tpu.vector_load_idx %arg15[%add3A_1716, %broadcast_in_dim3A_156] : memref<64x16xf32, #tpu.memory_space<vmem>>[vector<16xi32>, vector<16xi32>], vector<16xf32>,
    %mul3A_1736 = arith.mulf %gather3A_1735, %get3A_107 : vector<16xf32>
    %add3A_1737 = arith.addf %add3A_1734, %mul3A_1736 : vector<16xf32>
    %gather3A_1738 = tpu.vector_load_idx %arg15[%add3A_1716, %broadcast_in_dim3A_158] : memref<64x16xf32, #tpu.memory_space<vmem>>[vector<16xi32>, vector<16xi32>], vector<16xf32>,
    %mul3A_1739 = arith.mulf %gather3A_1738, %get3A_111 : vector<16xf32>
    %add3A_1740 = arith.addf %add3A_1737, %mul3A_1739 : vector<16xf32>
    %gather3A_1741 = tpu.vector_load_idx %arg15[%add3A_1716, %broadcast_in_dim3A_160] : memref<64x16xf32, #tpu.memory_space<vmem>>[vector<16xi32>, vector<16xi32>], vector<16xf32>,
    %mul3A_1742 = arith.mulf %gather3A_1741, %get3A_115 : vector<16xf32>
    %add3A_1743 = arith.addf %add3A_1740, %mul3A_1742 : vector<16xf32>
    %gather3A_1744 = tpu.vector_load_idx %arg15[%add3A_1716, %broadcast_in_dim3A_162] : memref<64x16xf32, #tpu.memory_space<vmem>>[vector<16xi32>, vector<16xi32>], vector<16xf32>,
    %mul3A_1745 = arith.mulf %gather3A_1744, %get3A_119 : vector<16xf32>
    %add3A_1746 = arith.addf %add3A_1743, %mul3A_1745 : vector<16xf32>
    %gather3A_1747 = tpu.vector_load_idx %arg15[%add3A_1716, %broadcast_in_dim3A_164] : memref<64x16xf32, #tpu.memory_space<vmem>>[vector<16xi32>, vector<16xi32>], vector<16xf32>,
    %mul3A_1748 = arith.mulf %gather3A_1747, %get3A_123 : vector<16xf32>
    %add3A_1749 = arith.addf %add3A_1746, %mul3A_1748 : vector<16xf32>
    %gather3A_1750 = tpu.vector_load_idx %arg15[%add3A_1716, %broadcast_in_dim3A_166] : memref<64x16xf32, #tpu.memory_space<vmem>>[vector<16xi32>, vector<16xi32>], vector<16xf32>,
    %mul3A_1751 = arith.mulf %gather3A_1750, %get3A_127 : vector<16xf32>
    %add3A_1752 = arith.addf %add3A_1749, %mul3A_1751 : vector<16xf32>
    %gather3A_1753 = tpu.vector_load_idx %arg15[%add3A_1716, %broadcast_in_dim3A_168] : memref<64x16xf32, #tpu.memory_space<vmem>>[vector<16xi32>, vector<16xi32>], vector<16xf32>,
    %mul3A_1754 = arith.mulf %gather3A_1753, %get3A_131 : vector<16xf32>
    %add3A_1755 = arith.addf %add3A_1752, %mul3A_1754 : vector<16xf32>
    %gather3A_1756 = tpu.vector_load_idx %arg15[%add3A_1716, %broadcast_in_dim3A_170] : memref<64x16xf32, #tpu.memory_space<vmem>>[vector<16xi32>, vector<16xi32>], vector<16xf32>,
    %mul3A_1757 = arith.mulf %gather3A_1756, %get3A_135 : vector<16xf32>
    %add3A_1758 = arith.addf %add3A_1755, %mul3A_1757 : vector<16xf32>
    %gather3A_1759 = tpu.vector_load_idx %arg15[%add3A_1716, %broadcast_in_dim3A_172] : memref<64x16xf32, #tpu.memory_space<vmem>>[vector<16xi32>, vector<16xi32>], vector<16xf32>,
    %mul3A_1760 = arith.mulf %gather3A_1759, %get3A_139 : vector<16xf32>
    %add3A_1761 = arith.addf %add3A_1758, %mul3A_1760 : vector<16xf32>
    %gather3A_1762 = tpu.vector_load_idx %arg15[%add3A_1716, %broadcast_in_dim3A_174] : memref<64x16xf32, #tpu.memory_space<vmem>>[vector<16xi32>, vector<16xi32>], vector<16xf32>,
    %mul3A_1763 = arith.mulf %gather3A_1762, %get3A_143 : vector<16xf32>
    %add3A_1764 = arith.addf %add3A_1761, %mul3A_1763 : vector<16xf32>
    %swap3A_1765 = arith.constant 448 : index
    %swap3A_1766 = tpu.vector_load %arg16[%swap3A_1765] {strides = array<i32>} : memref<512xf32, #tpu.memory_space<vmem>>, vector<16xf32>,
    tpu.vector_store %arg16[%swap3A_1765], %add3A_1764 {strides = array<i32>} : memref<512xf32, #tpu.memory_space<vmem>>, vector<16xf32>,
    %add3A_1767 = arith.constant 16 : i32
    %add3A_1768 = vector.broadcast %add3A_1767 : i32 to vector<16xi32>
    %add3A_1769 = arith.addi %add3A_1768, %iota3A : vector<16xi32>
    %gather3A_1770 = tpu.vector_load_idx %arg15[%add3A_1769, %broadcast_in_dim3A_144] : memref<64x16xf32, #tpu.memory_space<vmem>>[vector<16xi32>, vector<16xi32>], vector<16xf32>,
    %mul3A_1771 = arith.mulf %gather3A_1770, %get3A_83 : vector<16xf32>
    %add3A_1772 = arith.addf %get3A_176, %mul3A_1771 : vector<16xf32>
    %gather3A_1773 = tpu.vector_load_idx %arg15[%add3A_1769, %broadcast_in_dim3A_146] : memref<64x16xf32, #tpu.memory_space<vmem>>[vector<16xi32>, vector<16xi32>], vector<16xf32>,
    %mul3A_1774 = arith.mulf %gather3A_1773, %get3A_87 : vector<16xf32>
    %add3A_1775 = arith.addf %add3A_1772, %mul3A_1774 : vector<16xf32>
    %gather3A_1776 = tpu.vector_load_idx %arg15[%add3A_1769, %broadcast_in_dim3A_148] : memref<64x16xf32, #tpu.memory_space<vmem>>[vector<16xi32>, vector<16xi32>], vector<16xf32>,
    %mul3A_1777 = arith.mulf %gather3A_1776, %get3A_91 : vector<16xf32>
    %add3A_1778 = arith.addf %add3A_1775, %mul3A_1777 : vector<16xf32>
    %gather3A_1779 = tpu.vector_load_idx %arg15[%add3A_1769, %broadcast_in_dim3A_150] : memref<64x16xf32, #tpu.memory_space<vmem>>[vector<16xi32>, vector<16xi32>], vector<16xf32>,
    %mul3A_1780 = arith.mulf %gather3A_1779, %get3A_95 : vector<16xf32>
    %add3A_1781 = arith.addf %add3A_1778, %mul3A_1780 : vector<16xf32>
    %gather3A_1782 = tpu.vector_load_idx %arg15[%add3A_1769, %broadcast_in_dim3A_152] : memref<64x16xf32, #tpu.memory_space<vmem>>[vector<16xi32>, vector<16xi32>], vector<16xf32>,
    %mul3A_1783 = arith.mulf %gather3A_1782, %get3A_99 : vector<16xf32>
    %add3A_1784 = arith.addf %add3A_1781, %mul3A_1783 : vector<16xf32>
    %gather3A_1785 = tpu.vector_load_idx %arg15[%add3A_1769, %broadcast_in_dim3A_154] : memref<64x16xf32, #tpu.memory_space<vmem>>[vector<16xi32>, vector<16xi32>], vector<16xf32>,
    %mul3A_1786 = arith.mulf %gather3A_1785, %get3A_103 : vector<16xf32>
    %add3A_1787 = arith.addf %add3A_1784, %mul3A_1786 : vector<16xf32>
    %gather3A_1788 = tpu.vector_load_idx %arg15[%add3A_1769, %broadcast_in_dim3A_156] : memref<64x16xf32, #tpu.memory_space<vmem>>[vector<16xi32>, vector<16xi32>], vector<16xf32>,
    %mul3A_1789 = arith.mulf %gather3A_1788, %get3A_107 : vector<16xf32>
    %add3A_1790 = arith.addf %add3A_1787, %mul3A_1789 : vector<16xf32>
    %gather3A_1791 = tpu.vector_load_idx %arg15[%add3A_1769, %broadcast_in_dim3A_158] : memref<64x16xf32, #tpu.memory_space<vmem>>[vector<16xi32>, vector<16xi32>], vector<16xf32>,
    %mul3A_1792 = arith.mulf %gather3A_1791, %get3A_111 : vector<16xf32>
    %add3A_1793 = arith.addf %add3A_1790, %mul3A_1792 : vector<16xf32>
    %gather3A_1794 = tpu.vector_load_idx %arg15[%add3A_1769, %broadcast_in_dim3A_160] : memref<64x16xf32, #tpu.memory_space<vmem>>[vector<16xi32>, vector<16xi32>], vector<16xf32>,
    %mul3A_1795 = arith.mulf %gather3A_1794, %get3A_115 : vector<16xf32>
    %add3A_1796 = arith.addf %add3A_1793, %mul3A_1795 : vector<16xf32>
    %gather3A_1797 = tpu.vector_load_idx %arg15[%add3A_1769, %broadcast_in_dim3A_162] : memref<64x16xf32, #tpu.memory_space<vmem>>[vector<16xi32>, vector<16xi32>], vector<16xf32>,
    %mul3A_1798 = arith.mulf %gather3A_1797, %get3A_119 : vector<16xf32>
    %add3A_1799 = arith.addf %add3A_1796, %mul3A_1798 : vector<16xf32>
    %gather3A_1800 = tpu.vector_load_idx %arg15[%add3A_1769, %broadcast_in_dim3A_164] : memref<64x16xf32, #tpu.memory_space<vmem>>[vector<16xi32>, vector<16xi32>], vector<16xf32>,
    %mul3A_1801 = arith.mulf %gather3A_1800, %get3A_123 : vector<16xf32>
    %add3A_1802 = arith.addf %add3A_1799, %mul3A_1801 : vector<16xf32>
    %gather3A_1803 = tpu.vector_load_idx %arg15[%add3A_1769, %broadcast_in_dim3A_166] : memref<64x16xf32, #tpu.memory_space<vmem>>[vector<16xi32>, vector<16xi32>], vector<16xf32>,
    %mul3A_1804 = arith.mulf %gather3A_1803, %get3A_127 : vector<16xf32>
    %add3A_1805 = arith.addf %add3A_1802, %mul3A_1804 : vector<16xf32>
    %gather3A_1806 = tpu.vector_load_idx %arg15[%add3A_1769, %broadcast_in_dim3A_168] : memref<64x16xf32, #tpu.memory_space<vmem>>[vector<16xi32>, vector<16xi32>], vector<16xf32>,
    %mul3A_1807 = arith.mulf %gather3A_1806, %get3A_131 : vector<16xf32>
    %add3A_1808 = arith.addf %add3A_1805, %mul3A_1807 : vector<16xf32>
    %gather3A_1809 = tpu.vector_load_idx %arg15[%add3A_1769, %broadcast_in_dim3A_170] : memref<64x16xf32, #tpu.memory_space<vmem>>[vector<16xi32>, vector<16xi32>], vector<16xf32>,
    %mul3A_1810 = arith.mulf %gather3A_1809, %get3A_135 : vector<16xf32>
    %add3A_1811 = arith.addf %add3A_1808, %mul3A_1810 : vector<16xf32>
    %gather3A_1812 = tpu.vector_load_idx %arg15[%add3A_1769, %broadcast_in_dim3A_172] : memref<64x16xf32, #tpu.memory_space<vmem>>[vector<16xi32>, vector<16xi32>], vector<16xf32>,
    %mul3A_1813 = arith.mulf %gather3A_1812, %get3A_139 : vector<16xf32>
    %add3A_1814 = arith.addf %add3A_1811, %mul3A_1813 : vector<16xf32>
    %gather3A_1815 = tpu.vector_load_idx %arg15[%add3A_1769, %broadcast_in_dim3A_174] : memref<64x16xf32, #tpu.memory_space<vmem>>[vector<16xi32>, vector<16xi32>], vector<16xf32>,
    %mul3A_1816 = arith.mulf %gather3A_1815, %get3A_143 : vector<16xf32>
    %add3A_1817 = arith.addf %add3A_1814, %mul3A_1816 : vector<16xf32>
    %swap3A_1818 = arith.constant 464 : index
    %swap3A_1819 = tpu.vector_load %arg16[%swap3A_1818] {strides = array<i32>} : memref<512xf32, #tpu.memory_space<vmem>>, vector<16xf32>,
    tpu.vector_store %arg16[%swap3A_1818], %add3A_1817 {strides = array<i32>} : memref<512xf32, #tpu.memory_space<vmem>>, vector<16xf32>,
    %add3A_1820 = arith.constant 32 : i32
    %add3A_1821 = vector.broadcast %add3A_1820 : i32 to vector<16xi32>
    %add3A_1822 = arith.addi %add3A_1821, %iota3A : vector<16xi32>
    %gather3A_1823 = tpu.vector_load_idx %arg15[%add3A_1822, %broadcast_in_dim3A_144] : memref<64x16xf32, #tpu.memory_space<vmem>>[vector<16xi32>, vector<16xi32>], vector<16xf32>,
    %mul3A_1824 = arith.mulf %gather3A_1823, %get3A_83 : vector<16xf32>
    %add3A_1825 = arith.addf %get3A_176, %mul3A_1824 : vector<16xf32>
    %gather3A_1826 = tpu.vector_load_idx %arg15[%add3A_1822, %broadcast_in_dim3A_146] : memref<64x16xf32, #tpu.memory_space<vmem>>[vector<16xi32>, vector<16xi32>], vector<16xf32>,
    %mul3A_1827 = arith.mulf %gather3A_1826, %get3A_87 : vector<16xf32>
    %add3A_1828 = arith.addf %add3A_1825, %mul3A_1827 : vector<16xf32>
    %gather3A_1829 = tpu.vector_load_idx %arg15[%add3A_1822, %broadcast_in_dim3A_148] : memref<64x16xf32, #tpu.memory_space<vmem>>[vector<16xi32>, vector<16xi32>], vector<16xf32>,
    %mul3A_1830 = arith.mulf %gather3A_1829, %get3A_91 : vector<16xf32>
    %add3A_1831 = arith.addf %add3A_1828, %mul3A_1830 : vector<16xf32>
    %gather3A_1832 = tpu.vector_load_idx %arg15[%add3A_1822, %broadcast_in_dim3A_150] : memref<64x16xf32, #tpu.memory_space<vmem>>[vector<16xi32>, vector<16xi32>], vector<16xf32>,
    %mul3A_1833 = arith.mulf %gather3A_1832, %get3A_95 : vector<16xf32>
    %add3A_1834 = arith.addf %add3A_1831, %mul3A_1833 : vector<16xf32>
    %gather3A_1835 = tpu.vector_load_idx %arg15[%add3A_1822, %broadcast_in_dim3A_152] : memref<64x16xf32, #tpu.memory_space<vmem>>[vector<16xi32>, vector<16xi32>], vector<16xf32>,
    %mul3A_1836 = arith.mulf %gather3A_1835, %get3A_99 : vector<16xf32>
    %add3A_1837 = arith.addf %add3A_1834, %mul3A_1836 : vector<16xf32>
    %gather3A_1838 = tpu.vector_load_idx %arg15[%add3A_1822, %broadcast_in_dim3A_154] : memref<64x16xf32, #tpu.memory_space<vmem>>[vector<16xi32>, vector<16xi32>], vector<16xf32>,
    %mul3A_1839 = arith.mulf %gather3A_1838, %get3A_103 : vector<16xf32>
    %add3A_1840 = arith.addf %add3A_1837, %mul3A_1839 : vector<16xf32>
    %gather3A_1841 = tpu.vector_load_idx %arg15[%add3A_1822, %broadcast_in_dim3A_156] : memref<64x16xf32, #tpu.memory_space<vmem>>[vector<16xi32>, vector<16xi32>], vector<16xf32>,
    %mul3A_1842 = arith.mulf %gather3A_1841, %get3A_107 : vector<16xf32>
    %add3A_1843 = arith.addf %add3A_1840, %mul3A_1842 : vector<16xf32>
    %gather3A_1844 = tpu.vector_load_idx %arg15[%add3A_1822, %broadcast_in_dim3A_158] : memref<64x16xf32, #tpu.memory_space<vmem>>[vector<16xi32>, vector<16xi32>], vector<16xf32>,
    %mul3A_1845 = arith.mulf %gather3A_1844, %get3A_111 : vector<16xf32>
    %add3A_1846 = arith.addf %add3A_1843, %mul3A_1845 : vector<16xf32>
    %gather3A_1847 = tpu.vector_load_idx %arg15[%add3A_1822, %broadcast_in_dim3A_160] : memref<64x16xf32, #tpu.memory_space<vmem>>[vector<16xi32>, vector<16xi32>], vector<16xf32>,
    %mul3A_1848 = arith.mulf %gather3A_1847, %get3A_115 : vector<16xf32>
    %add3A_1849 = arith.addf %add3A_1846, %mul3A_1848 : vector<16xf32>
    %gather3A_1850 = tpu.vector_load_idx %arg15[%add3A_1822, %broadcast_in_dim3A_162] : memref<64x16xf32, #tpu.memory_space<vmem>>[vector<16xi32>, vector<16xi32>], vector<16xf32>,
    %mul3A_1851 = arith.mulf %gather3A_1850, %get3A_119 : vector<16xf32>
    %add3A_1852 = arith.addf %add3A_1849, %mul3A_1851 : vector<16xf32>
    %gather3A_1853 = tpu.vector_load_idx %arg15[%add3A_1822, %broadcast_in_dim3A_164] : memref<64x16xf32, #tpu.memory_space<vmem>>[vector<16xi32>, vector<16xi32>], vector<16xf32>,
    %mul3A_1854 = arith.mulf %gather3A_1853, %get3A_123 : vector<16xf32>
    %add3A_1855 = arith.addf %add3A_1852, %mul3A_1854 : vector<16xf32>
    %gather3A_1856 = tpu.vector_load_idx %arg15[%add3A_1822, %broadcast_in_dim3A_166] : memref<64x16xf32, #tpu.memory_space<vmem>>[vector<16xi32>, vector<16xi32>], vector<16xf32>,
    %mul3A_1857 = arith.mulf %gather3A_1856, %get3A_127 : vector<16xf32>
    %add3A_1858 = arith.addf %add3A_1855, %mul3A_1857 : vector<16xf32>
    %gather3A_1859 = tpu.vector_load_idx %arg15[%add3A_1822, %broadcast_in_dim3A_168] : memref<64x16xf32, #tpu.memory_space<vmem>>[vector<16xi32>, vector<16xi32>], vector<16xf32>,
    %mul3A_1860 = arith.mulf %gather3A_1859, %get3A_131 : vector<16xf32>
    %add3A_1861 = arith.addf %add3A_1858, %mul3A_1860 : vector<16xf32>
    %gather3A_1862 = tpu.vector_load_idx %arg15[%add3A_1822, %broadcast_in_dim3A_170] : memref<64x16xf32, #tpu.memory_space<vmem>>[vector<16xi32>, vector<16xi32>], vector<16xf32>,
    %mul3A_1863 = arith.mulf %gather3A_1862, %get3A_135 : vector<16xf32>
    %add3A_1864 = arith.addf %add3A_1861, %mul3A_1863 : vector<16xf32>
    %gather3A_1865 = tpu.vector_load_idx %arg15[%add3A_1822, %broadcast_in_dim3A_172] : memref<64x16xf32, #tpu.memory_space<vmem>>[vector<16xi32>, vector<16xi32>], vector<16xf32>,
    %mul3A_1866 = arith.mulf %gather3A_1865, %get3A_139 : vector<16xf32>
    %add3A_1867 = arith.addf %add3A_1864, %mul3A_1866 : vector<16xf32>
    %gather3A_1868 = tpu.vector_load_idx %arg15[%add3A_1822, %broadcast_in_dim3A_174] : memref<64x16xf32, #tpu.memory_space<vmem>>[vector<16xi32>, vector<16xi32>], vector<16xf32>,
    %mul3A_1869 = arith.mulf %gather3A_1868, %get3A_143 : vector<16xf32>
    %add3A_1870 = arith.addf %add3A_1867, %mul3A_1869 : vector<16xf32>
    %swap3A_1871 = arith.constant 480 : index
    %swap3A_1872 = tpu.vector_load %arg16[%swap3A_1871] {strides = array<i32>} : memref<512xf32, #tpu.memory_space<vmem>>, vector<16xf32>,
    tpu.vector_store %arg16[%swap3A_1871], %add3A_1870 {strides = array<i32>} : memref<512xf32, #tpu.memory_space<vmem>>, vector<16xf32>,
    %add3A_1873 = arith.constant 48 : i32
    %add3A_1874 = vector.broadcast %add3A_1873 : i32 to vector<16xi32>
    %add3A_1875 = arith.addi %add3A_1874, %iota3A : vector<16xi32>
    %gather3A_1876 = tpu.vector_load_idx %arg15[%add3A_1875, %broadcast_in_dim3A_144] : memref<64x16xf32, #tpu.memory_space<vmem>>[vector<16xi32>, vector<16xi32>], vector<16xf32>,
    %mul3A_1877 = arith.mulf %gather3A_1876, %get3A_83 : vector<16xf32>
    %add3A_1878 = arith.addf %get3A_176, %mul3A_1877 : vector<16xf32>
    %gather3A_1879 = tpu.vector_load_idx %arg15[%add3A_1875, %broadcast_in_dim3A_146] : memref<64x16xf32, #tpu.memory_space<vmem>>[vector<16xi32>, vector<16xi32>], vector<16xf32>,
    %mul3A_1880 = arith.mulf %gather3A_1879, %get3A_87 : vector<16xf32>
    %add3A_1881 = arith.addf %add3A_1878, %mul3A_1880 : vector<16xf32>
    %gather3A_1882 = tpu.vector_load_idx %arg15[%add3A_1875, %broadcast_in_dim3A_148] : memref<64x16xf32, #tpu.memory_space<vmem>>[vector<16xi32>, vector<16xi32>], vector<16xf32>,
    %mul3A_1883 = arith.mulf %gather3A_1882, %get3A_91 : vector<16xf32>
    %add3A_1884 = arith.addf %add3A_1881, %mul3A_1883 : vector<16xf32>
    %gather3A_1885 = tpu.vector_load_idx %arg15[%add3A_1875, %broadcast_in_dim3A_150] : memref<64x16xf32, #tpu.memory_space<vmem>>[vector<16xi32>, vector<16xi32>], vector<16xf32>,
    %mul3A_1886 = arith.mulf %gather3A_1885, %get3A_95 : vector<16xf32>
    %add3A_1887 = arith.addf %add3A_1884, %mul3A_1886 : vector<16xf32>
    %gather3A_1888 = tpu.vector_load_idx %arg15[%add3A_1875, %broadcast_in_dim3A_152] : memref<64x16xf32, #tpu.memory_space<vmem>>[vector<16xi32>, vector<16xi32>], vector<16xf32>,
    %mul3A_1889 = arith.mulf %gather3A_1888, %get3A_99 : vector<16xf32>
    %add3A_1890 = arith.addf %add3A_1887, %mul3A_1889 : vector<16xf32>
    %gather3A_1891 = tpu.vector_load_idx %arg15[%add3A_1875, %broadcast_in_dim3A_154] : memref<64x16xf32, #tpu.memory_space<vmem>>[vector<16xi32>, vector<16xi32>], vector<16xf32>,
    %mul3A_1892 = arith.mulf %gather3A_1891, %get3A_103 : vector<16xf32>
    %add3A_1893 = arith.addf %add3A_1890, %mul3A_1892 : vector<16xf32>
    %gather3A_1894 = tpu.vector_load_idx %arg15[%add3A_1875, %broadcast_in_dim3A_156] : memref<64x16xf32, #tpu.memory_space<vmem>>[vector<16xi32>, vector<16xi32>], vector<16xf32>,
    %mul3A_1895 = arith.mulf %gather3A_1894, %get3A_107 : vector<16xf32>
    %add3A_1896 = arith.addf %add3A_1893, %mul3A_1895 : vector<16xf32>
    %gather3A_1897 = tpu.vector_load_idx %arg15[%add3A_1875, %broadcast_in_dim3A_158] : memref<64x16xf32, #tpu.memory_space<vmem>>[vector<16xi32>, vector<16xi32>], vector<16xf32>,
    %mul3A_1898 = arith.mulf %gather3A_1897, %get3A_111 : vector<16xf32>
    %add3A_1899 = arith.addf %add3A_1896, %mul3A_1898 : vector<16xf32>
    %gather3A_1900 = tpu.vector_load_idx %arg15[%add3A_1875, %broadcast_in_dim3A_160] : memref<64x16xf32, #tpu.memory_space<vmem>>[vector<16xi32>, vector<16xi32>], vector<16xf32>,
    %mul3A_1901 = arith.mulf %gather3A_1900, %get3A_115 : vector<16xf32>
    %add3A_1902 = arith.addf %add3A_1899, %mul3A_1901 : vector<16xf32>
    %gather3A_1903 = tpu.vector_load_idx %arg15[%add3A_1875, %broadcast_in_dim3A_162] : memref<64x16xf32, #tpu.memory_space<vmem>>[vector<16xi32>, vector<16xi32>], vector<16xf32>,
    %mul3A_1904 = arith.mulf %gather3A_1903, %get3A_119 : vector<16xf32>
    %add3A_1905 = arith.addf %add3A_1902, %mul3A_1904 : vector<16xf32>
    %gather3A_1906 = tpu.vector_load_idx %arg15[%add3A_1875, %broadcast_in_dim3A_164] : memref<64x16xf32, #tpu.memory_space<vmem>>[vector<16xi32>, vector<16xi32>], vector<16xf32>,
    %mul3A_1907 = arith.mulf %gather3A_1906, %get3A_123 : vector<16xf32>
    %add3A_1908 = arith.addf %add3A_1905, %mul3A_1907 : vector<16xf32>
    %gather3A_1909 = tpu.vector_load_idx %arg15[%add3A_1875, %broadcast_in_dim3A_166] : memref<64x16xf32, #tpu.memory_space<vmem>>[vector<16xi32>, vector<16xi32>], vector<16xf32>,
    %mul3A_1910 = arith.mulf %gather3A_1909, %get3A_127 : vector<16xf32>
    %add3A_1911 = arith.addf %add3A_1908, %mul3A_1910 : vector<16xf32>
    %gather3A_1912 = tpu.vector_load_idx %arg15[%add3A_1875, %broadcast_in_dim3A_168] : memref<64x16xf32, #tpu.memory_space<vmem>>[vector<16xi32>, vector<16xi32>], vector<16xf32>,
    %mul3A_1913 = arith.mulf %gather3A_1912, %get3A_131 : vector<16xf32>
    %add3A_1914 = arith.addf %add3A_1911, %mul3A_1913 : vector<16xf32>
    %gather3A_1915 = tpu.vector_load_idx %arg15[%add3A_1875, %broadcast_in_dim3A_170] : memref<64x16xf32, #tpu.memory_space<vmem>>[vector<16xi32>, vector<16xi32>], vector<16xf32>,
    %mul3A_1916 = arith.mulf %gather3A_1915, %get3A_135 : vector<16xf32>
    %add3A_1917 = arith.addf %add3A_1914, %mul3A_1916 : vector<16xf32>
    %gather3A_1918 = tpu.vector_load_idx %arg15[%add3A_1875, %broadcast_in_dim3A_172] : memref<64x16xf32, #tpu.memory_space<vmem>>[vector<16xi32>, vector<16xi32>], vector<16xf32>,
    %mul3A_1919 = arith.mulf %gather3A_1918, %get3A_139 : vector<16xf32>
    %add3A_1920 = arith.addf %add3A_1917, %mul3A_1919 : vector<16xf32>
    %gather3A_1921 = tpu.vector_load_idx %arg15[%add3A_1875, %broadcast_in_dim3A_174] : memref<64x16xf32, #tpu.memory_space<vmem>>[vector<16xi32>, vector<16xi32>], vector<16xf32>,
    %mul3A_1922 = arith.mulf %gather3A_1921, %get3A_143 : vector<16xf32>
    %add3A_1923 = arith.addf %add3A_1920, %mul3A_1922 : vector<16xf32>
    %swap3A_1924 = arith.constant 496 : index
    %swap3A_1925 = tpu.vector_load %arg16[%swap3A_1924] {strides = array<i32>} : memref<512xf32, #tpu.memory_space<vmem>>, vector<16xf32>,
    tpu.vector_store %arg16[%swap3A_1924], %add3A_1923 {strides = array<i32>} : memref<512xf32, #tpu.memory_space<vmem>>, vector<16xf32>,
    "tpu.region"() ({
      %run_scoped3A_1926 = tpu.sem_alloc : memref<!tpu.dma_semaphore, #tpu.memory_space<semaphore_mem>>
      %dma_start3A_1927 = tpu.memref_slice %arg6[%mul3A_2] : memref<16384xf32, #tpu.memory_space<hbm>> -> memref<512xf32, #tpu.memory_space<hbm>>
      %dma_start3A_1928 = tpu.memref_slice %arg6[%mul3A_2] : memref<16384xf32, #tpu.memory_space<hbm>> -> memref<512xf32, #tpu.memory_space<hbm>>
      tpu.enqueue_dma source(%arg16 : memref<512xf32, #tpu.memory_space<vmem>>) target(%dma_start3A_1928 : memref<512xf32, #tpu.memory_space<hbm>>) target_semaphore(%run_scoped3A_1926 : memref<!tpu.dma_semaphore, #tpu.memory_space<semaphore_mem>>)
      %dma_wait3A_1929 = tpu.memref_slice %arg6[%mul3A_2] : memref<16384xf32, #tpu.memory_space<hbm>> -> memref<512xf32, #tpu.memory_space<hbm>>
      %dma_wait3A_1930 = tpu.memref_slice %arg6[%mul3A_2] : memref<16384xf32, #tpu.memory_space<hbm>> -> memref<512xf32, #tpu.memory_space<hbm>>
      tpu.wait_dma2 semaphore(%run_scoped3A_1926 : memref<!tpu.dma_semaphore, #tpu.memory_space<semaphore_mem>>) src(%arg16 : memref<512xf32, #tpu.memory_space<vmem>>) dst(%dma_wait3A_1930 : memref<512xf32, #tpu.memory_space<hbm>>)
      tpu.yield
    }) : () -> ()
    return
  }
}

</mosaic_0001>

<sc_bundles>
// kernel: kernel.3.cloned.1.call-start
scs
__scs_entry_jumppad:
0x0: {  	(pc) =	sbr.rel $0x88, $3  }
0x1: {  	(tag) =	ssettag $0x0;
	lr =	simm.s32 $0x1  }
0x2: {  	[smem:$0x3F9D] =	sst lr;
	_ =	strace $0xD0000000  }
0x3: {  	_ = 	snop  }
0x4: {  	_ = 	snop  }
0x5: {  	_ = 	snop  }
0x6: {  	_ = 	snop  }
0x7: {  	_ = 	snop  }
__scs_overlays_trampoline_lowered:
0x8: {  	[smem:$0x3FAC] =	sst s0  }
0x9: {  	[smem:$0x3FAD] =	sst s1  }
0xa: {  	[smem:$0x3FAE] =	sst s2  }
0xb: {  	[smem:$0x3FAF] =	sst s3  }
0xc: {  	[smem:$0x3FB0] =	sst s4  }
0xd: {  	[smem:$0x3FB1] =	sst s5  }
0xe: {  	[smem:$0x3FB2] =	sst s6  }
0xf: {  	[smem:$0x3FB3] =	sst s7  }
0x10: {  	[smem:$0x3FB4] =	sst s8  }
0x11: {  	[smem:$0x3FB5] =	sst s9;
	s0 =	simm.s32 @!p0 $0x0  }
0x12: {  	s1 =	sld [smem:$0x3F9B];
	s0 =	simm.s32 @p0 $0x1  }
0x13: {  	[smem:$0x3FB6] =	sst s0;
	s0 =	simm.s32 @!p1 $0x0  }
0x14: {  	s2 =	sld [smem:$0x3F9A];
	s0 =	simm.s32 @p1 $0x1  }
0x15: {  	[smem:$0x3FB7] =	sst s0;
	s0 =	simm.s32 @!p2 $0x0  }
0x16: {  	s3 =	sld [smem:$0x3FDB];
	s0 =	simm.s32 @p2 $0x1  }
0x17: {  	s4 =	simm.s32 $0x1BF5;
	[smem:$0x3FB9] =	sst s0  }
0x18: {  	s0 =	sld [smem:$0x3F9C];
	_ =	swait.ge [sflag:s4], $0x0  }
0x19: {  	s7 =	sld [smem:$0x3F9D]  }
0x1a: {  	s8 =	sadd.s32 $0xFFFFE003, lr  }
0x1b: {  	s9 =	sadd.s32 $0xFFFFFEF7, lr;
	s5 =	simm.s32 $0xFFFFFFFF;
	p2 =	slt.u32 s8, $0xFFFFF086  }
0x1c: {  	p1 =	slt.u32 s9, $0xF7A;
	s5 =	simm.s32 @!p2 $0x0  }
0x1d: {  	s5 =	simm.s32 @p1 $0x1;
	p0 =	seq.s32 s7, s2  }
0x1e: {  	s7 =	smul.u32 @!p0 $0xF7A, s2;
	p2 =	seq.s32 @!p0 s5, $0x0  }
0x1f: {  	s9 =	smul.u32 $0xF7A, s1;
	s8 =	simm.s32 @!p0 $0x1BF5;
	p2 =	por !p2, p0  }
0x20: {  	[sflag:s8] =	ssyncset.s32 @!p0 $0xFFFFF086;
	s6 =	sadd.s32 @!p0 s3, s7;
	s7 =	simm.s32 @!p0 $0x108  }
0x21: {  	s3 =	sadd.s32 s3, s9;
	s6 =	sadd.s32 @!p0 $0x88, s6;
	s7 =	simm.s32 @p2 $0x1082  }
0x22: {  	[simem:s7], [sflag:s8] =	dma.local @!p0 [hbm:s6], $0xF7A  }
0x23: {  	s9 =	sor.u32 $0xD0000000, s2;
	s6 =	simm.s32 $0x108;
	_ =	swait.ge @!p0 [sflag:s8], $0x0  }
0x24: {  	s3 =	sadd.s32 $0x88, s3;
	s6 =	simm.s32 @!p1 $0x1082;
	[sflag:s4] =	ssyncset.s32 $0xFFFFF086  }
0x25: {  	[simem:s6], [sflag:s4] =	dma.local [hbm:s3], $0xF7A  }
0x26: {  	[smem:$0x3F9D] =	sst s1;
	(tag) =	ssettag s2;
	_ =	strace s9  }
0x27: {  	s1 =	sld [smem:$0x3FAD]  }
0x28: {  	s2 =	sld [smem:$0x3FAE]  }
0x29: {  	s4 =	sld [smem:$0x3FB0]  }
0x2a: {  	p0 =	seq.s32 s5, $0x0;
	s5 =	sld [smem:$0x3FB1]  }
0x2b: {  	s6 =	sld [smem:$0x3FB2]  }
0x2c: {  	s7 =	sld [smem:$0x3FB3]  }
0x2d: {  	s3 =	simm.s32 $0x108;
	s8 =	sld [smem:$0x3FB4]  }
0x2e: {  	s3 =	simm.s32 @!p0 $0x1082;
	s9 =	sld [smem:$0x3FB5]  }
0x2f: {  	lr =	sadd.s32 s0, s3;
	s0 =	sld [smem:$0x3FAC]  }
0x30: {  	s3 =	sld [smem:$0x3FAF]  }
0x31: {  	[smem:$0x3FB8] =	sst s10  }
0x32: {  	s10 =	sld [smem:$0x3FB6];
	_ =	sdelay $0x3  }
0x33: {  	p0 =	seq.s32 s10, $0x1;
	s10 =	sld [smem:$0x3FB8];
	_ =	sdelay $0x3  }
0x34: {  	[smem:$0x3FB8] =	sst s10  }
0x35: {  	s10 =	sld [smem:$0x3FB7];
	_ =	sdelay $0x3  }
0x36: {  	p1 =	seq.s32 s10, $0x1;
	s10 =	sld [smem:$0x3FB8];
	_ =	sdelay $0x3  }
0x37: {  	[smem:$0x3FB8] =	sst s10  }
0x38: {  	s10 =	sld [smem:$0x3FB9]  }
0x39: {  	_ = 	snop;
	(pc) =	sbr.ind lr, $3  }
0x3a: {  	_ = 	snop  }
0x3b: {  	_ = 	snop  }
0x3c: {  	p2 =	seq.s32 s10, $0x1;
	s10 =	sld [smem:$0x3FB8]  }
0x3d: {  	_ =	shalt  }
0x3e: {  	_ =	shalt  }
0x3f: {  	_ =	shalt  }
0x40: {  	_ =	shalt  }
0x41: {  	_ =	shalt  }
0x42: {  	_ =	shalt  }
0x43: {  	_ =	shalt  }
0x44: {  	_ =	shalt  }
0x45: {  	_ =	shalt  }
0x46: {  	_ =	shalt  }
0x47: {  	_ =	shalt  }
0x48: {  	_ =	shalt  }
0x49: {  	_ =	shalt  }
0x4a: {  	_ =	shalt  }
0x4b: {  	_ =	shalt  }
0x4c: {  	_ =	shalt  }
0x4d: {  	_ =	shalt  }
0x4e: {  	_ =	shalt  }
0x4f: {  	_ =	shalt  }
0x50: {  	_ =	shalt  }
0x51: {  	_ =	shalt  }
0x52: {  	_ =	shalt  }
0x53: {  	_ =	shalt  }
0x54: {  	_ =	shalt  }
0x55: {  	_ =	shalt  }
0x56: {  	_ =	shalt  }
0x57: {  	_ =	shalt  }
0x58: {  	_ =	shalt  }
0x59: {  	_ =	shalt  }
0x5a: {  	_ =	shalt  }
0x5b: {  	_ =	shalt  }
0x5c: {  	_ =	shalt  }
0x5d: {  	_ =	shalt  }
0x5e: {  	_ =	shalt  }
0x5f: {  	_ =	shalt  }
0x60: {  	_ =	shalt  }
0x61: {  	_ =	shalt  }
0x62: {  	_ =	shalt  }
0x63: {  	_ =	shalt  }
0x64: {  	_ =	shalt  }
0x65: {  	_ =	shalt  }
0x66: {  	_ =	shalt  }
0x67: {  	_ =	shalt  }
0x68: {  	_ =	shalt  }
0x69: {  	_ =	shalt  }
0x6a: {  	_ =	shalt  }
0x6b: {  	_ =	shalt  }
0x6c: {  	_ =	shalt  }
0x6d: {  	_ =	shalt  }
0x6e: {  	_ =	shalt  }
0x6f: {  	_ =	shalt  }
0x70: {  	_ =	shalt  }
0x71: {  	_ =	shalt  }
0x72: {  	_ =	shalt  }
0x73: {  	_ =	shalt  }
0x74: {  	_ =	shalt  }
0x75: {  	_ =	shalt  }
0x76: {  	_ =	shalt  }
0x77: {  	_ =	shalt  }
0x78: {  	_ =	shalt  }
0x79: {  	_ =	shalt  }
0x7a: {  	_ =	shalt  }
0x7b: {  	_ =	shalt  }
0x7c: {  	_ =	shalt  }
0x7d: {  	_ =	shalt  }
0x7e: {  	_ =	shalt  }
0x7f: {  	_ =	shalt  }
0x80: {  	_ =	shalt  }
0x81: {  	_ =	shalt  }
0x82: {  	_ =	shalt  }
0x83: {  	_ =	shalt  }
0x84: {  	_ =	shalt  }
0x85: {  	_ =	shalt  }
0x86: {  	_ =	shalt  }
0x87: {  	_ =	shalt  }
.Lfunc_end0:
.L_simem_size_0:
called_computation_lowered:
.L_overlay_start_0:
0x88: {  	s2 =	sld [smem:$0x3FD9]  }
0x89: {  	s3 =	sld [smem:$0x3FFE];
	_ =	sdelay $0x1  }
0x8a: {  	s1 =	srdreg.scid  }
0x8b: {  	s0 =	sand.u32 $0x1, s1  }
0x8c: {  	s17 =	sshll.u32 s0, $0xA;
	s2 =	sadd.s32 s3, s2  }
0x8d: {  	s2 =	sadd.s32 s2, s17  }
0x8e: {  	[smem:$0x3FC4] =	sst s2  }
0x8f: {  	_ = 	snop  }
0x90: {  	s2 =	sld [smem:$0x3FC9]  }
0x91: {  	s18 =	sld [smem:$0x3FD0];
	(tm) =	ssettm $0x1  }
0x92: {  	s4 =	sld [smem:$0x3FFB];
	_ =	sdelay $0x3  }
0x93: {  	_ =	strace s4  }
0x94: {  	s4 =	sld [smem:$0x3FFC];
	_ =	sdelay $0x3  }
0x95: {  	_ =	strace s4  }
0x96: {  	s4 =	sld [smem:$0x3FFD];
	_ =	sdelay $0x3  }
0x97: {  	_ =	strace s4  }
0x98: {  	_ =	strace $0x8FFFFFFF  }
0x99: {  	s19 =	sld [smem:$0x3FDB];
	_ =	sdelay $0x1  }
0x9a: {  	s5 =	simm.s32 $_scs_section_size  }
0x9b: {  	s6 =	simm.s32 $_size__tile_overlayer_lowered;
	s7 =	simm.s32 $_tile_overlayer_lowered  }
0x9c: {  	s22 =	simm.s32 $0x1BFF;
	s21 =	sshll.u32 s7, $0x1;
	s4 =	sadd.s32 s5, s19  }
0x9d: {  	s8 =	simm.s32 $0x0;
	s20 =	sshll.u32 s6, $0x1;
	s6 =	sadd.s32 s21, s4  }
0x9e: {  	[timem:s8], [sflag:s22] =	dma.local [hbm:s6], s20  }
0x9f: {  	_ =	swait.ge [sflag:s22], s20  }
0xa0: {  	s5 =	ssub.s32 $0x0, s20;
	[sflag:s22] =	ssyncset.done $0x0  }
0xa1: {  	[sflag:s22] =	ssyncadd.s32 s5;
	_ =	sdelay $0x1  }
0xa2: {  	s23 =	simm.s32 $0x1B8B  }
0xa3: {  	_ =	swait.ge [sflag:s23], $0x1  }
0xa4: {  	[sflag:s23] =	ssyncset.done $0x0  }
0xa5: {  	s25 =	simm.s32 $0x1B8E;
	s24 =	sld [smem:$0x3FFE];
	[sflag:s23] =	ssyncadd.s32 $0xFFFFFFFF  }
0xa6: {  	s26 =	simm.s32 $execute0_lowered;
	[smem:$0x3FD2] =	sst s25  }
0xa7: {  	s6 =	sshll.u32 s26, $0x1;
	_ =	strace $0x80000046;
	[dreg:$0x1] =	wrdreg $0xFFFFFFFF  }
0xa8: {  	s28 =	simm.s32 $_size_execute0_lowered;
	s4 =	sadd.s32 s4, s6;
	[dreg:$0x0] =	wrdreg $0x0  }
0xa9: {  	s6 =	sshll.u32 s28, $0x1;
	[dreg:$0x2] =	wrdreg s4  }
0xaa: {  	[dreg:$0x3] =	wrdreg s6  }
0xab: {  	[dreg:$0x4] =	wrdreg $0xC0  }
0xac: {  	_ =	task [dreg:s8], $0x5FFFF  }
0xad: {  	[dreg:$0x1] =	wrdreg $0xFFFFFFFF  }
0xae: {  	[dreg:$0x0] =	wrdreg $0x60  }
0xaf: {  	[dreg:$0x2] =	wrdreg s2  }
0xb0: {  	[dreg:$0x3] =	wrdreg s24  }
0xb1: {  	[dreg:$0x4] =	wrdreg s18  }
0xb2: {  	[dreg:$0x5] =	wrdreg $0x9  }
0xb3: {  	_ =	task.clear_ibuf [dreg:s8], $0x6FFFF;
	_ =	strace $0x90000046  }
0xb4: {  	s29 =	simm.s32 $0x9;
	_ =	strace $0x80000048  }
0xb5: {  	_ =	swait.ge [sflag:s29], $0x1  }
0xb6: {  	[sflag:s29] =	ssyncadd.s32 $0xFFFFFFFF  }
0xb7: {  	_ =	strace $0x90000048  }
0xb8: {  	_ =	sfence  }
0xb9: {  	s30 =	sld [smem:$0x0];
	_ =	sdelay $0x2  }
0xba: {  	s31 =	sshll.u32 s1, $0xD;
	s1 =	sshrl.u32 s1, $0x2  }
0xbb: {  	s3 =	sand.u32 $0x4000, s31;
	s1 =	sadd.s32 s1, s30  }
0xbc: {  	s0 =	sor.u32 s3, s0;
	s1 =	sshll.u32 s1, $0x11  }
0xbd: {  	s0 =	sor.u32 s1, s0  }
0xbe: {  	s0 =	sadd.s32 $0x8F2B, s0  }
0xbf: {  	[sflag:s0] =	ssyncadd.remote.s32 $0x1  }
0xc0: {  	_ =	sfence.sel $0xFFFF  }
0xc1: {  	[dreg:$0x0] =	wrdreg $0xFFFFFFFF;
	(pc) =	sbr.abs _section_cstart, $3  }
0xc2: {  	[dreg:$0x1] =	wrdreg $0xFFFFFFFF  }
0xc3: {  	_ =	task.clear_ibuf [dreg:s8], $0x2FFFF;
	_ =	strace $0x9FFFFFFF  }
0xc4: {  	(tm) =	ssettm $0x7FFFFFFF  }
0xc5: {  	_ =	shalt  }
tec
execute0_lowered:
.L_overlay_start_1:
0x0: {  	(tag) =	ssettag $0x1  }
0x1: {  	v0 =	vlaneseq.u32  }
0x2: {  	v2 =	vmul.u32 $0x10, v0;
	_ =	sdelay $0x1  }
0x3: {  	v1 =	vor.u32 $0x1, v2  }
0x4: {  	v63 =	vor.u32 $0x2, v2;
	[tilespmem:$0x1FC00] =	vst v1  }
0x5: {  	v4 =	vor.u32 $0x3, v2;
	[tilespmem:$0x1FC10] =	vst v63  }
0x6: {  	v5 =	vor.u32 $0x4, v2;
	[tilespmem:$0x1FC20] =	vst v4  }
0x7: {  	v6 =	vor.u32 $0x5, v2;
	[tilespmem:$0x1FC30] =	vst v5  }
0x8: {  	v7 =	vor.u32 $0x6, v2;
	[tilespmem:$0x1FC40] =	vst v6  }
0x9: {  	v8 =	vor.u32 $0x7, v2;
	[tilespmem:$0x1FC50] =	vst v7  }
0xa: {  	v9 =	vor.u32 $0x8, v2;
	[tilespmem:$0x1FC60] =	vst v8  }
0xb: {  	v10 =	vor.u32 $0x9, v2;
	[tilespmem:$0x1FC70] =	vst v9  }
0xc: {  	v11 =	vor.u32 $0xA, v2;
	[tilespmem:$0x1FC80] =	vst v10  }
0xd: {  	v12 =	vor.u32 $0xB, v2;
	[tilespmem:$0x1FC90] =	vst v11  }
0xe: {  	v13 =	vor.u32 $0xC, v2;
	[tilespmem:$0x1FCA0] =	vst v12  }
0xf: {  	v14 =	vor.u32 $0xD, v2;
	[tilespmem:$0x1FCB0] =	vst v13  }
0x10: {  	v15 =	vor.u32 $0xE, v2;
	[tilespmem:$0x1FCC0] =	vst v14  }
0x11: {  	v16 =	vor.u32 $0xF, v2;
	[tilespmem:$0x1FCD0] =	vst v15  }
0x12: {  	v17 =	vor.u32 $0x100, v2;
	[tilespmem:$0x1FCE0] =	vst v16  }
0x13: {  	v18 =	vor.u32 $0x101, v2;
	[tilespmem:$0x1FCF0] =	vst v17  }
0x14: {  	v19 =	vor.u32 $0x102, v2;
	[tilespmem:$0x1FD00] =	vst v18  }
0x15: {  	v20 =	vor.u32 $0x103, v2;
	[tilespmem:$0x1FD10] =	vst v19  }
0x16: {  	s0 =	rddreg [dreg:$0x0];
	v21 =	vor.u32 $0x104, v2;
	[tilespmem:$0x1FD20] =	vst v20  }
0x17: {  	s4 =	rddreg [dreg:$0x1];
	s2 =	simm.s32 $0x0;
	v22 =	vor.u32 $0x105, v2;
	[tilespmem:$0x1FD30] =	vst v21  }
0x18: {  	[smem:$0x7FF] =	sst s2;
	v23 =	vor.u32 $0x106, v2;
	[tilespmem:$0x1FD40] =	vst v22  }
0x19: {  	s10 =	rddreg [dreg:$0x2];
	v24 =	vor.u32 $0x107, v2;
	_ =	strace $0x80000047;
	[tilespmem:$0x1FD50] =	vst v23  }
0x1a: {  	v25 =	vor.u32 $0x108, v2;
	[tilespmem:$0x1FD60] =	vst v24  }
0x1b: {  	v26 =	vor.u32 $0x109, v2;
	[tilespmem:$0x1FD70] =	vst v25  }
0x1c: {  	v27 =	vor.u32 $0x10A, v2;
	[tilespmem:$0x1FD80] =	vst v26  }
0x1d: {  	v28 =	vor.u32 $0x10B, v2;
	[tilespmem:$0x1FD90] =	vst v27  }
0x1e: {  	v29 =	vor.u32 $0x10C, v2;
	[tilespmem:$0x1FDA0] =	vst v28  }
0x1f: {  	v30 =	vor.u32 $0x10D, v2;
	[tilespmem:$0x1FDB0] =	vst v29  }
0x20: {  	v31 =	vor.u32 $0x10E, v2;
	[tilespmem:$0x1FDC0] =	vst v30  }
0x21: {  	v32 =	vor.u32 $0x10F, v2;
	[tilespmem:$0x1FDD0] =	vst v31  }
0x22: {  	v33 =	vor.u32 $0x200, v2;
	[tilespmem:$0x1FDE0] =	vst v32  }
0x23: {  	v34 =	vor.u32 $0x201, v2;
	[tilespmem:$0x1FDF0] =	vst v33  }
0x24: {  	v35 =	vor.u32 $0x202, v2;
	[tilespmem:$0x1FE00] =	vst v34  }
0x25: {  	v36 =	vor.u32 $0x203, v2;
	[tilespmem:$0x1FE10] =	vst v35  }
0x26: {  	v37 =	vor.u32 $0x204, v2;
	[tilespmem:$0x1FE20] =	vst v36  }
0x27: {  	v38 =	vor.u32 $0x205, v2;
	[tilespmem:$0x1FE30] =	vst v37  }
0x28: {  	v39 =	vor.u32 $0x206, v2;
	[tilespmem:$0x1FE40] =	vst v38  }
0x29: {  	v40 =	vor.u32 $0x207, v2;
	[tilespmem:$0x1FE50] =	vst v39  }
0x2a: {  	v41 =	vor.u32 $0x208, v2;
	[tilespmem:$0x1FE60] =	vst v40  }
0x2b: {  	v42 =	vor.u32 $0x209, v2;
	[tilespmem:$0x1FE70] =	vst v41  }
0x2c: {  	v0 =	vor.u32 $0x20A, v2;
	[tilespmem:$0x1FE80] =	vst v42  }
0x2d: {  	v43 =	vor.u32 $0x20B, v2;
	[tilespmem:$0x1FE90] =	vst v0  }
0x2e: {  	v44 =	vor.u32 $0x20C, v2;
	[tilespmem:$0x1FEA0] =	vst v43  }
0x2f: {  	v45 =	vor.u32 $0x20D, v2;
	[tilespmem:$0x1FEB0] =	vst v44  }
0x30: {  	v46 =	vor.u32 $0x20E, v2;
	[tilespmem:$0x1FEC0] =	vst v45  }
0x31: {  	v47 =	vor.u32 $0x20F, v2;
	[tilespmem:$0x1FED0] =	vst v46  }
0x32: {  	v48 =	vor.u32 $0x300, v2;
	[tilespmem:$0x1FEE0] =	vst v47  }
0x33: {  	v49 =	vor.u32 $0x301, v2;
	[tilespmem:$0x1FEF0] =	vst v48  }
0x34: {  	s3 =	srdreg.scid;
	v50 =	vor.u32 $0x302, v2;
	[tilespmem:$0x1FF00] =	vst v49  }
0x35: {  	s1 =	stileid.u32;
	s12 =	simm.s32 $0x2;
	s13 =	simm.s32 $0x40;
	v51 =	vor.u32 $0x303, v2;
	[tilespmem:$0x1FF10] =	vst v50  }
0x36: {  	s14 =	simm.s32 $0x80;
	s15 =	simm.s32 $0xC0;
	s16 =	simm.s32 $0x100;
	v52 =	vor.u32 $0x304, v2;
	[tilespmem:$0x1FF20] =	vst v51  }
0x37: {  	s17 =	simm.s32 $0x140;
	s18 =	simm.s32 $0x180;
	s19 =	simm.s32 $0x1C0;
	v53 =	vor.u32 $0x305, v2;
	[tilespmem:$0x1FF30] =	vst v52  }
0x38: {  	s20 =	simm.s32 $0x2400;
	s28 =	simm.s32 $0x1600;
	s29 =	simm.s32 $0x1A00;
	v54 =	vor.u32 $0x306, v2;
	[tilespmem:$0x1FF40] =	vst v53  }
0x39: {  	s30 =	simm.s32 $0x1E00;
	s31 =	simm.s32 $0x1;
	s5 =	sand.u32 $0x1, s3;
	v55 =	vor.u32 $0x307, v2;
	[tilespmem:$0x1FF50] =	vst v54  }
0x3a: {  	s21 =	sshll.u32 s1, $0x7;
	s7 =	sadd.s32 $0x600, s4;
	s22 =	sadd.s32 $0x800, s4;
	v56 =	vor.u32 $0x308, v2;
	[tilespmem:$0x1FF60] =	vst v55  }
0x3b: {  	s4 =	sadd.s32 $0xF42A00, s4;
	s6 =	sshll.u32 s5, $0x6;
	s23 =	ssub.s32 $0x2, s5;
	v57 =	vor.u32 $0x309, v2;
	[tilespmem:$0x1FF70] =	vst v56  }
0x3c: {  	s11 =	sor.u32 s6, s21;
	s25 =	sshrl.u32 s23, $0x1;
	s21 =	simm.s32 $0x2500;
	v58 =	vor.u32 $0x30A, v2;
	[tilespmem:$0x1FF80] =	vst v57  }
0x3d: {  	v59 =	vor.u32 $0x30B, v2;
	s3 =	sadd.s32 s0, s11;
	s0 =	ssub.s32 s23, s25;
	s10 =	sadd.s32 s10, s11;
	[tilespmem:$0x1FF90] =	vst v58  }
0x3e: {  	v60 =	vor.u32 $0x30C, v2;
	s23 =	simm.s32 $0x600;
	s25 =	simm.s32 $0xE00;
	[dreg:$0x4] =	wrdreg s7;
	[tilespmem:$0x1FFA0] =	vst v59  }
0x3f: {  	v61 =	vor.u32 $0x30D, v2;
	[dreg:$0x5] =	wrdreg s22;
	s24 =	sadd.s32 $0x8, s3;
	s26 =	sadd.s32 $0x10, s3;
	[tilespmem:$0x1FFB0] =	vst v60  }
0x40: {  	v62 =	vor.u32 $0x30E, v2;
	s5 =	sadd.s32 $0x18, s3;
	s6 =	sadd.s32 $0x20, s3;
	s7 =	sadd.s32 $0x28, s3;
	[tilespmem:$0x1FFC0] =	vst v61  }
0x41: {  	s8 =	sadd.s32 $0x30, s3;
	s9 =	sadd.s32 $0x38, s3;
	s11 =	smax.u32 s0, $0x1;
	[tilespmem:$0x1FFD0] =	vst v62  }
0x42: {  	v63 =	vor.u32 $0x30F, v2;
	s22 =	simm.s32 $0x200;
	[tilespmem:$0x1FFE0] =	vst v2;
	s0 =	simm.s32 $0x2200;
	[dreg:$0x6] =	wrdreg s24  }
0x43: {  	[tilespmem:$0x1FFF0] =	vst v63;
	[dreg:$0x7] =	wrdreg s26;
	s24 =	simm.s32 $0xA00;
	s26 =	simm.s32 $0x1200  }
.LBB2_1:
0x44: {  	[tilespmem:s2], [sflag:$0x2] =	stream.linear.gather [hbm4b:s3+s2], $0x40, $0x38;
	[tilespmem:$0x2510] =	vst v63  }
0x45: {  	_ =	swait.ge [sflag:s12], $0x40  }
0x46: {  	[sflag:s12] =	ssyncset.done $0x0  }
0x47: {  	s1 =	rddreg [dreg:$0x6];
	[sflag:s12] =	ssyncadd.s32 $0xFFFFFFC0  }
0x48: {  	[tilespmem:s13], [sflag:$0x2] =	stream.linear.gather [hbm4b:s1+s2], $0x40, $0x38;
	[tilespmem:$0x2510] =	vst v63  }
0x49: {  	_ =	swait.ge [sflag:s12], $0x40  }
0x4a: {  	[sflag:s12] =	ssyncset.done $0x0  }
0x4b: {  	s1 =	rddreg [dreg:$0x7];
	[sflag:s12] =	ssyncadd.s32 $0xFFFFFFC0  }
0x4c: {  	[tilespmem:s14], [sflag:$0x2] =	stream.linear.gather [hbm4b:s1+s2], $0x40, $0x38;
	[tilespmem:$0x2510] =	vst v63  }
0x4d: {  	_ =	swait.ge [sflag:s12], $0x40  }
0x4e: {  	[sflag:s12] =	ssyncset.done $0x0  }
0x4f: {  	[sflag:s12] =	ssyncadd.s32 $0xFFFFFFC0  }
0x50: {  	[tilespmem:s15], [sflag:$0x2] =	stream.linear.gather [hbm4b:s5+s2], $0x40, $0x38;
	[tilespmem:$0x2510] =	vst v63  }
0x51: {  	_ =	swait.ge [sflag:s12], $0x40  }
0x52: {  	[sflag:s12] =	ssyncset.done $0x0  }
0x53: {  	[sflag:s12] =	ssyncadd.s32 $0xFFFFFFC0  }
0x54: {  	[tilespmem:s16], [sflag:$0x2] =	stream.linear.gather [hbm4b:s6+s2], $0x40, $0x38;
	[tilespmem:$0x2510] =	vst v63  }
0x55: {  	_ =	swait.ge [sflag:s12], $0x40  }
0x56: {  	[sflag:s12] =	ssyncset.done $0x0  }
0x57: {  	[sflag:s12] =	ssyncadd.s32 $0xFFFFFFC0  }
0x58: {  	[tilespmem:s17], [sflag:$0x2] =	stream.linear.gather [hbm4b:s7+s2], $0x40, $0x38;
	[tilespmem:$0x2510] =	vst v63  }
0x59: {  	_ =	swait.ge [sflag:s12], $0x40  }
0x5a: {  	[sflag:s12] =	ssyncset.done $0x0  }
0x5b: {  	[sflag:s12] =	ssyncadd.s32 $0xFFFFFFC0  }
0x5c: {  	[tilespmem:s18], [sflag:$0x2] =	stream.linear.gather [hbm4b:s8+s2], $0x40, $0x38;
	[tilespmem:$0x2510] =	vst v63  }
0x5d: {  	_ =	swait.ge [sflag:s12], $0x40  }
0x5e: {  	[sflag:s12] =	ssyncset.done $0x0  }
0x5f: {  	[sflag:s12] =	ssyncadd.s32 $0xFFFFFFC0  }
0x60: {  	[tilespmem:s19], [sflag:$0x2] =	stream.linear.gather [hbm4b:s9+s2], $0x40, $0x38;
	[tilespmem:$0x2510] =	vst v63  }
0x61: {  	_ =	swait.ge [sflag:s12], $0x40  }
0x62: {  	[sflag:s12] =	ssyncset.done $0x0  }
0x63: {  	s1 =	rddreg [dreg:$0x4];
	[sflag:s12] =	ssyncadd.s32 $0xFFFFFFC0  }
0x64: {  	[tilespmem:s20], [sflag:$0x2] =	stream.linear.gather [hbm4b:s1+s2], $0x100, $0x38;
	[tilespmem:$0x2510] =	vst v63  }
0x65: {  	_ =	swait.ge [sflag:s12], $0x100  }
0x66: {  	[sflag:s12] =	ssyncset.done $0x0  }
0x67: {  	s1 =	rddreg [dreg:$0x5];
	[sflag:s12] =	ssyncadd.s32 $0xFFFFFF00  }
0x68: {  	[tilespmem:s21], [sflag:$0x2] =	stream.linear.gather [hbm4b:s1+s2], $0x10, $0x38;
	[tilespmem:$0x2510] =	vst v63  }
0x69: {  	_ =	swait.ge [sflag:s12], $0x10  }
0x6a: {  	[sflag:s12] =	ssyncset.done $0x0  }
0x6b: {  	[sflag:s12] =	ssyncadd.s32 $0xFFFFFFF0  }
0x6c: {  	[tilespmem:s22], [sflag:$0x1] =	stream.indirect.gather [hbm4b:s4+s13], $0x10, s2, s13, $0xb8;
	[tilespmem:$0x2510] =	vst v63  }
0x6d: {  	_ = 	snop  }
0x6e: {  	[tilespmem:s23], [sflag:$0x1] =	stream.indirect.gather [hbm4b:s4+s13], $0x10, s13, s13, $0xb8;
	[tilespmem:$0x2510] =	vst v63  }
0x6f: {  	_ = 	snop  }
0x70: {  	[tilespmem:s24], [sflag:$0x1] =	stream.indirect.gather [hbm4b:s4+s13], $0x10, s14, s13, $0xb8;
	[tilespmem:$0x2510] =	vst v63  }
0x71: {  	_ = 	snop  }
0x72: {  	[tilespmem:s25], [sflag:$0x1] =	stream.indirect.gather [hbm4b:s4+s13], $0x10, s15, s13, $0xb8;
	[tilespmem:$0x2510] =	vst v63  }
0x73: {  	_ = 	snop  }
0x74: {  	[tilespmem:s26], [sflag:$0x1] =	stream.indirect.gather [hbm4b:s4+s13], $0x10, s16, s13, $0xb8;
	[tilespmem:$0x2510] =	vst v63  }
0x75: {  	_ = 	snop  }
0x76: {  	[tilespmem:s28], [sflag:$0x1] =	stream.indirect.gather [hbm4b:s4+s13], $0x10, s17, s13, $0xb8;
	[tilespmem:$0x2510] =	vst v63  }
0x77: {  	_ = 	snop  }
0x78: {  	[tilespmem:s29], [sflag:$0x1] =	stream.indirect.gather [hbm4b:s4+s13], $0x10, s18, s13, $0xb8;
	[tilespmem:$0x2510] =	vst v63  }
0x79: {  	_ = 	snop  }
0x7a: {  	[tilespmem:s30], [sflag:$0x1] =	stream.indirect.gather [hbm4b:s4+s13], $0x10, s19, s13, $0xb8;
	[tilespmem:$0x2510] =	vst v63  }
0x7b: {  	v16 =	vld [tilespmem:$0x2400]  }
0x7c: {  	v15 =	vld [tilespmem:$0x2410]  }
0x7d: {  	v14 =	vld [tilespmem:$0x2420]  }
0x7e: {  	v13 =	vld [tilespmem:$0x2430]  }
0x7f: {  	v12 =	vld [tilespmem:$0x2440]  }
0x80: {  	v11 =	vld [tilespmem:$0x2450]  }
0x81: {  	v10 =	vld [tilespmem:$0x2460]  }
0x82: {  	v9 =	vld [tilespmem:$0x2470]  }
0x83: {  	v8 =	vld [tilespmem:$0x2480]  }
0x84: {  	v7 =	vld [tilespmem:$0x2490]  }
0x85: {  	v6 =	vld [tilespmem:$0x24A0]  }
0x86: {  	v5 =	vld [tilespmem:$0x24B0]  }
0x87: {  	v4 =	vld [tilespmem:$0x24C0]  }
0x88: {  	v3 =	vld [tilespmem:$0x24D0]  }
0x89: {  	v2 =	vld [tilespmem:$0x24E0]  }
0x8a: {  	v1 =	vld [tilespmem:$0x24F0]  }
0x8b: {  	v17 =	vld [tilespmem:$0x2500];
	_ =	swait.ge [sflag:s31], $0x400  }
0x8c: {  	v23 =	vld [tilespmem:$0x1FFE0];
	_ =	sdelay $0x1  }
0x8d: {  	v24 =	vld [tilespmem:$0x1FC00];
	_ =	sdelay $0x1  }
0x8e: {  	v55 =	vld [tilespmem:$0x1FC10];
	_ =	sdelay $0x1  }
0x8f: {  	[sflag:s31] =	ssyncset.done $0x0;
	v54 =	vld [tilespmem:$0x1FC20]  }
0x90: {  	v60 =	vld [tilespmem:$0x1FC30];
	[sflag:s31] =	ssyncadd.s32 $0xFFFFFC00  }
0x91: {  	v18 =	vld.idx.msk [tilespmem:v23+s22+$0x0], $0xffff  }
0x92: {  	v36 =	vld [tilespmem:$0x1FC40]  }
0x93: {  	v19 =	vld.idx.msk [tilespmem:v24+s22+$0x0], $0xffff  }
0x94: {  	v37 =	vld [tilespmem:$0x1FC50]  }
0x95: {  	v20 =	vld.idx.msk [tilespmem:v55+s22+$0x0], $0xffff  }
0x96: {  	v38 =	vld [tilespmem:$0x1FC60];
	v18 =	vmul.f32 v18, v16  }
0x97: {  	v21 =	vld.idx.msk [tilespmem:v54+s22+$0x0], $0xffff  }
0x98: {  	v39 =	vld [tilespmem:$0x1FC70];
	v19 =	vmul.f32 v19, v15;
	v18 =	vadd.f32 v18, v17  }
0x99: {  	v22 =	vld.idx.msk [tilespmem:v60+s22+$0x0], $0xffff  }
0x9a: {  	v45 =	vmul.f32 v20, v14;
	v18 =	vadd.f32 v19, v18  }
0x9b: {  	v46 =	vld.idx.msk [tilespmem:v36+s22+$0x0], $0xffff  }
0x9c: {  	v47 =	vmul.f32 v21, v13;
	v18 =	vadd.f32 v45, v18  }
0x9d: {  	v48 =	vld.idx.msk [tilespmem:v37+s22+$0x0], $0xffff  }
0x9e: {  	v56 =	vld [tilespmem:$0x1FC80];
	v49 =	vmul.f32 v22, v12;
	v18 =	vadd.f32 v47, v18  }
0x9f: {  	v50 =	vld.idx.msk [tilespmem:v38+s22+$0x0], $0xffff  }
0xa0: {  	v40 =	vld [tilespmem:$0x1FC90];
	v51 =	vmul.f32 v46, v11;
	v18 =	vadd.f32 v49, v18  }
0xa1: {  	v52 =	vld.idx.msk [tilespmem:v39+s22+$0x0], $0xffff  }
0xa2: {  	v53 =	vmul.f32 v48, v10;
	v18 =	vadd.f32 v51, v18  }
0xa3: {  	v41 =	vld [tilespmem:$0x1FCA0]  }
0xa4: {  	v58 =	vmul.f32 v50, v9;
	v18 =	vadd.f32 v53, v18;
	_ =	sdelay $0x1  }
0xa5: {  	v61 =	vld [tilespmem:$0x1FCB0];
	v0 =	vmul.f32 v52, v8;
	v18 =	vadd.f32 v58, v18  }
0xa6: {  	v57 =	vld.idx.msk [tilespmem:v56+s22+$0x0], $0xffff  }
0xa7: {  	v18 =	vadd.f32 v0, v18;
	v0 =	vld [tilespmem:$0x1FCC0]  }
0xa8: {  	v59 =	vld.idx.msk [tilespmem:v40+s22+$0x0], $0xffff  }
0xa9: {  	v47 =	vld [tilespmem:$0x1FCD0]  }
0xaa: {  	v25 =	vld.idx.msk [tilespmem:v41+s22+$0x0], $0xffff  }
0xab: {  	v26 =	vmul.f32 v57, v7;
	v57 =	vld [tilespmem:$0x1FCE0];
	_ =	sdelay $0x1  }
0xac: {  	v27 =	vld.idx.msk [tilespmem:v61+s22+$0x0], $0xffff  }
0xad: {  	v28 =	vmul.f32 v59, v6;
	v18 =	vadd.f32 v26, v18  }
0xae: {  	v29 =	vld.idx.msk [tilespmem:v0+s22+$0x0], $0xffff  }
0xaf: {  	v30 =	vmul.f32 v25, v5;
	v18 =	vadd.f32 v28, v18  }
0xb0: {  	v31 =	vld.idx.msk [tilespmem:v47+s22+$0x0], $0xffff  }
0xb1: {  	v32 =	vmul.f32 v27, v4;
	v18 =	vadd.f32 v30, v18  }
0xb2: {  	v33 =	vld.idx.msk [tilespmem:v57+s22+$0x0], $0xffff  }
0xb3: {  	v18 =	vadd.f32 v32, v18;
	v34 =	vmul.f32 v29, v3  }
0xb4: {  	v43 =	vld [tilespmem:$0x1FCF0]  }
0xb5: {  	v44 =	vld [tilespmem:$0x1FD00];
	v35 =	vmul.f32 v31, v2;
	v18 =	vadd.f32 v34, v18  }
0xb6: {  	v50 =	vld [tilespmem:$0x1FD30]  }
0xb7: {  	v42 =	vmul.f32 v33, v1;
	v18 =	vadd.f32 v35, v18;
	_ =	sdelay $0x1  }
0xb8: {  	v63 =	vld [tilespmem:$0x1FD10];
	v18 =	vadd.f32 v42, v18  }
0xb9: {  	v52 =	vld [tilespmem:$0x1FD20]  }
0xba: {  	v51 =	vld [tilespmem:$0x1FD50];
	[tilespmem:$0x2200] =	vst v18  }
0xbb: {  	v18 =	vld.idx.msk [tilespmem:v43+s22+$0x0], $0xffff  }
0xbc: {  	v45 =	vld.idx.msk [tilespmem:v44+s22+$0x0], $0xffff  }
0xbd: {  	v58 =	vld.idx.msk [tilespmem:v50+s22+$0x0], $0xffff  }
0xbe: {  	v44 =	vld [tilespmem:$0x1FD40];
	_ =	sdelay $0x1  }
0xbf: {  	v46 =	vld.idx.msk [tilespmem:v63+s22+$0x0], $0xffff  }
0xc0: {  	v53 =	vld.idx.msk [tilespmem:v52+s22+$0x0], $0xffff;
	v18 =	vmul.f32 v18, v16  }
0xc1: {  	v26 =	vmul.f32 v58, v12;
	v58 =	vld [tilespmem:$0x1FD60]  }
0xc2: {  	v25 =	vld.idx.msk [tilespmem:v51+s22+$0x0], $0xffff;
	v19 =	vmul.f32 v45, v15;
	v18 =	vadd.f32 v18, v17  }
0xc3: {  	v45 =	vld [tilespmem:$0x1FD70]  }
0xc4: {  	v52 =	vld [tilespmem:$0x1FD80];
	v59 =	vmul.f32 v46, v14;
	v18 =	vadd.f32 v19, v18  }
0xc5: {  	v62 =	vld.idx.msk [tilespmem:v44+s22+$0x0], $0xffff  }
0xc6: {  	v0 =	vmul.f32 v53, v13;
	v18 =	vadd.f32 v59, v18  }
0xc7: {  	v59 =	vld [tilespmem:$0x1FD90]  }
0xc8: {  	v53 =	vld [tilespmem:$0x1FDA0];
	v18 =	vadd.f32 v0, v18  }
0xc9: {  	v27 =	vld.idx.msk [tilespmem:v58+s22+$0x0], $0xffff  }
0xca: {  	v30 =	vmul.f32 v25, v10;
	v25 =	vld [tilespmem:$0x1FDB0];
	v28 =	vmul.f32 v62, v11;
	v18 =	vadd.f32 v26, v18  }
0xcb: {  	v29 =	vld.idx.msk [tilespmem:v45+s22+$0x0], $0xffff  }
0xcc: {  	v31 =	vld.idx.msk [tilespmem:v52+s22+$0x0], $0xffff;
	v18 =	vadd.f32 v28, v18  }
0xcd: {  	v26 =	vld [tilespmem:$0x1FDC0]  }
0xce: {  	v32 =	vmul.f32 v27, v9;
	v27 =	vld [tilespmem:$0x1FDD0];
	v18 =	vadd.f32 v30, v18  }
0xcf: {  	v33 =	vld.idx.msk [tilespmem:v59+s22+$0x0], $0xffff  }
0xd0: {  	v35 =	vld.idx.msk [tilespmem:v53+s22+$0x0], $0xffff;
	v34 =	vmul.f32 v29, v8;
	v18 =	vadd.f32 v32, v18  }
0xd1: {  	v28 =	vld [tilespmem:$0x1FDE0]  }
0xd2: {  	v42 =	vmul.f32 v31, v7;
	v18 =	vadd.f32 v34, v18  }
0xd3: {  	v43 =	vld.idx.msk [tilespmem:v25+s22+$0x0], $0xffff  }
0xd4: {  	v46 =	vmul.f32 v33, v6;
	v18 =	vadd.f32 v42, v18  }
0xd5: {  	v48 =	vld.idx.msk [tilespmem:v26+s22+$0x0], $0xffff  }
0xd6: {  	v49 =	vmul.f32 v35, v5;
	v18 =	vadd.f32 v46, v18  }
0xd7: {  	v62 =	vld.idx.msk [tilespmem:v27+s22+$0x0], $0xffff  }
0xd8: {  	v0 =	vmul.f32 v43, v4;
	v18 =	vadd.f32 v49, v18  }
0xd9: {  	v29 =	vld.idx.msk [tilespmem:v28+s22+$0x0], $0xffff  }
0xda: {  	v30 =	vmul.f32 v48, v3;
	v18 =	vadd.f32 v0, v18  }
0xdb: {  	v49 =	vld [tilespmem:$0x1FDF0]  }
0xdc: {  	v31 =	vmul.f32 v62, v2;
	v18 =	vadd.f32 v30, v18  }
0xdd: {  	v46 =	vld [tilespmem:$0x1FE00]  }
0xde: {  	v32 =	vmul.f32 v29, v1;
	v18 =	vadd.f32 v31, v18  }
0xdf: {  	v29 =	vld [tilespmem:$0x1FE10]  }
0xe0: {  	v18 =	vadd.f32 v32, v18  }
0xe1: {  	v30 =	vld [tilespmem:$0x1FE20]  }
0xe2: {  	v42 =	vld [tilespmem:$0x1FE30];
	[tilespmem:$0x2210] =	vst v18  }
0xe3: {  	v18 =	vld.idx.msk [tilespmem:v49+s22+$0x0], $0xffff  }
0xe4: {  	v43 =	vld [tilespmem:$0x1FE40]  }
0xe5: {  	v33 =	vld.idx.msk [tilespmem:v46+s22+$0x0], $0xffff  }
0xe6: {  	v31 =	vld [tilespmem:$0x1FE50]  }
0xe7: {  	v34 =	vld.idx.msk [tilespmem:v29+s22+$0x0], $0xffff  }
0xe8: {  	v32 =	vld [tilespmem:$0x1FE60];
	v18 =	vmul.f32 v18, v16  }
0xe9: {  	v35 =	vld.idx.msk [tilespmem:v30+s22+$0x0], $0xffff  }
0xea: {  	v19 =	vmul.f32 v33, v15;
	v18 =	vadd.f32 v18, v17  }
0xeb: {  	v48 =	vld.idx.msk [tilespmem:v42+s22+$0x0], $0xffff  }
0xec: {  	v62 =	vmul.f32 v34, v14;
	v18 =	vadd.f32 v19, v18  }
0xed: {  	v0 =	vld.idx.msk [tilespmem:v43+s22+$0x0], $0xffff  }
0xee: {  	v35 =	vmul.f32 v35, v13;
	v18 =	vadd.f32 v62, v18  }
0xef: {  	v21 =	vld.idx.msk [tilespmem:v31+s22+$0x0], $0xffff  }
0xf0: {  	v48 =	vmul.f32 v48, v12;
	v18 =	vadd.f32 v35, v18  }
0xf1: {  	v62 =	vld.idx.msk [tilespmem:v32+s22+$0x0], $0xffff  }
0xf2: {  	v0 =	vmul.f32 v0, v11;
	v18 =	vadd.f32 v48, v18;
	_ =	sdelay $0x1  }
0xf3: {  	v18 =	vadd.f32 v0, v18;
	v0 =	vmul.f32 v21, v10;
	_ =	sdelay $0x1  }
0xf4: {  	v35 =	vmul.f32 v62, v9;
	v18 =	vadd.f32 v0, v18  }
0xf5: {  	v33 =	vld [tilespmem:$0x1FE70]  }
0xf6: {  	v18 =	vadd.f32 v35, v18;
	v35 =	vld [tilespmem:$0x1FEA0];
	_ =	sdelay $0x2  }
0xf7: {  	v34 =	vld [tilespmem:$0x1FE80];
	_ =	sdelay $0x1  }
0xf8: {  	v62 =	vld [tilespmem:$0x1FE90];
	_ =	sdelay $0x1  }
0xf9: {  	v48 =	vld.idx.msk [tilespmem:v33+s22+$0x0], $0xffff  }
0xfa: {  	v20 =	vld.idx.msk [tilespmem:v35+s22+$0x0], $0xffff  }
0xfb: {  	v35 =	vld [tilespmem:$0x1FEB0];
	_ =	sdelay $0x1  }
0xfc: {  	v21 =	vld.idx.msk [tilespmem:v34+s22+$0x0], $0xffff;
	_ =	sdelay $0x1  }
0xfd: {  	v22 =	vld.idx.msk [tilespmem:v62+s22+$0x0], $0xffff  }
0xfe: {  	v48 =	vmul.f32 v48, v8;
	_ =	sdelay $0x1  }
0xff: {  	v18 =	vadd.f32 v48, v18;
	v48 =	vmul.f32 v21, v7  }
0x100: {  	v21 =	vld.idx.msk [tilespmem:v35+s22+$0x0], $0xffff  }
0x101: {  	v18 =	vadd.f32 v48, v18;
	v48 =	vmul.f32 v22, v6;
	v35 =	vld [tilespmem:$0x1FEC0];
	_ =	sdelay $0x1  }
0x102: {  	v18 =	vadd.f32 v48, v18;
	v48 =	vmul.f32 v20, v5;
	v20 =	vld [tilespmem:$0x1FED0];
	_ =	sdelay $0x1  }
0x103: {  	v18 =	vadd.f32 v48, v18;
	v48 =	vld [tilespmem:$0x1FEE0];
	_ =	sdelay $0x3  }
0x104: {  	v22 =	vld.idx.msk [tilespmem:v35+s22+$0x0], $0xffff;
	_ =	sdelay $0x1  }
0x105: {  	v20 =	vld.idx.msk [tilespmem:v20+s22+$0x0], $0xffff  }
0x106: {  	v35 =	vmul.f32 v21, v4  }
0x107: {  	v0 =	vld.idx.msk [tilespmem:v48+s22+$0x0], $0xffff  }
0x108: {  	v18 =	vadd.f32 v35, v18;
	v35 =	vmul.f32 v22, v3  }
0x109: {  	v21 =	vld [tilespmem:$0x1FEF0]  }
0x10a: {  	v48 =	vmul.f32 v20, v2;
	v18 =	vadd.f32 v35, v18  }
0x10b: {  	v22 =	vld [tilespmem:$0x1FF10]  }
0x10c: {  	v0 =	vmul.f32 v0, v1;
	v18 =	vadd.f32 v48, v18;
	_ =	sdelay $0x1  }
0x10d: {  	v35 =	vld [tilespmem:$0x1FF00];
	v18 =	vadd.f32 v0, v18;
	_ =	sdelay $0x1  }
0x10e: {  	[tilespmem:$0x2220] =	vst v18  }
0x10f: {  	v18 =	vld.idx.msk [tilespmem:v21+s22+$0x0], $0xffff  }
0x110: {  	v21 =	vld [tilespmem:$0x1FF20]  }
0x111: {  	v48 =	vld.idx.msk [tilespmem:v22+s22+$0x0], $0xffff  }
0x112: {  	v22 =	vld [tilespmem:$0x1FF30];
	_ =	sdelay $0x1  }
0x113: {  	v19 =	vld.idx.msk [tilespmem:v35+s22+$0x0], $0xffff;
	_ =	sdelay $0x2  }
0x114: {  	v18 =	vmul.f32 v18, v16  }
0x115: {  	v21 =	vld.idx.msk [tilespmem:v21+s22+$0x0], $0xffff  }
0x116: {  	v19 =	vmul.f32 v19, v15;
	v18 =	vadd.f32 v18, v17  }
0x117: {  	v22 =	vld.idx.msk [tilespmem:v22+s22+$0x0], $0xffff  }
0x118: {  	v20 =	vld [tilespmem:$0x1FF40];
	v48 =	vmul.f32 v48, v14;
	v18 =	vadd.f32 v19, v18;
	_ =	sdelay $0x1  }
0x119: {  	v18 =	vadd.f32 v48, v18;
	v48 =	vmul.f32 v21, v13;
	v21 =	vld [tilespmem:$0x1FF50];
	_ =	sdelay $0x1  }
0x11a: {  	v18 =	vadd.f32 v48, v18;
	v48 =	vmul.f32 v22, v12;
	v22 =	vld [tilespmem:$0x1FF60];
	_ =	sdelay $0x3  }
0x11b: {  	v20 =	vld.idx.msk [tilespmem:v20+s22+$0x0], $0xffff;
	_ =	sdelay $0x1  }
0x11c: {  	v21 =	vld.idx.msk [tilespmem:v21+s22+$0x0], $0xffff;
	_ =	sdelay $0x1  }
0x11d: {  	v22 =	vld.idx.msk [tilespmem:v22+s22+$0x0], $0xffff  }
0x11e: {  	v18 =	vadd.f32 v48, v18;
	v48 =	vmul.f32 v20, v11;
	v20 =	vld [tilespmem:$0x1FF70];
	_ =	sdelay $0x1  }
0x11f: {  	v18 =	vadd.f32 v48, v18;
	v48 =	vmul.f32 v21, v10;
	v21 =	vld [tilespmem:$0x1FF80];
	_ =	sdelay $0x1  }
0x120: {  	v18 =	vadd.f32 v48, v18;
	v48 =	vmul.f32 v22, v9;
	v22 =	vld [tilespmem:$0x1FF90];
	_ =	sdelay $0x3  }
0x121: {  	v20 =	vld.idx.msk [tilespmem:v20+s22+$0x0], $0xffff;
	_ =	sdelay $0x1  }
0x122: {  	v21 =	vld.idx.msk [tilespmem:v21+s22+$0x0], $0xffff;
	_ =	sdelay $0x1  }
0x123: {  	v22 =	vld.idx.msk [tilespmem:v22+s22+$0x0], $0xffff  }
0x124: {  	v18 =	vadd.f32 v48, v18;
	v48 =	vmul.f32 v20, v8;
	v20 =	vld [tilespmem:$0x1FFA0];
	_ =	sdelay $0x1  }
0x125: {  	v18 =	vadd.f32 v48, v18;
	v48 =	vmul.f32 v21, v7;
	_ =	sdelay $0x1  }
0x126: {  	v18 =	vadd.f32 v48, v18;
	v48 =	vmul.f32 v22, v6;
	_ =	sdelay $0x1  }
0x127: {  	v18 =	vadd.f32 v48, v18;
	v48 =	vld [tilespmem:$0x1FFD0];
	_ =	sdelay $0x1  }
0x128: {  	v20 =	vld.idx.msk [tilespmem:v20+s22+$0x0], $0xffff  }
0x129: {  	v21 =	vld [tilespmem:$0x1FFB0];
	_ =	sdelay $0x1  }
0x12a: {  	v22 =	vld [tilespmem:$0x1FFC0];
	_ =	sdelay $0x2  }
0x12b: {  	v19 =	vmul.f32 v20, v5;
	v20 =	vld.idx.msk [tilespmem:v48+s22+$0x0], $0xffff  }
0x12c: {  	v48 =	vld [tilespmem:$0x1FFF0];
	_ =	sdelay $0x1  }
0x12d: {  	v21 =	vld.idx.msk [tilespmem:v21+s22+$0x0], $0xffff;
	_ =	sdelay $0x1  }
0x12e: {  	v22 =	vld.idx.msk [tilespmem:v22+s22+$0x0], $0xffff;
	_ =	sdelay $0x2  }
0x12f: {  	v18 =	vadd.f32 v19, v18;
	v0 =	vmul.f32 v21, v4  }
0x130: {  	v21 =	vld.idx.msk [tilespmem:v48+s22+$0x0], $0xffff  }
0x131: {  	v18 =	vadd.f32 v0, v18;
	v22 =	vmul.f32 v22, v3;
	_ =	sdelay $0x1  }
0x132: {  	v18 =	vadd.f32 v22, v18;
	v0 =	vmul.f32 v20, v2;
	_ =	sdelay $0x1  }
0x133: {  	v18 =	vadd.f32 v0, v18;
	v22 =	vmul.f32 v21, v1;
	_ =	sdelay $0x1  }
0x134: {  	v18 =	vadd.f32 v22, v18;
	_ =	sdelay $0x1  }
0x135: {  	[tilespmem:$0x2230] =	vst v18  }
0x136: {  	_ =	swait.ge [sflag:s31], $0x400  }
0x137: {  	[sflag:s31] =	ssyncset.done $0x0  }
0x138: {  	[sflag:s31] =	ssyncadd.s32 $0xFFFFFC00  }
0x139: {  	v18 =	vld.idx.msk [tilespmem:v23+s23+$0x0], $0xffff;
	_ =	sdelay $0x1  }
0x13a: {  	v19 =	vld.idx.msk [tilespmem:v24+s23+$0x0], $0xffff;
	_ =	sdelay $0x1  }
0x13b: {  	v20 =	vld.idx.msk [tilespmem:v55+s23+$0x0], $0xffff  }
0x13c: {  	v18 =	vmul.f32 v18, v16  }
0x13d: {  	v0 =	vmov v55;
	v55 =	vld.idx.msk [tilespmem:v54+s23+$0x0], $0xffff  }
0x13e: {  	v19 =	vmul.f32 v19, v15;
	v18 =	vadd.f32 v18, v17  }
0x13f: {  	v22 =	vld.idx.msk [tilespmem:v60+s23+$0x0], $0xffff  }
0x140: {  	v60 =	vmul.f32 v20, v14;
	v18 =	vadd.f32 v19, v18  }
0x141: {  	v54 =	vld.idx.msk [tilespmem:v36+s23+$0x0], $0xffff  }
0x142: {  	v55 =	vmul.f32 v55, v13;
	v18 =	vadd.f32 v60, v18  }
0x143: {  	v60 =	vld.idx.msk [tilespmem:v37+s23+$0x0], $0xffff  }
0x144: {  	v36 =	vmul.f32 v22, v12;
	v18 =	vadd.f32 v55, v18;
	_ =	sdelay $0x1  }
0x145: {  	v37 =	vld.idx.msk [tilespmem:v38+s23+$0x0], $0xffff;
	v38 =	vmul.f32 v54, v11;
	v18 =	vadd.f32 v36, v18;
	_ =	sdelay $0x1  }
0x146: {  	v39 =	vld.idx.msk [tilespmem:v39+s23+$0x0], $0xffff;
	v60 =	vmul.f32 v60, v10;
	v18 =	vadd.f32 v38, v18  }
0x147: {  	v36 =	vld.idx.msk [tilespmem:v56+s23+$0x0], $0xffff  }
0x148: {  	v18 =	vadd.f32 v60, v18;
	v60 =	vld [tilespmem:$0x1FCC0]  }
0x149: {  	v37 =	vmul.f32 v37, v9  }
0x14a: {  	v38 =	vld.idx.msk [tilespmem:v40+s23+$0x0], $0xffff  }
0x14b: {  	v39 =	vmul.f32 v39, v8;
	v18 =	vadd.f32 v37, v18  }
0x14c: {  	v40 =	vld.idx.msk [tilespmem:v41+s23+$0x0], $0xffff  }
0x14d: {  	v41 =	vmul.f32 v36, v7;
	v18 =	vadd.f32 v39, v18  }
0x14e: {  	v55 =	vld.idx.msk [tilespmem:v61+s23+$0x0], $0xffff  }
0x14f: {  	v54 =	vmov v56;
	v56 =	vmul.f32 v38, v6;
	v18 =	vadd.f32 v41, v18  }
0x150: {  	v36 =	vld.idx.msk [tilespmem:v60+s23+$0x0], $0xffff  }
0x151: {  	v37 =	vmul.f32 v40, v5;
	v38 =	vld.idx.msk [tilespmem:v47+s23+$0x0], $0xffff;
	v18 =	vadd.f32 v56, v18;
	_ =	sdelay $0x1  }
0x152: {  	v39 =	vmul.f32 v55, v4;
	v18 =	vadd.f32 v37, v18  }
0x153: {  	v40 =	vld.idx.msk [tilespmem:v57+s23+$0x0], $0xffff  }
0x154: {  	v18 =	vadd.f32 v39, v18;
	v41 =	vmul.f32 v36, v3  }
0x155: {  	v55 =	vmul.f32 v38, v2;
	v38 =	vld [tilespmem:$0x1FCF0]  }
0x156: {  	v18 =	vadd.f32 v41, v18  }
0x157: {  	v39 =	vld [tilespmem:$0x1FD00]  }
0x158: {  	v56 =	vmul.f32 v40, v1;
	v18 =	vadd.f32 v55, v18;
	_ =	sdelay $0x1  }
0x159: {  	v18 =	vadd.f32 v56, v18  }
0x15a: {  	v55 =	vld [tilespmem:$0x1FD20]  }
0x15b: {  	[tilespmem:$0x2240] =	vst v18  }
0x15c: {  	v18 =	vld.idx.msk [tilespmem:v38+s23+$0x0], $0xffff;
	_ =	sdelay $0x1  }
0x15d: {  	v57 =	vld.idx.msk [tilespmem:v39+s23+$0x0], $0xffff;
	_ =	sdelay $0x1  }
0x15e: {  	v61 =	vld.idx.msk [tilespmem:v63+s23+$0x0], $0xffff  }
0x15f: {  	v18 =	vmul.f32 v18, v16  }
0x160: {  	v36 =	vld.idx.msk [tilespmem:v55+s23+$0x0], $0xffff  }
0x161: {  	v19 =	vmul.f32 v57, v15;
	v18 =	vadd.f32 v18, v17  }
0x162: {  	v37 =	vld.idx.msk [tilespmem:v50+s23+$0x0], $0xffff  }
0x163: {  	v40 =	vmul.f32 v61, v14;
	v18 =	vadd.f32 v19, v18  }
0x164: {  	v41 =	vld.idx.msk [tilespmem:v44+s23+$0x0], $0xffff  }
0x165: {  	v44 =	vmul.f32 v36, v13;
	v18 =	vadd.f32 v40, v18  }
0x166: {  	v56 =	vmov v50;
	v50 =	vld.idx.msk [tilespmem:v51+s23+$0x0], $0xffff  }
0x167: {  	v57 =	vmov v51;
	v51 =	vmul.f32 v37, v12;
	v18 =	vadd.f32 v44, v18  }
0x168: {  	v61 =	vld.idx.msk [tilespmem:v58+s23+$0x0], $0xffff  }
0x169: {  	v36 =	vmul.f32 v41, v11;
	v18 =	vadd.f32 v51, v18  }
0x16a: {  	v37 =	vld.idx.msk [tilespmem:v45+s23+$0x0], $0xffff  }
0x16b: {  	v40 =	vmul.f32 v50, v10;
	v18 =	vadd.f32 v36, v18  }
0x16c: {  	v41 =	vld.idx.msk [tilespmem:v52+s23+$0x0], $0xffff  }
0x16d: {  	v44 =	vmul.f32 v61, v9;
	v18 =	vadd.f32 v40, v18  }
0x16e: {  	v45 =	vld.idx.msk [tilespmem:v59+s23+$0x0], $0xffff  }
0x16f: {  	v50 =	vmul.f32 v37, v8;
	v18 =	vadd.f32 v44, v18  }
0x170: {  	v51 =	vld.idx.msk [tilespmem:v53+s23+$0x0], $0xffff  }
0x171: {  	v58 =	vmov v52;
	v52 =	vmul.f32 v41, v7;
	v18 =	vadd.f32 v50, v18  }
0x172: {  	v59 =	vmov v53;
	v53 =	vld.idx.msk [tilespmem:v25+s23+$0x0], $0xffff  }
0x173: {  	v61 =	vmul.f32 v45, v6;
	v18 =	vadd.f32 v52, v18  }
0x174: {  	v25 =	vld.idx.msk [tilespmem:v26+s23+$0x0], $0xffff  }
0x175: {  	v26 =	vmul.f32 v51, v5;
	v18 =	vadd.f32 v61, v18  }
0x176: {  	v36 =	vld.idx.msk [tilespmem:v27+s23+$0x0], $0xffff  }
0x177: {  	v37 =	vmul.f32 v53, v4;
	v18 =	vadd.f32 v26, v18  }
0x178: {  	v40 =	vld.idx.msk [tilespmem:v28+s23+$0x0], $0xffff  }
0x179: {  	v41 =	vmul.f32 v25, v3;
	v18 =	vadd.f32 v37, v18;
	_ =	sdelay $0x1  }
0x17a: {  	v44 =	vmul.f32 v36, v2;
	v18 =	vadd.f32 v41, v18;
	_ =	sdelay $0x1  }
0x17b: {  	v45 =	vmul.f32 v40, v1;
	v18 =	vadd.f32 v44, v18;
	_ =	sdelay $0x1  }
0x17c: {  	v18 =	vadd.f32 v45, v18;
	_ =	sdelay $0x1  }
0x17d: {  	[tilespmem:$0x2250] =	vst v18  }
0x17e: {  	v18 =	vld.idx.msk [tilespmem:v49+s23+$0x0], $0xffff;
	_ =	sdelay $0x1  }
0x17f: {  	v49 =	vld.idx.msk [tilespmem:v46+s23+$0x0], $0xffff;
	_ =	sdelay $0x1  }
0x180: {  	v50 =	vld.idx.msk [tilespmem:v29+s23+$0x0], $0xffff  }
0x181: {  	v18 =	vmul.f32 v18, v16  }
0x182: {  	v51 =	vld.idx.msk [tilespmem:v30+s23+$0x0], $0xffff  }
0x183: {  	v19 =	vmul.f32 v49, v15;
	v18 =	vadd.f32 v18, v17  }
0x184: {  	v52 =	vld.idx.msk [tilespmem:v42+s23+$0x0], $0xffff  }
0x185: {  	v53 =	vmul.f32 v50, v14;
	v18 =	vadd.f32 v19, v18  }
0x186: {  	v61 =	vld.idx.msk [tilespmem:v43+s23+$0x0], $0xffff  }
0x187: {  	v28 =	vld.idx.msk [tilespmem:v32+s23+$0x0], $0xffff;
	v25 =	vmul.f32 v51, v13;
	v18 =	vadd.f32 v53, v18  }
0x188: {  	v26 =	vld.idx.msk [tilespmem:v31+s23+$0x0], $0xffff  }
0x189: {  	v27 =	vmul.f32 v52, v12;
	v18 =	vadd.f32 v25, v18  }
0x18a: {  	v25 =	vld [tilespmem:$0x1FEA0]  }
0x18b: {  	v30 =	vld.idx.msk [tilespmem:v33+s23+$0x0], $0xffff;
	v29 =	vmul.f32 v61, v11;
	v18 =	vadd.f32 v27, v18  }
0x18c: {  	v33 =	vmul.f32 v28, v9;
	v28 =	vld [tilespmem:$0x1FEB0]  }
0x18d: {  	v32 =	vld.idx.msk [tilespmem:v34+s23+$0x0], $0xffff;
	v31 =	vmul.f32 v26, v10;
	v18 =	vadd.f32 v29, v18  }
0x18e: {  	v27 =	vld [tilespmem:$0x1FEC0]  }
0x18f: {  	v34 =	vld.idx.msk [tilespmem:v62+s23+$0x0], $0xffff;
	v18 =	vadd.f32 v31, v18  }
0x190: {  	v36 =	vmul.f32 v30, v8;
	v30 =	vld [tilespmem:$0x1FED0]  }
0x191: {  	v29 =	vld [tilespmem:$0x1FEE0];
	v18 =	vadd.f32 v33, v18  }
0x192: {  	v37 =	vld.idx.msk [tilespmem:v25+s23+$0x0], $0xffff  }
0x193: {  	v40 =	vmul.f32 v32, v7;
	v18 =	vadd.f32 v36, v18  }
0x194: {  	v41 =	vld.idx.msk [tilespmem:v28+s23+$0x0], $0xffff  }
0x195: {  	v42 =	vmul.f32 v34, v6;
	v18 =	vadd.f32 v40, v18  }
0x196: {  	v43 =	vld.idx.msk [tilespmem:v27+s23+$0x0], $0xffff  }
0x197: {  	v44 =	vmul.f32 v37, v5;
	v18 =	vadd.f32 v42, v18  }
0x198: {  	v45 =	vld.idx.msk [tilespmem:v30+s23+$0x0], $0xffff  }
0x199: {  	v46 =	vmul.f32 v41, v4;
	v18 =	vadd.f32 v44, v18  }
0x19a: {  	v49 =	vld.idx.msk [tilespmem:v29+s23+$0x0], $0xffff  }
0x19b: {  	v50 =	vmul.f32 v43, v3;
	v18 =	vadd.f32 v46, v18  }
0x19c: {  	v46 =	vld [tilespmem:$0x1FEF0]  }
0x19d: {  	v51 =	vmul.f32 v45, v2;
	v18 =	vadd.f32 v50, v18;
	_ =	sdelay $0x1  }
0x19e: {  	v52 =	vmul.f32 v49, v1;
	v18 =	vadd.f32 v51, v18  }
0x19f: {  	v31 =	vld [tilespmem:$0x1FF10]  }
0x1a0: {  	v18 =	vadd.f32 v52, v18  }
0x1a1: {  	v32 =	vld [tilespmem:$0x1FF20]  }
0x1a2: {  	v33 =	vld [tilespmem:$0x1FF30];
	[tilespmem:$0x2260] =	vst v18  }
0x1a3: {  	v18 =	vld.idx.msk [tilespmem:v46+s23+$0x0], $0xffff;
	_ =	sdelay $0x1  }
0x1a4: {  	v53 =	vld.idx.msk [tilespmem:v35+s23+$0x0], $0xffff;
	_ =	sdelay $0x1  }
0x1a5: {  	v61 =	vld.idx.msk [tilespmem:v31+s23+$0x0], $0xffff  }
0x1a6: {  	v18 =	vmul.f32 v18, v16  }
0x1a7: {  	v35 =	vld [tilespmem:$0x1FF40]  }
0x1a8: {  	v26 =	vmov v62;
	v62 =	vld.idx.msk [tilespmem:v32+s23+$0x0], $0xffff;
	v19 =	vmul.f32 v53, v15;
	v18 =	vadd.f32 v18, v17  }
0x1a9: {  	v36 =	vld.idx.msk [tilespmem:v33+s23+$0x0], $0xffff  }
0x1aa: {  	v34 =	vld [tilespmem:$0x1FF50];
	v37 =	vmul.f32 v61, v14;
	v18 =	vadd.f32 v19, v18;
	_ =	sdelay $0x1  }
0x1ab: {  	v18 =	vadd.f32 v37, v18;
	v37 =	vld [tilespmem:$0x1FF60];
	_ =	sdelay $0x1  }
0x1ac: {  	v41 =	vmul.f32 v62, v13;
	v43 =	vmul.f32 v36, v12;
	v36 =	vld [tilespmem:$0x1FF70]  }
0x1ad: {  	v40 =	vld.idx.msk [tilespmem:v35+s23+$0x0], $0xffff  }
0x1ae: {  	v18 =	vadd.f32 v41, v18;
	v41 =	vld [tilespmem:$0x1FF80];
	_ =	sdelay $0x1  }
0x1af: {  	v42 =	vld.idx.msk [tilespmem:v34+s23+$0x0], $0xffff;
	_ =	sdelay $0x1  }
0x1b0: {  	v44 =	vld.idx.msk [tilespmem:v37+s23+$0x0], $0xffff  }
0x1b1: {  	v45 =	vmul.f32 v40, v11;
	v18 =	vadd.f32 v43, v18  }
0x1b2: {  	v49 =	vld.idx.msk [tilespmem:v36+s23+$0x0], $0xffff  }
0x1b3: {  	v50 =	vmul.f32 v42, v10;
	v40 =	vld [tilespmem:$0x1FF90];
	v18 =	vadd.f32 v45, v18  }
0x1b4: {  	v51 =	vld.idx.msk [tilespmem:v41+s23+$0x0], $0xffff  }
0x1b5: {  	v18 =	vadd.f32 v50, v18;
	v52 =	vmul.f32 v44, v9;
	_ =	sdelay $0x1  }
0x1b6: {  	v43 =	vld [tilespmem:$0x1FFA0];
	v61 =	vmul.f32 v49, v8;
	v18 =	vadd.f32 v52, v18;
	_ =	sdelay $0x1  }
0x1b7: {  	v42 =	vld [tilespmem:$0x1FFB0];
	v45 =	vmul.f32 v51, v7;
	v18 =	vadd.f32 v61, v18;
	_ =	sdelay $0x1  }
0x1b8: {  	v18 =	vadd.f32 v45, v18;
	v45 =	vld [tilespmem:$0x1FFC0]  }
0x1b9: {  	v53 =	vld.idx.msk [tilespmem:v40+s23+$0x0], $0xffff  }
0x1ba: {  	v44 =	vld [tilespmem:$0x1FFD0];
	_ =	sdelay $0x1  }
0x1bb: {  	v62 =	vld.idx.msk [tilespmem:v43+s23+$0x0], $0xffff;
	_ =	sdelay $0x1  }
0x1bc: {  	v49 =	vld.idx.msk [tilespmem:v42+s23+$0x0], $0xffff  }
0x1bd: {  	v50 =	vmul.f32 v53, v6  }
0x1be: {  	v51 =	vld.idx.msk [tilespmem:v45+s23+$0x0], $0xffff  }
0x1bf: {  	v52 =	vmul.f32 v62, v5;
	v18 =	vadd.f32 v50, v18  }
0x1c0: {  	v53 =	vld.idx.msk [tilespmem:v44+s23+$0x0], $0xffff  }
0x1c1: {  	v61 =	vmul.f32 v49, v4;
	v18 =	vadd.f32 v52, v18  }
0x1c2: {  	v62 =	vld.idx.msk [tilespmem:v48+s23+$0x0], $0xffff  }
0x1c3: {  	v18 =	vadd.f32 v61, v18;
	v48 =	vmul.f32 v51, v3;
	_ =	sdelay $0x1  }
0x1c4: {  	v49 =	vmul.f32 v53, v2;
	v18 =	vadd.f32 v48, v18;
	_ =	sdelay $0x1  }
0x1c5: {  	v50 =	vmul.f32 v62, v1;
	v18 =	vadd.f32 v49, v18;
	_ =	sdelay $0x1  }
0x1c6: {  	v18 =	vadd.f32 v50, v18;
	_ =	sdelay $0x1  }
0x1c7: {  	[tilespmem:$0x2270] =	vst v18  }
0x1c8: {  	_ =	swait.ge [sflag:s31], $0x400  }
0x1c9: {  	[sflag:s31] =	ssyncset.done $0x0  }
0x1ca: {  	v48 =	vld [tilespmem:$0x1FC20];
	[sflag:s31] =	ssyncadd.s32 $0xFFFFFC00  }
0x1cb: {  	v51 =	vld.idx.msk [tilespmem:v23+s24+$0x0], $0xffff  }
0x1cc: {  	v49 =	vld [tilespmem:$0x1FC30]  }
0x1cd: {  	v52 =	vld.idx.msk [tilespmem:v24+s24+$0x0], $0xffff  }
0x1ce: {  	v50 =	vld [tilespmem:$0x1FC40]  }
0x1cf: {  	v53 =	vld.idx.msk [tilespmem:v0+s24+$0x0], $0xffff  }
0x1d0: {  	v18 =	vmul.f32 v51, v16  }
0x1d1: {  	v51 =	vld [tilespmem:$0x1FC50]  }
0x1d2: {  	v19 =	vmul.f32 v52, v15;
	v52 =	vld [tilespmem:$0x1FC60];
	v18 =	vadd.f32 v18, v17  }
0x1d3: {  	v61 =	vmov v0;
	v0 =	vld.idx.msk [tilespmem:v48+s24+$0x0], $0xffff  }
0x1d4: {  	v53 =	vmul.f32 v53, v14;
	v18 =	vadd.f32 v19, v18  }
0x1d5: {  	v24 =	vld.idx.msk [tilespmem:v49+s24+$0x0], $0xffff  }
0x1d6: {  	v18 =	vadd.f32 v53, v18;
	v53 =	vld [tilespmem:$0x1FC70]  }
0x1d7: {  	v20 =	vld.idx.msk [tilespmem:v50+s24+$0x0], $0xffff  }
0x1d8: {  	v0 =	vmul.f32 v0, v13  }
0x1d9: {  	v21 =	vld.idx.msk [tilespmem:v51+s24+$0x0], $0xffff  }
0x1da: {  	v24 =	vmul.f32 v24, v12;
	v18 =	vadd.f32 v0, v18  }
0x1db: {  	v22 =	vld.idx.msk [tilespmem:v52+s24+$0x0], $0xffff  }
0x1dc: {  	v0 =	vmul.f32 v20, v11;
	v18 =	vadd.f32 v24, v18;
	_ =	sdelay $0x1  }
0x1dd: {  	v18 =	vadd.f32 v0, v18;
	v24 =	vmul.f32 v21, v10;
	v20 =	vld.idx.msk [tilespmem:v53+s24+$0x0], $0xffff  }
0x1de: {  	v21 =	vld.idx.msk [tilespmem:v54+s24+$0x0], $0xffff  }
0x1df: {  	v0 =	vmul.f32 v22, v9;
	v54 =	vld [tilespmem:$0x1FC90];
	v18 =	vadd.f32 v24, v18;
	_ =	sdelay $0x1  }
0x1e0: {  	v18 =	vadd.f32 v0, v18;
	v0 =	vld [tilespmem:$0x1FCA0]  }
0x1e1: {  	v24 =	vmul.f32 v20, v8;
	_ =	sdelay $0x1  }
0x1e2: {  	v18 =	vadd.f32 v24, v18;
	v24 =	vld [tilespmem:$0x1FCB0];
	_ =	sdelay $0x2  }
0x1e3: {  	v22 =	vld.idx.msk [tilespmem:v54+s24+$0x0], $0xffff;
	_ =	sdelay $0x1  }
0x1e4: {  	v20 =	vld.idx.msk [tilespmem:v0+s24+$0x0], $0xffff  }
0x1e5: {  	v19 =	vmul.f32 v21, v7;
	_ =	sdelay $0x1  }
0x1e6: {  	v18 =	vadd.f32 v19, v18;
	v21 =	vld.idx.msk [tilespmem:v24+s24+$0x0], $0xffff;
	v24 =	vmul.f32 v22, v6;
	_ =	sdelay $0x1  }
0x1e7: {  	v18 =	vadd.f32 v24, v18;
	v24 =	vmul.f32 v20, v5;
	v20 =	vld.idx.msk [tilespmem:v47+s24+$0x0], $0xffff  }
0x1e8: {  	v47 =	vld [tilespmem:$0x1FCE0];
	_ =	sdelay $0x3  }
0x1e9: {  	v22 =	vld.idx.msk [tilespmem:v60+s24+$0x0], $0xffff;
	_ =	sdelay $0x2  }
0x1ea: {  	v18 =	vadd.f32 v24, v18;
	v24 =	vmul.f32 v21, v4  }
0x1eb: {  	v21 =	vld.idx.msk [tilespmem:v47+s24+$0x0], $0xffff  }
0x1ec: {  	v22 =	vmul.f32 v22, v3;
	v18 =	vadd.f32 v24, v18;
	_ =	sdelay $0x1  }
0x1ed: {  	v62 =	vmov v23;
	v23 =	vmul.f32 v20, v2;
	v18 =	vadd.f32 v22, v18;
	_ =	sdelay $0x1  }
0x1ee: {  	v18 =	vadd.f32 v23, v18;
	v24 =	vmul.f32 v21, v1;
	_ =	sdelay $0x1  }
0x1ef: {  	v18 =	vadd.f32 v24, v18;
	_ =	sdelay $0x1  }
0x1f0: {  	[tilespmem:$0x2280] =	vst v18  }
0x1f1: {  	v18 =	vld.idx.msk [tilespmem:v38+s24+$0x0], $0xffff  }
0x1f2: {  	v38 =	vld.idx.msk [tilespmem:v39+s24+$0x0], $0xffff;
	_ =	sdelay $0x3  }
0x1f3: {  	v47 =	vld.idx.msk [tilespmem:v63+s24+$0x0], $0xffff  }
0x1f4: {  	v19 =	vmul.f32 v38, v15;
	v38 =	vld.idx.msk [tilespmem:v56+s24+$0x0], $0xffff  }
0x1f5: {  	v18 =	vmul.f32 v18, v16;
	v56 =	vld [tilespmem:$0x1FD40];
	_ =	sdelay $0x1  }
0x1f6: {  	v24 =	vld.idx.msk [tilespmem:v55+s24+$0x0], $0xffff;
	v18 =	vadd.f32 v18, v17;
	_ =	sdelay $0x1  }
0x1f7: {  	v23 =	vmov v39;
	v39 =	vmul.f32 v47, v14;
	v18 =	vadd.f32 v19, v18;
	_ =	sdelay $0x1  }
0x1f8: {  	v18 =	vadd.f32 v39, v18;
	v39 =	vld [tilespmem:$0x1FD60]  }
0x1f9: {  	v55 =	vmul.f32 v24, v13;
	v24 =	vld.idx.msk [tilespmem:v57+s24+$0x0], $0xffff  }
0x1fa: {  	v47 =	vld.idx.msk [tilespmem:v56+s24+$0x0], $0xffff  }
0x1fb: {  	v57 =	vld [tilespmem:$0x1FD70];
	_ =	sdelay $0x1  }
0x1fc: {  	v38 =	vmul.f32 v38, v12;
	v18 =	vadd.f32 v55, v18;
	_ =	sdelay $0x1  }
0x1fd: {  	v18 =	vadd.f32 v38, v18;
	v47 =	vmul.f32 v47, v11  }
0x1fe: {  	v22 =	vld.idx.msk [tilespmem:v39+s24+$0x0], $0xffff  }
0x1ff: {  	v18 =	vadd.f32 v47, v18;
	v47 =	vld [tilespmem:$0x1FD90];
	_ =	sdelay $0x1  }
0x200: {  	v55 =	vld.idx.msk [tilespmem:v57+s24+$0x0], $0xffff  }
0x201: {  	v24 =	vmul.f32 v24, v10  }
0x202: {  	v38 =	vld.idx.msk [tilespmem:v58+s24+$0x0], $0xffff  }
0x203: {  	v18 =	vadd.f32 v24, v18;
	v24 =	vld [tilespmem:$0x1FDB0];
	v39 =	vmul.f32 v22, v9  }
0x204: {  	v58 =	vld.idx.msk [tilespmem:v59+s24+$0x0], $0xffff  }
0x205: {  	v55 =	vmul.f32 v55, v8;
	v18 =	vadd.f32 v39, v18;
	v39 =	vld [tilespmem:$0x1FDC0]  }
0x206: {  	v22 =	vld.idx.msk [tilespmem:v47+s24+$0x0], $0xffff  }
0x207: {  	v59 =	vmul.f32 v38, v7;
	v18 =	vadd.f32 v55, v18;
	v55 =	vld [tilespmem:$0x1FDD0];
	_ =	sdelay $0x1  }
0x208: {  	v18 =	vadd.f32 v59, v18;
	v59 =	vld [tilespmem:$0x1FDE0];
	_ =	sdelay $0x1  }
0x209: {  	v21 =	vld.idx.msk [tilespmem:v24+s24+$0x0], $0xffff  }
0x20a: {  	v38 =	vmul.f32 v22, v6  }
0x20b: {  	v22 =	vld.idx.msk [tilespmem:v39+s24+$0x0], $0xffff  }
0x20c: {  	v47 =	vmul.f32 v58, v5;
	v18 =	vadd.f32 v38, v18  }
0x20d: {  	v20 =	vld.idx.msk [tilespmem:v55+s24+$0x0], $0xffff  }
0x20e: {  	v58 =	vmul.f32 v21, v4;
	v18 =	vadd.f32 v47, v18  }
0x20f: {  	v21 =	vld.idx.msk [tilespmem:v59+s24+$0x0], $0xffff  }
0x210: {  	v18 =	vadd.f32 v58, v18;
	v22 =	vmul.f32 v22, v3  }
0x211: {  	v47 =	vld [tilespmem:$0x1FE00]  }
0x212: {  	v18 =	vadd.f32 v22, v18;
	v24 =	vmul.f32 v20, v2;
	_ =	sdelay $0x1  }
0x213: {  	v18 =	vadd.f32 v24, v18;
	v38 =	vmul.f32 v21, v1  }
0x214: {  	v55 =	vld [tilespmem:$0x1FDF0]  }
0x215: {  	v18 =	vadd.f32 v38, v18;
	_ =	sdelay $0x1  }
0x216: {  	[tilespmem:$0x2290] =	vst v18  }
0x217: {  	v39 =	vld.idx.msk [tilespmem:v47+s24+$0x0], $0xffff  }
0x218: {  	v58 =	vld [tilespmem:$0x1FE10]  }
0x219: {  	v59 =	vld [tilespmem:$0x1FE20];
	_ =	sdelay $0x1  }
0x21a: {  	v18 =	vld.idx.msk [tilespmem:v55+s24+$0x0], $0xffff  }
0x21b: {  	v19 =	vmul.f32 v39, v15;
	v39 =	vld [tilespmem:$0x1FE30];
	_ =	sdelay $0x1  }
0x21c: {  	v38 =	vld [tilespmem:$0x1FE40];
	_ =	sdelay $0x1  }
0x21d: {  	v20 =	vld.idx.msk [tilespmem:v58+s24+$0x0], $0xffff  }
0x21e: {  	v21 =	vld.idx.msk [tilespmem:v59+s24+$0x0], $0xffff;
	v18 =	vmul.f32 v18, v16  }
0x21f: {  	v59 =	vld [tilespmem:$0x1FE50]  }
0x220: {  	v18 =	vadd.f32 v18, v17  }
0x221: {  	v22 =	vld.idx.msk [tilespmem:v39+s24+$0x0], $0xffff  }
0x222: {  	v24 =	vmul.f32 v20, v14;
	v18 =	vadd.f32 v19, v18  }
0x223: {  	v20 =	vld.idx.msk [tilespmem:v38+s24+$0x0], $0xffff  }
0x224: {  	v58 =	vmul.f32 v21, v13;
	v18 =	vadd.f32 v24, v18;
	_ =	sdelay $0x1  }
0x225: {  	v18 =	vadd.f32 v58, v18;
	v58 =	vld [tilespmem:$0x1FE60];
	v24 =	vmul.f32 v22, v12  }
0x226: {  	v21 =	vld.idx.msk [tilespmem:v59+s24+$0x0], $0xffff  }
0x227: {  	v59 =	vmul.f32 v20, v11;
	v18 =	vadd.f32 v24, v18;
	v24 =	vld [tilespmem:$0x1FE70];
	_ =	sdelay $0x1  }
0x228: {  	v18 =	vadd.f32 v59, v18;
	v59 =	vld [tilespmem:$0x1FE80];
	_ =	sdelay $0x3  }
0x229: {  	v22 =	vld.idx.msk [tilespmem:v58+s24+$0x0], $0xffff;
	_ =	sdelay $0x1  }
0x22a: {  	v20 =	vld.idx.msk [tilespmem:v24+s24+$0x0], $0xffff  }
0x22b: {  	v58 =	vmul.f32 v21, v10  }
0x22c: {  	v21 =	vld.idx.msk [tilespmem:v59+s24+$0x0], $0xffff  }
0x22d: {  	v18 =	vadd.f32 v58, v18;
	v24 =	vmul.f32 v22, v9  }
0x22e: {  	v22 =	vld.idx.msk [tilespmem:v26+s24+$0x0], $0xffff  }
0x22f: {  	v18 =	vadd.f32 v24, v18;
	v26 =	vmul.f32 v20, v8  }
0x230: {  	v58 =	vld.idx.msk [tilespmem:v25+s24+$0x0], $0xffff  }
0x231: {  	v18 =	vadd.f32 v26, v18;
	v59 =	vmul.f32 v21, v7  }
0x232: {  	v24 =	vld.idx.msk [tilespmem:v28+s24+$0x0], $0xffff  }
0x233: {  	v25 =	vmul.f32 v22, v6;
	v18 =	vadd.f32 v59, v18  }
0x234: {  	v26 =	vld.idx.msk [tilespmem:v27+s24+$0x0], $0xffff  }
0x235: {  	v27 =	vmul.f32 v58, v5;
	v18 =	vadd.f32 v25, v18  }
0x236: {  	v28 =	vld.idx.msk [tilespmem:v30+s24+$0x0], $0xffff  }
0x237: {  	v30 =	vmul.f32 v24, v4;
	v18 =	vadd.f32 v27, v18  }
0x238: {  	v58 =	vld.idx.msk [tilespmem:v29+s24+$0x0], $0xffff  }
0x239: {  	v59 =	vmul.f32 v26, v3;
	v18 =	vadd.f32 v30, v18;
	_ =	sdelay $0x1  }
0x23a: {  	v22 =	vmul.f32 v28, v2;
	v18 =	vadd.f32 v59, v18;
	_ =	sdelay $0x1  }
0x23b: {  	v24 =	vmul.f32 v58, v1;
	v18 =	vadd.f32 v22, v18;
	_ =	sdelay $0x1  }
0x23c: {  	v18 =	vadd.f32 v24, v18;
	v24 =	vld [tilespmem:$0x1FF00];
	_ =	sdelay $0x4  }
0x23d: {  	[tilespmem:$0x22A0] =	vst v18  }
0x23e: {  	v18 =	vld.idx.msk [tilespmem:v46+s24+$0x0], $0xffff;
	_ =	sdelay $0x1  }
0x23f: {  	v25 =	vld.idx.msk [tilespmem:v24+s24+$0x0], $0xffff;
	_ =	sdelay $0x1  }
0x240: {  	v26 =	vld.idx.msk [tilespmem:v31+s24+$0x0], $0xffff  }
0x241: {  	v18 =	vmul.f32 v18, v16  }
0x242: {  	v27 =	vld.idx.msk [tilespmem:v32+s24+$0x0], $0xffff  }
0x243: {  	v18 =	vadd.f32 v18, v17;
	v19 =	vmul.f32 v25, v15  }
0x244: {  	v28 =	vld.idx.msk [tilespmem:v33+s24+$0x0], $0xffff  }
0x245: {  	v29 =	vmul.f32 v26, v14;
	v18 =	vadd.f32 v19, v18  }
0x246: {  	v30 =	vld.idx.msk [tilespmem:v35+s24+$0x0], $0xffff  }
0x247: {  	v31 =	vmul.f32 v27, v13;
	v18 =	vadd.f32 v29, v18  }
0x248: {  	v32 =	vld.idx.msk [tilespmem:v34+s24+$0x0], $0xffff  }
0x249: {  	v33 =	vmul.f32 v28, v12;
	v18 =	vadd.f32 v31, v18  }
0x24a: {  	v34 =	vld.idx.msk [tilespmem:v37+s24+$0x0], $0xffff  }
0x24b: {  	v35 =	vmul.f32 v30, v11;
	v18 =	vadd.f32 v33, v18  }
0x24c: {  	v36 =	vld.idx.msk [tilespmem:v36+s24+$0x0], $0xffff  }
0x24d: {  	v46 =	vld.idx.msk [tilespmem:v41+s24+$0x0], $0xffff;
	v37 =	vmul.f32 v32, v10;
	v18 =	vadd.f32 v35, v18;
	_ =	sdelay $0x1  }
0x24e: {  	v58 =	vmul.f32 v34, v9;
	v18 =	vadd.f32 v37, v18  }
0x24f: {  	v59 =	vld.idx.msk [tilespmem:v40+s24+$0x0], $0xffff  }
0x250: {  	v26 =	vld.idx.msk [tilespmem:v43+s24+$0x0], $0xffff;
	v25 =	vmul.f32 v36, v8;
	v18 =	vadd.f32 v58, v18  }
0x251: {  	v27 =	vmul.f32 v46, v7;
	v46 =	vld [tilespmem:$0x1FFF0]  }
0x252: {  	v18 =	vadd.f32 v25, v18  }
0x253: {  	v28 =	vld.idx.msk [tilespmem:v42+s24+$0x0], $0xffff  }
0x254: {  	v29 =	vmul.f32 v59, v6;
	v18 =	vadd.f32 v27, v18  }
0x255: {  	v30 =	vld.idx.msk [tilespmem:v45+s24+$0x0], $0xffff  }
0x256: {  	v31 =	vmul.f32 v26, v5;
	v18 =	vadd.f32 v29, v18  }
0x257: {  	v32 =	vld.idx.msk [tilespmem:v44+s24+$0x0], $0xffff  }
0x258: {  	v33 =	vmul.f32 v28, v4;
	v18 =	vadd.f32 v31, v18  }
0x259: {  	v34 =	vld.idx.msk [tilespmem:v46+s24+$0x0], $0xffff  }
0x25a: {  	v35 =	vmul.f32 v30, v3;
	v18 =	vadd.f32 v33, v18;
	_ =	sdelay $0x1  }
0x25b: {  	v36 =	vmul.f32 v32, v2;
	v18 =	vadd.f32 v35, v18;
	_ =	sdelay $0x1  }
0x25c: {  	v37 =	vmul.f32 v34, v1;
	v18 =	vadd.f32 v36, v18;
	_ =	sdelay $0x1  }
0x25d: {  	v18 =	vadd.f32 v37, v18;
	_ =	sdelay $0x1  }
0x25e: {  	[tilespmem:$0x22B0] =	vst v18  }
0x25f: {  	_ =	swait.ge [sflag:s31], $0x400  }
0x260: {  	v41 =	vld [tilespmem:$0x1FC00];
	_ =	sdelay $0x3  }
0x261: {  	[sflag:s31] =	ssyncset.done $0x0  }
0x262: {  	[sflag:s31] =	ssyncadd.s32 $0xFFFFFC00  }
0x263: {  	v40 =	vld.idx.msk [tilespmem:v62+s25+$0x0], $0xffff;
	_ =	sdelay $0x1  }
0x264: {  	v19 =	vld.idx.msk [tilespmem:v41+s25+$0x0], $0xffff;
	_ =	sdelay $0x1  }
0x265: {  	v42 =	vld.idx.msk [tilespmem:v61+s25+$0x0], $0xffff  }
0x266: {  	v18 =	vmul.f32 v40, v16  }
0x267: {  	v43 =	vld.idx.msk [tilespmem:v48+s25+$0x0], $0xffff  }
0x268: {  	v25 =	vld [tilespmem:$0x1FC80];
	v18 =	vadd.f32 v18, v17;
	v19 =	vmul.f32 v19, v15  }
0x269: {  	v44 =	vld.idx.msk [tilespmem:v49+s25+$0x0], $0xffff  }
0x26a: {  	v48 =	vld.idx.msk [tilespmem:v50+s25+$0x0], $0xffff;
	v45 =	vmul.f32 v42, v14;
	v18 =	vadd.f32 v19, v18  }
0x26b: {  	v50 =	vld.idx.msk [tilespmem:v51+s25+$0x0], $0xffff  }
0x26c: {  	v58 =	vld.idx.msk [tilespmem:v52+s25+$0x0], $0xffff;
	v49 =	vmul.f32 v43, v13;
	v18 =	vadd.f32 v45, v18  }
0x26d: {  	v61 =	vld.idx.msk [tilespmem:v53+s25+$0x0], $0xffff  }
0x26e: {  	v27 =	vld.idx.msk [tilespmem:v54+s25+$0x0], $0xffff;
	v51 =	vmul.f32 v44, v12;
	v18 =	vadd.f32 v49, v18  }
0x26f: {  	v29 =	vld.idx.msk [tilespmem:v0+s25+$0x0], $0xffff  }
0x270: {  	v59 =	vmul.f32 v48, v11;
	v21 =	vld.idx.msk [tilespmem:v25+s25+$0x0], $0xffff;
	v18 =	vadd.f32 v51, v18  }
0x271: {  	v26 =	vmul.f32 v58, v9;
	v58 =	vld [tilespmem:$0x1FCB0]  }
0x272: {  	v62 =	vmul.f32 v50, v10;
	v18 =	vadd.f32 v59, v18;
	_ =	sdelay $0x1  }
0x273: {  	v33 =	vld.idx.msk [tilespmem:v60+s25+$0x0], $0xffff;
	v18 =	vadd.f32 v62, v18  }
0x274: {  	v59 =	vmov v60;
	v60 =	vld [tilespmem:$0x1FCD0]  }
0x275: {  	v28 =	vmul.f32 v61, v8;
	v18 =	vadd.f32 v26, v18  }
0x276: {  	v61 =	vld [tilespmem:$0x1FCE0]  }
0x277: {  	v30 =	vmul.f32 v21, v7;
	v18 =	vadd.f32 v28, v18  }
0x278: {  	v31 =	vld.idx.msk [tilespmem:v58+s25+$0x0], $0xffff  }
0x279: {  	v32 =	vmul.f32 v27, v6;
	v18 =	vadd.f32 v30, v18;
	_ =	sdelay $0x1  }
0x27a: {  	v34 =	vmul.f32 v29, v5;
	v18 =	vadd.f32 v32, v18  }
0x27b: {  	v35 =	vld.idx.msk [tilespmem:v60+s25+$0x0], $0xffff  }
0x27c: {  	v36 =	vmul.f32 v31, v4;
	v18 =	vadd.f32 v34, v18  }
0x27d: {  	v37 =	vld.idx.msk [tilespmem:v61+s25+$0x0], $0xffff  }
0x27e: {  	v40 =	vmul.f32 v33, v3;
	v18 =	vadd.f32 v36, v18  }
0x27f: {  	v54 =	vld [tilespmem:$0x1FCF0]  }
0x280: {  	v41 =	vmul.f32 v35, v2;
	v18 =	vadd.f32 v40, v18;
	_ =	sdelay $0x1  }
0x281: {  	v42 =	vmul.f32 v37, v1;
	v18 =	vadd.f32 v41, v18;
	_ =	sdelay $0x1  }
0x282: {  	v18 =	vadd.f32 v42, v18;
	_ =	sdelay $0x1  }
0x283: {  	[tilespmem:$0x22C0] =	vst v18  }
0x284: {  	v18 =	vld.idx.msk [tilespmem:v54+s25+$0x0], $0xffff  }
0x285: {  	v44 =	vld.idx.msk [tilespmem:v63+s25+$0x0], $0xffff  }
0x286: {  	v62 =	vmov v63;
	v63 =	vld [tilespmem:$0x1FD20]  }
0x287: {  	v43 =	vld.idx.msk [tilespmem:v23+s25+$0x0], $0xffff  }
0x288: {  	v23 =	vld [tilespmem:$0x1FD30];
	_ =	sdelay $0x4  }
0x289: {  	v25 =	vld [tilespmem:$0x1FD50];
	v18 =	vmul.f32 v18, v16  }
0x28a: {  	v45 =	vld.idx.msk [tilespmem:v63+s25+$0x0], $0xffff  }
0x28b: {  	v26 =	vld [tilespmem:$0x1FD60];
	v19 =	vmul.f32 v43, v15;
	v18 =	vadd.f32 v18, v17  }
0x28c: {  	v48 =	vld.idx.msk [tilespmem:v23+s25+$0x0], $0xffff  }
0x28d: {  	v28 =	vld [tilespmem:$0x1FD80];
	v49 =	vmul.f32 v44, v14;
	v18 =	vadd.f32 v19, v18  }
0x28e: {  	v50 =	vld.idx.msk [tilespmem:v56+s25+$0x0], $0xffff  }
0x28f: {  	v29 =	vld [tilespmem:$0x1FD90];
	v18 =	vadd.f32 v49, v18;
	v51 =	vmul.f32 v45, v13  }
0x290: {  	v30 =	vld [tilespmem:$0x1FDA0]  }
0x291: {  	v52 =	vld.idx.msk [tilespmem:v25+s25+$0x0], $0xffff;
	v53 =	vmul.f32 v48, v12;
	v18 =	vadd.f32 v51, v18  }
0x292: {  	v32 =	vld.idx.msk [tilespmem:v57+s25+$0x0], $0xffff  }
0x293: {  	v0 =	vmov v56;
	v56 =	vld.idx.msk [tilespmem:v26+s25+$0x0], $0xffff;
	v31 =	vmul.f32 v50, v11;
	v18 =	vadd.f32 v53, v18;
	_ =	sdelay $0x1  }
0x294: {  	v18 =	vadd.f32 v31, v18;
	v31 =	vld [tilespmem:$0x1FDB0]  }
0x295: {  	v34 =	vld.idx.msk [tilespmem:v28+s25+$0x0], $0xffff;
	v33 =	vmul.f32 v52, v10  }
0x296: {  	v37 =	vmul.f32 v32, v8;
	v32 =	vld [tilespmem:$0x1FDC0]  }
0x297: {  	v36 =	vld.idx.msk [tilespmem:v29+s25+$0x0], $0xffff;
	v35 =	vmul.f32 v56, v9;
	v18 =	vadd.f32 v33, v18  }
0x298: {  	v33 =	vld [tilespmem:$0x1FDD0]  }
0x299: {  	v40 =	vld.idx.msk [tilespmem:v30+s25+$0x0], $0xffff;
	v18 =	vadd.f32 v35, v18  }
0x29a: {  	v41 =	vmul.f32 v34, v7;
	v34 =	vld [tilespmem:$0x1FDE0]  }
0x29b: {  	v18 =	vadd.f32 v37, v18  }
0x29c: {  	v42 =	vld.idx.msk [tilespmem:v31+s25+$0x0], $0xffff  }
0x29d: {  	v43 =	vmul.f32 v36, v6;
	v18 =	vadd.f32 v41, v18  }
0x29e: {  	v44 =	vld.idx.msk [tilespmem:v32+s25+$0x0], $0xffff  }
0x29f: {  	v45 =	vmul.f32 v40, v5;
	v18 =	vadd.f32 v43, v18  }
0x2a0: {  	v48 =	vld.idx.msk [tilespmem:v33+s25+$0x0], $0xffff  }
0x2a1: {  	v18 =	vadd.f32 v45, v18;
	v49 =	vmul.f32 v42, v4  }
0x2a2: {  	v50 =	vld.idx.msk [tilespmem:v34+s25+$0x0], $0xffff  }
0x2a3: {  	v51 =	vmul.f32 v44, v3;
	v18 =	vadd.f32 v49, v18;
	_ =	sdelay $0x1  }
0x2a4: {  	v52 =	vmul.f32 v48, v2;
	v18 =	vadd.f32 v51, v18;
	_ =	sdelay $0x1  }
0x2a5: {  	v53 =	vmul.f32 v50, v1;
	v35 =	vld [tilespmem:$0x1FE10];
	v18 =	vadd.f32 v52, v18  }
0x2a6: {  	v36 =	vld [tilespmem:$0x1FE20]  }
0x2a7: {  	v18 =	vadd.f32 v53, v18;
	_ =	sdelay $0x1  }
0x2a8: {  	[tilespmem:$0x22D0] =	vst v18  }
0x2a9: {  	v18 =	vld.idx.msk [tilespmem:v55+s25+$0x0], $0xffff  }
0x2aa: {  	v37 =	vld [tilespmem:$0x1FE50]  }
0x2ab: {  	v55 =	vld.idx.msk [tilespmem:v47+s25+$0x0], $0xffff  }
0x2ac: {  	v27 =	vmov v57;
	v57 =	vld.idx.msk [tilespmem:v35+s25+$0x0], $0xffff  }
0x2ad: {  	v40 =	vld.idx.msk [tilespmem:v36+s25+$0x0], $0xffff  }
0x2ae: {  	v43 =	vld.idx.msk [tilespmem:v38+s25+$0x0], $0xffff;
	v18 =	vmul.f32 v18, v16  }
0x2af: {  	v38 =	vld [tilespmem:$0x1FE60]  }
0x2b0: {  	v41 =	vld.idx.msk [tilespmem:v39+s25+$0x0], $0xffff;
	v19 =	vmul.f32 v55, v15;
	v18 =	vadd.f32 v18, v17  }
0x2b1: {  	v39 =	vld [tilespmem:$0x1FE70]  }
0x2b2: {  	v42 =	vmul.f32 v57, v14;
	v18 =	vadd.f32 v19, v18;
	_ =	sdelay $0x1  }
0x2b3: {  	v45 =	vld.idx.msk [tilespmem:v37+s25+$0x0], $0xffff;
	v44 =	vmul.f32 v40, v13;
	v18 =	vadd.f32 v42, v18  }
0x2b4: {  	v40 =	vld [tilespmem:$0x1FE80]  }
0x2b5: {  	v56 =	vmov v47;
	v47 =	vmul.f32 v41, v12;
	v57 =	vld [tilespmem:$0x1FE90];
	v18 =	vadd.f32 v44, v18  }
0x2b6: {  	v48 =	vld.idx.msk [tilespmem:v38+s25+$0x0], $0xffff  }
0x2b7: {  	v49 =	vmul.f32 v43, v11;
	v18 =	vadd.f32 v47, v18  }
0x2b8: {  	v50 =	vld.idx.msk [tilespmem:v39+s25+$0x0], $0xffff  }
0x2b9: {  	v51 =	vmul.f32 v45, v10;
	v41 =	vld [tilespmem:$0x1FEA0];
	v18 =	vadd.f32 v49, v18;
	_ =	sdelay $0x1  }
0x2ba: {  	v43 =	vld [tilespmem:$0x1FEB0];
	v53 =	vmul.f32 v48, v9;
	v18 =	vadd.f32 v51, v18  }
0x2bb: {  	v42 =	vld [tilespmem:$0x1FEC0]  }
0x2bc: {  	v52 =	vld.idx.msk [tilespmem:v40+s25+$0x0], $0xffff;
	v45 =	vmul.f32 v50, v8;
	v18 =	vadd.f32 v53, v18  }
0x2bd: {  	v55 =	vld.idx.msk [tilespmem:v57+s25+$0x0], $0xffff  }
0x2be: {  	v18 =	vadd.f32 v45, v18;
	v45 =	vld [tilespmem:$0x1FED0]  }
0x2bf: {  	v44 =	vld [tilespmem:$0x1FEE0]  }
0x2c0: {  	v47 =	vld.idx.msk [tilespmem:v41+s25+$0x0], $0xffff  }
0x2c1: {  	v48 =	vmul.f32 v52, v7  }
0x2c2: {  	v49 =	vld.idx.msk [tilespmem:v43+s25+$0x0], $0xffff  }
0x2c3: {  	v50 =	vmul.f32 v55, v6;
	v18 =	vadd.f32 v48, v18  }
0x2c4: {  	v51 =	vld.idx.msk [tilespmem:v42+s25+$0x0], $0xffff  }
0x2c5: {  	v52 =	vmul.f32 v47, v5;
	v18 =	vadd.f32 v50, v18  }
0x2c6: {  	v53 =	vld.idx.msk [tilespmem:v45+s25+$0x0], $0xffff  }
0x2c7: {  	v55 =	vmul.f32 v49, v4;
	v18 =	vadd.f32 v52, v18  }
0x2c8: {  	v48 =	vld.idx.msk [tilespmem:v44+s25+$0x0], $0xffff  }
0x2c9: {  	v49 =	vmul.f32 v51, v3;
	v18 =	vadd.f32 v55, v18  }
0x2ca: {  	v55 =	vld [tilespmem:$0x1FEF0]  }
0x2cb: {  	v18 =	vadd.f32 v49, v18;
	v50 =	vmul.f32 v53, v2;
	_ =	sdelay $0x1  }
0x2cc: {  	v51 =	vmul.f32 v48, v1;
	v18 =	vadd.f32 v50, v18  }
0x2cd: {  	v47 =	vld [tilespmem:$0x1FF10]  }
0x2ce: {  	v18 =	vadd.f32 v51, v18  }
0x2cf: {  	v48 =	vld [tilespmem:$0x1FF20]  }
0x2d0: {  	[tilespmem:$0x22E0] =	vst v18  }
0x2d1: {  	v18 =	vld.idx.msk [tilespmem:v55+s25+$0x0], $0xffff;
	_ =	sdelay $0x1  }
0x2d2: {  	v52 =	vld.idx.msk [tilespmem:v24+s25+$0x0], $0xffff;
	_ =	sdelay $0x1  }
0x2d3: {  	v53 =	vld.idx.msk [tilespmem:v47+s25+$0x0], $0xffff  }
0x2d4: {  	v49 =	vld [tilespmem:$0x1FF30];
	v18 =	vmul.f32 v18, v16  }
0x2d5: {  	v21 =	vld.idx.msk [tilespmem:v48+s25+$0x0], $0xffff  }
0x2d6: {  	v19 =	vmul.f32 v52, v15;
	v18 =	vadd.f32 v18, v17;
	_ =	sdelay $0x1  }
0x2d7: {  	v51 =	vld [tilespmem:$0x1FF40];
	v24 =	vmul.f32 v53, v14;
	v18 =	vadd.f32 v19, v18;
	_ =	sdelay $0x1  }
0x2d8: {  	v50 =	vld [tilespmem:$0x1FF50];
	v53 =	vmul.f32 v21, v13;
	v18 =	vadd.f32 v24, v18;
	_ =	sdelay $0x1  }
0x2d9: {  	v18 =	vadd.f32 v53, v18;
	v53 =	vld [tilespmem:$0x1FF60]  }
0x2da: {  	v22 =	vld.idx.msk [tilespmem:v49+s25+$0x0], $0xffff  }
0x2db: {  	v52 =	vld [tilespmem:$0x1FF70];
	_ =	sdelay $0x1  }
0x2dc: {  	v20 =	vld.idx.msk [tilespmem:v51+s25+$0x0], $0xffff;
	_ =	sdelay $0x1  }
0x2dd: {  	v21 =	vld.idx.msk [tilespmem:v50+s25+$0x0], $0xffff  }
0x2de: {  	v24 =	vmul.f32 v22, v12  }
0x2df: {  	v22 =	vld.idx.msk [tilespmem:v53+s25+$0x0], $0xffff  }
0x2e0: {  	v18 =	vadd.f32 v24, v18;
	v24 =	vmul.f32 v20, v11  }
0x2e1: {  	v20 =	vld.idx.msk [tilespmem:v52+s25+$0x0], $0xffff  }
0x2e2: {  	v19 =	vmul.f32 v21, v10;
	v18 =	vadd.f32 v24, v18;
	v24 =	vld [tilespmem:$0x1FF80];
	_ =	sdelay $0x1  }
0x2e3: {  	v18 =	vadd.f32 v19, v18;
	v19 =	vmul.f32 v22, v9;
	v22 =	vld [tilespmem:$0x1FF90];
	_ =	sdelay $0x1  }
0x2e4: {  	v18 =	vadd.f32 v19, v18;
	v19 =	vmul.f32 v20, v8;
	v20 =	vld [tilespmem:$0x1FFA0];
	_ =	sdelay $0x3  }
0x2e5: {  	v21 =	vld.idx.msk [tilespmem:v24+s25+$0x0], $0xffff;
	_ =	sdelay $0x1  }
0x2e6: {  	v22 =	vld.idx.msk [tilespmem:v22+s25+$0x0], $0xffff;
	_ =	sdelay $0x1  }
0x2e7: {  	v20 =	vld.idx.msk [tilespmem:v20+s25+$0x0], $0xffff  }
0x2e8: {  	v18 =	vadd.f32 v19, v18;
	v19 =	vmul.f32 v21, v7;
	v21 =	vld [tilespmem:$0x1FFB0];
	_ =	sdelay $0x1  }
0x2e9: {  	v18 =	vadd.f32 v19, v18;
	v19 =	vmul.f32 v22, v6;
	v22 =	vld [tilespmem:$0x1FFC0];
	_ =	sdelay $0x1  }
0x2ea: {  	v18 =	vadd.f32 v19, v18;
	v19 =	vmul.f32 v20, v5;
	v20 =	vld [tilespmem:$0x1FFD0];
	_ =	sdelay $0x3  }
0x2eb: {  	v21 =	vld.idx.msk [tilespmem:v21+s25+$0x0], $0xffff;
	_ =	sdelay $0x1  }
0x2ec: {  	v22 =	vld.idx.msk [tilespmem:v22+s25+$0x0], $0xffff;
	_ =	sdelay $0x1  }
0x2ed: {  	v20 =	vld.idx.msk [tilespmem:v20+s25+$0x0], $0xffff  }
0x2ee: {  	v18 =	vadd.f32 v19, v18;
	v19 =	vmul.f32 v21, v4  }
0x2ef: {  	v21 =	vld.idx.msk [tilespmem:v46+s25+$0x0], $0xffff  }
0x2f0: {  	v18 =	vadd.f32 v19, v18;
	v22 =	vmul.f32 v22, v3;
	_ =	sdelay $0x1  }
0x2f1: {  	v18 =	vadd.f32 v22, v18;
	v46 =	vmul.f32 v20, v2;
	_ =	sdelay $0x1  }
0x2f2: {  	v22 =	vmul.f32 v21, v1;
	v18 =	vadd.f32 v46, v18;
	_ =	sdelay $0x1  }
0x2f3: {  	v18 =	vadd.f32 v22, v18;
	_ =	sdelay $0x1  }
0x2f4: {  	[tilespmem:$0x22F0] =	vst v18  }
0x2f5: {  	_ =	swait.ge [sflag:s31], $0x400  }
0x2f6: {  	v46 =	vld [tilespmem:$0x1FFE0];
	_ =	sdelay $0x5  }
0x2f7: {  	[sflag:s31] =	ssyncset.done $0x0  }
0x2f8: {  	[sflag:s31] =	ssyncadd.s32 $0xFFFFFC00  }
0x2f9: {  	v18 =	vld.idx.msk [tilespmem:v46+s26+$0x0], $0xffff  }
0x2fa: {  	v46 =	vld [tilespmem:$0x1FC00];
	_ =	sdelay $0x1  }
0x2fb: {  	v20 =	vld [tilespmem:$0x1FC10];
	_ =	sdelay $0x5  }
0x2fc: {  	v19 =	vld.idx.msk [tilespmem:v46+s26+$0x0], $0xffff;
	_ =	sdelay $0x1  }
0x2fd: {  	v20 =	vld.idx.msk [tilespmem:v20+s26+$0x0], $0xffff  }
0x2fe: {  	v21 =	vld [tilespmem:$0x1FC20];
	v18 =	vmul.f32 v18, v16;
	_ =	sdelay $0x1  }
0x2ff: {  	v22 =	vld [tilespmem:$0x1FC30];
	v18 =	vadd.f32 v18, v17;
	v19 =	vmul.f32 v19, v15;
	_ =	sdelay $0x1  }
0x300: {  	v18 =	vadd.f32 v19, v18;
	v19 =	vmul.f32 v20, v14;
	v20 =	vld [tilespmem:$0x1FC40];
	_ =	sdelay $0x3  }
0x301: {  	v21 =	vld.idx.msk [tilespmem:v21+s26+$0x0], $0xffff;
	_ =	sdelay $0x1  }
0x302: {  	v22 =	vld.idx.msk [tilespmem:v22+s26+$0x0], $0xffff;
	_ =	sdelay $0x1  }
0x303: {  	v20 =	vld.idx.msk [tilespmem:v20+s26+$0x0], $0xffff  }
0x304: {  	v18 =	vadd.f32 v19, v18;
	v19 =	vmul.f32 v21, v13;
	v21 =	vld [tilespmem:$0x1FC50];
	_ =	sdelay $0x1  }
0x305: {  	v18 =	vadd.f32 v19, v18;
	v19 =	vmul.f32 v22, v12;
	v22 =	vld [tilespmem:$0x1FC60];
	_ =	sdelay $0x1  }
0x306: {  	v18 =	vadd.f32 v19, v18;
	v19 =	vmul.f32 v20, v11;
	v20 =	vld [tilespmem:$0x1FC70];
	_ =	sdelay $0x3  }
0x307: {  	v21 =	vld.idx.msk [tilespmem:v21+s26+$0x0], $0xffff;
	_ =	sdelay $0x1  }
0x308: {  	v22 =	vld.idx.msk [tilespmem:v22+s26+$0x0], $0xffff;
	_ =	sdelay $0x1  }
0x309: {  	v20 =	vld.idx.msk [tilespmem:v20+s26+$0x0], $0xffff  }
0x30a: {  	v18 =	vadd.f32 v19, v18;
	v19 =	vmul.f32 v21, v10;
	v21 =	vld [tilespmem:$0x1FC80];
	_ =	sdelay $0x1  }
0x30b: {  	v18 =	vadd.f32 v19, v18;
	v19 =	vmul.f32 v22, v9;
	v22 =	vld [tilespmem:$0x1FC90];
	_ =	sdelay $0x1  }
0x30c: {  	v18 =	vadd.f32 v19, v18;
	v19 =	vmul.f32 v20, v8;
	v20 =	vld [tilespmem:$0x1FCA0];
	_ =	sdelay $0x3  }
0x30d: {  	v21 =	vld.idx.msk [tilespmem:v21+s26+$0x0], $0xffff;
	_ =	sdelay $0x1  }
0x30e: {  	v22 =	vld.idx.msk [tilespmem:v22+s26+$0x0], $0xffff;
	_ =	sdelay $0x1  }
0x30f: {  	v20 =	vld.idx.msk [tilespmem:v20+s26+$0x0], $0xffff  }
0x310: {  	v18 =	vadd.f32 v19, v18;
	v19 =	vmul.f32 v21, v7  }
0x311: {  	v21 =	vld.idx.msk [tilespmem:v58+s26+$0x0], $0xffff  }
0x312: {  	v18 =	vadd.f32 v19, v18;
	v58 =	vmul.f32 v22, v6  }
0x313: {  	v22 =	vld.idx.msk [tilespmem:v59+s26+$0x0], $0xffff  }
0x314: {  	v18 =	vadd.f32 v58, v18;
	v58 =	vmul.f32 v20, v5  }
0x315: {  	v20 =	vld.idx.msk [tilespmem:v60+s26+$0x0], $0xffff  }
0x316: {  	v59 =	vmul.f32 v21, v4;
	v18 =	vadd.f32 v58, v18;
	_ =	sdelay $0x1  }
0x317: {  	v21 =	vld.idx.msk [tilespmem:v61+s26+$0x0], $0xffff;
	v58 =	vmul.f32 v22, v3;
	v18 =	vadd.f32 v59, v18;
	_ =	sdelay $0x1  }
0x318: {  	v59 =	vmul.f32 v20, v2;
	v18 =	vadd.f32 v58, v18;
	_ =	sdelay $0x1  }
0x319: {  	v18 =	vadd.f32 v59, v18;
	v59 =	vld [tilespmem:$0x1FD00]  }
0x31a: {  	v22 =	vmul.f32 v21, v1;
	_ =	sdelay $0x1  }
0x31b: {  	v18 =	vadd.f32 v22, v18;
	_ =	sdelay $0x1  }
0x31c: {  	[tilespmem:$0x2300] =	vst v18  }
0x31d: {  	v18 =	vld.idx.msk [tilespmem:v54+s26+$0x0], $0xffff;
	_ =	sdelay $0x1  }
0x31e: {  	v19 =	vld.idx.msk [tilespmem:v59+s26+$0x0], $0xffff;
	_ =	sdelay $0x1  }
0x31f: {  	v58 =	vld.idx.msk [tilespmem:v62+s26+$0x0], $0xffff  }
0x320: {  	v18 =	vmul.f32 v18, v16  }
0x321: {  	v54 =	vld.idx.msk [tilespmem:v63+s26+$0x0], $0xffff  }
0x322: {  	v18 =	vadd.f32 v18, v17;
	v19 =	vmul.f32 v19, v15  }
0x323: {  	v22 =	vld.idx.msk [tilespmem:v23+s26+$0x0], $0xffff  }
0x324: {  	v58 =	vmul.f32 v58, v14;
	v18 =	vadd.f32 v19, v18  }
0x325: {  	v20 =	vld.idx.msk [tilespmem:v0+s26+$0x0], $0xffff  }
0x326: {  	v54 =	vmul.f32 v54, v13;
	v18 =	vadd.f32 v58, v18  }
0x327: {  	v58 =	vld.idx.msk [tilespmem:v25+s26+$0x0], $0xffff  }
0x328: {  	v0 =	vmul.f32 v22, v12;
	v18 =	vadd.f32 v54, v18  }
0x329: {  	v25 =	vld.idx.msk [tilespmem:v26+s26+$0x0], $0xffff  }
0x32a: {  	v26 =	vmul.f32 v20, v11;
	v18 =	vadd.f32 v0, v18  }
0x32b: {  	v54 =	vld.idx.msk [tilespmem:v27+s26+$0x0], $0xffff  }
0x32c: {  	v58 =	vmul.f32 v58, v10;
	v18 =	vadd.f32 v26, v18  }
0x32d: {  	v0 =	vld.idx.msk [tilespmem:v28+s26+$0x0], $0xffff  }
0x32e: {  	v25 =	vmul.f32 v25, v9;
	v18 =	vadd.f32 v58, v18  }
0x32f: {  	v26 =	vld.idx.msk [tilespmem:v29+s26+$0x0], $0xffff  }
0x330: {  	v27 =	vmul.f32 v54, v8;
	v18 =	vadd.f32 v25, v18  }
0x331: {  	v28 =	vld.idx.msk [tilespmem:v30+s26+$0x0], $0xffff  }
0x332: {  	v29 =	vmul.f32 v0, v7;
	v18 =	vadd.f32 v27, v18  }
0x333: {  	v30 =	vld.idx.msk [tilespmem:v31+s26+$0x0], $0xffff  }
0x334: {  	v31 =	vmul.f32 v26, v6;
	v18 =	vadd.f32 v29, v18  }
0x335: {  	v32 =	vld.idx.msk [tilespmem:v32+s26+$0x0], $0xffff  }
0x336: {  	v54 =	vmul.f32 v28, v5;
	v18 =	vadd.f32 v31, v18  }
0x337: {  	v58 =	vld.idx.msk [tilespmem:v33+s26+$0x0], $0xffff  }
0x338: {  	v0 =	vmul.f32 v30, v4;
	v18 =	vadd.f32 v54, v18  }
0x339: {  	v25 =	vld.idx.msk [tilespmem:v34+s26+$0x0], $0xffff  }
0x33a: {  	v26 =	vmul.f32 v32, v3;
	v18 =	vadd.f32 v0, v18  }
0x33b: {  	v54 =	vld [tilespmem:$0x1FDF0]  }
0x33c: {  	v27 =	vmul.f32 v58, v2;
	v18 =	vadd.f32 v26, v18;
	_ =	sdelay $0x1  }
0x33d: {  	v28 =	vmul.f32 v25, v1;
	v18 =	vadd.f32 v27, v18;
	_ =	sdelay $0x1  }
0x33e: {  	v18 =	vadd.f32 v28, v18;
	_ =	sdelay $0x1  }
0x33f: {  	v58 =	vld [tilespmem:$0x1FE30];
	[tilespmem:$0x2310] =	vst v18  }
0x340: {  	v18 =	vld.idx.msk [tilespmem:v54+s26+$0x0], $0xffff  }
0x341: {  	v23 =	vld [tilespmem:$0x1FE40]  }
0x342: {  	v29 =	vld.idx.msk [tilespmem:v56+s26+$0x0], $0xffff;
	_ =	sdelay $0x1  }
0x343: {  	v30 =	vld.idx.msk [tilespmem:v35+s26+$0x0], $0xffff  }
0x344: {  	v18 =	vmul.f32 v18, v16  }
0x345: {  	v31 =	vld.idx.msk [tilespmem:v36+s26+$0x0], $0xffff  }
0x346: {  	v19 =	vmul.f32 v29, v15;
	v18 =	vadd.f32 v18, v17  }
0x347: {  	v32 =	vld.idx.msk [tilespmem:v58+s26+$0x0], $0xffff  }
0x348: {  	v33 =	vmul.f32 v30, v14;
	v18 =	vadd.f32 v19, v18  }
0x349: {  	v34 =	vld.idx.msk [tilespmem:v23+s26+$0x0], $0xffff  }
0x34a: {  	v35 =	vmul.f32 v31, v13;
	v18 =	vadd.f32 v33, v18  }
0x34b: {  	v36 =	vld.idx.msk [tilespmem:v37+s26+$0x0], $0xffff  }
0x34c: {  	v37 =	vmul.f32 v32, v12;
	v18 =	vadd.f32 v35, v18  }
0x34d: {  	v38 =	vld.idx.msk [tilespmem:v38+s26+$0x0], $0xffff  }
0x34e: {  	v56 =	vmul.f32 v34, v11;
	v18 =	vadd.f32 v37, v18  }
0x34f: {  	v0 =	vld.idx.msk [tilespmem:v39+s26+$0x0], $0xffff  }
0x350: {  	v25 =	vmul.f32 v36, v10;
	v18 =	vadd.f32 v56, v18  }
0x351: {  	v26 =	vld.idx.msk [tilespmem:v40+s26+$0x0], $0xffff  }
0x352: {  	v27 =	vmul.f32 v38, v9;
	v18 =	vadd.f32 v25, v18  }
0x353: {  	v28 =	vld.idx.msk [tilespmem:v57+s26+$0x0], $0xffff  }
0x354: {  	v29 =	vmul.f32 v0, v8;
	v18 =	vadd.f32 v27, v18  }
0x355: {  	v30 =	vld.idx.msk [tilespmem:v41+s26+$0x0], $0xffff  }
0x356: {  	v31 =	vmul.f32 v26, v7;
	v18 =	vadd.f32 v29, v18  }
0x357: {  	v32 =	vld.idx.msk [tilespmem:v43+s26+$0x0], $0xffff  }
0x358: {  	v33 =	vmul.f32 v28, v6;
	v18 =	vadd.f32 v31, v18  }
0x359: {  	v34 =	vld.idx.msk [tilespmem:v42+s26+$0x0], $0xffff  }
0x35a: {  	v35 =	vmul.f32 v30, v5;
	v18 =	vadd.f32 v33, v18  }
0x35b: {  	v36 =	vld.idx.msk [tilespmem:v45+s26+$0x0], $0xffff  }
0x35c: {  	v37 =	vmul.f32 v32, v4;
	v18 =	vadd.f32 v35, v18  }
0x35d: {  	v38 =	vld.idx.msk [tilespmem:v44+s26+$0x0], $0xffff  }
0x35e: {  	v39 =	vmul.f32 v34, v3;
	v18 =	vadd.f32 v37, v18;
	_ =	sdelay $0x1  }
0x35f: {  	v40 =	vmul.f32 v36, v2;
	v18 =	vadd.f32 v39, v18;
	_ =	sdelay $0x1  }
0x360: {  	v41 =	vmul.f32 v38, v1;
	v18 =	vadd.f32 v40, v18;
	_ =	sdelay $0x1  }
0x361: {  	v18 =	vadd.f32 v41, v18;
	_ =	sdelay $0x1  }
0x362: {  	[tilespmem:$0x2320] =	vst v18  }
0x363: {  	v18 =	vld.idx.msk [tilespmem:v55+s26+$0x0], $0xffff  }
0x364: {  	v29 =	vmov v55;
	v55 =	vld [tilespmem:$0x1FF00];
	_ =	sdelay $0x7  }
0x365: {  	v42 =	vld.idx.msk [tilespmem:v55+s26+$0x0], $0xffff;
	_ =	sdelay $0x1  }
0x366: {  	v43 =	vld.idx.msk [tilespmem:v47+s26+$0x0], $0xffff  }
0x367: {  	v18 =	vmul.f32 v18, v16  }
0x368: {  	v44 =	vld.idx.msk [tilespmem:v48+s26+$0x0], $0xffff  }
0x369: {  	v18 =	vadd.f32 v18, v17;
	v19 =	vmul.f32 v42, v15  }
0x36a: {  	v45 =	vld.idx.msk [tilespmem:v49+s26+$0x0], $0xffff  }
0x36b: {  	v47 =	vmul.f32 v43, v14;
	v18 =	vadd.f32 v19, v18  }
0x36c: {  	v48 =	vld.idx.msk [tilespmem:v51+s26+$0x0], $0xffff  }
0x36d: {  	v50 =	vld.idx.msk [tilespmem:v50+s26+$0x0], $0xffff;
	v49 =	vmul.f32 v44, v13;
	v18 =	vadd.f32 v47, v18  }
0x36e: {  	v30 =	vld.idx.msk [tilespmem:v24+s26+$0x0], $0xffff  }
0x36f: {  	v24 =	vld [tilespmem:$0x1FF90];
	v51 =	vmul.f32 v45, v12;
	v18 =	vadd.f32 v49, v18  }
0x370: {  	v26 =	vld [tilespmem:$0x1FFA0]  }
0x371: {  	v56 =	vld.idx.msk [tilespmem:v53+s26+$0x0], $0xffff;
	v57 =	vmul.f32 v48, v11;
	v18 =	vadd.f32 v51, v18  }
0x372: {  	v25 =	vld [tilespmem:$0x1FFB0]  }
0x373: {  	v0 =	vld.idx.msk [tilespmem:v52+s26+$0x0], $0xffff;
	v28 =	vmul.f32 v50, v10;
	v18 =	vadd.f32 v57, v18;
	_ =	sdelay $0x1  }
0x374: {  	v18 =	vadd.f32 v28, v18;
	v28 =	vld [tilespmem:$0x1FFC0]  }
0x375: {  	v27 =	vld [tilespmem:$0x1FFD0];
	v31 =	vmul.f32 v56, v9  }
0x376: {  	v32 =	vld.idx.msk [tilespmem:v24+s26+$0x0], $0xffff  }
0x377: {  	v34 =	vld.idx.msk [tilespmem:v26+s26+$0x0], $0xffff;
	v33 =	vmul.f32 v0, v8;
	v18 =	vadd.f32 v31, v18  }
0x378: {  	v35 =	vmul.f32 v30, v7;
	v30 =	vld [tilespmem:$0x1FFF0]  }
0x379: {  	v18 =	vadd.f32 v33, v18  }
0x37a: {  	v36 =	vld.idx.msk [tilespmem:v25+s26+$0x0], $0xffff  }
0x37b: {  	v37 =	vmul.f32 v32, v6;
	v18 =	vadd.f32 v35, v18  }
0x37c: {  	v38 =	vld.idx.msk [tilespmem:v28+s26+$0x0], $0xffff  }
0x37d: {  	v39 =	vmul.f32 v34, v5;
	v18 =	vadd.f32 v37, v18  }
0x37e: {  	v40 =	vld.idx.msk [tilespmem:v27+s26+$0x0], $0xffff  }
0x37f: {  	v41 =	vmul.f32 v36, v4;
	v18 =	vadd.f32 v39, v18  }
0x380: {  	v42 =	vld.idx.msk [tilespmem:v30+s26+$0x0], $0xffff  }
0x381: {  	v18 =	vadd.f32 v41, v18;
	v43 =	vmul.f32 v38, v3;
	_ =	sdelay $0x1  }
0x382: {  	v44 =	vmul.f32 v40, v2;
	v18 =	vadd.f32 v43, v18;
	_ =	sdelay $0x1  }
0x383: {  	v45 =	vmul.f32 v42, v1;
	v18 =	vadd.f32 v44, v18;
	_ =	sdelay $0x1  }
0x384: {  	v18 =	vadd.f32 v45, v18;
	_ =	sdelay $0x1  }
0x385: {  	[tilespmem:$0x2330] =	vst v18  }
0x386: {  	_ =	swait.ge [sflag:s31], $0x400  }
0x387: {  	v38 =	vld [tilespmem:$0x1FFE0];
	_ =	sdelay $0x3  }
0x388: {  	v0 =	vld [tilespmem:$0x1FC10];
	_ =	sdelay $0x1  }
0x389: {  	[sflag:s31] =	ssyncset.done $0x0;
	v31 =	vld [tilespmem:$0x1FC20]  }
0x38a: {  	[sflag:s31] =	ssyncadd.s32 $0xFFFFFC00  }
0x38b: {  	v47 =	vld.idx.msk [tilespmem:v38+s28+$0x0], $0xffff  }
0x38c: {  	v32 =	vld [tilespmem:$0x1FC30]  }
0x38d: {  	v48 =	vld.idx.msk [tilespmem:v46+s28+$0x0], $0xffff  }
0x38e: {  	v33 =	vld [tilespmem:$0x1FC40]  }
0x38f: {  	v49 =	vld.idx.msk [tilespmem:v0+s28+$0x0], $0xffff  }
0x390: {  	v34 =	vld [tilespmem:$0x1FC50];
	v18 =	vmul.f32 v47, v16  }
0x391: {  	v50 =	vld.idx.msk [tilespmem:v31+s28+$0x0], $0xffff  }
0x392: {  	v19 =	vmul.f32 v48, v15;
	v18 =	vadd.f32 v18, v17;
	_ =	sdelay $0x1  }
0x393: {  	v35 =	vld [tilespmem:$0x1FC60];
	v52 =	vmul.f32 v49, v14;
	v18 =	vadd.f32 v19, v18  }
0x394: {  	v36 =	vld [tilespmem:$0x1FC70]  }
0x395: {  	v51 =	vld.idx.msk [tilespmem:v32+s28+$0x0], $0xffff;
	v56 =	vmul.f32 v50, v13;
	v18 =	vadd.f32 v52, v18  }
0x396: {  	v53 =	vld.idx.msk [tilespmem:v33+s28+$0x0], $0xffff  }
0x397: {  	v18 =	vadd.f32 v56, v18;
	v56 =	vld [tilespmem:$0x1FC80]  }
0x398: {  	v57 =	vld.idx.msk [tilespmem:v34+s28+$0x0], $0xffff  }
0x399: {  	v47 =	vld [tilespmem:$0x1FC90]  }
0x39a: {  	v37 =	vld [tilespmem:$0x1FCA0];
	v40 =	vmul.f32 v51, v12  }
0x39b: {  	v41 =	vld.idx.msk [tilespmem:v35+s28+$0x0], $0xffff  }
0x39c: {  	v39 =	vld [tilespmem:$0x1FCB0];
	v42 =	vmul.f32 v53, v11;
	v18 =	vadd.f32 v40, v18  }
0x39d: {  	v43 =	vld.idx.msk [tilespmem:v36+s28+$0x0], $0xffff  }
0x39e: {  	v44 =	vmul.f32 v57, v10;
	v40 =	vld [tilespmem:$0x1FCC0];
	v18 =	vadd.f32 v42, v18  }
0x39f: {  	v45 =	vld.idx.msk [tilespmem:v56+s28+$0x0], $0xffff  }
0x3a0: {  	v46 =	vmul.f32 v41, v9;
	v18 =	vadd.f32 v44, v18  }
0x3a1: {  	v22 =	vld.idx.msk [tilespmem:v47+s28+$0x0], $0xffff  }
0x3a2: {  	v48 =	vmul.f32 v43, v8;
	v18 =	vadd.f32 v46, v18  }
0x3a3: {  	v49 =	vld.idx.msk [tilespmem:v37+s28+$0x0], $0xffff  }
0x3a4: {  	v18 =	vadd.f32 v48, v18;
	v50 =	vmul.f32 v45, v7  }
0x3a5: {  	v51 =	vld.idx.msk [tilespmem:v39+s28+$0x0], $0xffff  }
0x3a6: {  	v52 =	vmul.f32 v22, v6;
	v18 =	vadd.f32 v50, v18  }
0x3a7: {  	v53 =	vld.idx.msk [tilespmem:v40+s28+$0x0], $0xffff  }
0x3a8: {  	v57 =	vmul.f32 v49, v5;
	v18 =	vadd.f32 v52, v18  }
0x3a9: {  	v41 =	vld.idx.msk [tilespmem:v60+s28+$0x0], $0xffff  }
0x3aa: {  	v42 =	vmul.f32 v51, v4;
	v18 =	vadd.f32 v57, v18  }
0x3ab: {  	v43 =	vld.idx.msk [tilespmem:v61+s28+$0x0], $0xffff  }
0x3ac: {  	v44 =	vmul.f32 v53, v3;
	v18 =	vadd.f32 v42, v18  }
0x3ad: {  	v47 =	vld [tilespmem:$0x1FCF0]  }
0x3ae: {  	v45 =	vmul.f32 v41, v2;
	v18 =	vadd.f32 v44, v18;
	_ =	sdelay $0x1  }
0x3af: {  	v46 =	vmul.f32 v43, v1;
	v18 =	vadd.f32 v45, v18;
	_ =	sdelay $0x1  }
0x3b0: {  	v18 =	vadd.f32 v46, v18;
	_ =	sdelay $0x1  }
0x3b1: {  	v41 =	vld [tilespmem:$0x1FD30];
	[tilespmem:$0x2340] =	vst v18  }
0x3b2: {  	v18 =	vld.idx.msk [tilespmem:v47+s28+$0x0], $0xffff;
	_ =	sdelay $0x1  }
0x3b3: {  	v48 =	vld.idx.msk [tilespmem:v59+s28+$0x0], $0xffff  }
0x3b4: {  	v42 =	vld [tilespmem:$0x1FD40]  }
0x3b5: {  	v49 =	vld.idx.msk [tilespmem:v62+s28+$0x0], $0xffff  }
0x3b6: {  	v43 =	vld [tilespmem:$0x1FD50];
	v18 =	vmul.f32 v18, v16  }
0x3b7: {  	v50 =	vld.idx.msk [tilespmem:v63+s28+$0x0], $0xffff  }
0x3b8: {  	v44 =	vld [tilespmem:$0x1FD60];
	v19 =	vmul.f32 v48, v15;
	v18 =	vadd.f32 v18, v17  }
0x3b9: {  	v51 =	vld.idx.msk [tilespmem:v41+s28+$0x0], $0xffff  }
0x3ba: {  	v52 =	vmul.f32 v49, v14;
	v18 =	vadd.f32 v19, v18;
	_ =	sdelay $0x1  }
0x3bb: {  	v45 =	vld [tilespmem:$0x1FD70];
	v57 =	vmul.f32 v50, v13;
	v18 =	vadd.f32 v52, v18  }
0x3bc: {  	v53 =	vld.idx.msk [tilespmem:v42+s28+$0x0], $0xffff  }
0x3bd: {  	v46 =	vld [tilespmem:$0x1FD80];
	v48 =	vmul.f32 v51, v12;
	v18 =	vadd.f32 v57, v18  }
0x3be: {  	v59 =	vld.idx.msk [tilespmem:v43+s28+$0x0], $0xffff  }
0x3bf: {  	v18 =	vadd.f32 v48, v18;
	v48 =	vld [tilespmem:$0x1FDA0]  }
0x3c0: {  	v49 =	vld.idx.msk [tilespmem:v44+s28+$0x0], $0xffff  }
0x3c1: {  	v50 =	vmul.f32 v53, v11  }
0x3c2: {  	v47 =	vld [tilespmem:$0x1FD90]  }
0x3c3: {  	v51 =	vld.idx.msk [tilespmem:v45+s28+$0x0], $0xffff;
	v53 =	vmul.f32 v59, v10;
	v18 =	vadd.f32 v50, v18;
	_ =	sdelay $0x1  }
0x3c4: {  	v52 =	vmul.f32 v49, v9;
	v57 =	vld.idx.msk [tilespmem:v46+s28+$0x0], $0xffff;
	v18 =	vadd.f32 v53, v18  }
0x3c5: {  	v49 =	vld [tilespmem:$0x1FDB0]  }
0x3c6: {  	v18 =	vadd.f32 v52, v18;
	v52 =	vld.idx.msk [tilespmem:v48+s28+$0x0], $0xffff  }
0x3c7: {  	v59 =	vmul.f32 v51, v8;
	v50 =	vld [tilespmem:$0x1FDC0]  }
0x3c8: {  	v51 =	vld [tilespmem:$0x1FDD0]  }
0x3c9: {  	v57 =	vmul.f32 v57, v7;
	v53 =	vld.idx.msk [tilespmem:v47+s28+$0x0], $0xffff;
	v18 =	vadd.f32 v59, v18;
	_ =	sdelay $0x1  }
0x3ca: {  	v18 =	vadd.f32 v57, v18;
	v57 =	vmul.f32 v52, v5;
	v52 =	vld [tilespmem:$0x1FDE0];
	_ =	sdelay $0x1  }
0x3cb: {  	v59 =	vld.idx.msk [tilespmem:v49+s28+$0x0], $0xffff  }
0x3cc: {  	v53 =	vmul.f32 v53, v6  }
0x3cd: {  	v22 =	vld.idx.msk [tilespmem:v50+s28+$0x0], $0xffff  }
0x3ce: {  	v18 =	vadd.f32 v53, v18  }
0x3cf: {  	v20 =	vld.idx.msk [tilespmem:v51+s28+$0x0], $0xffff  }
0x3d0: {  	v59 =	vmul.f32 v59, v4;
	v18 =	vadd.f32 v57, v18  }
0x3d1: {  	v57 =	vld.idx.msk [tilespmem:v52+s28+$0x0], $0xffff  }
0x3d2: {  	v18 =	vadd.f32 v59, v18;
	v59 =	vmul.f32 v22, v3;
	_ =	sdelay $0x1  }
0x3d3: {  	v22 =	vmul.f32 v20, v2;
	v18 =	vadd.f32 v59, v18;
	_ =	sdelay $0x1  }
0x3d4: {  	v59 =	vld [tilespmem:$0x1FE00];
	v18 =	vadd.f32 v22, v18;
	v53 =	vmul.f32 v57, v1;
	_ =	sdelay $0x1  }
0x3d5: {  	v18 =	vadd.f32 v53, v18;
	v53 =	vld [tilespmem:$0x1FE10];
	_ =	sdelay $0x2  }
0x3d6: {  	[tilespmem:$0x2350] =	vst v18  }
0x3d7: {  	v18 =	vld.idx.msk [tilespmem:v54+s28+$0x0], $0xffff;
	_ =	sdelay $0x1  }
0x3d8: {  	v19 =	vld.idx.msk [tilespmem:v59+s28+$0x0], $0xffff  }
0x3d9: {  	v54 =	vld [tilespmem:$0x1FE20]  }
0x3da: {  	v57 =	vld.idx.msk [tilespmem:v53+s28+$0x0], $0xffff  }
0x3db: {  	v18 =	vmul.f32 v18, v16;
	_ =	sdelay $0x1  }
0x3dc: {  	v19 =	vmul.f32 v19, v15;
	v18 =	vadd.f32 v18, v17;
	_ =	sdelay $0x1  }
0x3dd: {  	v18 =	vadd.f32 v19, v18;
	v19 =	vmul.f32 v57, v14;
	v57 =	vld [tilespmem:$0x1FE50];
	_ =	sdelay $0x1  }
0x3de: {  	v21 =	vld.idx.msk [tilespmem:v54+s28+$0x0], $0xffff;
	_ =	sdelay $0x1  }
0x3df: {  	v22 =	vld.idx.msk [tilespmem:v58+s28+$0x0], $0xffff;
	_ =	sdelay $0x1  }
0x3e0: {  	v20 =	vld.idx.msk [tilespmem:v23+s28+$0x0], $0xffff  }
0x3e1: {  	v18 =	vadd.f32 v19, v18;
	v19 =	vmul.f32 v21, v13  }
0x3e2: {  	v21 =	vld.idx.msk [tilespmem:v57+s28+$0x0], $0xffff  }
0x3e3: {  	v18 =	vadd.f32 v19, v18;
	v19 =	vmul.f32 v22, v12;
	v22 =	vld [tilespmem:$0x1FE60];
	_ =	sdelay $0x1  }
0x3e4: {  	v18 =	vadd.f32 v19, v18;
	v19 =	vmul.f32 v20, v11;
	v20 =	vld [tilespmem:$0x1FE70];
	_ =	sdelay $0x1  }
0x3e5: {  	v18 =	vadd.f32 v19, v18;
	v19 =	vmul.f32 v21, v10;
	v21 =	vld [tilespmem:$0x1FE80];
	_ =	sdelay $0x3  }
0x3e6: {  	v22 =	vld.idx.msk [tilespmem:v22+s28+$0x0], $0xffff;
	_ =	sdelay $0x1  }
0x3e7: {  	v20 =	vld.idx.msk [tilespmem:v20+s28+$0x0], $0xffff;
	_ =	sdelay $0x1  }
0x3e8: {  	v21 =	vld.idx.msk [tilespmem:v21+s28+$0x0], $0xffff  }
0x3e9: {  	v18 =	vadd.f32 v19, v18;
	v19 =	vmul.f32 v22, v9;
	v22 =	vld [tilespmem:$0x1FE90];
	_ =	sdelay $0x1  }
0x3ea: {  	v18 =	vadd.f32 v19, v18;
	v19 =	vmul.f32 v20, v8;
	v20 =	vld [tilespmem:$0x1FEA0];
	_ =	sdelay $0x1  }
0x3eb: {  	v18 =	vadd.f32 v19, v18;
	v19 =	vmul.f32 v21, v7;
	v21 =	vld [tilespmem:$0x1FEB0];
	_ =	sdelay $0x3  }
0x3ec: {  	v22 =	vld.idx.msk [tilespmem:v22+s28+$0x0], $0xffff;
	_ =	sdelay $0x1  }
0x3ed: {  	v20 =	vld.idx.msk [tilespmem:v20+s28+$0x0], $0xffff;
	_ =	sdelay $0x1  }
0x3ee: {  	v21 =	vld.idx.msk [tilespmem:v21+s28+$0x0], $0xffff  }
0x3ef: {  	v18 =	vadd.f32 v19, v18;
	v19 =	vmul.f32 v22, v6;
	v22 =	vld [tilespmem:$0x1FEC0];
	_ =	sdelay $0x1  }
0x3f0: {  	v18 =	vadd.f32 v19, v18;
	v19 =	vmul.f32 v20, v5;
	v20 =	vld [tilespmem:$0x1FED0];
	_ =	sdelay $0x1  }
0x3f1: {  	v18 =	vadd.f32 v19, v18;
	v19 =	vmul.f32 v21, v4;
	v21 =	vld [tilespmem:$0x1FEE0];
	_ =	sdelay $0x3  }
0x3f2: {  	v22 =	vld.idx.msk [tilespmem:v22+s28+$0x0], $0xffff;
	_ =	sdelay $0x1  }
0x3f3: {  	v20 =	vld.idx.msk [tilespmem:v20+s28+$0x0], $0xffff;
	_ =	sdelay $0x1  }
0x3f4: {  	v21 =	vld.idx.msk [tilespmem:v21+s28+$0x0], $0xffff  }
0x3f5: {  	v58 =	vmov v23;
	v18 =	vadd.f32 v19, v18;
	v23 =	vmul.f32 v22, v3;
	_ =	sdelay $0x1  }
0x3f6: {  	v18 =	vadd.f32 v23, v18;
	v22 =	vmul.f32 v20, v2;
	_ =	sdelay $0x1  }
0x3f7: {  	v18 =	vadd.f32 v22, v18;
	v23 =	vmul.f32 v21, v1;
	_ =	sdelay $0x1  }
0x3f8: {  	v18 =	vadd.f32 v23, v18;
	_ =	sdelay $0x1  }
0x3f9: {  	v23 =	vld [tilespmem:$0x1FF10];
	[tilespmem:$0x2360] =	vst v18  }
0x3fa: {  	v18 =	vld.idx.msk [tilespmem:v29+s28+$0x0], $0xffff  }
0x3fb: {  	v29 =	vld [tilespmem:$0x1FF20];
	_ =	sdelay $0x3  }
0x3fc: {  	v55 =	vld.idx.msk [tilespmem:v55+s28+$0x0], $0xffff;
	_ =	sdelay $0x1  }
0x3fd: {  	v20 =	vld.idx.msk [tilespmem:v23+s28+$0x0], $0xffff  }
0x3fe: {  	v18 =	vmul.f32 v18, v16  }
0x3ff: {  	v21 =	vld.idx.msk [tilespmem:v29+s28+$0x0], $0xffff  }
0x400: {  	v19 =	vmul.f32 v55, v15;
	v55 =	vld [tilespmem:$0x1FF30];
	v18 =	vadd.f32 v18, v17;
	_ =	sdelay $0x1  }
0x401: {  	v18 =	vadd.f32 v19, v18;
	v19 =	vmul.f32 v20, v14;
	v20 =	vld [tilespmem:$0x1FF40];
	_ =	sdelay $0x1  }
0x402: {  	v18 =	vadd.f32 v19, v18;
	v19 =	vmul.f32 v21, v13;
	v21 =	vld [tilespmem:$0x1FF50];
	_ =	sdelay $0x3  }
0x403: {  	v22 =	vld.idx.msk [tilespmem:v55+s28+$0x0], $0xffff;
	_ =	sdelay $0x1  }
0x404: {  	v20 =	vld.idx.msk [tilespmem:v20+s28+$0x0], $0xffff;
	_ =	sdelay $0x1  }
0x405: {  	v21 =	vld.idx.msk [tilespmem:v21+s28+$0x0], $0xffff  }
0x406: {  	v18 =	vadd.f32 v19, v18;
	v19 =	vmul.f32 v22, v12;
	v22 =	vld [tilespmem:$0x1FF60];
	_ =	sdelay $0x1  }
0x407: {  	v18 =	vadd.f32 v19, v18;
	v19 =	vmul.f32 v20, v11;
	v20 =	vld [tilespmem:$0x1FF70];
	_ =	sdelay $0x1  }
0x408: {  	v18 =	vadd.f32 v19, v18;
	v19 =	vmul.f32 v21, v10;
	v21 =	vld [tilespmem:$0x1FF80];
	_ =	sdelay $0x3  }
0x409: {  	v22 =	vld.idx.msk [tilespmem:v22+s28+$0x0], $0xffff;
	_ =	sdelay $0x1  }
0x40a: {  	v20 =	vld.idx.msk [tilespmem:v20+s28+$0x0], $0xffff;
	_ =	sdelay $0x1  }
0x40b: {  	v21 =	vld.idx.msk [tilespmem:v21+s28+$0x0], $0xffff  }
0x40c: {  	v18 =	vadd.f32 v19, v18;
	v19 =	vmul.f32 v22, v9  }
0x40d: {  	v22 =	vld.idx.msk [tilespmem:v24+s28+$0x0], $0xffff  }
0x40e: {  	v18 =	vadd.f32 v19, v18;
	v24 =	vmul.f32 v20, v8  }
0x40f: {  	v20 =	vld.idx.msk [tilespmem:v26+s28+$0x0], $0xffff  }
0x410: {  	v18 =	vadd.f32 v24, v18;
	v24 =	vmul.f32 v21, v7  }
0x411: {  	v25 =	vld.idx.msk [tilespmem:v25+s28+$0x0], $0xffff  }
0x412: {  	v26 =	vmul.f32 v22, v6;
	v18 =	vadd.f32 v24, v18  }
0x413: {  	v22 =	vld.idx.msk [tilespmem:v28+s28+$0x0], $0xffff  }
0x414: {  	v28 =	vmul.f32 v20, v5;
	v18 =	vadd.f32 v26, v18  }
0x415: {  	v24 =	vld.idx.msk [tilespmem:v27+s28+$0x0], $0xffff  }
0x416: {  	v25 =	vmul.f32 v25, v4;
	v18 =	vadd.f32 v28, v18  }
0x417: {  	v26 =	vld.idx.msk [tilespmem:v30+s28+$0x0], $0xffff  }
0x418: {  	v27 =	vmul.f32 v22, v3;
	v18 =	vadd.f32 v25, v18;
	_ =	sdelay $0x1  }
0x419: {  	v28 =	vmul.f32 v24, v2;
	v18 =	vadd.f32 v27, v18;
	_ =	sdelay $0x1  }
0x41a: {  	v30 =	vmul.f32 v26, v1;
	v18 =	vadd.f32 v28, v18;
	_ =	sdelay $0x1  }
0x41b: {  	v18 =	vadd.f32 v30, v18;
	_ =	sdelay $0x1  }
0x41c: {  	[tilespmem:$0x2370] =	vst v18  }
0x41d: {  	_ =	swait.ge [sflag:s31], $0x400  }
0x41e: {  	v24 =	vld [tilespmem:$0x1FC00];
	_ =	sdelay $0x3  }
0x41f: {  	[sflag:s31] =	ssyncset.done $0x0  }
0x420: {  	[sflag:s31] =	ssyncadd.s32 $0xFFFFFC00  }
0x421: {  	v38 =	vld.idx.msk [tilespmem:v38+s29+$0x0], $0xffff;
	_ =	sdelay $0x1  }
0x422: {  	v19 =	vld.idx.msk [tilespmem:v24+s29+$0x0], $0xffff;
	_ =	sdelay $0x1  }
0x423: {  	v25 =	vld.idx.msk [tilespmem:v0+s29+$0x0], $0xffff  }
0x424: {  	v18 =	vmul.f32 v38, v16  }
0x425: {  	v26 =	vld.idx.msk [tilespmem:v31+s29+$0x0], $0xffff  }
0x426: {  	v18 =	vadd.f32 v18, v17;
	v19 =	vmul.f32 v19, v15  }
0x427: {  	v27 =	vld.idx.msk [tilespmem:v32+s29+$0x0], $0xffff  }
0x428: {  	v28 =	vmul.f32 v25, v14;
	v18 =	vadd.f32 v19, v18  }
0x429: {  	v30 =	vld.idx.msk [tilespmem:v33+s29+$0x0], $0xffff  }
0x42a: {  	v32 =	vld.idx.msk [tilespmem:v34+s29+$0x0], $0xffff;
	v31 =	vmul.f32 v26, v13;
	v18 =	vadd.f32 v28, v18  }
0x42b: {  	v0 =	vld [tilespmem:$0x1FC90]  }
0x42c: {  	v33 =	vmul.f32 v27, v12;
	v18 =	vadd.f32 v31, v18  }
0x42d: {  	v34 =	vld.idx.msk [tilespmem:v35+s29+$0x0], $0xffff  }
0x42e: {  	v35 =	vmul.f32 v30, v11;
	v18 =	vadd.f32 v33, v18  }
0x42f: {  	v38 =	vld.idx.msk [tilespmem:v36+s29+$0x0], $0xffff  }
0x430: {  	v24 =	vmul.f32 v32, v10;
	v18 =	vadd.f32 v35, v18  }
0x431: {  	v25 =	vld.idx.msk [tilespmem:v56+s29+$0x0], $0xffff  }
0x432: {  	v26 =	vmul.f32 v34, v9;
	v18 =	vadd.f32 v24, v18  }
0x433: {  	v27 =	vld.idx.msk [tilespmem:v0+s29+$0x0], $0xffff  }
0x434: {  	v28 =	vmul.f32 v38, v8;
	v18 =	vadd.f32 v26, v18  }
0x435: {  	v30 =	vld.idx.msk [tilespmem:v37+s29+$0x0], $0xffff  }
0x436: {  	v31 =	vmul.f32 v25, v7;
	v18 =	vadd.f32 v28, v18  }
0x437: {  	v32 =	vld.idx.msk [tilespmem:v39+s29+$0x0], $0xffff  }
0x438: {  	v33 =	vmul.f32 v27, v6;
	v18 =	vadd.f32 v31, v18  }
0x439: {  	v34 =	vld.idx.msk [tilespmem:v40+s29+$0x0], $0xffff  }
0x43a: {  	v36 =	vld.idx.msk [tilespmem:v60+s29+$0x0], $0xffff;
	v35 =	vmul.f32 v30, v5;
	v18 =	vadd.f32 v33, v18;
	_ =	sdelay $0x1  }
0x43b: {  	v37 =	vmul.f32 v32, v4;
	v18 =	vadd.f32 v35, v18  }
0x43c: {  	v38 =	vld.idx.msk [tilespmem:v61+s29+$0x0], $0xffff  }
0x43d: {  	v39 =	vmul.f32 v34, v3;
	v18 =	vadd.f32 v37, v18  }
0x43e: {  	v40 =	vmul.f32 v36, v2;
	v36 =	vld [tilespmem:$0x1FCF0]  }
0x43f: {  	v18 =	vadd.f32 v39, v18  }
0x440: {  	v22 =	vld [tilespmem:$0x1FD00]  }
0x441: {  	v21 =	vmul.f32 v38, v1;
	v18 =	vadd.f32 v40, v18;
	_ =	sdelay $0x1  }
0x442: {  	v18 =	vadd.f32 v21, v18;
	_ =	sdelay $0x1  }
0x443: {  	[tilespmem:$0x2380] =	vst v18  }
0x444: {  	v18 =	vld.idx.msk [tilespmem:v36+s29+$0x0], $0xffff;
	_ =	sdelay $0x1  }
0x445: {  	v19 =	vld.idx.msk [tilespmem:v22+s29+$0x0], $0xffff;
	_ =	sdelay $0x1  }
0x446: {  	v24 =	vld.idx.msk [tilespmem:v62+s29+$0x0], $0xffff  }
0x447: {  	v18 =	vmul.f32 v18, v16  }
0x448: {  	v25 =	vld.idx.msk [tilespmem:v63+s29+$0x0], $0xffff  }
0x449: {  	v19 =	vmul.f32 v19, v15;
	v18 =	vadd.f32 v18, v17  }
0x44a: {  	v26 =	vld.idx.msk [tilespmem:v41+s29+$0x0], $0xffff  }
0x44b: {  	v27 =	vmul.f32 v24, v14;
	v18 =	vadd.f32 v19, v18  }
0x44c: {  	v28 =	vld.idx.msk [tilespmem:v42+s29+$0x0], $0xffff  }
0x44d: {  	v30 =	vmul.f32 v25, v13;
	v18 =	vadd.f32 v27, v18  }
0x44e: {  	v31 =	vld.idx.msk [tilespmem:v43+s29+$0x0], $0xffff  }
0x44f: {  	v32 =	vmul.f32 v26, v12;
	v18 =	vadd.f32 v30, v18  }
0x450: {  	v33 =	vld.idx.msk [tilespmem:v44+s29+$0x0], $0xffff  }
0x451: {  	v34 =	vmul.f32 v28, v11;
	v18 =	vadd.f32 v32, v18  }
0x452: {  	v35 =	vld.idx.msk [tilespmem:v45+s29+$0x0], $0xffff  }
0x453: {  	v37 =	vmul.f32 v31, v10;
	v18 =	vadd.f32 v34, v18  }
0x454: {  	v38 =	vld.idx.msk [tilespmem:v46+s29+$0x0], $0xffff  }
0x455: {  	v39 =	vmul.f32 v33, v9;
	v18 =	vadd.f32 v37, v18  }
0x456: {  	v40 =	vld.idx.msk [tilespmem:v47+s29+$0x0], $0xffff  }
0x457: {  	v41 =	vmul.f32 v35, v8;
	v18 =	vadd.f32 v39, v18  }
0x458: {  	v42 =	vld.idx.msk [tilespmem:v48+s29+$0x0], $0xffff  }
0x459: {  	v43 =	vmul.f32 v38, v7;
	v18 =	vadd.f32 v41, v18  }
0x45a: {  	v44 =	vld.idx.msk [tilespmem:v49+s29+$0x0], $0xffff  }
0x45b: {  	v45 =	vmul.f32 v40, v6;
	v18 =	vadd.f32 v43, v18  }
0x45c: {  	v46 =	vld.idx.msk [tilespmem:v50+s29+$0x0], $0xffff  }
0x45d: {  	v47 =	vmul.f32 v42, v5;
	v18 =	vadd.f32 v45, v18  }
0x45e: {  	v24 =	vld.idx.msk [tilespmem:v51+s29+$0x0], $0xffff  }
0x45f: {  	v25 =	vmul.f32 v44, v4;
	v18 =	vadd.f32 v47, v18  }
0x460: {  	v26 =	vld.idx.msk [tilespmem:v52+s29+$0x0], $0xffff  }
0x461: {  	v27 =	vmul.f32 v46, v3;
	v18 =	vadd.f32 v25, v18  }
0x462: {  	v46 =	vld [tilespmem:$0x1FDF0]  }
0x463: {  	v28 =	vmul.f32 v24, v2;
	v18 =	vadd.f32 v27, v18;
	_ =	sdelay $0x1  }
0x464: {  	v30 =	vmul.f32 v26, v1;
	v18 =	vadd.f32 v28, v18;
	_ =	sdelay $0x1  }
0x465: {  	v18 =	vadd.f32 v30, v18;
	_ =	sdelay $0x1  }
0x466: {  	v47 =	vld [tilespmem:$0x1FE30];
	[tilespmem:$0x2390] =	vst v18  }
0x467: {  	v18 =	vld.idx.msk [tilespmem:v46+s29+$0x0], $0xffff  }
0x468: {  	v32 =	vld.idx.msk [tilespmem:v53+s29+$0x0], $0xffff  }
0x469: {  	v31 =	vld.idx.msk [tilespmem:v59+s29+$0x0], $0xffff;
	_ =	sdelay $0x1  }
0x46a: {  	v24 =	vld [tilespmem:$0x1FE70]  }
0x46b: {  	v33 =	vld.idx.msk [tilespmem:v54+s29+$0x0], $0xffff;
	v18 =	vmul.f32 v18, v16  }
0x46c: {  	v35 =	vmul.f32 v32, v14;
	v32 =	vld [tilespmem:$0x1FE60]  }
0x46d: {  	v27 =	vld [tilespmem:$0x1FE90];
	v19 =	vmul.f32 v31, v15;
	v18 =	vadd.f32 v18, v17  }
0x46e: {  	v34 =	vld.idx.msk [tilespmem:v47+s29+$0x0], $0xffff  }
0x46f: {  	v25 =	vld [tilespmem:$0x1FE80];
	v18 =	vadd.f32 v19, v18  }
0x470: {  	v37 =	vld.idx.msk [tilespmem:v58+s29+$0x0], $0xffff  }
0x471: {  	v26 =	vld [tilespmem:$0x1FEA0];
	v38 =	vmul.f32 v33, v13;
	v18 =	vadd.f32 v35, v18  }
0x472: {  	v39 =	vld.idx.msk [tilespmem:v57+s29+$0x0], $0xffff  }
0x473: {  	v43 =	vld.idx.msk [tilespmem:v24+s29+$0x0], $0xffff;
	v40 =	vmul.f32 v34, v12;
	v18 =	vadd.f32 v38, v18  }
0x474: {  	v41 =	vld.idx.msk [tilespmem:v32+s29+$0x0], $0xffff  }
0x475: {  	v42 =	vmul.f32 v37, v11;
	v31 =	vld.idx.msk [tilespmem:v27+s29+$0x0], $0xffff;
	v18 =	vadd.f32 v40, v18  }
0x476: {  	v33 =	vld [tilespmem:$0x1FEB0]  }
0x477: {  	v28 =	vld [tilespmem:$0x1FEC0];
	v44 =	vmul.f32 v39, v10;
	v18 =	vadd.f32 v42, v18  }
0x478: {  	v45 =	vld.idx.msk [tilespmem:v25+s29+$0x0], $0xffff  }
0x479: {  	v30 =	vmul.f32 v41, v9;
	v18 =	vadd.f32 v44, v18  }
0x47a: {  	v41 =	vmul.f32 v31, v6;
	v31 =	vld [tilespmem:$0x1FED0]  }
0x47b: {  	v37 =	vmul.f32 v43, v8;
	v38 =	vld.idx.msk [tilespmem:v26+s29+$0x0], $0xffff;
	v18 =	vadd.f32 v30, v18  }
0x47c: {  	v30 =	vld [tilespmem:$0x1FEE0]  }
0x47d: {  	v39 =	vmul.f32 v45, v7;
	v18 =	vadd.f32 v37, v18  }
0x47e: {  	v40 =	vld.idx.msk [tilespmem:v33+s29+$0x0], $0xffff  }
0x47f: {  	v18 =	vadd.f32 v39, v18  }
0x480: {  	v42 =	vld.idx.msk [tilespmem:v28+s29+$0x0], $0xffff  }
0x481: {  	v43 =	vmul.f32 v38, v5;
	v18 =	vadd.f32 v41, v18  }
0x482: {  	v44 =	vld.idx.msk [tilespmem:v31+s29+$0x0], $0xffff  }
0x483: {  	v45 =	vmul.f32 v40, v4;
	v18 =	vadd.f32 v43, v18  }
0x484: {  	v34 =	vld.idx.msk [tilespmem:v30+s29+$0x0], $0xffff  }
0x485: {  	v35 =	vmul.f32 v42, v3;
	v18 =	vadd.f32 v45, v18;
	_ =	sdelay $0x1  }
0x486: {  	v37 =	vmul.f32 v44, v2;
	v18 =	vadd.f32 v35, v18  }
0x487: {  	v44 =	vld [tilespmem:$0x1FF00]  }
0x488: {  	v38 =	vmul.f32 v34, v1;
	v18 =	vadd.f32 v37, v18;
	_ =	sdelay $0x1  }
0x489: {  	v18 =	vadd.f32 v38, v18;
	v38 =	vld [tilespmem:$0x1FEF0];
	_ =	sdelay $0x3  }
0x48a: {  	[tilespmem:$0x23A0] =	vst v18  }
0x48b: {  	v39 =	vld.idx.msk [tilespmem:v44+s29+$0x0], $0xffff  }
0x48c: {  	v40 =	vld.idx.msk [tilespmem:v23+s29+$0x0], $0xffff  }
0x48d: {  	v41 =	vld.idx.msk [tilespmem:v29+s29+$0x0], $0xffff  }
0x48e: {  	v18 =	vld.idx.msk [tilespmem:v38+s29+$0x0], $0xffff  }
0x48f: {  	v29 =	vld [tilespmem:$0x1FF40]  }
0x490: {  	v23 =	vld [tilespmem:$0x1FF50];
	_ =	sdelay $0x1  }
0x491: {  	v35 =	vld [tilespmem:$0x1FF60]  }
0x492: {  	v18 =	vmul.f32 v18, v16;
	_ =	sdelay $0x1  }
0x493: {  	v19 =	vmul.f32 v39, v15;
	v18 =	vadd.f32 v18, v17  }
0x494: {  	v42 =	vld.idx.msk [tilespmem:v55+s29+$0x0], $0xffff  }
0x495: {  	v43 =	vmul.f32 v40, v14;
	v45 =	vld.idx.msk [tilespmem:v29+s29+$0x0], $0xffff;
	v18 =	vadd.f32 v19, v18  }
0x496: {  	v39 =	vld.idx.msk [tilespmem:v23+s29+$0x0], $0xffff  }
0x497: {  	v34 =	vld [tilespmem:$0x1FF70];
	v37 =	vmul.f32 v41, v13;
	v18 =	vadd.f32 v43, v18  }
0x498: {  	v41 =	vld.idx.msk [tilespmem:v35+s29+$0x0], $0xffff  }
0x499: {  	v40 =	vmul.f32 v42, v12;
	v18 =	vadd.f32 v37, v18;
	v37 =	vld [tilespmem:$0x1FF80];
	_ =	sdelay $0x1  }
0x49a: {  	v42 =	vmul.f32 v39, v10;
	v39 =	vld [tilespmem:$0x1FF90];
	v43 =	vmul.f32 v45, v11;
	v18 =	vadd.f32 v40, v18;
	_ =	sdelay $0x1  }
0x49b: {  	v18 =	vadd.f32 v43, v18;
	v43 =	vmul.f32 v41, v9;
	v41 =	vld [tilespmem:$0x1FFA0];
	_ =	sdelay $0x1  }
0x49c: {  	v45 =	vld.idx.msk [tilespmem:v34+s29+$0x0], $0xffff;
	_ =	sdelay $0x1  }
0x49d: {  	v21 =	vld.idx.msk [tilespmem:v37+s29+$0x0], $0xffff  }
0x49e: {  	v18 =	vadd.f32 v42, v18  }
0x49f: {  	v22 =	vld.idx.msk [tilespmem:v39+s29+$0x0], $0xffff  }
0x4a0: {  	v45 =	vmul.f32 v45, v8;
	v18 =	vadd.f32 v43, v18  }
0x4a1: {  	v20 =	vld.idx.msk [tilespmem:v41+s29+$0x0], $0xffff  }
0x4a2: {  	v40 =	vld [tilespmem:$0x1FFB0];
	v18 =	vadd.f32 v45, v18;
	v45 =	vmul.f32 v21, v7;
	_ =	sdelay $0x1  }
0x4a3: {  	v43 =	vld [tilespmem:$0x1FFC0];
	v18 =	vadd.f32 v45, v18;
	v45 =	vmul.f32 v22, v6;
	_ =	sdelay $0x1  }
0x4a4: {  	v42 =	vld [tilespmem:$0x1FFD0];
	v18 =	vadd.f32 v45, v18;
	v45 =	vmul.f32 v20, v5;
	_ =	sdelay $0x1  }
0x4a5: {  	v18 =	vadd.f32 v45, v18;
	v45 =	vld [tilespmem:$0x1FFF0];
	_ =	sdelay $0x1  }
0x4a6: {  	v21 =	vld.idx.msk [tilespmem:v40+s29+$0x0], $0xffff;
	_ =	sdelay $0x1  }
0x4a7: {  	v22 =	vld.idx.msk [tilespmem:v43+s29+$0x0], $0xffff;
	_ =	sdelay $0x1  }
0x4a8: {  	v20 =	vld.idx.msk [tilespmem:v42+s29+$0x0], $0xffff  }
0x4a9: {  	v19 =	vmul.f32 v21, v4  }
0x4aa: {  	v21 =	vld.idx.msk [tilespmem:v45+s29+$0x0], $0xffff  }
0x4ab: {  	v18 =	vadd.f32 v19, v18;
	v22 =	vmul.f32 v22, v3;
	_ =	sdelay $0x1  }
0x4ac: {  	v18 =	vadd.f32 v22, v18;
	v22 =	vmul.f32 v20, v2;
	_ =	sdelay $0x1  }
0x4ad: {  	v18 =	vadd.f32 v22, v18;
	v22 =	vmul.f32 v21, v1;
	_ =	sdelay $0x1  }
0x4ae: {  	v18 =	vadd.f32 v22, v18;
	_ =	sdelay $0x1  }
0x4af: {  	[tilespmem:$0x23B0] =	vst v18  }
0x4b0: {  	_ =	swait.ge [sflag:s31], $0x400  }
0x4b1: {  	v21 =	vld [tilespmem:$0x1FFE0];
	_ =	sdelay $0x1  }
0x4b2: {  	v22 =	vld [tilespmem:$0x1FC00];
	_ =	sdelay $0x1  }
0x4b3: {  	v20 =	vld [tilespmem:$0x1FC10];
	_ =	sdelay $0x1  }
0x4b4: {  	[sflag:s31] =	ssyncset.done $0x0  }
0x4b5: {  	[sflag:s31] =	ssyncadd.s32 $0xFFFFFC00  }
0x4b6: {  	v18 =	vld.idx.msk [tilespmem:v21+s30+$0x0], $0xffff;
	_ =	sdelay $0x1  }
0x4b7: {  	v19 =	vld.idx.msk [tilespmem:v22+s30+$0x0], $0xffff;
	_ =	sdelay $0x1  }
0x4b8: {  	v20 =	vld.idx.msk [tilespmem:v20+s30+$0x0], $0xffff  }
0x4b9: {  	v21 =	vld [tilespmem:$0x1FC20];
	v18 =	vmul.f32 v18, v16;
	_ =	sdelay $0x1  }
0x4ba: {  	v22 =	vld [tilespmem:$0x1FC30];
	v19 =	vmul.f32 v19, v15;
	v18 =	vadd.f32 v18, v17;
	_ =	sdelay $0x1  }
0x4bb: {  	v18 =	vadd.f32 v19, v18;
	v19 =	vmul.f32 v20, v14;
	v20 =	vld [tilespmem:$0x1FC40];
	_ =	sdelay $0x3  }
0x4bc: {  	v21 =	vld.idx.msk [tilespmem:v21+s30+$0x0], $0xffff;
	_ =	sdelay $0x1  }
0x4bd: {  	v22 =	vld.idx.msk [tilespmem:v22+s30+$0x0], $0xffff;
	_ =	sdelay $0x1  }
0x4be: {  	v20 =	vld.idx.msk [tilespmem:v20+s30+$0x0], $0xffff  }
0x4bf: {  	v18 =	vadd.f32 v19, v18;
	v19 =	vmul.f32 v21, v13;
	v21 =	vld [tilespmem:$0x1FC50];
	_ =	sdelay $0x1  }
0x4c0: {  	v18 =	vadd.f32 v19, v18;
	v19 =	vmul.f32 v22, v12;
	v22 =	vld [tilespmem:$0x1FC60];
	_ =	sdelay $0x1  }
0x4c1: {  	v18 =	vadd.f32 v19, v18;
	v19 =	vmul.f32 v20, v11;
	v20 =	vld [tilespmem:$0x1FC70];
	_ =	sdelay $0x3  }
0x4c2: {  	v21 =	vld.idx.msk [tilespmem:v21+s30+$0x0], $0xffff;
	_ =	sdelay $0x1  }
0x4c3: {  	v22 =	vld.idx.msk [tilespmem:v22+s30+$0x0], $0xffff;
	_ =	sdelay $0x1  }
0x4c4: {  	v20 =	vld.idx.msk [tilespmem:v20+s30+$0x0], $0xffff  }
0x4c5: {  	v18 =	vadd.f32 v19, v18;
	v19 =	vmul.f32 v21, v10  }
0x4c6: {  	v21 =	vld.idx.msk [tilespmem:v56+s30+$0x0], $0xffff  }
0x4c7: {  	v18 =	vadd.f32 v19, v18;
	v56 =	vmul.f32 v22, v9  }
0x4c8: {  	v22 =	vld.idx.msk [tilespmem:v0+s30+$0x0], $0xffff  }
0x4c9: {  	v18 =	vadd.f32 v56, v18;
	v56 =	vmul.f32 v20, v8;
	v20 =	vld [tilespmem:$0x1FCA0];
	_ =	sdelay $0x1  }
0x4ca: {  	v18 =	vadd.f32 v56, v18;
	v56 =	vmul.f32 v21, v7;
	v21 =	vld [tilespmem:$0x1FCB0];
	_ =	sdelay $0x1  }
0x4cb: {  	v18 =	vadd.f32 v56, v18;
	v56 =	vmul.f32 v22, v6;
	v22 =	vld [tilespmem:$0x1FCC0];
	_ =	sdelay $0x3  }
0x4cc: {  	v20 =	vld.idx.msk [tilespmem:v20+s30+$0x0], $0xffff;
	_ =	sdelay $0x1  }
0x4cd: {  	v21 =	vld.idx.msk [tilespmem:v21+s30+$0x0], $0xffff;
	_ =	sdelay $0x1  }
0x4ce: {  	v22 =	vld.idx.msk [tilespmem:v22+s30+$0x0], $0xffff  }
0x4cf: {  	v18 =	vadd.f32 v56, v18;
	v56 =	vmul.f32 v20, v5  }
0x4d0: {  	v0 =	vld.idx.msk [tilespmem:v60+s30+$0x0], $0xffff  }
0x4d1: {  	v18 =	vadd.f32 v56, v18;
	v56 =	vmul.f32 v21, v4  }
0x4d2: {  	v60 =	vld.idx.msk [tilespmem:v61+s30+$0x0], $0xffff  }
0x4d3: {  	v18 =	vadd.f32 v56, v18;
	v61 =	vmul.f32 v22, v3;
	_ =	sdelay $0x1  }
0x4d4: {  	v0 =	vmul.f32 v0, v2;
	v18 =	vadd.f32 v61, v18;
	_ =	sdelay $0x1  }
0x4d5: {  	v22 =	vmul.f32 v60, v1;
	v18 =	vadd.f32 v0, v18;
	_ =	sdelay $0x1  }
0x4d6: {  	v18 =	vadd.f32 v22, v18;
	_ =	sdelay $0x1  }
0x4d7: {  	[tilespmem:$0x23C0] =	vst v18  }
0x4d8: {  	v18 =	vld.idx.msk [tilespmem:v36+s30+$0x0], $0xffff  }
0x4d9: {  	v36 =	vld [tilespmem:$0x1FD00];
	_ =	sdelay $0x1  }
0x4da: {  	v60 =	vld.idx.msk [tilespmem:v62+s30+$0x0], $0xffff  }
0x4db: {  	v62 =	vld [tilespmem:$0x1FD30];
	_ =	sdelay $0x4  }
0x4dc: {  	v56 =	vld.idx.msk [tilespmem:v36+s30+$0x0], $0xffff;
	_ =	sdelay $0x1  }
0x4dd: {  	v61 =	vld.idx.msk [tilespmem:v63+s30+$0x0], $0xffff  }
0x4de: {  	v63 =	vld.idx.msk [tilespmem:v62+s30+$0x0], $0xffff  }
0x4df: {  	v62 =	vld [tilespmem:$0x1FD50]  }
0x4e0: {  	v19 =	vmul.f32 v56, v15;
	v56 =	vld [tilespmem:$0x1FD40];
	_ =	sdelay $0x2  }
0x4e1: {  	v18 =	vmul.f32 v18, v16;
	_ =	sdelay $0x1  }
0x4e2: {  	v18 =	vadd.f32 v18, v17;
	_ =	sdelay $0x1  }
0x4e3: {  	v36 =	vmul.f32 v60, v14;
	v18 =	vadd.f32 v19, v18;
	v21 =	vld.idx.msk [tilespmem:v62+s30+$0x0], $0xffff  }
0x4e4: {  	v60 =	vld.idx.msk [tilespmem:v56+s30+$0x0], $0xffff  }
0x4e5: {  	v61 =	vmul.f32 v61, v13;
	v18 =	vadd.f32 v36, v18;
	v36 =	vld [tilespmem:$0x1FD60];
	_ =	sdelay $0x1  }
0x4e6: {  	v63 =	vmul.f32 v63, v12;
	v18 =	vadd.f32 v61, v18;
	v61 =	vld [tilespmem:$0x1FD70];
	_ =	sdelay $0x1  }
0x4e7: {  	v18 =	vadd.f32 v63, v18;
	v63 =	vmul.f32 v21, v10;
	v21 =	vld [tilespmem:$0x1FD80];
	v60 =	vmul.f32 v60, v11;
	_ =	sdelay $0x1  }
0x4e8: {  	v18 =	vadd.f32 v60, v18;
	v60 =	vld [tilespmem:$0x1FD90];
	_ =	sdelay $0x1  }
0x4e9: {  	v56 =	vld.idx.msk [tilespmem:v36+s30+$0x0], $0xffff;
	_ =	sdelay $0x1  }
0x4ea: {  	v62 =	vld.idx.msk [tilespmem:v61+s30+$0x0], $0xffff;
	_ =	sdelay $0x1  }
0x4eb: {  	v36 =	vld.idx.msk [tilespmem:v21+s30+$0x0], $0xffff  }
0x4ec: {  	v18 =	vadd.f32 v63, v18;
	v56 =	vmul.f32 v56, v9  }
0x4ed: {  	v61 =	vld.idx.msk [tilespmem:v60+s30+$0x0], $0xffff  }
0x4ee: {  	v18 =	vadd.f32 v56, v18;
	v62 =	vmul.f32 v62, v8  }
0x4ef: {  	v63 =	vld.idx.msk [tilespmem:v48+s30+$0x0], $0xffff  }
0x4f0: {  	v18 =	vadd.f32 v62, v18;
	v0 =	vmul.f32 v36, v7  }
0x4f1: {  	v36 =	vld.idx.msk [tilespmem:v49+s30+$0x0], $0xffff  }
0x4f2: {  	v18 =	vadd.f32 v0, v18;
	v48 =	vmul.f32 v61, v6  }
0x4f3: {  	v49 =	vld.idx.msk [tilespmem:v50+s30+$0x0], $0xffff  }
0x4f4: {  	v50 =	vmul.f32 v63, v5;
	v18 =	vadd.f32 v48, v18  }
0x4f5: {  	v51 =	vld.idx.msk [tilespmem:v51+s30+$0x0], $0xffff  }
0x4f6: {  	v56 =	vmul.f32 v36, v4;
	v18 =	vadd.f32 v50, v18  }
0x4f7: {  	v60 =	vld.idx.msk [tilespmem:v52+s30+$0x0], $0xffff  }
0x4f8: {  	v61 =	vmul.f32 v49, v3;
	v18 =	vadd.f32 v56, v18;
	_ =	sdelay $0x1  }
0x4f9: {  	v62 =	vmul.f32 v51, v2;
	v18 =	vadd.f32 v61, v18;
	_ =	sdelay $0x1  }
0x4fa: {  	v63 =	vmul.f32 v60, v1;
	v18 =	vadd.f32 v62, v18;
	_ =	sdelay $0x1  }
0x4fb: {  	v18 =	vadd.f32 v63, v18;
	_ =	sdelay $0x1  }
0x4fc: {  	[tilespmem:$0x23D0] =	vst v18  }
0x4fd: {  	v18 =	vld.idx.msk [tilespmem:v46+s30+$0x0], $0xffff;
	_ =	sdelay $0x1  }
0x4fe: {  	v0 =	vld.idx.msk [tilespmem:v59+s30+$0x0], $0xffff;
	_ =	sdelay $0x1  }
0x4ff: {  	v36 =	vld.idx.msk [tilespmem:v53+s30+$0x0], $0xffff  }
0x500: {  	v18 =	vmul.f32 v18, v16  }
0x501: {  	v46 =	vld.idx.msk [tilespmem:v54+s30+$0x0], $0xffff  }
0x502: {  	v19 =	vmul.f32 v0, v15;
	v18 =	vadd.f32 v18, v17  }
0x503: {  	v48 =	vld.idx.msk [tilespmem:v47+s30+$0x0], $0xffff  }
0x504: {  	v49 =	vmul.f32 v36, v14;
	v18 =	vadd.f32 v19, v18  }
0x505: {  	v50 =	vld.idx.msk [tilespmem:v58+s30+$0x0], $0xffff  }
0x506: {  	v51 =	vmul.f32 v46, v13;
	v18 =	vadd.f32 v49, v18  }
0x507: {  	v52 =	vld.idx.msk [tilespmem:v57+s30+$0x0], $0xffff  }
0x508: {  	v53 =	vmul.f32 v48, v12;
	v18 =	vadd.f32 v51, v18  }
0x509: {  	v54 =	vld.idx.msk [tilespmem:v32+s30+$0x0], $0xffff  }
0x50a: {  	v56 =	vmul.f32 v50, v11;
	v18 =	vadd.f32 v53, v18  }
0x50b: {  	v57 =	vld.idx.msk [tilespmem:v24+s30+$0x0], $0xffff  }
0x50c: {  	v58 =	vmul.f32 v52, v10;
	v18 =	vadd.f32 v56, v18  }
0x50d: {  	v59 =	vld.idx.msk [tilespmem:v25+s30+$0x0], $0xffff  }
0x50e: {  	v60 =	vmul.f32 v54, v9;
	v18 =	vadd.f32 v58, v18  }
0x50f: {  	v61 =	vld.idx.msk [tilespmem:v27+s30+$0x0], $0xffff  }
0x510: {  	v62 =	vmul.f32 v57, v8;
	v18 =	vadd.f32 v60, v18  }
0x511: {  	v63 =	vld.idx.msk [tilespmem:v26+s30+$0x0], $0xffff  }
0x512: {  	v0 =	vmul.f32 v59, v7;
	v18 =	vadd.f32 v62, v18  }
0x513: {  	v24 =	vld.idx.msk [tilespmem:v33+s30+$0x0], $0xffff  }
0x514: {  	v25 =	vmul.f32 v61, v6;
	v18 =	vadd.f32 v0, v18  }
0x515: {  	v26 =	vld.idx.msk [tilespmem:v28+s30+$0x0], $0xffff  }
0x516: {  	v27 =	vmul.f32 v63, v5;
	v18 =	vadd.f32 v25, v18  }
0x517: {  	v28 =	vld.idx.msk [tilespmem:v31+s30+$0x0], $0xffff  }
0x518: {  	v31 =	vmul.f32 v24, v4;
	v18 =	vadd.f32 v27, v18  }
0x519: {  	v32 =	vld.idx.msk [tilespmem:v30+s30+$0x0], $0xffff  }
0x51a: {  	v33 =	vmul.f32 v26, v3;
	v18 =	vadd.f32 v31, v18;
	_ =	sdelay $0x1  }
0x51b: {  	v36 =	vmul.f32 v28, v2;
	v18 =	vadd.f32 v33, v18;
	_ =	sdelay $0x1  }
0x51c: {  	v46 =	vmul.f32 v32, v1;
	v18 =	vadd.f32 v36, v18  }
0x51d: {  	v48 =	vld [tilespmem:$0x1FF10]  }
0x51e: {  	v18 =	vadd.f32 v46, v18  }
0x51f: {  	v50 =	vld [tilespmem:$0x1FF20]  }
0x520: {  	[tilespmem:$0x23E0] =	vst v18  }
0x521: {  	v18 =	vld.idx.msk [tilespmem:v38+s30+$0x0], $0xffff;
	_ =	sdelay $0x1  }
0x522: {  	v47 =	vld.idx.msk [tilespmem:v44+s30+$0x0], $0xffff;
	_ =	sdelay $0x1  }
0x523: {  	v49 =	vld.idx.msk [tilespmem:v48+s30+$0x0], $0xffff  }
0x524: {  	v16 =	vmul.f32 v18, v16  }
0x525: {  	v51 =	vld.idx.msk [tilespmem:v50+s30+$0x0], $0xffff  }
0x526: {  	v15 =	vmul.f32 v47, v15;
	v16 =	vadd.f32 v16, v17  }
0x527: {  	v52 =	vld.idx.msk [tilespmem:v55+s30+$0x0], $0xffff  }
0x528: {  	v14 =	vmul.f32 v49, v14;
	v15 =	vadd.f32 v15, v16  }
0x529: {  	v53 =	vld.idx.msk [tilespmem:v29+s30+$0x0], $0xffff  }
0x52a: {  	v13 =	vmul.f32 v51, v13;
	v14 =	vadd.f32 v14, v15  }
0x52b: {  	v54 =	vld.idx.msk [tilespmem:v23+s30+$0x0], $0xffff  }
0x52c: {  	v12 =	vmul.f32 v52, v12;
	v13 =	vadd.f32 v13, v14  }
0x52d: {  	v55 =	vld.idx.msk [tilespmem:v35+s30+$0x0], $0xffff  }
0x52e: {  	v11 =	vmul.f32 v53, v11;
	v12 =	vadd.f32 v12, v13  }
0x52f: {  	v56 =	vld.idx.msk [tilespmem:v34+s30+$0x0], $0xffff  }
0x530: {  	v10 =	vmul.f32 v54, v10;
	v11 =	vadd.f32 v11, v12  }
0x531: {  	v57 =	vld.idx.msk [tilespmem:v37+s30+$0x0], $0xffff  }
0x532: {  	v9 =	vmul.f32 v55, v9;
	v10 =	vadd.f32 v10, v11  }
0x533: {  	v58 =	vld.idx.msk [tilespmem:v39+s30+$0x0], $0xffff  }
0x534: {  	v8 =	vmul.f32 v56, v8;
	v9 =	vadd.f32 v9, v10  }
0x535: {  	v59 =	vld.idx.msk [tilespmem:v41+s30+$0x0], $0xffff  }
0x536: {  	v7 =	vmul.f32 v57, v7;
	v8 =	vadd.f32 v8, v9  }
0x537: {  	v60 =	vld.idx.msk [tilespmem:v40+s30+$0x0], $0xffff  }
0x538: {  	v6 =	vmul.f32 v58, v6;
	v7 =	vadd.f32 v7, v8  }
0x539: {  	v61 =	vld.idx.msk [tilespmem:v43+s30+$0x0], $0xffff  }
0x53a: {  	v5 =	vmul.f32 v59, v5;
	v6 =	vadd.f32 v6, v7  }
0x53b: {  	v62 =	vld.idx.msk [tilespmem:v42+s30+$0x0], $0xffff  }
0x53c: {  	v4 =	vmul.f32 v60, v4;
	v5 =	vadd.f32 v5, v6  }
0x53d: {  	v63 =	vld.idx.msk [tilespmem:v45+s30+$0x0], $0xffff  }
0x53e: {  	v3 =	vmul.f32 v61, v3;
	v4 =	vadd.f32 v4, v5;
	_ =	sdelay $0x1  }
0x53f: {  	v2 =	vmul.f32 v62, v2;
	v3 =	vadd.f32 v3, v4;
	_ =	sdelay $0x1  }
0x540: {  	v1 =	vmul.f32 v63, v1;
	v2 =	vadd.f32 v2, v3;
	_ =	sdelay $0x1  }
0x541: {  	v1 =	vadd.f32 v1, v2  }
0x542: {  	p0 =	sne.s32 s11, $0x1  }
.Ltmp0:
0x543: {  	[tilespmem:$0x23F0] =	vst v1;
	(pc) =	sbr.rel @p0 .LBB2_1-.Ltmp0, $4  }
0x544: {  	[hbm4b:s10+s2] =	stream.linear.scatter [tilespmem:s0], [sflag:$0x2], $0x200, $0x38;
	[tilespmem:$0x2510] =	vst v63  }
0x545: {  	_ =	swait.ge [sflag:s12], $0x200  }
0x546: {  	[sflag:s12] =	ssyncset.done $0x0  }
0x547: {  	s11 =	sadd.s32 $0xFFFFFFFF, s11;
	[sflag:s12] =	ssyncadd.s32 $0xFFFFFE00  }
0x548: {  	_ =	sfence.sel $0x180000  }
0x549: {  	[bflag:$0x0] =	sbarrier.arrive $0xFFFF  }
0x54a: {  	_ =	strace $0x90000047  }
0x54b: {  	s0 =	stileid.u32;
	[bflag:$0x2] =	sbarrier.arrive $0xFFFF  }
0x54c: {  	p0 =	sne.s32 s0, $0x0;
	s0 =	rddreg [dreg:$0x3]  }
0x54d: {  	s0 =	sadd.s32 @!p0 $0x100000, s0  }
0x54e: {  	[sflag:s0] =	ssyncadd.tile.s32 @!p0 $0x1;
	_ =	shalt  }
.Lfunc_end2:
_tile_overlayer_lowered:
.L_overlay_start_2:
0x54f: {  	(tag) =	ssettag $0x2  }
0x550: {  	s0 =	rddreg [dreg:$0x0];
	s2 =	stileid.u32  }
0x551: {  	s1 =	rddreg [dreg:$0x1];
	p0 =	sne.s32 s2, $0x0  }
0x552: {  	s3 =	rddreg [dreg:$0x2];
	[bflag:$0x3] =	sbarrier.arrive $0xFFFF;
	s2 =	simm.s32 @!p0 $0x1C02  }
0x553: {  	[timem:s3], [sflag:s2] =	dma.local @!p0 [hbm:s0], s1  }
0x554: {  	s0 =	simm.s32 @!p0 $0x2  }
0x555: {  	_ =	swait.ge @!p0 [sflag:s0], s1  }
0x556: {  	s1 =	ssub.s32 @!p0 $0x0, s1;
	[sflag:s0] =	ssyncset.done @!p0 $0x0  }
0x557: {  	[sflag:s0] =	ssyncadd.s32 @!p0 s1  }
0x558: {  	[bflag:$0x3] =	sbarrier.arrive $0xFFFF  }
0x559: {  	_ =	shalt  }

</sc_bundles>
